<compile_context>
chip_gen: v7x
topology: tpu7x:2x2x1
jax: 0.10.2.dev20260603
libtpu: 0.0.44.dev20260713+nightly
codegen_flags: <defaults>
</compile_context>

<pallas_src>
import jax
import jax.numpy as jnp
from jax import lax
from jax.experimental import pallas as pl
from jax.experimental.pallas import tpu as pltpu
from jax.experimental.pallas import tpu_sc as plsc

N = 384
C = 96
CP = 128
B = 4
PIX = N * N
ROWS = B * PIX

NC = 2
NS = 16
NW = NC * NS
ROWS_PER_W = ROWS // NW
CHUNK = 128
NCHUNKS = ROWS_PER_W // CHUNK
VEC = 16
NBUF = 3


def _arnold_gather_kernel(src_hbm, out4_hbm, idx_v, buf_v,
                          sg0, sg1, sg2, sw0, sw1, sw2):
    out_hbm = out4_hbm.reshape(ROWS, CP)
    sem_g = (sg0, sg1, sg2)
    sem_w = (sw0, sw1, sw2)
    wid = lax.axis_index("s") * NC + lax.axis_index("c")
    base = wid * ROWS_PER_W
    img_base = (base // PIX) * PIX

    def fill_idx(slot, start):
        row = idx_v.at[slot]

        def t_body(t, carry):
            g = start + t * VEC + lax.iota(jnp.int32, VEC)
            l = g - img_base
            a = lax.div(l, N)
            b = lax.rem(l, N)
            r = lax.rem(41 * a + 29 * b, N)
            c = lax.rem(58 * a + 41 * b, N)
            row[pl.ds(t * VEC, VEC)] = img_base + r * N + c
            return carry

        lax.fori_loop(0, CHUNK // VEC, t_body, 0, unroll=False)

    def fire_gather(slot, start):
        fill_idx(slot, start)
        pltpu.async_copy(src_hbm.at[idx_v.at[slot]], buf_v.at[slot],
                         sem_g[slot])

    def wait_gather(slot):
        pltpu.make_async_copy(src_hbm.at[idx_v.at[slot]], buf_v.at[slot],
                              sem_g[slot]).wait()

    def fire_write(slot, start):
        pltpu.async_copy(buf_v.at[slot], out_hbm.at[pl.ds(start, CHUNK)],
                         sem_w[slot])

    def wait_write(slot):
        pltpu.make_async_copy(buf_v.at[slot], out_hbm.at[pl.ds(0, CHUNK)],
                              sem_w[slot]).wait()

    for slot in range(NBUF):
        fire_gather(slot, base + slot * CHUNK)

    def outer_body(o, carry):
        c0 = o * NBUF
        for slot in range(NBUF):
            ci = c0 + slot
            start = base + ci * CHUNK
            prev = (slot - 1) % NBUF
            cprev = ci - 1 + NBUF

            @pl.when(jnp.logical_and(cprev >= NBUF, cprev < NCHUNKS))
            def _():
                wait_write(prev)
                fire_gather(prev, base + cprev * CHUNK)

            wait_gather(slot)
            fire_write(slot, start)
        return carry

    lax.fori_loop(0, NCHUNKS // NBUF, outer_body, 0, unroll=False)

    for slot in range(NBUF):
        wait_write(slot)


@jax.jit
def _arnold(src):
    mesh = plsc.VectorSubcoreMesh(core_axis_name="c", subcore_axis_name="s")
    return pl.kernel(
        _arnold_gather_kernel,
        out_type=jax.ShapeDtypeStruct((B, N, N, CP), jnp.float32),
        mesh=mesh,
        scratch_types=[
            pltpu.VMEM((NBUF, CHUNK), jnp.int32),
            pltpu.VMEM((NBUF, CHUNK, CP), jnp.float32),
            pltpu.SemaphoreType.DMA,
            pltpu.SemaphoreType.DMA,
            pltpu.SemaphoreType.DMA,
            pltpu.SemaphoreType.DMA,
            pltpu.SemaphoreType.DMA,
            pltpu.SemaphoreType.DMA,
        ],
    )(src)


def kernel(inputs):
    x = jnp.pad(inputs, ((0, 0), (0, 0), (0, 0), (0, CP - C)))
    src = x.reshape(ROWS, CP)
    out = _arnold(src)
    return out[..., :C]

# --- scband reference (transcript-rebuilt; emitter-appended) ---
"""Pipeline reference for scband-arnold-cat-23536420782184 (READ-ONLY COPY).

The authoritative reference and input builder live on the scoring server;
editing this copy changes nothing except your own understanding.
"""

import jax, jax.numpy as jnp
import numpy as np

ITERATIONS = 5

def _scramble(img):
    # Faithful translation of ArnoldCat.scramble, including the
    # tf.transpose(tf.stack([new_y, new_x], axis=0)) which reverses axes
    # [2, H, W] -> [W, H, 2] before gather_nd.
    out = img
    for _ in range(ITERATIONS):
        H = out.shape[0]
        W = out.shape[1]
        x, y = jnp.meshgrid(jnp.arange(W), jnp.arange(H))  # default 'xy' indexing, shapes [H, W]
        new_x = jnp.mod(2 * x + y, W)
        new_y = jnp.mod(x + y, H)
        indices = jnp.transpose(jnp.stack([new_y, new_x], axis=0))  # [W, H, 2]
        out = out[indices[..., 0], indices[..., 1]]  # gather_nd -> [W, H, C]
    return out


def setup_inputs(seed: int = 0) -> dict:
    key = jax.random.key(seed)
    inputs = jax.random.normal(key, (4, 384, 384, 96), dtype=jnp.float32)
    return {"inputs": inputs}


def reference(inputs):
    # tf.map_fn over the batch dimension
    return jax.vmap(_scramble)(inputs)

if __name__ == "__main__":
    import jax
    _d = setup_inputs()
    print(jax.jit(kernel)(*tuple(_d.values())))

</pallas_src>

<mosaic_0001>
#map = affine_map<(d0, d1) -> (0, 0)>
#map1 = affine_map<(d0, d1) -> (0, 0, 0, 0)>
module attributes {stable_mosaic.version = 14 : i64} {
  func.func @_arnold_gather_kernel(%arg0: i32, %arg1: i32, %arg2: memref<589824x128xf32, #tpu.memory_space<hbm>>, %arg3: memref<4x384x384x128xf32, #tpu.memory_space<hbm>>, %arg4: memref<3x128xi32, #tpu.memory_space<vmem>>, %arg5: memref<3x128x128xf32, #tpu.memory_space<vmem>>, %arg6: memref<!tpu.dma_semaphore, #tpu.memory_space<semaphore_mem>>, %arg7: memref<!tpu.dma_semaphore, #tpu.memory_space<semaphore_mem>>, %arg8: memref<!tpu.dma_semaphore, #tpu.memory_space<semaphore_mem>>, %arg9: memref<!tpu.dma_semaphore, #tpu.memory_space<semaphore_mem>>, %arg10: memref<!tpu.dma_semaphore, #tpu.memory_space<semaphore_mem>>, %arg11: memref<!tpu.dma_semaphore, #tpu.memory_space<semaphore_mem>>) attributes {dimension_semantics = [#tpu.dimension_semantics<core_parallel>, #tpu.dimension_semantics<subcore_parallel>], iteration_bounds = array<i64: 2, 16>, scalar_prefetch = 0 : i64, scratch_operands = 8 : i64, tpu.core_type = #tpu.core_type<sc_vector_subcore>, window_params = [{transform_indices = #map}, {transform_indices = #map1}]} {
    %mul3A = arith.constant 2 : i32
    %mul3A_0 = arith.muli %arg1, %mul3A : i32
    %add3A = arith.addi %mul3A_0, %arg0 : i32
    %mul3A_1 = arith.constant 18432 : i32
    %mul3A_2 = arith.muli %add3A, %mul3A_1 : i32
    %jit3A = arith.constant 147456 : i32
    %div3A = arith.divsi %mul3A_2, %jit3A : i32
    %sign3A = arith.constant 0 : i32
    %sign3A_3 = arith.cmpi sgt, %mul3A_2, %sign3A : i32
    %sign3A_4 = arith.extui %sign3A_3 : i1 to i32
    %sign3A_5 = arith.constant 0 : i32
    %sign3A_6 = arith.cmpi slt, %mul3A_2, %sign3A_5 : i32
    %sign3A_7 = arith.extui %sign3A_6 : i1 to i32
    %sign3A_8 = arith.subi %sign3A_4, %sign3A_7 : i32
    %sign3A_9 = arith.constant 0 : i32
    %sign3A_10 = arith.cmpi sgt, %jit3A, %sign3A_9 : i32
    %sign3A_11 = arith.extui %sign3A_10 : i1 to i32
    %sign3A_12 = arith.constant 0 : i32
    %sign3A_13 = arith.cmpi slt, %jit3A, %sign3A_12 : i32
    %sign3A_14 = arith.extui %sign3A_13 : i1 to i32
    %sign3A_15 = arith.subi %sign3A_11, %sign3A_14 : i32
    %ne3A = arith.cmpi ne, %sign3A_8, %sign3A_15 : i32
    %rem3A = arith.remsi %mul3A_2, %jit3A : i32
    %ne3A_16 = arith.constant 0 : i32
    %ne3A_17 = arith.cmpi ne, %rem3A, %ne3A_16 : i32
    %and3A = arith.andi %ne3A, %ne3A_17 : i1
    %sub3A = arith.constant 1 : i32
    %sub3A_18 = arith.subi %div3A, %sub3A : i32
    %select_n3A = arith.select %and3A, %sub3A_18, %div3A : i32
    %mul3A_19 = arith.constant 147456 : i32
    %mul3A_20 = arith.muli %select_n3A, %mul3A_19 : i32
    %add3A_21 = arith.constant 0 : i32
    %add3A_22 = arith.addi %mul3A_2, %add3A_21 : i32
    %scan3A = arith.constant 0 : i32
    %scan3A_23 = arith.constant 0 : i32
    %scan3A_24 = arith.constant 0 : i32
    %scan3A_25 = arith.constant 8 : i32
    %scan3A_26 = arith.addi %scan3A_24, %scan3A_25 : i32
    %scan3A_27 = arith.constant 1 : i32
    scf.for %scan3A_138 = %scan3A_24 to %scan3A_26 step %scan3A_27  : i32 {
      %mul3A_139 = arith.constant 16 : i32
      %mul3A_140 = arith.muli %scan3A_138, %mul3A_139 : i32
      %add3A_141 = arith.addi %add3A_22, %mul3A_140 : i32
      %iota3A = tpu.iota {dimensions = array<i32: 0>} : vector<16xi32>
      %add3A_142 = vector.broadcast %add3A_141 : i32 to vector<16xi32>
      %add3A_143 = arith.addi %add3A_142, %iota3A : vector<16xi32>
      %sub3A_144 = vector.broadcast %mul3A_20 : i32 to vector<16xi32>
      %sub3A_145 = arith.subi %add3A_143, %sub3A_144 : vector<16xi32>
      %div3A_146 = arith.constant 384 : i32
      %div3A_147 = vector.broadcast %div3A_146 : i32 to vector<16xi32>
      %div3A_148 = arith.divsi %sub3A_145, %div3A_147 : vector<16xi32>
      %rem3A_149 = arith.constant 384 : i32
      %rem3A_150 = vector.broadcast %rem3A_149 : i32 to vector<16xi32>
      %rem3A_151 = arith.remsi %sub3A_145, %rem3A_150 : vector<16xi32>
      %mul3A_152 = arith.constant 41 : i32
      %mul3A_153 = vector.broadcast %mul3A_152 : i32 to vector<16xi32>
      %mul3A_154 = arith.muli %mul3A_153, %div3A_148 : vector<16xi32>
      %mul3A_155 = arith.constant 29 : i32
      %mul3A_156 = vector.broadcast %mul3A_155 : i32 to vector<16xi32>
      %mul3A_157 = arith.muli %mul3A_156, %rem3A_151 : vector<16xi32>
      %add3A_158 = arith.addi %mul3A_154, %mul3A_157 : vector<16xi32>
      %rem3A_159 = arith.constant 384 : i32
      %rem3A_160 = vector.broadcast %rem3A_159 : i32 to vector<16xi32>
      %rem3A_161 = arith.remsi %add3A_158, %rem3A_160 : vector<16xi32>
      %mul3A_162 = arith.constant 58 : i32
      %mul3A_163 = vector.broadcast %mul3A_162 : i32 to vector<16xi32>
      %mul3A_164 = arith.muli %mul3A_163, %div3A_148 : vector<16xi32>
      %mul3A_165 = arith.constant 41 : i32
      %mul3A_166 = vector.broadcast %mul3A_165 : i32 to vector<16xi32>
      %mul3A_167 = arith.muli %mul3A_166, %rem3A_151 : vector<16xi32>
      %add3A_168 = arith.addi %mul3A_164, %mul3A_167 : vector<16xi32>
      %rem3A_169 = arith.constant 384 : i32
      %rem3A_170 = vector.broadcast %rem3A_169 : i32 to vector<16xi32>
      %rem3A_171 = arith.remsi %add3A_168, %rem3A_170 : vector<16xi32>
      %mul3A_172 = arith.constant 384 : i32
      %mul3A_173 = vector.broadcast %mul3A_172 : i32 to vector<16xi32>
      %mul3A_174 = arith.muli %rem3A_161, %mul3A_173 : vector<16xi32>
      %add3A_175 = vector.broadcast %mul3A_20 : i32 to vector<16xi32>
      %add3A_176 = arith.addi %add3A_175, %mul3A_174 : vector<16xi32>
      %add3A_177 = arith.addi %add3A_176, %rem3A_171 : vector<16xi32>
      %mul3A_178 = arith.constant 16 : i32
      %mul3A_179 = arith.muli %scan3A_138, %mul3A_178 : i32
      %swap3A = arith.constant 0 : i32
      %swap3A_180 = tpu.memref_slice %arg4[%scan3A_23, %swap3A] : memref<3x128xi32, #tpu.memory_space<vmem>> -> memref<1x128xi32, #tpu.memory_space<vmem>>
      %swap3A_181 = tpu.memref_squeeze %swap3A_180 : memref<1x128xi32, #tpu.memory_space<vmem>> -> memref<128xi32, #tpu.memory_space<vmem>>
      %swap3A_182 = arith.index_cast %mul3A_179 : i32 to index
      %swap3A_183 = tpu.vector_load %swap3A_181[%swap3A_182] {strides = array<i32>} : memref<128xi32, #tpu.memory_space<vmem>>, vector<16xi32>,
      %swap3A_184 = vector.shape_cast %swap3A_183 : vector<16xi32> to vector<16xi32>
      %swap3A_185 = vector.shape_cast %add3A_177 : vector<16xi32> to vector<16xi32>
      tpu.vector_store %swap3A_181[%swap3A_182], %swap3A_185 {strides = array<i32>} : memref<128xi32, #tpu.memory_space<vmem>>, vector<16xi32>,
    }
    %scan3A_28 = arith.constant 8 : i32
    %dma_start3A = arith.constant 0 : i32
    %dma_start3A_29 = arith.constant 0 : i32
    %dma_start3A_30 = arith.constant 0 : i32
    %dma_start3A_31 = arith.constant 0 : i32
    %dma_start3A_32 = tpu.memref_slice %arg5[%dma_start3A_29, %dma_start3A_30, %dma_start3A_31] : memref<3x128x128xf32, #tpu.memory_space<vmem>> -> memref<1x128x128xf32, #tpu.memory_space<vmem>>
    %dma_start3A_33 = tpu.memref_squeeze %dma_start3A_32 : memref<1x128x128xf32, #tpu.memory_space<vmem>> -> memref<128x128xf32, #tpu.memory_space<vmem>>
    %dma_start3A_34 = arith.constant 0 : i32
    %dma_start3A_35 = tpu.memref_slice %arg4[%dma_start3A, %dma_start3A_34] : memref<3x128xi32, #tpu.memory_space<vmem>> -> memref<1x128xi32, #tpu.memory_space<vmem>>
    %dma_start3A_36 = tpu.memref_squeeze %dma_start3A_35 : memref<1x128xi32, #tpu.memory_space<vmem>> -> memref<128xi32, #tpu.memory_space<vmem>>
    %dma_start3A_37 = arith.constant 0 : i32
    %dma_start3A_38 = arith.constant 0 : i32
    %dma_start3A_39 = tpu.memref_slice %arg2[%dma_start3A_37, %dma_start3A_38] : memref<589824x128xf32, #tpu.memory_space<hbm>> -> memref<589824x128xf32, #tpu.memory_space<hbm>>
    tpu.enqueue_indirect_dma source(%dma_start3A_39 : memref<589824x128xf32, #tpu.memory_space<hbm>>) target(%dma_start3A_33 : memref<128x128xf32, #tpu.memory_space<vmem>>) offsets(%dma_start3A_36 : memref<128xi32, #tpu.memory_space<vmem>>) semaphore(%arg6 : memref<!tpu.dma_semaphore, #tpu.memory_space<semaphore_mem>>)
    %add3A_40 = arith.constant 128 : i32
    %add3A_41 = arith.addi %mul3A_2, %add3A_40 : i32
    %scan3A_42 = arith.constant 0 : i32
    %scan3A_43 = arith.constant 1 : i32
    %scan3A_44 = arith.constant 0 : i32
    %scan3A_45 = arith.constant 8 : i32
    %scan3A_46 = arith.addi %scan3A_44, %scan3A_45 : i32
    %scan3A_47 = arith.constant 1 : i32
    scf.for %scan3A_138 = %scan3A_44 to %scan3A_46 step %scan3A_47  : i32 {
      %mul3A_139 = arith.constant 16 : i32
      %mul3A_140 = arith.muli %scan3A_138, %mul3A_139 : i32
      %add3A_141 = arith.addi %add3A_41, %mul3A_140 : i32
      %iota3A = tpu.iota {dimensions = array<i32: 0>} : vector<16xi32>
      %add3A_142 = vector.broadcast %add3A_141 : i32 to vector<16xi32>
      %add3A_143 = arith.addi %add3A_142, %iota3A : vector<16xi32>
      %sub3A_144 = vector.broadcast %mul3A_20 : i32 to vector<16xi32>
      %sub3A_145 = arith.subi %add3A_143, %sub3A_144 : vector<16xi32>
      %div3A_146 = arith.constant 384 : i32
      %div3A_147 = vector.broadcast %div3A_146 : i32 to vector<16xi32>
      %div3A_148 = arith.divsi %sub3A_145, %div3A_147 : vector<16xi32>
      %rem3A_149 = arith.constant 384 : i32
      %rem3A_150 = vector.broadcast %rem3A_149 : i32 to vector<16xi32>
      %rem3A_151 = arith.remsi %sub3A_145, %rem3A_150 : vector<16xi32>
      %mul3A_152 = arith.constant 41 : i32
      %mul3A_153 = vector.broadcast %mul3A_152 : i32 to vector<16xi32>
      %mul3A_154 = arith.muli %mul3A_153, %div3A_148 : vector<16xi32>
      %mul3A_155 = arith.constant 29 : i32
      %mul3A_156 = vector.broadcast %mul3A_155 : i32 to vector<16xi32>
      %mul3A_157 = arith.muli %mul3A_156, %rem3A_151 : vector<16xi32>
      %add3A_158 = arith.addi %mul3A_154, %mul3A_157 : vector<16xi32>
      %rem3A_159 = arith.constant 384 : i32
      %rem3A_160 = vector.broadcast %rem3A_159 : i32 to vector<16xi32>
      %rem3A_161 = arith.remsi %add3A_158, %rem3A_160 : vector<16xi32>
      %mul3A_162 = arith.constant 58 : i32
      %mul3A_163 = vector.broadcast %mul3A_162 : i32 to vector<16xi32>
      %mul3A_164 = arith.muli %mul3A_163, %div3A_148 : vector<16xi32>
      %mul3A_165 = arith.constant 41 : i32
      %mul3A_166 = vector.broadcast %mul3A_165 : i32 to vector<16xi32>
      %mul3A_167 = arith.muli %mul3A_166, %rem3A_151 : vector<16xi32>
      %add3A_168 = arith.addi %mul3A_164, %mul3A_167 : vector<16xi32>
      %rem3A_169 = arith.constant 384 : i32
      %rem3A_170 = vector.broadcast %rem3A_169 : i32 to vector<16xi32>
      %rem3A_171 = arith.remsi %add3A_168, %rem3A_170 : vector<16xi32>
      %mul3A_172 = arith.constant 384 : i32
      %mul3A_173 = vector.broadcast %mul3A_172 : i32 to vector<16xi32>
      %mul3A_174 = arith.muli %rem3A_161, %mul3A_173 : vector<16xi32>
      %add3A_175 = vector.broadcast %mul3A_20 : i32 to vector<16xi32>
      %add3A_176 = arith.addi %add3A_175, %mul3A_174 : vector<16xi32>
      %add3A_177 = arith.addi %add3A_176, %rem3A_171 : vector<16xi32>
      %mul3A_178 = arith.constant 16 : i32
      %mul3A_179 = arith.muli %scan3A_138, %mul3A_178 : i32
      %swap3A = arith.constant 0 : i32
      %swap3A_180 = tpu.memref_slice %arg4[%scan3A_43, %swap3A] : memref<3x128xi32, #tpu.memory_space<vmem>> -> memref<1x128xi32, #tpu.memory_space<vmem>>
      %swap3A_181 = tpu.memref_squeeze %swap3A_180 : memref<1x128xi32, #tpu.memory_space<vmem>> -> memref<128xi32, #tpu.memory_space<vmem>>
      %swap3A_182 = arith.index_cast %mul3A_179 : i32 to index
      %swap3A_183 = tpu.vector_load %swap3A_181[%swap3A_182] {strides = array<i32>} : memref<128xi32, #tpu.memory_space<vmem>>, vector<16xi32>,
      %swap3A_184 = vector.shape_cast %swap3A_183 : vector<16xi32> to vector<16xi32>
      %swap3A_185 = vector.shape_cast %add3A_177 : vector<16xi32> to vector<16xi32>
      tpu.vector_store %swap3A_181[%swap3A_182], %swap3A_185 {strides = array<i32>} : memref<128xi32, #tpu.memory_space<vmem>>, vector<16xi32>,
    }
    %scan3A_48 = arith.constant 8 : i32
    %dma_start3A_49 = arith.constant 1 : i32
    %dma_start3A_50 = arith.constant 1 : i32
    %dma_start3A_51 = arith.constant 0 : i32
    %dma_start3A_52 = arith.constant 0 : i32
    %dma_start3A_53 = tpu.memref_slice %arg5[%dma_start3A_50, %dma_start3A_51, %dma_start3A_52] : memref<3x128x128xf32, #tpu.memory_space<vmem>> -> memref<1x128x128xf32, #tpu.memory_space<vmem>>
    %dma_start3A_54 = tpu.memref_squeeze %dma_start3A_53 : memref<1x128x128xf32, #tpu.memory_space<vmem>> -> memref<128x128xf32, #tpu.memory_space<vmem>>
    %dma_start3A_55 = arith.constant 0 : i32
    %dma_start3A_56 = tpu.memref_slice %arg4[%dma_start3A_49, %dma_start3A_55] : memref<3x128xi32, #tpu.memory_space<vmem>> -> memref<1x128xi32, #tpu.memory_space<vmem>>
    %dma_start3A_57 = tpu.memref_squeeze %dma_start3A_56 : memref<1x128xi32, #tpu.memory_space<vmem>> -> memref<128xi32, #tpu.memory_space<vmem>>
    %dma_start3A_58 = arith.constant 0 : i32
    %dma_start3A_59 = arith.constant 0 : i32
    %dma_start3A_60 = tpu.memref_slice %arg2[%dma_start3A_58, %dma_start3A_59] : memref<589824x128xf32, #tpu.memory_space<hbm>> -> memref<589824x128xf32, #tpu.memory_space<hbm>>
    tpu.enqueue_indirect_dma source(%dma_start3A_60 : memref<589824x128xf32, #tpu.memory_space<hbm>>) target(%dma_start3A_54 : memref<128x128xf32, #tpu.memory_space<vmem>>) offsets(%dma_start3A_57 : memref<128xi32, #tpu.memory_space<vmem>>) semaphore(%arg7 : memref<!tpu.dma_semaphore, #tpu.memory_space<semaphore_mem>>)
    %add3A_61 = arith.constant 256 : i32
    %add3A_62 = arith.addi %mul3A_2, %add3A_61 : i32
    %scan3A_63 = arith.constant 0 : i32
    %scan3A_64 = arith.constant 2 : i32
    %scan3A_65 = arith.constant 0 : i32
    %scan3A_66 = arith.constant 8 : i32
    %scan3A_67 = arith.addi %scan3A_65, %scan3A_66 : i32
    %scan3A_68 = arith.constant 1 : i32
    scf.for %scan3A_138 = %scan3A_65 to %scan3A_67 step %scan3A_68  : i32 {
      %mul3A_139 = arith.constant 16 : i32
      %mul3A_140 = arith.muli %scan3A_138, %mul3A_139 : i32
      %add3A_141 = arith.addi %add3A_62, %mul3A_140 : i32
      %iota3A = tpu.iota {dimensions = array<i32: 0>} : vector<16xi32>
      %add3A_142 = vector.broadcast %add3A_141 : i32 to vector<16xi32>
      %add3A_143 = arith.addi %add3A_142, %iota3A : vector<16xi32>
      %sub3A_144 = vector.broadcast %mul3A_20 : i32 to vector<16xi32>
      %sub3A_145 = arith.subi %add3A_143, %sub3A_144 : vector<16xi32>
      %div3A_146 = arith.constant 384 : i32
      %div3A_147 = vector.broadcast %div3A_146 : i32 to vector<16xi32>
      %div3A_148 = arith.divsi %sub3A_145, %div3A_147 : vector<16xi32>
      %rem3A_149 = arith.constant 384 : i32
      %rem3A_150 = vector.broadcast %rem3A_149 : i32 to vector<16xi32>
      %rem3A_151 = arith.remsi %sub3A_145, %rem3A_150 : vector<16xi32>
      %mul3A_152 = arith.constant 41 : i32
      %mul3A_153 = vector.broadcast %mul3A_152 : i32 to vector<16xi32>
      %mul3A_154 = arith.muli %mul3A_153, %div3A_148 : vector<16xi32>
      %mul3A_155 = arith.constant 29 : i32
      %mul3A_156 = vector.broadcast %mul3A_155 : i32 to vector<16xi32>
      %mul3A_157 = arith.muli %mul3A_156, %rem3A_151 : vector<16xi32>
      %add3A_158 = arith.addi %mul3A_154, %mul3A_157 : vector<16xi32>
      %rem3A_159 = arith.constant 384 : i32
      %rem3A_160 = vector.broadcast %rem3A_159 : i32 to vector<16xi32>
      %rem3A_161 = arith.remsi %add3A_158, %rem3A_160 : vector<16xi32>
      %mul3A_162 = arith.constant 58 : i32
      %mul3A_163 = vector.broadcast %mul3A_162 : i32 to vector<16xi32>
      %mul3A_164 = arith.muli %mul3A_163, %div3A_148 : vector<16xi32>
      %mul3A_165 = arith.constant 41 : i32
      %mul3A_166 = vector.broadcast %mul3A_165 : i32 to vector<16xi32>
      %mul3A_167 = arith.muli %mul3A_166, %rem3A_151 : vector<16xi32>
      %add3A_168 = arith.addi %mul3A_164, %mul3A_167 : vector<16xi32>
      %rem3A_169 = arith.constant 384 : i32
      %rem3A_170 = vector.broadcast %rem3A_169 : i32 to vector<16xi32>
      %rem3A_171 = arith.remsi %add3A_168, %rem3A_170 : vector<16xi32>
      %mul3A_172 = arith.constant 384 : i32
      %mul3A_173 = vector.broadcast %mul3A_172 : i32 to vector<16xi32>
      %mul3A_174 = arith.muli %rem3A_161, %mul3A_173 : vector<16xi32>
      %add3A_175 = vector.broadcast %mul3A_20 : i32 to vector<16xi32>
      %add3A_176 = arith.addi %add3A_175, %mul3A_174 : vector<16xi32>
      %add3A_177 = arith.addi %add3A_176, %rem3A_171 : vector<16xi32>
      %mul3A_178 = arith.constant 16 : i32
      %mul3A_179 = arith.muli %scan3A_138, %mul3A_178 : i32
      %swap3A = arith.constant 0 : i32
      %swap3A_180 = tpu.memref_slice %arg4[%scan3A_64, %swap3A] : memref<3x128xi32, #tpu.memory_space<vmem>> -> memref<1x128xi32, #tpu.memory_space<vmem>>
      %swap3A_181 = tpu.memref_squeeze %swap3A_180 : memref<1x128xi32, #tpu.memory_space<vmem>> -> memref<128xi32, #tpu.memory_space<vmem>>
      %swap3A_182 = arith.index_cast %mul3A_179 : i32 to index
      %swap3A_183 = tpu.vector_load %swap3A_181[%swap3A_182] {strides = array<i32>} : memref<128xi32, #tpu.memory_space<vmem>>, vector<16xi32>,
      %swap3A_184 = vector.shape_cast %swap3A_183 : vector<16xi32> to vector<16xi32>
      %swap3A_185 = vector.shape_cast %add3A_177 : vector<16xi32> to vector<16xi32>
      tpu.vector_store %swap3A_181[%swap3A_182], %swap3A_185 {strides = array<i32>} : memref<128xi32, #tpu.memory_space<vmem>>, vector<16xi32>,
    }
    %scan3A_69 = arith.constant 8 : i32
    %dma_start3A_70 = arith.constant 2 : i32
    %dma_start3A_71 = arith.constant 2 : i32
    %dma_start3A_72 = arith.constant 0 : i32
    %dma_start3A_73 = arith.constant 0 : i32
    %dma_start3A_74 = tpu.memref_slice %arg5[%dma_start3A_71, %dma_start3A_72, %dma_start3A_73] : memref<3x128x128xf32, #tpu.memory_space<vmem>> -> memref<1x128x128xf32, #tpu.memory_space<vmem>>
    %dma_start3A_75 = tpu.memref_squeeze %dma_start3A_74 : memref<1x128x128xf32, #tpu.memory_space<vmem>> -> memref<128x128xf32, #tpu.memory_space<vmem>>
    %dma_start3A_76 = arith.constant 0 : i32
    %dma_start3A_77 = tpu.memref_slice %arg4[%dma_start3A_70, %dma_start3A_76] : memref<3x128xi32, #tpu.memory_space<vmem>> -> memref<1x128xi32, #tpu.memory_space<vmem>>
    %dma_start3A_78 = tpu.memref_squeeze %dma_start3A_77 : memref<1x128xi32, #tpu.memory_space<vmem>> -> memref<128xi32, #tpu.memory_space<vmem>>
    %dma_start3A_79 = arith.constant 0 : i32
    %dma_start3A_80 = arith.constant 0 : i32
    %dma_start3A_81 = tpu.memref_slice %arg2[%dma_start3A_79, %dma_start3A_80] : memref<589824x128xf32, #tpu.memory_space<hbm>> -> memref<589824x128xf32, #tpu.memory_space<hbm>>
    tpu.enqueue_indirect_dma source(%dma_start3A_81 : memref<589824x128xf32, #tpu.memory_space<hbm>>) target(%dma_start3A_75 : memref<128x128xf32, #tpu.memory_space<vmem>>) offsets(%dma_start3A_78 : memref<128xi32, #tpu.memory_space<vmem>>) semaphore(%arg8 : memref<!tpu.dma_semaphore, #tpu.memory_space<semaphore_mem>>)
    %scan3A_82 = arith.constant 0 : i32
    %scan3A_83 = arith.constant 0 : i32
    %scan3A_84 = arith.constant 48 : i32
    %scan3A_85 = arith.addi %scan3A_83, %scan3A_84 : i32
    %scan3A_86 = arith.constant 1 : i32
    scf.for %scan3A_138 = %scan3A_83 to %scan3A_85 step %scan3A_86  : i32 {
      %mul3A_139 = arith.constant 3 : i32
      %mul3A_140 = arith.muli %scan3A_138, %mul3A_139 : i32
      %add3A_141 = arith.constant 0 : i32
      %add3A_142 = arith.addi %mul3A_140, %add3A_141 : i32
      %mul3A_143 = arith.constant 128 : i32
      %mul3A_144 = arith.muli %add3A_142, %mul3A_143 : i32
      %add3A_145 = arith.addi %mul3A_2, %mul3A_144 : i32
      %sub3A_146 = arith.constant 1 : i32
      %sub3A_147 = arith.subi %add3A_142, %sub3A_146 : i32
      %add3A_148 = arith.constant 3 : i32
      %add3A_149 = arith.addi %sub3A_147, %add3A_148 : i32
      %ge3A = arith.constant 3 : i32
      %ge3A_150 = arith.cmpi sge, %add3A_149, %ge3A : i32
      %lt3A = arith.constant 144 : i32
      %lt3A_151 = arith.cmpi slt, %add3A_149, %lt3A : i32
      %and3A_152 = arith.andi %ge3A_150, %lt3A_151 : i1
      %convert_element_type3A = arith.extui %and3A_152 : i1 to i32
      %cond3A = arith.constant 0 : i32
      %cond3A_153 = arith.cmpi ne, %convert_element_type3A, %cond3A : i32
      scf.if %cond3A_153 {
        %dma_wait3A_269 = arith.constant 2 : i32
        %dma_wait3A_270 = arith.constant 0 : i32
        %dma_wait3A_271 = arith.constant 0 : i32
        %dma_wait3A_272 = tpu.memref_slice %arg5[%dma_wait3A_269, %dma_wait3A_270, %dma_wait3A_271] : memref<3x128x128xf32, #tpu.memory_space<vmem>> -> memref<1x128x128xf32, #tpu.memory_space<vmem>>
        %dma_wait3A_273 = tpu.memref_squeeze %dma_wait3A_272 : memref<1x128x128xf32, #tpu.memory_space<vmem>> -> memref<128x128xf32, #tpu.memory_space<vmem>>
        %dma_wait3A_274 = tpu.memref_reshape %arg3 : memref<4x384x384x128xf32, #tpu.memory_space<hbm>> -> memref<589824x128xf32, #tpu.memory_space<hbm>>
        %dma_wait3A_275 = arith.constant 0 : i32
        %dma_wait3A_276 = arith.constant 0 : i32
        %dma_wait3A_277 = tpu.memref_slice %dma_wait3A_274[%dma_wait3A_275, %dma_wait3A_276] : memref<589824x128xf32, #tpu.memory_space<hbm>> -> memref<128x128xf32, #tpu.memory_space<hbm>>
        %dma_wait3A_278 = tpu.memref_reshape %arg3 : memref<4x384x384x128xf32, #tpu.memory_space<hbm>> -> memref<589824x128xf32, #tpu.memory_space<hbm>>
        %dma_wait3A_279 = arith.constant 0 : i32
        %dma_wait3A_280 = arith.constant 0 : i32
        %dma_wait3A_281 = tpu.memref_slice %dma_wait3A_278[%dma_wait3A_279, %dma_wait3A_280] : memref<589824x128xf32, #tpu.memory_space<hbm>> -> memref<128x128xf32, #tpu.memory_space<hbm>>
        %dma_wait3A_282 = arith.constant 0 : i32
        %dma_wait3A_283 = arith.constant 0 : i32
        %dma_wait3A_284 = tpu.memref_slice %arg5[%dma_wait3A_269, %dma_wait3A_282, %dma_wait3A_283] : memref<3x128x128xf32, #tpu.memory_space<vmem>> -> memref<1x128x128xf32, #tpu.memory_space<vmem>>
        %dma_wait3A_285 = tpu.memref_squeeze %dma_wait3A_284 : memref<1x128x128xf32, #tpu.memory_space<vmem>> -> memref<128x128xf32, #tpu.memory_space<vmem>>
        tpu.wait_dma2 semaphore(%arg11 : memref<!tpu.dma_semaphore, #tpu.memory_space<semaphore_mem>>) src(%dma_wait3A_285 : memref<128x128xf32, #tpu.memory_space<vmem>>) dst(%dma_wait3A_281 : memref<128x128xf32, #tpu.memory_space<hbm>>)
        %mul3A_286 = arith.constant 128 : i32
        %mul3A_287 = arith.muli %add3A_149, %mul3A_286 : i32
        %add3A_288 = arith.addi %mul3A_2, %mul3A_287 : i32
        %scan3A_289 = arith.constant 0 : i32
        %scan3A_290 = arith.constant 2 : i32
        %scan3A_291 = arith.constant 0 : i32
        %scan3A_292 = arith.constant 8 : i32
        %scan3A_293 = arith.addi %scan3A_291, %scan3A_292 : i32
        %scan3A_294 = arith.constant 1 : i32
        scf.for %scan3A_308 = %scan3A_291 to %scan3A_293 step %scan3A_294  : i32 {
          %mul3A_309 = arith.constant 16 : i32
          %mul3A_310 = arith.muli %scan3A_308, %mul3A_309 : i32
          %add3A_311 = arith.addi %add3A_288, %mul3A_310 : i32
          %iota3A = tpu.iota {dimensions = array<i32: 0>} : vector<16xi32>
          %add3A_312 = vector.broadcast %add3A_311 : i32 to vector<16xi32>
          %add3A_313 = arith.addi %add3A_312, %iota3A : vector<16xi32>
          %sub3A_314 = vector.broadcast %mul3A_20 : i32 to vector<16xi32>
          %sub3A_315 = arith.subi %add3A_313, %sub3A_314 : vector<16xi32>
          %div3A_316 = arith.constant 384 : i32
          %div3A_317 = vector.broadcast %div3A_316 : i32 to vector<16xi32>
          %div3A_318 = arith.divsi %sub3A_315, %div3A_317 : vector<16xi32>
          %rem3A_319 = arith.constant 384 : i32
          %rem3A_320 = vector.broadcast %rem3A_319 : i32 to vector<16xi32>
          %rem3A_321 = arith.remsi %sub3A_315, %rem3A_320 : vector<16xi32>
          %mul3A_322 = arith.constant 41 : i32
          %mul3A_323 = vector.broadcast %mul3A_322 : i32 to vector<16xi32>
          %mul3A_324 = arith.muli %mul3A_323, %div3A_318 : vector<16xi32>
          %mul3A_325 = arith.constant 29 : i32
          %mul3A_326 = vector.broadcast %mul3A_325 : i32 to vector<16xi32>
          %mul3A_327 = arith.muli %mul3A_326, %rem3A_321 : vector<16xi32>
          %add3A_328 = arith.addi %mul3A_324, %mul3A_327 : vector<16xi32>
          %rem3A_329 = arith.constant 384 : i32
          %rem3A_330 = vector.broadcast %rem3A_329 : i32 to vector<16xi32>
          %rem3A_331 = arith.remsi %add3A_328, %rem3A_330 : vector<16xi32>
          %mul3A_332 = arith.constant 58 : i32
          %mul3A_333 = vector.broadcast %mul3A_332 : i32 to vector<16xi32>
          %mul3A_334 = arith.muli %mul3A_333, %div3A_318 : vector<16xi32>
          %mul3A_335 = arith.constant 41 : i32
          %mul3A_336 = vector.broadcast %mul3A_335 : i32 to vector<16xi32>
          %mul3A_337 = arith.muli %mul3A_336, %rem3A_321 : vector<16xi32>
          %add3A_338 = arith.addi %mul3A_334, %mul3A_337 : vector<16xi32>
          %rem3A_339 = arith.constant 384 : i32
          %rem3A_340 = vector.broadcast %rem3A_339 : i32 to vector<16xi32>
          %rem3A_341 = arith.remsi %add3A_338, %rem3A_340 : vector<16xi32>
          %mul3A_342 = arith.constant 384 : i32
          %mul3A_343 = vector.broadcast %mul3A_342 : i32 to vector<16xi32>
          %mul3A_344 = arith.muli %rem3A_331, %mul3A_343 : vector<16xi32>
          %add3A_345 = vector.broadcast %mul3A_20 : i32 to vector<16xi32>
          %add3A_346 = arith.addi %add3A_345, %mul3A_344 : vector<16xi32>
          %add3A_347 = arith.addi %add3A_346, %rem3A_341 : vector<16xi32>
          %mul3A_348 = arith.constant 16 : i32
          %mul3A_349 = arith.muli %scan3A_308, %mul3A_348 : i32
          %swap3A = arith.constant 0 : i32
          %swap3A_350 = tpu.memref_slice %arg4[%scan3A_290, %swap3A] : memref<3x128xi32, #tpu.memory_space<vmem>> -> memref<1x128xi32, #tpu.memory_space<vmem>>
          %swap3A_351 = tpu.memref_squeeze %swap3A_350 : memref<1x128xi32, #tpu.memory_space<vmem>> -> memref<128xi32, #tpu.memory_space<vmem>>
          %swap3A_352 = arith.index_cast %mul3A_349 : i32 to index
          %swap3A_353 = tpu.vector_load %swap3A_351[%swap3A_352] {strides = array<i32>} : memref<128xi32, #tpu.memory_space<vmem>>, vector<16xi32>,
          %swap3A_354 = vector.shape_cast %swap3A_353 : vector<16xi32> to vector<16xi32>
          %swap3A_355 = vector.shape_cast %add3A_347 : vector<16xi32> to vector<16xi32>
          tpu.vector_store %swap3A_351[%swap3A_352], %swap3A_355 {strides = array<i32>} : memref<128xi32, #tpu.memory_space<vmem>>, vector<16xi32>,
        }
        %scan3A_295 = arith.constant 8 : i32
        %dma_start3A_296 = arith.constant 2 : i32
        %dma_start3A_297 = arith.constant 2 : i32
        %dma_start3A_298 = arith.constant 0 : i32
        %dma_start3A_299 = arith.constant 0 : i32
        %dma_start3A_300 = tpu.memref_slice %arg5[%dma_start3A_297, %dma_start3A_298, %dma_start3A_299] : memref<3x128x128xf32, #tpu.memory_space<vmem>> -> memref<1x128x128xf32, #tpu.memory_space<vmem>>
        %dma_start3A_301 = tpu.memref_squeeze %dma_start3A_300 : memref<1x128x128xf32, #tpu.memory_space<vmem>> -> memref<128x128xf32, #tpu.memory_space<vmem>>
        %dma_start3A_302 = arith.constant 0 : i32
        %dma_start3A_303 = tpu.memref_slice %arg4[%dma_start3A_296, %dma_start3A_302] : memref<3x128xi32, #tpu.memory_space<vmem>> -> memref<1x128xi32, #tpu.memory_space<vmem>>
        %dma_start3A_304 = tpu.memref_squeeze %dma_start3A_303 : memref<1x128xi32, #tpu.memory_space<vmem>> -> memref<128xi32, #tpu.memory_space<vmem>>
        %dma_start3A_305 = arith.constant 0 : i32
        %dma_start3A_306 = arith.constant 0 : i32
        %dma_start3A_307 = tpu.memref_slice %arg2[%dma_start3A_305, %dma_start3A_306] : memref<589824x128xf32, #tpu.memory_space<hbm>> -> memref<589824x128xf32, #tpu.memory_space<hbm>>
        tpu.enqueue_indirect_dma source(%dma_start3A_307 : memref<589824x128xf32, #tpu.memory_space<hbm>>) target(%dma_start3A_301 : memref<128x128xf32, #tpu.memory_space<vmem>>) offsets(%dma_start3A_304 : memref<128xi32, #tpu.memory_space<vmem>>) semaphore(%arg8 : memref<!tpu.dma_semaphore, #tpu.memory_space<semaphore_mem>>)
      } else {
      }
      %dma_wait3A_154 = arith.constant 0 : i32
      %dma_wait3A_155 = arith.constant 0 : i32
      %dma_wait3A_156 = arith.constant 0 : i32
      %dma_wait3A_157 = arith.constant 0 : i32
      %dma_wait3A_158 = tpu.memref_slice %arg5[%dma_wait3A_155, %dma_wait3A_156, %dma_wait3A_157] : memref<3x128x128xf32, #tpu.memory_space<vmem>> -> memref<1x128x128xf32, #tpu.memory_space<vmem>>
      %dma_wait3A_159 = tpu.memref_squeeze %dma_wait3A_158 : memref<1x128x128xf32, #tpu.memory_space<vmem>> -> memref<128x128xf32, #tpu.memory_space<vmem>>
      %dma_wait3A_160 = arith.constant 0 : i32
      %dma_wait3A_161 = tpu.memref_slice %arg4[%dma_wait3A_154, %dma_wait3A_160] : memref<3x128xi32, #tpu.memory_space<vmem>> -> memref<1x128xi32, #tpu.memory_space<vmem>>
      %dma_wait3A_162 = tpu.memref_squeeze %dma_wait3A_161 : memref<1x128xi32, #tpu.memory_space<vmem>> -> memref<128xi32, #tpu.memory_space<vmem>>
      %dma_wait3A_163 = arith.constant 0 : i32
      %dma_wait3A_164 = arith.constant 0 : i32
      %dma_wait3A_165 = tpu.memref_slice %arg2[%dma_wait3A_163, %dma_wait3A_164] : memref<589824x128xf32, #tpu.memory_space<hbm>> -> memref<589824x128xf32, #tpu.memory_space<hbm>>
      tpu.wait_indirect_dma semaphore(%arg6 : memref<!tpu.dma_semaphore, #tpu.memory_space<semaphore_mem>>) src(%dma_wait3A_165 : memref<589824x128xf32, #tpu.memory_space<hbm>>) dst(%dma_wait3A_159 : memref<128x128xf32, #tpu.memory_space<vmem>>)
      %dma_start3A_166 = arith.constant 0 : i32
      %dma_start3A_167 = arith.constant 0 : i32
      %dma_start3A_168 = arith.constant 0 : i32
      %dma_start3A_169 = tpu.memref_slice %arg5[%dma_start3A_166, %dma_start3A_167, %dma_start3A_168] : memref<3x128x128xf32, #tpu.memory_space<vmem>> -> memref<1x128x128xf32, #tpu.memory_space<vmem>>
      %dma_start3A_170 = tpu.memref_squeeze %dma_start3A_169 : memref<1x128x128xf32, #tpu.memory_space<vmem>> -> memref<128x128xf32, #tpu.memory_space<vmem>>
      %dma_start3A_171 = tpu.memref_reshape %arg3 : memref<4x384x384x128xf32, #tpu.memory_space<hbm>> -> memref<589824x128xf32, #tpu.memory_space<hbm>>
      %dma_start3A_172 = arith.constant 0 : i32
      %dma_start3A_173 = tpu.memref_slice %dma_start3A_171[%add3A_145, %dma_start3A_172] : memref<589824x128xf32, #tpu.memory_space<hbm>> -> memref<128x128xf32, #tpu.memory_space<hbm>>
      %dma_start3A_174 = tpu.memref_reshape %arg3 : memref<4x384x384x128xf32, #tpu.memory_space<hbm>> -> memref<589824x128xf32, #tpu.memory_space<hbm>>
      %dma_start3A_175 = arith.constant 0 : i32
      %dma_start3A_176 = tpu.memref_slice %dma_start3A_174[%add3A_145, %dma_start3A_175] : memref<589824x128xf32, #tpu.memory_space<hbm>> -> memref<128x128xf32, #tpu.memory_space<hbm>>
      %dma_start3A_177 = arith.constant 0 : i32
      %dma_start3A_178 = arith.constant 0 : i32
      %dma_start3A_179 = tpu.memref_slice %arg5[%dma_start3A_166, %dma_start3A_177, %dma_start3A_178] : memref<3x128x128xf32, #tpu.memory_space<vmem>> -> memref<1x128x128xf32, #tpu.memory_space<vmem>>
      %dma_start3A_180 = tpu.memref_squeeze %dma_start3A_179 : memref<1x128x128xf32, #tpu.memory_space<vmem>> -> memref<128x128xf32, #tpu.memory_space<vmem>>
      tpu.enqueue_dma source(%dma_start3A_180 : memref<128x128xf32, #tpu.memory_space<vmem>>) target(%dma_start3A_176 : memref<128x128xf32, #tpu.memory_space<hbm>>) target_semaphore(%arg9 : memref<!tpu.dma_semaphore, #tpu.memory_space<semaphore_mem>>)
      %add3A_181 = arith.constant 1 : i32
      %add3A_182 = arith.addi %mul3A_140, %add3A_181 : i32
      %mul3A_183 = arith.constant 128 : i32
      %mul3A_184 = arith.muli %add3A_182, %mul3A_183 : i32
      %add3A_185 = arith.addi %mul3A_2, %mul3A_184 : i32
      %sub3A_186 = arith.constant 1 : i32
      %sub3A_187 = arith.subi %add3A_182, %sub3A_186 : i32
      %add3A_188 = arith.constant 3 : i32
      %add3A_189 = arith.addi %sub3A_187, %add3A_188 : i32
      %ge3A_190 = arith.constant 3 : i32
      %ge3A_191 = arith.cmpi sge, %add3A_189, %ge3A_190 : i32
      %lt3A_192 = arith.constant 144 : i32
      %lt3A_193 = arith.cmpi slt, %add3A_189, %lt3A_192 : i32
      %and3A_194 = arith.andi %ge3A_191, %lt3A_193 : i1
      %convert_element_type3A_195 = arith.extui %and3A_194 : i1 to i32
      %cond3A_196 = arith.constant 0 : i32
      %cond3A_197 = arith.cmpi ne, %convert_element_type3A_195, %cond3A_196 : i32
      scf.if %cond3A_197 {
        %dma_wait3A_269 = arith.constant 0 : i32
        %dma_wait3A_270 = arith.constant 0 : i32
        %dma_wait3A_271 = arith.constant 0 : i32
        %dma_wait3A_272 = tpu.memref_slice %arg5[%dma_wait3A_269, %dma_wait3A_270, %dma_wait3A_271] : memref<3x128x128xf32, #tpu.memory_space<vmem>> -> memref<1x128x128xf32, #tpu.memory_space<vmem>>
        %dma_wait3A_273 = tpu.memref_squeeze %dma_wait3A_272 : memref<1x128x128xf32, #tpu.memory_space<vmem>> -> memref<128x128xf32, #tpu.memory_space<vmem>>
        %dma_wait3A_274 = tpu.memref_reshape %arg3 : memref<4x384x384x128xf32, #tpu.memory_space<hbm>> -> memref<589824x128xf32, #tpu.memory_space<hbm>>
        %dma_wait3A_275 = arith.constant 0 : i32
        %dma_wait3A_276 = arith.constant 0 : i32
        %dma_wait3A_277 = tpu.memref_slice %dma_wait3A_274[%dma_wait3A_275, %dma_wait3A_276] : memref<589824x128xf32, #tpu.memory_space<hbm>> -> memref<128x128xf32, #tpu.memory_space<hbm>>
        %dma_wait3A_278 = tpu.memref_reshape %arg3 : memref<4x384x384x128xf32, #tpu.memory_space<hbm>> -> memref<589824x128xf32, #tpu.memory_space<hbm>>
        %dma_wait3A_279 = arith.constant 0 : i32
        %dma_wait3A_280 = arith.constant 0 : i32
        %dma_wait3A_281 = tpu.memref_slice %dma_wait3A_278[%dma_wait3A_279, %dma_wait3A_280] : memref<589824x128xf32, #tpu.memory_space<hbm>> -> memref<128x128xf32, #tpu.memory_space<hbm>>
        %dma_wait3A_282 = arith.constant 0 : i32
        %dma_wait3A_283 = arith.constant 0 : i32
        %dma_wait3A_284 = tpu.memref_slice %arg5[%dma_wait3A_269, %dma_wait3A_282, %dma_wait3A_283] : memref<3x128x128xf32, #tpu.memory_space<vmem>> -> memref<1x128x128xf32, #tpu.memory_space<vmem>>
        %dma_wait3A_285 = tpu.memref_squeeze %dma_wait3A_284 : memref<1x128x128xf32, #tpu.memory_space<vmem>> -> memref<128x128xf32, #tpu.memory_space<vmem>>
        tpu.wait_dma2 semaphore(%arg9 : memref<!tpu.dma_semaphore, #tpu.memory_space<semaphore_mem>>) src(%dma_wait3A_285 : memref<128x128xf32, #tpu.memory_space<vmem>>) dst(%dma_wait3A_281 : memref<128x128xf32, #tpu.memory_space<hbm>>)
        %mul3A_286 = arith.constant 128 : i32
        %mul3A_287 = arith.muli %add3A_189, %mul3A_286 : i32
        %add3A_288 = arith.addi %mul3A_2, %mul3A_287 : i32
        %scan3A_289 = arith.constant 0 : i32
        %scan3A_290 = arith.constant 0 : i32
        %scan3A_291 = arith.constant 0 : i32
        %scan3A_292 = arith.constant 8 : i32
        %scan3A_293 = arith.addi %scan3A_291, %scan3A_292 : i32
        %scan3A_294 = arith.constant 1 : i32
        scf.for %scan3A_308 = %scan3A_291 to %scan3A_293 step %scan3A_294  : i32 {
          %mul3A_309 = arith.constant 16 : i32
          %mul3A_310 = arith.muli %scan3A_308, %mul3A_309 : i32
          %add3A_311 = arith.addi %add3A_288, %mul3A_310 : i32
          %iota3A = tpu.iota {dimensions = array<i32: 0>} : vector<16xi32>
          %add3A_312 = vector.broadcast %add3A_311 : i32 to vector<16xi32>
          %add3A_313 = arith.addi %add3A_312, %iota3A : vector<16xi32>
          %sub3A_314 = vector.broadcast %mul3A_20 : i32 to vector<16xi32>
          %sub3A_315 = arith.subi %add3A_313, %sub3A_314 : vector<16xi32>
          %div3A_316 = arith.constant 384 : i32
          %div3A_317 = vector.broadcast %div3A_316 : i32 to vector<16xi32>
          %div3A_318 = arith.divsi %sub3A_315, %div3A_317 : vector<16xi32>
          %rem3A_319 = arith.constant 384 : i32
          %rem3A_320 = vector.broadcast %rem3A_319 : i32 to vector<16xi32>
          %rem3A_321 = arith.remsi %sub3A_315, %rem3A_320 : vector<16xi32>
          %mul3A_322 = arith.constant 41 : i32
          %mul3A_323 = vector.broadcast %mul3A_322 : i32 to vector<16xi32>
          %mul3A_324 = arith.muli %mul3A_323, %div3A_318 : vector<16xi32>
          %mul3A_325 = arith.constant 29 : i32
          %mul3A_326 = vector.broadcast %mul3A_325 : i32 to vector<16xi32>
          %mul3A_327 = arith.muli %mul3A_326, %rem3A_321 : vector<16xi32>
          %add3A_328 = arith.addi %mul3A_324, %mul3A_327 : vector<16xi32>
          %rem3A_329 = arith.constant 384 : i32
          %rem3A_330 = vector.broadcast %rem3A_329 : i32 to vector<16xi32>
          %rem3A_331 = arith.remsi %add3A_328, %rem3A_330 : vector<16xi32>
          %mul3A_332 = arith.constant 58 : i32
          %mul3A_333 = vector.broadcast %mul3A_332 : i32 to vector<16xi32>
          %mul3A_334 = arith.muli %mul3A_333, %div3A_318 : vector<16xi32>
          %mul3A_335 = arith.constant 41 : i32
          %mul3A_336 = vector.broadcast %mul3A_335 : i32 to vector<16xi32>
          %mul3A_337 = arith.muli %mul3A_336, %rem3A_321 : vector<16xi32>
          %add3A_338 = arith.addi %mul3A_334, %mul3A_337 : vector<16xi32>
          %rem3A_339 = arith.constant 384 : i32
          %rem3A_340 = vector.broadcast %rem3A_339 : i32 to vector<16xi32>
          %rem3A_341 = arith.remsi %add3A_338, %rem3A_340 : vector<16xi32>
          %mul3A_342 = arith.constant 384 : i32
          %mul3A_343 = vector.broadcast %mul3A_342 : i32 to vector<16xi32>
          %mul3A_344 = arith.muli %rem3A_331, %mul3A_343 : vector<16xi32>
          %add3A_345 = vector.broadcast %mul3A_20 : i32 to vector<16xi32>
          %add3A_346 = arith.addi %add3A_345, %mul3A_344 : vector<16xi32>
          %add3A_347 = arith.addi %add3A_346, %rem3A_341 : vector<16xi32>
          %mul3A_348 = arith.constant 16 : i32
          %mul3A_349 = arith.muli %scan3A_308, %mul3A_348 : i32
          %swap3A = arith.constant 0 : i32
          %swap3A_350 = tpu.memref_slice %arg4[%scan3A_290, %swap3A] : memref<3x128xi32, #tpu.memory_space<vmem>> -> memref<1x128xi32, #tpu.memory_space<vmem>>
          %swap3A_351 = tpu.memref_squeeze %swap3A_350 : memref<1x128xi32, #tpu.memory_space<vmem>> -> memref<128xi32, #tpu.memory_space<vmem>>
          %swap3A_352 = arith.index_cast %mul3A_349 : i32 to index
          %swap3A_353 = tpu.vector_load %swap3A_351[%swap3A_352] {strides = array<i32>} : memref<128xi32, #tpu.memory_space<vmem>>, vector<16xi32>,
          %swap3A_354 = vector.shape_cast %swap3A_353 : vector<16xi32> to vector<16xi32>
          %swap3A_355 = vector.shape_cast %add3A_347 : vector<16xi32> to vector<16xi32>
          tpu.vector_store %swap3A_351[%swap3A_352], %swap3A_355 {strides = array<i32>} : memref<128xi32, #tpu.memory_space<vmem>>, vector<16xi32>,
        }
        %scan3A_295 = arith.constant 8 : i32
        %dma_start3A_296 = arith.constant 0 : i32
        %dma_start3A_297 = arith.constant 0 : i32
        %dma_start3A_298 = arith.constant 0 : i32
        %dma_start3A_299 = arith.constant 0 : i32
        %dma_start3A_300 = tpu.memref_slice %arg5[%dma_start3A_297, %dma_start3A_298, %dma_start3A_299] : memref<3x128x128xf32, #tpu.memory_space<vmem>> -> memref<1x128x128xf32, #tpu.memory_space<vmem>>
        %dma_start3A_301 = tpu.memref_squeeze %dma_start3A_300 : memref<1x128x128xf32, #tpu.memory_space<vmem>> -> memref<128x128xf32, #tpu.memory_space<vmem>>
        %dma_start3A_302 = arith.constant 0 : i32
        %dma_start3A_303 = tpu.memref_slice %arg4[%dma_start3A_296, %dma_start3A_302] : memref<3x128xi32, #tpu.memory_space<vmem>> -> memref<1x128xi32, #tpu.memory_space<vmem>>
        %dma_start3A_304 = tpu.memref_squeeze %dma_start3A_303 : memref<1x128xi32, #tpu.memory_space<vmem>> -> memref<128xi32, #tpu.memory_space<vmem>>
        %dma_start3A_305 = arith.constant 0 : i32
        %dma_start3A_306 = arith.constant 0 : i32
        %dma_start3A_307 = tpu.memref_slice %arg2[%dma_start3A_305, %dma_start3A_306] : memref<589824x128xf32, #tpu.memory_space<hbm>> -> memref<589824x128xf32, #tpu.memory_space<hbm>>
        tpu.enqueue_indirect_dma source(%dma_start3A_307 : memref<589824x128xf32, #tpu.memory_space<hbm>>) target(%dma_start3A_301 : memref<128x128xf32, #tpu.memory_space<vmem>>) offsets(%dma_start3A_304 : memref<128xi32, #tpu.memory_space<vmem>>) semaphore(%arg6 : memref<!tpu.dma_semaphore, #tpu.memory_space<semaphore_mem>>)
      } else {
      }
      %dma_wait3A_198 = arith.constant 1 : i32
      %dma_wait3A_199 = arith.constant 1 : i32
      %dma_wait3A_200 = arith.constant 0 : i32
      %dma_wait3A_201 = arith.constant 0 : i32
      %dma_wait3A_202 = tpu.memref_slice %arg5[%dma_wait3A_199, %dma_wait3A_200, %dma_wait3A_201] : memref<3x128x128xf32, #tpu.memory_space<vmem>> -> memref<1x128x128xf32, #tpu.memory_space<vmem>>
      %dma_wait3A_203 = tpu.memref_squeeze %dma_wait3A_202 : memref<1x128x128xf32, #tpu.memory_space<vmem>> -> memref<128x128xf32, #tpu.memory_space<vmem>>
      %dma_wait3A_204 = arith.constant 0 : i32
      %dma_wait3A_205 = tpu.memref_slice %arg4[%dma_wait3A_198, %dma_wait3A_204] : memref<3x128xi32, #tpu.memory_space<vmem>> -> memref<1x128xi32, #tpu.memory_space<vmem>>
      %dma_wait3A_206 = tpu.memref_squeeze %dma_wait3A_205 : memref<1x128xi32, #tpu.memory_space<vmem>> -> memref<128xi32, #tpu.memory_space<vmem>>
      %dma_wait3A_207 = arith.constant 0 : i32
      %dma_wait3A_208 = arith.constant 0 : i32
      %dma_wait3A_209 = tpu.memref_slice %arg2[%dma_wait3A_207, %dma_wait3A_208] : memref<589824x128xf32, #tpu.memory_space<hbm>> -> memref<589824x128xf32, #tpu.memory_space<hbm>>
      tpu.wait_indirect_dma semaphore(%arg7 : memref<!tpu.dma_semaphore, #tpu.memory_space<semaphore_mem>>) src(%dma_wait3A_209 : memref<589824x128xf32, #tpu.memory_space<hbm>>) dst(%dma_wait3A_203 : memref<128x128xf32, #tpu.memory_space<vmem>>)
      %dma_start3A_210 = arith.constant 1 : i32
      %dma_start3A_211 = arith.constant 0 : i32
      %dma_start3A_212 = arith.constant 0 : i32
      %dma_start3A_213 = tpu.memref_slice %arg5[%dma_start3A_210, %dma_start3A_211, %dma_start3A_212] : memref<3x128x128xf32, #tpu.memory_space<vmem>> -> memref<1x128x128xf32, #tpu.memory_space<vmem>>
      %dma_start3A_214 = tpu.memref_squeeze %dma_start3A_213 : memref<1x128x128xf32, #tpu.memory_space<vmem>> -> memref<128x128xf32, #tpu.memory_space<vmem>>
      %dma_start3A_215 = tpu.memref_reshape %arg3 : memref<4x384x384x128xf32, #tpu.memory_space<hbm>> -> memref<589824x128xf32, #tpu.memory_space<hbm>>
      %dma_start3A_216 = arith.constant 0 : i32
      %dma_start3A_217 = tpu.memref_slice %dma_start3A_215[%add3A_185, %dma_start3A_216] : memref<589824x128xf32, #tpu.memory_space<hbm>> -> memref<128x128xf32, #tpu.memory_space<hbm>>
      %dma_start3A_218 = tpu.memref_reshape %arg3 : memref<4x384x384x128xf32, #tpu.memory_space<hbm>> -> memref<589824x128xf32, #tpu.memory_space<hbm>>
      %dma_start3A_219 = arith.constant 0 : i32
      %dma_start3A_220 = tpu.memref_slice %dma_start3A_218[%add3A_185, %dma_start3A_219] : memref<589824x128xf32, #tpu.memory_space<hbm>> -> memref<128x128xf32, #tpu.memory_space<hbm>>
      %dma_start3A_221 = arith.constant 0 : i32
      %dma_start3A_222 = arith.constant 0 : i32
      %dma_start3A_223 = tpu.memref_slice %arg5[%dma_start3A_210, %dma_start3A_221, %dma_start3A_222] : memref<3x128x128xf32, #tpu.memory_space<vmem>> -> memref<1x128x128xf32, #tpu.memory_space<vmem>>
      %dma_start3A_224 = tpu.memref_squeeze %dma_start3A_223 : memref<1x128x128xf32, #tpu.memory_space<vmem>> -> memref<128x128xf32, #tpu.memory_space<vmem>>
      tpu.enqueue_dma source(%dma_start3A_224 : memref<128x128xf32, #tpu.memory_space<vmem>>) target(%dma_start3A_220 : memref<128x128xf32, #tpu.memory_space<hbm>>) target_semaphore(%arg10 : memref<!tpu.dma_semaphore, #tpu.memory_space<semaphore_mem>>)
      %add3A_225 = arith.constant 2 : i32
      %add3A_226 = arith.addi %mul3A_140, %add3A_225 : i32
      %mul3A_227 = arith.constant 128 : i32
      %mul3A_228 = arith.muli %add3A_226, %mul3A_227 : i32
      %add3A_229 = arith.addi %mul3A_2, %mul3A_228 : i32
      %sub3A_230 = arith.constant 1 : i32
      %sub3A_231 = arith.subi %add3A_226, %sub3A_230 : i32
      %add3A_232 = arith.constant 3 : i32
      %add3A_233 = arith.addi %sub3A_231, %add3A_232 : i32
      %ge3A_234 = arith.constant 3 : i32
      %ge3A_235 = arith.cmpi sge, %add3A_233, %ge3A_234 : i32
      %lt3A_236 = arith.constant 144 : i32
      %lt3A_237 = arith.cmpi slt, %add3A_233, %lt3A_236 : i32
      %and3A_238 = arith.andi %ge3A_235, %lt3A_237 : i1
      %convert_element_type3A_239 = arith.extui %and3A_238 : i1 to i32
      %cond3A_240 = arith.constant 0 : i32
      %cond3A_241 = arith.cmpi ne, %convert_element_type3A_239, %cond3A_240 : i32
      scf.if %cond3A_241 {
        %dma_wait3A_269 = arith.constant 1 : i32
        %dma_wait3A_270 = arith.constant 0 : i32
        %dma_wait3A_271 = arith.constant 0 : i32
        %dma_wait3A_272 = tpu.memref_slice %arg5[%dma_wait3A_269, %dma_wait3A_270, %dma_wait3A_271] : memref<3x128x128xf32, #tpu.memory_space<vmem>> -> memref<1x128x128xf32, #tpu.memory_space<vmem>>
        %dma_wait3A_273 = tpu.memref_squeeze %dma_wait3A_272 : memref<1x128x128xf32, #tpu.memory_space<vmem>> -> memref<128x128xf32, #tpu.memory_space<vmem>>
        %dma_wait3A_274 = tpu.memref_reshape %arg3 : memref<4x384x384x128xf32, #tpu.memory_space<hbm>> -> memref<589824x128xf32, #tpu.memory_space<hbm>>
        %dma_wait3A_275 = arith.constant 0 : i32
        %dma_wait3A_276 = arith.constant 0 : i32
        %dma_wait3A_277 = tpu.memref_slice %dma_wait3A_274[%dma_wait3A_275, %dma_wait3A_276] : memref<589824x128xf32, #tpu.memory_space<hbm>> -> memref<128x128xf32, #tpu.memory_space<hbm>>
        %dma_wait3A_278 = tpu.memref_reshape %arg3 : memref<4x384x384x128xf32, #tpu.memory_space<hbm>> -> memref<589824x128xf32, #tpu.memory_space<hbm>>
        %dma_wait3A_279 = arith.constant 0 : i32
        %dma_wait3A_280 = arith.constant 0 : i32
        %dma_wait3A_281 = tpu.memref_slice %dma_wait3A_278[%dma_wait3A_279, %dma_wait3A_280] : memref<589824x128xf32, #tpu.memory_space<hbm>> -> memref<128x128xf32, #tpu.memory_space<hbm>>
        %dma_wait3A_282 = arith.constant 0 : i32
        %dma_wait3A_283 = arith.constant 0 : i32
        %dma_wait3A_284 = tpu.memref_slice %arg5[%dma_wait3A_269, %dma_wait3A_282, %dma_wait3A_283] : memref<3x128x128xf32, #tpu.memory_space<vmem>> -> memref<1x128x128xf32, #tpu.memory_space<vmem>>
        %dma_wait3A_285 = tpu.memref_squeeze %dma_wait3A_284 : memref<1x128x128xf32, #tpu.memory_space<vmem>> -> memref<128x128xf32, #tpu.memory_space<vmem>>
        tpu.wait_dma2 semaphore(%arg10 : memref<!tpu.dma_semaphore, #tpu.memory_space<semaphore_mem>>) src(%dma_wait3A_285 : memref<128x128xf32, #tpu.memory_space<vmem>>) dst(%dma_wait3A_281 : memref<128x128xf32, #tpu.memory_space<hbm>>)
        %mul3A_286 = arith.constant 128 : i32
        %mul3A_287 = arith.muli %add3A_233, %mul3A_286 : i32
        %add3A_288 = arith.addi %mul3A_2, %mul3A_287 : i32
        %scan3A_289 = arith.constant 0 : i32
        %scan3A_290 = arith.constant 1 : i32
        %scan3A_291 = arith.constant 0 : i32
        %scan3A_292 = arith.constant 8 : i32
        %scan3A_293 = arith.addi %scan3A_291, %scan3A_292 : i32
        %scan3A_294 = arith.constant 1 : i32
        scf.for %scan3A_308 = %scan3A_291 to %scan3A_293 step %scan3A_294  : i32 {
          %mul3A_309 = arith.constant 16 : i32
          %mul3A_310 = arith.muli %scan3A_308, %mul3A_309 : i32
          %add3A_311 = arith.addi %add3A_288, %mul3A_310 : i32
          %iota3A = tpu.iota {dimensions = array<i32: 0>} : vector<16xi32>
          %add3A_312 = vector.broadcast %add3A_311 : i32 to vector<16xi32>
          %add3A_313 = arith.addi %add3A_312, %iota3A : vector<16xi32>
          %sub3A_314 = vector.broadcast %mul3A_20 : i32 to vector<16xi32>
          %sub3A_315 = arith.subi %add3A_313, %sub3A_314 : vector<16xi32>
          %div3A_316 = arith.constant 384 : i32
          %div3A_317 = vector.broadcast %div3A_316 : i32 to vector<16xi32>
          %div3A_318 = arith.divsi %sub3A_315, %div3A_317 : vector<16xi32>
          %rem3A_319 = arith.constant 384 : i32
          %rem3A_320 = vector.broadcast %rem3A_319 : i32 to vector<16xi32>
          %rem3A_321 = arith.remsi %sub3A_315, %rem3A_320 : vector<16xi32>
          %mul3A_322 = arith.constant 41 : i32
          %mul3A_323 = vector.broadcast %mul3A_322 : i32 to vector<16xi32>
          %mul3A_324 = arith.muli %mul3A_323, %div3A_318 : vector<16xi32>
          %mul3A_325 = arith.constant 29 : i32
          %mul3A_326 = vector.broadcast %mul3A_325 : i32 to vector<16xi32>
          %mul3A_327 = arith.muli %mul3A_326, %rem3A_321 : vector<16xi32>
          %add3A_328 = arith.addi %mul3A_324, %mul3A_327 : vector<16xi32>
          %rem3A_329 = arith.constant 384 : i32
          %rem3A_330 = vector.broadcast %rem3A_329 : i32 to vector<16xi32>
          %rem3A_331 = arith.remsi %add3A_328, %rem3A_330 : vector<16xi32>
          %mul3A_332 = arith.constant 58 : i32
          %mul3A_333 = vector.broadcast %mul3A_332 : i32 to vector<16xi32>
          %mul3A_334 = arith.muli %mul3A_333, %div3A_318 : vector<16xi32>
          %mul3A_335 = arith.constant 41 : i32
          %mul3A_336 = vector.broadcast %mul3A_335 : i32 to vector<16xi32>
          %mul3A_337 = arith.muli %mul3A_336, %rem3A_321 : vector<16xi32>
          %add3A_338 = arith.addi %mul3A_334, %mul3A_337 : vector<16xi32>
          %rem3A_339 = arith.constant 384 : i32
          %rem3A_340 = vector.broadcast %rem3A_339 : i32 to vector<16xi32>
          %rem3A_341 = arith.remsi %add3A_338, %rem3A_340 : vector<16xi32>
          %mul3A_342 = arith.constant 384 : i32
          %mul3A_343 = vector.broadcast %mul3A_342 : i32 to vector<16xi32>
          %mul3A_344 = arith.muli %rem3A_331, %mul3A_343 : vector<16xi32>
          %add3A_345 = vector.broadcast %mul3A_20 : i32 to vector<16xi32>
          %add3A_346 = arith.addi %add3A_345, %mul3A_344 : vector<16xi32>
          %add3A_347 = arith.addi %add3A_346, %rem3A_341 : vector<16xi32>
          %mul3A_348 = arith.constant 16 : i32
          %mul3A_349 = arith.muli %scan3A_308, %mul3A_348 : i32
          %swap3A = arith.constant 0 : i32
          %swap3A_350 = tpu.memref_slice %arg4[%scan3A_290, %swap3A] : memref<3x128xi32, #tpu.memory_space<vmem>> -> memref<1x128xi32, #tpu.memory_space<vmem>>
          %swap3A_351 = tpu.memref_squeeze %swap3A_350 : memref<1x128xi32, #tpu.memory_space<vmem>> -> memref<128xi32, #tpu.memory_space<vmem>>
          %swap3A_352 = arith.index_cast %mul3A_349 : i32 to index
          %swap3A_353 = tpu.vector_load %swap3A_351[%swap3A_352] {strides = array<i32>} : memref<128xi32, #tpu.memory_space<vmem>>, vector<16xi32>,
          %swap3A_354 = vector.shape_cast %swap3A_353 : vector<16xi32> to vector<16xi32>
          %swap3A_355 = vector.shape_cast %add3A_347 : vector<16xi32> to vector<16xi32>
          tpu.vector_store %swap3A_351[%swap3A_352], %swap3A_355 {strides = array<i32>} : memref<128xi32, #tpu.memory_space<vmem>>, vector<16xi32>,
        }
        %scan3A_295 = arith.constant 8 : i32
        %dma_start3A_296 = arith.constant 1 : i32
        %dma_start3A_297 = arith.constant 1 : i32
        %dma_start3A_298 = arith.constant 0 : i32
        %dma_start3A_299 = arith.constant 0 : i32
        %dma_start3A_300 = tpu.memref_slice %arg5[%dma_start3A_297, %dma_start3A_298, %dma_start3A_299] : memref<3x128x128xf32, #tpu.memory_space<vmem>> -> memref<1x128x128xf32, #tpu.memory_space<vmem>>
        %dma_start3A_301 = tpu.memref_squeeze %dma_start3A_300 : memref<1x128x128xf32, #tpu.memory_space<vmem>> -> memref<128x128xf32, #tpu.memory_space<vmem>>
        %dma_start3A_302 = arith.constant 0 : i32
        %dma_start3A_303 = tpu.memref_slice %arg4[%dma_start3A_296, %dma_start3A_302] : memref<3x128xi32, #tpu.memory_space<vmem>> -> memref<1x128xi32, #tpu.memory_space<vmem>>
        %dma_start3A_304 = tpu.memref_squeeze %dma_start3A_303 : memref<1x128xi32, #tpu.memory_space<vmem>> -> memref<128xi32, #tpu.memory_space<vmem>>
        %dma_start3A_305 = arith.constant 0 : i32
        %dma_start3A_306 = arith.constant 0 : i32
        %dma_start3A_307 = tpu.memref_slice %arg2[%dma_start3A_305, %dma_start3A_306] : memref<589824x128xf32, #tpu.memory_space<hbm>> -> memref<589824x128xf32, #tpu.memory_space<hbm>>
        tpu.enqueue_indirect_dma source(%dma_start3A_307 : memref<589824x128xf32, #tpu.memory_space<hbm>>) target(%dma_start3A_301 : memref<128x128xf32, #tpu.memory_space<vmem>>) offsets(%dma_start3A_304 : memref<128xi32, #tpu.memory_space<vmem>>) semaphore(%arg7 : memref<!tpu.dma_semaphore, #tpu.memory_space<semaphore_mem>>)
      } else {
      }
      %dma_wait3A_242 = arith.constant 2 : i32
      %dma_wait3A_243 = arith.constant 2 : i32
      %dma_wait3A_244 = arith.constant 0 : i32
      %dma_wait3A_245 = arith.constant 0 : i32
      %dma_wait3A_246 = tpu.memref_slice %arg5[%dma_wait3A_243, %dma_wait3A_244, %dma_wait3A_245] : memref<3x128x128xf32, #tpu.memory_space<vmem>> -> memref<1x128x128xf32, #tpu.memory_space<vmem>>
      %dma_wait3A_247 = tpu.memref_squeeze %dma_wait3A_246 : memref<1x128x128xf32, #tpu.memory_space<vmem>> -> memref<128x128xf32, #tpu.memory_space<vmem>>
      %dma_wait3A_248 = arith.constant 0 : i32
      %dma_wait3A_249 = tpu.memref_slice %arg4[%dma_wait3A_242, %dma_wait3A_248] : memref<3x128xi32, #tpu.memory_space<vmem>> -> memref<1x128xi32, #tpu.memory_space<vmem>>
      %dma_wait3A_250 = tpu.memref_squeeze %dma_wait3A_249 : memref<1x128xi32, #tpu.memory_space<vmem>> -> memref<128xi32, #tpu.memory_space<vmem>>
      %dma_wait3A_251 = arith.constant 0 : i32
      %dma_wait3A_252 = arith.constant 0 : i32
      %dma_wait3A_253 = tpu.memref_slice %arg2[%dma_wait3A_251, %dma_wait3A_252] : memref<589824x128xf32, #tpu.memory_space<hbm>> -> memref<589824x128xf32, #tpu.memory_space<hbm>>
      tpu.wait_indirect_dma semaphore(%arg8 : memref<!tpu.dma_semaphore, #tpu.memory_space<semaphore_mem>>) src(%dma_wait3A_253 : memref<589824x128xf32, #tpu.memory_space<hbm>>) dst(%dma_wait3A_247 : memref<128x128xf32, #tpu.memory_space<vmem>>)
      %dma_start3A_254 = arith.constant 2 : i32
      %dma_start3A_255 = arith.constant 0 : i32
      %dma_start3A_256 = arith.constant 0 : i32
      %dma_start3A_257 = tpu.memref_slice %arg5[%dma_start3A_254, %dma_start3A_255, %dma_start3A_256] : memref<3x128x128xf32, #tpu.memory_space<vmem>> -> memref<1x128x128xf32, #tpu.memory_space<vmem>>
      %dma_start3A_258 = tpu.memref_squeeze %dma_start3A_257 : memref<1x128x128xf32, #tpu.memory_space<vmem>> -> memref<128x128xf32, #tpu.memory_space<vmem>>
      %dma_start3A_259 = tpu.memref_reshape %arg3 : memref<4x384x384x128xf32, #tpu.memory_space<hbm>> -> memref<589824x128xf32, #tpu.memory_space<hbm>>
      %dma_start3A_260 = arith.constant 0 : i32
      %dma_start3A_261 = tpu.memref_slice %dma_start3A_259[%add3A_229, %dma_start3A_260] : memref<589824x128xf32, #tpu.memory_space<hbm>> -> memref<128x128xf32, #tpu.memory_space<hbm>>
      %dma_start3A_262 = tpu.memref_reshape %arg3 : memref<4x384x384x128xf32, #tpu.memory_space<hbm>> -> memref<589824x128xf32, #tpu.memory_space<hbm>>
      %dma_start3A_263 = arith.constant 0 : i32
      %dma_start3A_264 = tpu.memref_slice %dma_start3A_262[%add3A_229, %dma_start3A_263] : memref<589824x128xf32, #tpu.memory_space<hbm>> -> memref<128x128xf32, #tpu.memory_space<hbm>>
      %dma_start3A_265 = arith.constant 0 : i32
      %dma_start3A_266 = arith.constant 0 : i32
      %dma_start3A_267 = tpu.memref_slice %arg5[%dma_start3A_254, %dma_start3A_265, %dma_start3A_266] : memref<3x128x128xf32, #tpu.memory_space<vmem>> -> memref<1x128x128xf32, #tpu.memory_space<vmem>>
      %dma_start3A_268 = tpu.memref_squeeze %dma_start3A_267 : memref<1x128x128xf32, #tpu.memory_space<vmem>> -> memref<128x128xf32, #tpu.memory_space<vmem>>
      tpu.enqueue_dma source(%dma_start3A_268 : memref<128x128xf32, #tpu.memory_space<vmem>>) target(%dma_start3A_264 : memref<128x128xf32, #tpu.memory_space<hbm>>) target_semaphore(%arg11 : memref<!tpu.dma_semaphore, #tpu.memory_space<semaphore_mem>>)
    }
    %scan3A_87 = arith.constant 48 : i32
    %dma_wait3A = arith.constant 0 : i32
    %dma_wait3A_88 = arith.constant 0 : i32
    %dma_wait3A_89 = arith.constant 0 : i32
    %dma_wait3A_90 = tpu.memref_slice %arg5[%dma_wait3A, %dma_wait3A_88, %dma_wait3A_89] : memref<3x128x128xf32, #tpu.memory_space<vmem>> -> memref<1x128x128xf32, #tpu.memory_space<vmem>>
    %dma_wait3A_91 = tpu.memref_squeeze %dma_wait3A_90 : memref<1x128x128xf32, #tpu.memory_space<vmem>> -> memref<128x128xf32, #tpu.memory_space<vmem>>
    %dma_wait3A_92 = tpu.memref_reshape %arg3 : memref<4x384x384x128xf32, #tpu.memory_space<hbm>> -> memref<589824x128xf32, #tpu.memory_space<hbm>>
    %dma_wait3A_93 = arith.constant 0 : i32
    %dma_wait3A_94 = arith.constant 0 : i32
    %dma_wait3A_95 = tpu.memref_slice %dma_wait3A_92[%dma_wait3A_93, %dma_wait3A_94] : memref<589824x128xf32, #tpu.memory_space<hbm>> -> memref<128x128xf32, #tpu.memory_space<hbm>>
    %dma_wait3A_96 = tpu.memref_reshape %arg3 : memref<4x384x384x128xf32, #tpu.memory_space<hbm>> -> memref<589824x128xf32, #tpu.memory_space<hbm>>
    %dma_wait3A_97 = arith.constant 0 : i32
    %dma_wait3A_98 = arith.constant 0 : i32
    %dma_wait3A_99 = tpu.memref_slice %dma_wait3A_96[%dma_wait3A_97, %dma_wait3A_98] : memref<589824x128xf32, #tpu.memory_space<hbm>> -> memref<128x128xf32, #tpu.memory_space<hbm>>
    %dma_wait3A_100 = arith.constant 0 : i32
    %dma_wait3A_101 = arith.constant 0 : i32
    %dma_wait3A_102 = tpu.memref_slice %arg5[%dma_wait3A, %dma_wait3A_100, %dma_wait3A_101] : memref<3x128x128xf32, #tpu.memory_space<vmem>> -> memref<1x128x128xf32, #tpu.memory_space<vmem>>
    %dma_wait3A_103 = tpu.memref_squeeze %dma_wait3A_102 : memref<1x128x128xf32, #tpu.memory_space<vmem>> -> memref<128x128xf32, #tpu.memory_space<vmem>>
    tpu.wait_dma2 semaphore(%arg9 : memref<!tpu.dma_semaphore, #tpu.memory_space<semaphore_mem>>) src(%dma_wait3A_103 : memref<128x128xf32, #tpu.memory_space<vmem>>) dst(%dma_wait3A_99 : memref<128x128xf32, #tpu.memory_space<hbm>>)
    %dma_wait3A_104 = arith.constant 1 : i32
    %dma_wait3A_105 = arith.constant 0 : i32
    %dma_wait3A_106 = arith.constant 0 : i32
    %dma_wait3A_107 = tpu.memref_slice %arg5[%dma_wait3A_104, %dma_wait3A_105, %dma_wait3A_106] : memref<3x128x128xf32, #tpu.memory_space<vmem>> -> memref<1x128x128xf32, #tpu.memory_space<vmem>>
    %dma_wait3A_108 = tpu.memref_squeeze %dma_wait3A_107 : memref<1x128x128xf32, #tpu.memory_space<vmem>> -> memref<128x128xf32, #tpu.memory_space<vmem>>
    %dma_wait3A_109 = tpu.memref_reshape %arg3 : memref<4x384x384x128xf32, #tpu.memory_space<hbm>> -> memref<589824x128xf32, #tpu.memory_space<hbm>>
    %dma_wait3A_110 = arith.constant 0 : i32
    %dma_wait3A_111 = arith.constant 0 : i32
    %dma_wait3A_112 = tpu.memref_slice %dma_wait3A_109[%dma_wait3A_110, %dma_wait3A_111] : memref<589824x128xf32, #tpu.memory_space<hbm>> -> memref<128x128xf32, #tpu.memory_space<hbm>>
    %dma_wait3A_113 = tpu.memref_reshape %arg3 : memref<4x384x384x128xf32, #tpu.memory_space<hbm>> -> memref<589824x128xf32, #tpu.memory_space<hbm>>
    %dma_wait3A_114 = arith.constant 0 : i32
    %dma_wait3A_115 = arith.constant 0 : i32
    %dma_wait3A_116 = tpu.memref_slice %dma_wait3A_113[%dma_wait3A_114, %dma_wait3A_115] : memref<589824x128xf32, #tpu.memory_space<hbm>> -> memref<128x128xf32, #tpu.memory_space<hbm>>
    %dma_wait3A_117 = arith.constant 0 : i32
    %dma_wait3A_118 = arith.constant 0 : i32
    %dma_wait3A_119 = tpu.memref_slice %arg5[%dma_wait3A_104, %dma_wait3A_117, %dma_wait3A_118] : memref<3x128x128xf32, #tpu.memory_space<vmem>> -> memref<1x128x128xf32, #tpu.memory_space<vmem>>
    %dma_wait3A_120 = tpu.memref_squeeze %dma_wait3A_119 : memref<1x128x128xf32, #tpu.memory_space<vmem>> -> memref<128x128xf32, #tpu.memory_space<vmem>>
    tpu.wait_dma2 semaphore(%arg10 : memref<!tpu.dma_semaphore, #tpu.memory_space<semaphore_mem>>) src(%dma_wait3A_120 : memref<128x128xf32, #tpu.memory_space<vmem>>) dst(%dma_wait3A_116 : memref<128x128xf32, #tpu.memory_space<hbm>>)
    %dma_wait3A_121 = arith.constant 2 : i32
    %dma_wait3A_122 = arith.constant 0 : i32
    %dma_wait3A_123 = arith.constant 0 : i32
    %dma_wait3A_124 = tpu.memref_slice %arg5[%dma_wait3A_121, %dma_wait3A_122, %dma_wait3A_123] : memref<3x128x128xf32, #tpu.memory_space<vmem>> -> memref<1x128x128xf32, #tpu.memory_space<vmem>>
    %dma_wait3A_125 = tpu.memref_squeeze %dma_wait3A_124 : memref<1x128x128xf32, #tpu.memory_space<vmem>> -> memref<128x128xf32, #tpu.memory_space<vmem>>
    %dma_wait3A_126 = tpu.memref_reshape %arg3 : memref<4x384x384x128xf32, #tpu.memory_space<hbm>> -> memref<589824x128xf32, #tpu.memory_space<hbm>>
    %dma_wait3A_127 = arith.constant 0 : i32
    %dma_wait3A_128 = arith.constant 0 : i32
    %dma_wait3A_129 = tpu.memref_slice %dma_wait3A_126[%dma_wait3A_127, %dma_wait3A_128] : memref<589824x128xf32, #tpu.memory_space<hbm>> -> memref<128x128xf32, #tpu.memory_space<hbm>>
    %dma_wait3A_130 = tpu.memref_reshape %arg3 : memref<4x384x384x128xf32, #tpu.memory_space<hbm>> -> memref<589824x128xf32, #tpu.memory_space<hbm>>
    %dma_wait3A_131 = arith.constant 0 : i32
    %dma_wait3A_132 = arith.constant 0 : i32
    %dma_wait3A_133 = tpu.memref_slice %dma_wait3A_130[%dma_wait3A_131, %dma_wait3A_132] : memref<589824x128xf32, #tpu.memory_space<hbm>> -> memref<128x128xf32, #tpu.memory_space<hbm>>
    %dma_wait3A_134 = arith.constant 0 : i32
    %dma_wait3A_135 = arith.constant 0 : i32
    %dma_wait3A_136 = tpu.memref_slice %arg5[%dma_wait3A_121, %dma_wait3A_134, %dma_wait3A_135] : memref<3x128x128xf32, #tpu.memory_space<vmem>> -> memref<1x128x128xf32, #tpu.memory_space<vmem>>
    %dma_wait3A_137 = tpu.memref_squeeze %dma_wait3A_136 : memref<1x128x128xf32, #tpu.memory_space<vmem>> -> memref<128x128xf32, #tpu.memory_space<vmem>>
    tpu.wait_dma2 semaphore(%arg11 : memref<!tpu.dma_semaphore, #tpu.memory_space<semaphore_mem>>) src(%dma_wait3A_137 : memref<128x128xf32, #tpu.memory_space<vmem>>) dst(%dma_wait3A_133 : memref<128x128xf32, #tpu.memory_space<hbm>>)
    return
  }
}

</mosaic_0001>

<sc_bundles>
// kernel: _arnold.3.cloned.1.call-start
scs
__scs_entry_jumppad:
0x0: {  	(pc) =	sbr.rel $0x88, $3  }
0x1: {  	(tag) =	ssettag $0x0;
	lr =	simm.s32 $0x1  }
0x2: {  	[smem:$0x3FA0] =	sst lr;
	_ =	strace $0xD0000000  }
0x3: {  	_ = 	snop  }
0x4: {  	_ = 	snop  }
0x5: {  	_ = 	snop  }
0x6: {  	_ = 	snop  }
0x7: {  	_ = 	snop  }
__scs_overlays_trampoline_lowered:
0x8: {  	[smem:$0x3FAF] =	sst s0  }
0x9: {  	[smem:$0x3FB0] =	sst s1  }
0xa: {  	[smem:$0x3FB1] =	sst s2  }
0xb: {  	[smem:$0x3FB2] =	sst s3  }
0xc: {  	[smem:$0x3FB3] =	sst s4  }
0xd: {  	[smem:$0x3FB4] =	sst s5  }
0xe: {  	[smem:$0x3FB5] =	sst s6  }
0xf: {  	[smem:$0x3FB6] =	sst s7  }
0x10: {  	[smem:$0x3FB7] =	sst s8  }
0x11: {  	[smem:$0x3FB8] =	sst s9;
	s0 =	simm.s32 @!p0 $0x0  }
0x12: {  	s1 =	sld [smem:$0x3F9E];
	s0 =	simm.s32 @p0 $0x1  }
0x13: {  	[smem:$0x3FB9] =	sst s0;
	s0 =	simm.s32 @!p1 $0x0  }
0x14: {  	s2 =	sld [smem:$0x3F9D];
	s0 =	simm.s32 @p1 $0x1  }
0x15: {  	[smem:$0x3FBA] =	sst s0;
	s0 =	simm.s32 @!p2 $0x0  }
0x16: {  	s3 =	sld [smem:$0x3FDB];
	s0 =	simm.s32 @p2 $0x1  }
0x17: {  	s4 =	simm.s32 $0x1BF5;
	[smem:$0x3FBC] =	sst s0  }
0x18: {  	s0 =	sld [smem:$0x3F9F];
	_ =	swait.ge [sflag:s4], $0x0  }
0x19: {  	s7 =	sld [smem:$0x3FA0]  }
0x1a: {  	s8 =	sadd.s32 $0xFFFFE003, lr  }
0x1b: {  	s9 =	sadd.s32 $0xFFFFFEF7, lr;
	s5 =	simm.s32 $0xFFFFFFFF;
	p2 =	slt.u32 s8, $0xFFFFF086  }
0x1c: {  	p1 =	slt.u32 s9, $0xF7A;
	s5 =	simm.s32 @!p2 $0x0  }
0x1d: {  	s5 =	simm.s32 @p1 $0x1;
	p0 =	seq.s32 s7, s2  }
0x1e: {  	s7 =	smul.u32 @!p0 $0xF7A, s2;
	p2 =	seq.s32 @!p0 s5, $0x0  }
0x1f: {  	s9 =	smul.u32 $0xF7A, s1;
	s8 =	simm.s32 @!p0 $0x1BF5;
	p2 =	por !p2, p0  }
0x20: {  	[sflag:s8] =	ssyncset.s32 @!p0 $0xFFFFF086;
	s6 =	sadd.s32 @!p0 s3, s7;
	s7 =	simm.s32 @!p0 $0x108  }
0x21: {  	s3 =	sadd.s32 s3, s9;
	s6 =	sadd.s32 @!p0 $0x88, s6;
	s7 =	simm.s32 @p2 $0x1082  }
0x22: {  	[simem:s7], [sflag:s8] =	dma.local @!p0 [hbm:s6], $0xF7A  }
0x23: {  	s9 =	sor.u32 $0xD0000000, s2;
	s6 =	simm.s32 $0x108;
	_ =	swait.ge @!p0 [sflag:s8], $0x0  }
0x24: {  	s3 =	sadd.s32 $0x88, s3;
	s6 =	simm.s32 @!p1 $0x1082;
	[sflag:s4] =	ssyncset.s32 $0xFFFFF086  }
0x25: {  	[simem:s6], [sflag:s4] =	dma.local [hbm:s3], $0xF7A  }
0x26: {  	[smem:$0x3FA0] =	sst s1;
	(tag) =	ssettag s2;
	_ =	strace s9  }
0x27: {  	s1 =	sld [smem:$0x3FB0]  }
0x28: {  	s2 =	sld [smem:$0x3FB1]  }
0x29: {  	s4 =	sld [smem:$0x3FB3]  }
0x2a: {  	p0 =	seq.s32 s5, $0x0;
	s5 =	sld [smem:$0x3FB4]  }
0x2b: {  	s6 =	sld [smem:$0x3FB5]  }
0x2c: {  	s7 =	sld [smem:$0x3FB6]  }
0x2d: {  	s3 =	simm.s32 $0x108;
	s8 =	sld [smem:$0x3FB7]  }
0x2e: {  	s3 =	simm.s32 @!p0 $0x1082;
	s9 =	sld [smem:$0x3FB8]  }
0x2f: {  	lr =	sadd.s32 s0, s3;
	s0 =	sld [smem:$0x3FAF]  }
0x30: {  	s3 =	sld [smem:$0x3FB2]  }
0x31: {  	[smem:$0x3FBB] =	sst s10  }
0x32: {  	s10 =	sld [smem:$0x3FB9];
	_ =	sdelay $0x3  }
0x33: {  	p0 =	seq.s32 s10, $0x1;
	s10 =	sld [smem:$0x3FBB];
	_ =	sdelay $0x3  }
0x34: {  	[smem:$0x3FBB] =	sst s10  }
0x35: {  	s10 =	sld [smem:$0x3FBA];
	_ =	sdelay $0x3  }
0x36: {  	p1 =	seq.s32 s10, $0x1;
	s10 =	sld [smem:$0x3FBB];
	_ =	sdelay $0x3  }
0x37: {  	[smem:$0x3FBB] =	sst s10  }
0x38: {  	s10 =	sld [smem:$0x3FBC]  }
0x39: {  	_ = 	snop;
	(pc) =	sbr.ind lr, $3  }
0x3a: {  	_ = 	snop  }
0x3b: {  	_ = 	snop  }
0x3c: {  	p2 =	seq.s32 s10, $0x1;
	s10 =	sld [smem:$0x3FBB]  }
0x3d: {  	_ =	shalt  }
0x3e: {  	_ =	shalt  }
0x3f: {  	_ =	shalt  }
0x40: {  	_ =	shalt  }
0x41: {  	_ =	shalt  }
0x42: {  	_ =	shalt  }
0x43: {  	_ =	shalt  }
0x44: {  	_ =	shalt  }
0x45: {  	_ =	shalt  }
0x46: {  	_ =	shalt  }
0x47: {  	_ =	shalt  }
0x48: {  	_ =	shalt  }
0x49: {  	_ =	shalt  }
0x4a: {  	_ =	shalt  }
0x4b: {  	_ =	shalt  }
0x4c: {  	_ =	shalt  }
0x4d: {  	_ =	shalt  }
0x4e: {  	_ =	shalt  }
0x4f: {  	_ =	shalt  }
0x50: {  	_ =	shalt  }
0x51: {  	_ =	shalt  }
0x52: {  	_ =	shalt  }
0x53: {  	_ =	shalt  }
0x54: {  	_ =	shalt  }
0x55: {  	_ =	shalt  }
0x56: {  	_ =	shalt  }
0x57: {  	_ =	shalt  }
0x58: {  	_ =	shalt  }
0x59: {  	_ =	shalt  }
0x5a: {  	_ =	shalt  }
0x5b: {  	_ =	shalt  }
0x5c: {  	_ =	shalt  }
0x5d: {  	_ =	shalt  }
0x5e: {  	_ =	shalt  }
0x5f: {  	_ =	shalt  }
0x60: {  	_ =	shalt  }
0x61: {  	_ =	shalt  }
0x62: {  	_ =	shalt  }
0x63: {  	_ =	shalt  }
0x64: {  	_ =	shalt  }
0x65: {  	_ =	shalt  }
0x66: {  	_ =	shalt  }
0x67: {  	_ =	shalt  }
0x68: {  	_ =	shalt  }
0x69: {  	_ =	shalt  }
0x6a: {  	_ =	shalt  }
0x6b: {  	_ =	shalt  }
0x6c: {  	_ =	shalt  }
0x6d: {  	_ =	shalt  }
0x6e: {  	_ =	shalt  }
0x6f: {  	_ =	shalt  }
0x70: {  	_ =	shalt  }
0x71: {  	_ =	shalt  }
0x72: {  	_ =	shalt  }
0x73: {  	_ =	shalt  }
0x74: {  	_ =	shalt  }
0x75: {  	_ =	shalt  }
0x76: {  	_ =	shalt  }
0x77: {  	_ =	shalt  }
0x78: {  	_ =	shalt  }
0x79: {  	_ =	shalt  }
0x7a: {  	_ =	shalt  }
0x7b: {  	_ =	shalt  }
0x7c: {  	_ =	shalt  }
0x7d: {  	_ =	shalt  }
0x7e: {  	_ =	shalt  }
0x7f: {  	_ =	shalt  }
0x80: {  	_ =	shalt  }
0x81: {  	_ =	shalt  }
0x82: {  	_ =	shalt  }
0x83: {  	_ =	shalt  }
0x84: {  	_ =	shalt  }
0x85: {  	_ =	shalt  }
0x86: {  	_ =	shalt  }
0x87: {  	_ =	shalt  }
.Lfunc_end0:
.L_simem_size_0:
called_computation_lowered:
.L_overlay_start_0:
0x88: {  	s2 =	sld [smem:$0x3FD9]  }
0x89: {  	s3 =	sld [smem:$0x3FFE];
	_ =	sdelay $0x1  }
0x8a: {  	s1 =	srdreg.scid  }
0x8b: {  	s0 =	sand.u32 $0x1, s1  }
0x8c: {  	s18 =	sshll.u32 s0, $0xA;
	s2 =	sadd.s32 s3, s2  }
0x8d: {  	s2 =	sadd.s32 s2, s18  }
0x8e: {  	[smem:$0x3FC7] =	sst s2  }
0x8f: {  	_ = 	snop  }
0x90: {  	s2 =	sld [smem:$0x3FC9]  }
0x91: {  	s19 =	sld [smem:$0x3FD0];
	(tm) =	ssettm $0x1  }
0x92: {  	s4 =	sld [smem:$0x3FFB];
	_ =	sdelay $0x3  }
0x93: {  	_ =	strace s4  }
0x94: {  	s4 =	sld [smem:$0x3FFC];
	_ =	sdelay $0x3  }
0x95: {  	_ =	strace s4  }
0x96: {  	s4 =	sld [smem:$0x3FFD];
	_ =	sdelay $0x3  }
0x97: {  	_ =	strace s4  }
0x98: {  	_ =	strace $0x8FFFFFFF  }
0x99: {  	s20 =	sld [smem:$0x3FDB];
	_ =	sdelay $0x1  }
0x9a: {  	s5 =	simm.s32 $_scs_section_size  }
0x9b: {  	s6 =	simm.s32 $_size__tile_overlayer_lowered;
	s7 =	simm.s32 $_tile_overlayer_lowered  }
0x9c: {  	s23 =	simm.s32 $0x1BFF;
	s22 =	sshll.u32 s7, $0x1;
	s4 =	sadd.s32 s5, s20  }
0x9d: {  	s8 =	simm.s32 $0x0;
	s21 =	sshll.u32 s6, $0x1;
	s6 =	sadd.s32 s22, s4  }
0x9e: {  	[timem:s8], [sflag:s23] =	dma.local [hbm:s6], s21  }
0x9f: {  	_ =	swait.ge [sflag:s23], s21  }
0xa0: {  	s5 =	ssub.s32 $0x0, s21;
	[sflag:s23] =	ssyncset.done $0x0  }
0xa1: {  	[sflag:s23] =	ssyncadd.s32 s5;
	_ =	sdelay $0x1  }
0xa2: {  	s24 =	simm.s32 $0x1B8B  }
0xa3: {  	_ =	swait.ge [sflag:s24], $0x1  }
0xa4: {  	[sflag:s24] =	ssyncset.done $0x0  }
0xa5: {  	s25 =	simm.s32 $0x1B8E;
	[sflag:s24] =	ssyncadd.s32 $0xFFFFFFFF  }
0xa6: {  	s26 =	simm.s32 $execute0_lowered;
	[smem:$0x3FD2] =	sst s25  }
0xa7: {  	s5 =	sshll.u32 s26, $0x1;
	_ =	strace $0x80000046;
	[dreg:$0x1] =	wrdreg $0xFFFFFFFF  }
0xa8: {  	s28 =	simm.s32 $_size_execute0_lowered;
	s4 =	sadd.s32 s4, s5;
	[dreg:$0x0] =	wrdreg $0x0  }
0xa9: {  	s5 =	sshll.u32 s28, $0x1;
	[dreg:$0x2] =	wrdreg s4  }
0xaa: {  	[dreg:$0x3] =	wrdreg s5  }
0xab: {  	[dreg:$0x4] =	wrdreg $0xC0  }
0xac: {  	_ =	task [dreg:s8], $0x5FFFF  }
0xad: {  	[dreg:$0x1] =	wrdreg $0xFFFFFFFF  }
0xae: {  	[dreg:$0x0] =	wrdreg $0x60  }
0xaf: {  	[dreg:$0x2] =	wrdreg s2  }
0xb0: {  	[dreg:$0x3] =	wrdreg s19  }
0xb1: {  	[dreg:$0x4] =	wrdreg $0x9  }
0xb2: {  	_ =	task.clear_ibuf [dreg:s8], $0x5FFFF;
	_ =	strace $0x90000046  }
0xb3: {  	s29 =	simm.s32 $0x9;
	_ =	strace $0x80000048  }
0xb4: {  	_ =	swait.ge [sflag:s29], $0x1  }
0xb5: {  	[sflag:s29] =	ssyncadd.s32 $0xFFFFFFFF  }
0xb6: {  	_ =	strace $0x90000048  }
0xb7: {  	_ =	sfence  }
0xb8: {  	s30 =	sld [smem:$0x0];
	_ =	sdelay $0x2  }
0xb9: {  	s31 =	sshll.u32 s1, $0xD;
	s1 =	sshrl.u32 s1, $0x2  }
0xba: {  	s3 =	sand.u32 $0x4000, s31;
	s1 =	sadd.s32 s1, s30  }
0xbb: {  	s0 =	sor.u32 s3, s0;
	s1 =	sshll.u32 s1, $0x11  }
0xbc: {  	s0 =	sor.u32 s1, s0  }
0xbd: {  	s0 =	sadd.s32 $0x8F2B, s0  }
0xbe: {  	[sflag:s0] =	ssyncadd.remote.s32 $0x1  }
0xbf: {  	_ =	sfence.sel $0xFFFF  }
0xc0: {  	[dreg:$0x0] =	wrdreg $0xFFFFFFFF;
	(pc) =	sbr.abs _section_cstart, $3  }
0xc1: {  	[dreg:$0x1] =	wrdreg $0xFFFFFFFF  }
0xc2: {  	_ =	task.clear_ibuf [dreg:s8], $0x2FFFF;
	_ =	strace $0x9FFFFFFF  }
0xc3: {  	(tm) =	ssettm $0x7FFFFFFF  }
tec
execute0_lowered:
.L_overlay_start_1:
0x0: {  	(tag) =	ssettag $0x1  }
0x1: {  	s0 =	srdreg.scid  }
0x2: {  	s3 =	stileid.u32;
	s0 =	sand.u32 $0x1, s0  }
0x3: {  	s1 =	sshll.u32 s3, $0x1;
	s2 =	sshrl.u32 s3, $0x2;
	s3 =	smul.u32 $0x9000, s3  }
0x4: {  	s1 =	sor.u32 s0, s1;
	s25 =	ssub.s32 $0x2, s0;
	s0 =	smul.u32 $0x4800, s0  }
0x5: {  	s4 =	simm.s32 $0x0;
	s6 =	smul.u32 $0x4800, s1  }
0x6: {  	[smem:$0x7FF] =	sst s4;
	s1 =	smul.u32 $0x240000, s1  }
0x7: {  	_ =	strace $0x80000047;
	[smem:$0x7F5] =	sst s6  }
0x8: {  	v2 =	vimm.s32 $0xECA86420;
	s5 =	sshrl.u32 s25, $0x1;
	s0 =	sadd.s32 s0, s3;
	[smem:$0x7F7] =	sst s1  }
0x9: {  	v1 =	vlaneseq.u32;
	vm0 =	vcmask $0xB08;
	vm1 =	vcmask $0x1310;
	s4 =	ssub.s32 s25, s5;
	s26 =	sor.u32 $0x80, s6;
	[smem:$0x7FC] =	sst s0  }
0xa: {  	vm2 =	vcmask $0x1B18;
	vm3 =	vcmask $0x300;
	vm4 =	vcmask $0x2320;
	s28 =	smax.u32 s4, $0x1;
	[smem:$0x7F6] =	sst s26  }
.Ltmp0:
0xb: {  	vm5 =	vcmask $0x2B28;
	vm6 =	vcmask $0x3330;
	vm7 =	vcmask $0x3B38;
	s29 =	sor.u32 $0x80, s0;
	[smem:$0x7F8] =	sst s28;
	(pc) =	sbr.rel .LBB2_1-.Ltmp0, $4  }
0xc: {  	vm8 =	vmmov $0xff;
	vm9 =	vcmask $0x704;
	vm10 =	vcmask $0xF0C;
	s30 =	sor.u32 $0x100, s0;
	[smem:$0x7F9] =	sst s29  }
0xd: {  	vm11 =	vcmask $0x1714;
	vm12 =	vcmask $0x1F1C;
	v2 =	vunpack.c.l.s4.s8 v2;
	s2 =	smul.u32 $0x24000, s2;
	s31 =	sor.u32 $0x180, s0;
	[smem:$0x7FA] =	sst s30  }
0xe: {  	vm13 =	vcmask $0x2724;
	vm14 =	vcmask $0x2F2C;
	vm15 =	vcmask $0x3734;
	s0 =	sor.u32 $0x200, s0;
	[smem:$0x7FB] =	sst s31  }
0xf: {  	v3 =	vmul.u32 $0x2, v1;
	v2 =	vunpack.c.0.s8.s32 v2;
	v0 =	vmov s2;
	s2 =	simm.s32 $0x0;
	[smem:$0x7FD] =	sst s0  }
.LBB2_20:
0x10: {  	s0 =	simm.s32 $0x4  }
0x11: {  	_ =	swait.ge [sflag:s0], $0x4000  }
0x12: {  	[sflag:s0] =	ssyncset.done $0x0  }
0x13: {  	s30 =	simm.s32 $0x5;
	[sflag:s0] =	ssyncadd.s32 $0xFFFFC000  }
0x14: {  	_ =	swait.ge [sflag:s30], $0x4000  }
0x15: {  	[sflag:s30] =	ssyncset.done $0x0  }
0x16: {  	s1 =	simm.s32 $0x6;
	[sflag:s30] =	ssyncadd.s32 $0xFFFFC000  }
0x17: {  	_ =	swait.ge [sflag:s1], $0x4000  }
0x18: {  	s2 =	sld [smem:$0x7ED]  }
0x19: {  	s31 =	sld [smem:$0x7F8];
	_ =	sdelay $0x1  }
0x1a: {  	s2 =	sadd.s32 $0x1, s2  }
0x1b: {  	p0 =	sne.s32 s2, s31  }
.Ltmp1:
0x1c: {  	_ = 	snop;
	(pc) =	sbr.rel @!p0 .LBB2_21-.Ltmp1, $3  }
0x1d: {  	_ =	sdelay $0x1  }
0x1e: {  	[sflag:s1] =	ssyncset.done $0x0  }
0x1f: {  	[sflag:s1] =	ssyncadd.s32 $0xFFFFC000  }
.LBB2_1:
0x20: {  	s0 =	sld [smem:$0x7FC];
	_ =	sdelay $0x2  }
0x21: {  	v4 =	vor.u32 s0, v1  }
0x22: {  	v4 =	vsub.s32 v4, v0  }
0x23: {  	(v2sf) =	vpush v4, $0xF  }
0x24: {  	(v2sf) =	vpush v4, $0xB;
	_ =	sdelay $0x1  }
0x25: {  	(v2sf) =	vpush v4, $0x6;
	_ =	sdelay $0x1  }
0x26: {  	(v2sf) =	vpush v4, $0xE;
	_ =	sdelay $0x1  }
0x27: {  	(v2sf) =	vpush v4, $0xA;
	_ =	sdelay $0x1  }
0x28: {  	(v2sf) =	vpush v4, $0xD;
	_ =	sdelay $0x1  }
0x29: {  	(v2sf) =	vpush v4, $0x9;
	_ =	sdelay $0x1  }
0x2a: {  	(v2sf) =	vpush v4, $0x5;
	_ =	sdelay $0x1  }
0x2b: {  	(v2sf) =	vpush v4, $0xC;
	s1 =	spop (v2sf)  }
0x2c: {  	s28 =	spop (v2sf);
	s4 =	smulhi.u32 $0x2AAAAAAB, s1  }
0x2d: {  	(v2sf) =	vpush v4, $0x8;
	s1 =	sshra.s32 s1, $0x1F;
	s6 =	smulhi.u32 $0x2AAAAAAB, s28  }
0x2e: {  	s5 =	spop (v2sf);
	s24 =	smul.u32 $0x2AAAAAAB, s1  }
0x2f: {  	[smem:$0x7ED] =	sst s2;
	(v2sf) =	vpush v4, $0x4;
	s2 =	sshra.s32 s28, $0x1F;
	s0 =	smulhi.u32 $0x2AAAAAAB, s5  }
0x30: {  	s7 =	spop (v2sf);
	s2 =	smul.u32 $0x2AAAAAAB, s2  }
0x31: {  	(v2sf) =	vpush v4, $0x3;
	s5 =	sshra.s32 s5, $0x1F;
	s9 =	smulhi.u32 $0x2AAAAAAB, s7  }
0x32: {  	s8 =	spop (v2sf);
	s1 =	smul.u32 $0x2AAAAAAB, s5  }
0x33: {  	s25 =	sshra.s32 s7, $0x1F;
	s11 =	smulhi.u32 $0x2AAAAAAB, s8  }
0x34: {  	(v2sf) =	vpush v4, $0x2;
	s10 =	spop (v2sf);
	s7 =	smul.u32 $0x2AAAAAAB, s25  }
0x35: {  	(v2sf) =	vpush v4, $0x1;
	s26 =	sshra.s32 s8, $0x1F;
	s13 =	smulhi.u32 $0x2AAAAAAB, s10  }
0x36: {  	s12 =	spop (v2sf);
	s28 =	sshra.s32 s10, $0x1F;
	s10 =	smul.u32 $0x2AAAAAAB, s26  }
0x37: {  	(v2sf) =	vpush v4, $0x0;
	s15 =	smulhi.u32 $0x2AAAAAAB, s12  }
0x38: {  	(v2sf) =	vpush v4, $0x7;
	s14 =	spop (v2sf);
	s8 =	smul.u32 $0x2AAAAAAB, s28  }
0x39: {  	s25 =	sshra.s32 s12, $0x1F;
	s17 =	smulhi.u32 $0x2AAAAAAB, s14  }
0x3a: {  	s16 =	spop (v2sf);
	s12 =	smul.u32 $0x2AAAAAAB, s25  }
0x3b: {  	s26 =	sshra.s32 s14, $0x1F;
	s19 =	smulhi.u32 $0x2AAAAAAB, s16  }
0x3c: {  	s18 =	spop (v2sf);
	s28 =	sshra.s32 s16, $0x1F;
	s16 =	smul.u32 $0x2AAAAAAB, s26  }
0x3d: {  	s21 =	smulhi.u32 $0x2AAAAAAB, s18  }
0x3e: {  	s20 =	spop (v2sf);
	s14 =	smul.u32 $0x2AAAAAAB, s28  }
0x3f: {  	s18 =	sshra.s32 s18, $0x1F;
	s23 =	smulhi.u32 $0x2AAAAAAB, s20  }
0x40: {  	s22 =	spop (v2sf);
	s18 =	smul.u32 $0x2AAAAAAB, s18  }
0x41: {  	s4 =	sadd.s32 s24, s4;
	s25 =	sshra.s32 s20, $0x1F;
	s3 =	smulhi.u32 $0x2AAAAAAB, s22  }
0x42: {  	s9 =	sadd.s32 s7, s9;
	s26 =	sshra.s32 s22, $0x1F;
	s22 =	smul.u32 $0x2AAAAAAB, s25  }
0x43: {  	s10 =	sadd.s32 s10, s11;
	s28 =	spop (v2sf);
	s20 =	smul.u32 $0x2AAAAAAB, s26  }
0x44: {  	s8 =	sadd.s32 s8, s13;
	s25 =	spop (v2sf);
	s26 =	smulhi.u32 $0x2AAAAAAB, s28  }
0x45: {  	s12 =	sadd.s32 s12, s15;
	s5 =	sshra.s32 s28, $0x1F;
	s24 =	smulhi.u32 $0x2AAAAAAB, s25  }
0x46: {  	s14 =	sadd.s32 s14, s19;
	s28 =	smul.u32 $0x2AAAAAAB, s5;
	s29 =	spop (v2sf)  }
0x47: {  	s5 =	sadd.s32 s2, s6;
	s6 =	spop (v2sf);
	s11 =	smulhi.u32 $0x2AAAAAAB, s29  }
0x48: {  	s21 =	sadd.s32 s18, s21;
	s13 =	smulhi.u32 $0x2AAAAAAB, s6;
	s2 =	sshra.s32 s6, $0x1F  }
0x49: {  	s25 =	sshra.s32 s25, $0x1F;
	s19 =	sshra.s32 s29, $0x1F;
	s2 =	smul.u32 $0x2AAAAAAB, s2  }
0x4a: {  	s7 =	sadd.s32 s22, s23;
	s23 =	sshrl.u32 s14, $0x1F;
	s19 =	smul.u32 $0x2AAAAAAB, s19  }
0x4b: {  	s14 =	sshra.s32 s14, $0x6;
	s15 =	sshra.s32 s21, $0x6;
	s2 =	sadd.s32 s2, s13  }
0x4c: {  	s25 =	smul.u32 $0x2AAAAAAB, s25;
	s11 =	sadd.s32 s19, s11;
	s22 =	sshra.s32 s2, $0x1F  }
0x4d: {  	v6 =	vmov s23;
	s23 =	sshrl.u32 s9, $0x1F;
	s6 =	sadd.s32 s16, s17;
	s19 =	sshra.s32 s11, $0x6;
	v5 =	vmov s22  }
0x4e: {  	s18 =	sadd.s32 s25, s24;
	s13 =	sadd.s32 s28, s26;
	s28 =	sshra.s32 s11, $0x1F;
	v5 =	vsel vm3, s19, v5  }
0x4f: {  	v8 =	vmov s14;
	v10 =	vmov s15;
	s17 =	sshrl.u32 s8, $0x1F;
	s8 =	sshra.s32 s8, $0x6;
	s16 =	sshra.s32 s18, $0x6;
	v5 =	vsel vm9, s28, v5  }
0x50: {  	s9 =	sshra.s32 s9, $0x6;
	v6 =	vsel vm0, s17, v6;
	v8 =	vsel vm0, s8, v8;
	s26 =	sshrl.u32 s21, $0x1F;
	s21 =	sshra.s32 s18, $0x1F;
	v5 =	vsel vm0, s16, v5  }
0x51: {  	s14 =	sshrl.u32 s4, $0x1F;
	s4 =	sshra.s32 s4, $0x6;
	v6 =	vsel vm1, s23, v6;
	v8 =	vsel vm1, s9, v8;
	s22 =	sshra.s32 s13, $0x6;
	v5 =	vsel vm10, s21, v5  }
0x52: {  	s3 =	sadd.s32 s20, s3;
	s11 =	sshrl.u32 s11, $0x1F;
	v6 =	vsel vm2, s14, v6;
	v8 =	vsel vm2, s4, v8;
	s24 =	sshra.s32 s13, $0x1F;
	v5 =	vsel vm1, s22, v5  }
0x53: {  	v7 =	vmov s26;
	v9 =	vmov s11;
	s26 =	sshra.s32 s3, $0x6;
	s19 =	sshrl.u32 s12, $0x1F;
	s12 =	sshra.s32 s12, $0x6;
	v5 =	vsel vm11, s24, v5  }
0x54: {  	s25 =	sshrl.u32 s10, $0x1F;
	v7 =	vsel vm0, s19, v7;
	v10 =	vsel vm0, s12, v10;
	s12 =	sshra.s32 s3, $0x1F;
	v5 =	vsel vm2, s26, v5  }
0x55: {  	s10 =	sshra.s32 s10, $0x6;
	v9 =	vnsel vm3, $0x0, v9;
	s28 =	sshrl.u32 s18, $0x1F;
	v7 =	vsel vm1, s25, v7;
	s16 =	sshra.s32 s7, $0x6;
	v5 =	vsel vm12, s12, v5  }
0x56: {  	s15 =	sshrl.u32 s5, $0x1F;
	s17 =	sshrl.u32 s13, $0x1F;
	s18 =	sshra.s32 s7, $0x1F;
	v9 =	vsel vm0, s28, v9;
	v10 =	vsel vm1, s10, v10;
	v5 =	vsel vm4, s16, v5  }
0x57: {  	s20 =	sshra.s32 s6, $0x6;
	s3 =	sshrl.u32 s3, $0x1F;
	s19 =	sshra.s32 s5, $0x6;
	v7 =	vsel vm2, s15, v7;
	v9 =	vsel vm1, s17, v9;
	v5 =	vsel vm13, s18, v5  }
0x58: {  	s0 =	sadd.s32 s1, s0;
	s21 =	sshrl.u32 s7, $0x1F;
	v10 =	vsel vm2, s19, v10;
	v9 =	vsel vm2, s3, v9;
	s22 =	sshra.s32 s6, $0x1F;
	v5 =	vsel vm5, s20, v5  }
0x59: {  	s23 =	sshrl.u32 s6, $0x1F;
	v6 =	vcombine.low v7, v6;
	v7 =	vsel vm4, s21, v9;
	s24 =	sshra.s32 s0, $0x6;
	v5 =	vsel vm14, s22, v5  }
0x5a: {  	s25 =	sshrl.u32 s0, $0x1F;
	v8 =	vcombine.low v10, v8;
	s0 =	sshra.s32 s0, $0x1F;
	v7 =	vsel vm5, s23, v7;
	v5 =	vsel vm6, s24, v5  }
0x5b: {  	s28 =	sshra.s32 s2, $0x6;
	v6 =	vperm.xlane v6, v2;
	s26 =	sshrl.u32 s2, $0x1F;
	v7 =	vsel vm6, s25, v7;
	v5 =	vsel vm15, s0, v5  }
0x5c: {  	v8 =	vperm.xlane v8, v2;
	v7 =	vsel vm7, s26, v7;
	v5 =	vsel vm7, s28, v5  }
0x5d: {  	v7 =	vperm.xlane v7, v3;
	v5 =	vperm.xlane v5, v3;
	_ =	sdelay $0x1  }
0x5e: {  	v6 =	vsel vm8, v7, v6;
	v5 =	vsel vm8, v5, v8  }
0x5f: {  	v5 =	vadd.s32 v6, v5  }
0x60: {  	v6 =	vmul.u32 $0xFFFFFE80, v5;
	_ =	sdelay $0x1  }
0x61: {  	v4 =	vadd.s32 v4, v6  }
0x62: {  	v6 =	vmul.u32 $0x3A, v5;
	v7 =	vmul.u32 $0x29, v4  }
0x63: {  	v5 =	vmul.u32 $0x29, v5;
	v4 =	vmul.u32 $0x1D, v4  }
0x64: {  	v6 =	vadd.s32 v7, v6  }
0x65: {  	v7 =	vadd.s32 v4, v5;
	(v2sf) =	vpush v6, $0x7  }
0x66: {  	(v2sf) =	vpush v7, $0x7;
	_ =	sdelay $0x2  }
0x67: {  	(v2sf) =	vpush v6, $0x6  }
0x68: {  	(v2sf) =	vpush v7, $0x6;
	_ =	sdelay $0x2  }
0x69: {  	(v2sf) =	vpush v6, $0xF  }
0x6a: {  	(v2sf) =	vpush v6, $0xB  }
0x6b: {  	(v2sf) =	vpush v6, $0x5  }
0x6c: {  	(v2sf) =	vpush v7, $0xF;
	_ =	sdelay $0x1  }
0x6d: {  	(v2sf) =	vpush v7, $0xB  }
0x6e: {  	(v2sf) =	vpush v7, $0x5  }
0x6f: {  	(v2sf) =	vpush v6, $0xE;
	s20 =	spop (v2sf)  }
0x70: {  	(v2sf) =	vpush v6, $0xA;
	s18 =	spop (v2sf)  }
0x71: {  	(v2sf) =	vpush v6, $0x4;
	s2 =	smulhi.u32 $0x2AAAAAAB, s18  }
0x72: {  	s1 =	smulhi.u32 $0x2AAAAAAB, s20  }
0x73: {  	s28 =	simm.s32 $0x0;
	(v2sf) =	vpush v7, $0xE;
	[dreg:$0x15] =	wrdreg s2;
	s2 =	spop (v2sf)  }
0x74: {  	[dreg:$0x5] =	wrdreg s28;
	(v2sf) =	vpush v7, $0xA;
	s4 =	spop (v2sf)  }
0x75: {  	(v2sf) =	vpush v7, $0x4;
	[dreg:$0x11] =	wrdreg s1;
	s0 =	smulhi.u32 $0x2AAAAAAB, s4  }
0x76: {  	(v2sf) =	vpush v6, $0xD;
	s3 =	smulhi.u32 $0x2AAAAAAB, s2;
	[smem:$0x7EE] =	sst s4  }
0x77: {  	[dreg:$0x9] =	wrdreg s0;
	s0 =	spop (v2sf)  }
0x78: {  	s14 =	smulhi.u32 $0x2AAAAAAB, s0;
	s1 =	spop (v2sf)  }
0x79: {  	(v2sf) =	vpush v6, $0x9;
	s15 =	smulhi.u32 $0x2AAAAAAB, s1;
	s23 =	spop (v2sf)  }
0x7a: {  	s5 =	smulhi.u32 $0x2AAAAAAB, s23;
	s7 =	spop (v2sf)  }
0x7b: {  	[dreg:$0xb] =	wrdreg s3;
	s16 =	smulhi.u32 $0x2AAAAAAB, s7  }
0x7c: {  	(v2sf) =	vpush v6, $0x3;
	s9 =	spop (v2sf);
	[dreg:$0xd] =	wrdreg s5  }
0x7d: {  	s22 =	smulhi.u32 $0x2AAAAAAB, s9;
	s6 =	spop (v2sf)  }
0x7e: {  	s3 =	smulhi.u32 $0x2AAAAAAB, s6;
	s31 =	spop (v2sf)  }
0x7f: {  	(v2sf) =	vpush v7, $0xD;
	[smem:$0x7EF] =	sst s6;
	s17 =	spop (v2sf)  }
0x80: {  	(v2sf) =	vpush v7, $0x9;
	[dreg:$0xf] =	wrdreg s3;
	s8 =	spop (v2sf)  }
0x81: {  	(v2sf) =	vpush v7, $0x3;
	s24 =	smulhi.u32 $0x2AAAAAAB, s31;
	[smem:$0x7F0] =	sst s8  }
0x82: {  	(v2sf) =	vpush v6, $0xC;
	s10 =	smulhi.u32 $0x2AAAAAAB, s8;
	s30 =	spop (v2sf)  }
0x83: {  	(v2sf) =	vpush v6, $0x8;
	s11 =	smulhi.u32 $0x2AAAAAAB, s30;
	s13 =	spop (v2sf)  }
0x84: {  	(v2sf) =	vpush v6, $0x2;
	s12 =	smulhi.u32 $0x2AAAAAAB, s13;
	s21 =	spop (v2sf)  }
0x85: {  	(v2sf) =	vpush v7, $0xC;
	[smem:$0x7F1] =	sst s11;
	s11 =	spop (v2sf)  }
0x86: {  	(v2sf) =	vpush v7, $0x8;
	[dreg:$0x13] =	wrdreg s10;
	s25 =	smulhi.u32 $0x2AAAAAAB, s11  }
0x87: {  	(v2sf) =	vpush v7, $0x2;
	s10 =	sld [smem:$0x7FC];
	s19 =	smulhi.u32 $0x2AAAAAAB, s21  }
0x88: {  	(v2sf) =	vpush v6, $0x1;
	[smem:$0x7F3] =	sst s25;
	s25 =	spop (v2sf)  }
0x89: {  	(v2sf) =	vpush v7, $0x1;
	[smem:$0x7F2] =	sst s12;
	s26 =	smulhi.u32 $0x2AAAAAAB, s25  }
0x8a: {  	s29 =	smulhi.u32 $0x2AAAAAAB, s17;
	[dreg:$0x1e] =	wrdreg s19;
	(v2sf) =	vpush v6, $0x0  }
0x8b: {  	s5 =	simm.s32 $0x40;
	(v2sf) =	vpush v7, $0x0;
	s3 =	spop (v2sf);
	[smem:$0x7F4] =	sst s26  }
.LBB2_2:
0x8c: {  	[dreg:$0x17] =	wrdreg s5  }
0x8d: {  	s4 =	smulhi.u32 $0x2AAAAAAB, s3;
	[smem:$0x7BD] =	sst s14  }
0x8e: {  	[smem:$0x7C3] =	sst s29  }
0x8f: {  	[smem:$0x7D2] =	sst s4;
	s4 =	spop (v2sf)  }
0x90: {  	s6 =	smulhi.u32 $0x2AAAAAAB, s4;
	s29 =	spop (v2sf)  }
0x91: {  	s20 =	sshra.s32 s20, $0x1F;
	[smem:$0x7C2] =	sst s24;
	s8 =	smulhi.u32 $0x2AAAAAAB, s29  }
0x92: {  	p0 =	sne.s32 s5, $0x1C0;
	s5 =	smul.u32 $0x2AAAAAAB, s20;
	[smem:$0x7C4] =	sst s6  }
0x93: {  	[smem:$0x7C5] =	sst s8;
	s8 =	spop (v2sf)  }
0x94: {  	s2 =	sshra.s32 s2, $0x1F;
	s12 =	smulhi.u32 $0x2AAAAAAB, s8;
	s6 =	spop (v2sf)  }
0x95: {  	s2 =	smul.u32 $0x2AAAAAAB, s2;
	s28 =	spop (v2sf)  }
0x96: {  	[smem:$0x7D4] =	sst s12;
	s12 =	spop (v2sf)  }
0x97: {  	s14 =	smulhi.u32 $0x2AAAAAAB, s6;
	s24 =	spop (v2sf)  }
0x98: {  	[smem:$0x7BC] =	sst s16;
	s19 =	smulhi.u32 $0x2AAAAAAB, s24  }
0x99: {  	[smem:$0x7C7] =	sst s14;
	s14 =	spop (v2sf)  }
0x9a: {  	[smem:$0x7C6] =	sst s19;
	s19 =	spop (v2sf)  }
0x9b: {  	[smem:$0x7C1] =	sst s22;
	s26 =	smulhi.u32 $0x2AAAAAAB, s19  }
0x9c: {  	[smem:$0x7BF] =	sst s15;
	s15 =	smulhi.u32 $0x2AAAAAAB, s28  }
0x9d: {  	[smem:$0x7CE] =	sst s26;
	s26 =	spop (v2sf)  }
0x9e: {  	s10 =	sadd.s32 $0x10, s10;
	[smem:$0x7C8] =	sst s15;
	s15 =	smulhi.u32 $0x2AAAAAAB, s26  }
0x9f: {  	[dreg:$0x1d] =	wrdreg s10;
	s16 =	smulhi.u32 $0x2AAAAAAB, s12  }
0xa0: {  	[smem:$0x7CF] =	sst s15;
	s15 =	spop (v2sf)  }
0xa1: {  	[smem:$0x7CC] =	sst s16;
	s16 =	smulhi.u32 $0x2AAAAAAB, s15  }
0xa2: {  	s20 =	sld [smem:$0x7EE];
	s22 =	smulhi.u32 $0x2AAAAAAB, s14  }
0xa3: {  	[smem:$0x7CD] =	sst s16;
	s16 =	spop (v2sf)  }
0xa4: {  	s0 =	sshra.s32 s0, $0x1F;
	[smem:$0x7C9] =	sst s22;
	s22 =	smulhi.u32 $0x2AAAAAAB, s16  }
0xa5: {  	v4 =	vor.u32 s10, v1;
	s0 =	smul.u32 $0x2AAAAAAB, s0;
	[smem:$0x7BB] =	sst s5  }
0xa6: {  	v4 =	vsub.s32 v4, v0;
	[smem:$0x7CB] =	sst s22;
	s22 =	spop (v2sf)  }
0xa7: {  	[smem:$0x7D5] =	sst s2;
	(v2sf) =	vpush v4, $0xF;
	s10 =	smulhi.u32 $0x2AAAAAAB, s22  }
0xa8: {  	[smem:$0x7BE] =	sst s0  }
0xa9: {  	s2 =	sshra.s32 s9, $0x1F;
	(v2sf) =	vpush v4, $0xB;
	[smem:$0x7CA] =	sst s10;
	s10 =	sshra.s32 s18, $0x1F  }
0xaa: {  	s18 =	smul.u32 $0x2AAAAAAB, s10;
	s10 =	sshra.s32 s20, $0x1F;
	s20 =	sshra.s32 s1, $0x1F  }
0xab: {  	s5 =	sld [smem:$0x7EF];
	s9 =	sshra.s32 s17, $0x1F;
	(v2sf) =	vpush v4, $0x6;
	s0 =	smul.u32 $0x2AAAAAAB, s20  }
0xac: {  	s17 =	smul.u32 $0x2AAAAAAB, s9;
	(v2sf) =	vpush v4, $0xE;
	s1 =	sshra.s32 s23, $0x1F;
	[smem:$0x7BA] =	sst s18  }
0xad: {  	[smem:$0x7C0] =	sst s0;
	s0 =	smul.u32 $0x2AAAAAAB, s1  }
0xae: {  	s7 =	sshra.s32 s7, $0x1F;
	s18 =	smul.u32 $0x2AAAAAAB, s10;
	s10 =	sld [smem:$0x7F0]  }
0xaf: {  	(v2sf) =	vpush v4, $0xA;
	s23 =	smul.u32 $0x2AAAAAAB, s7;
	[smem:$0x7D7] =	sst s0;
	s0 =	sshra.s32 s5, $0x1F  }
0xb0: {  	s7 =	sshra.s32 s31, $0x1F;
	(v2sf) =	vpush v4, $0xD;
	s0 =	smul.u32 $0x2AAAAAAB, s0  }
0xb1: {  	s31 =	smul.u32 $0x2AAAAAAB, s7;
	s20 =	sshra.s32 s30, $0x1F;
	(v2sf) =	vpush v4, $0x9  }
0xb2: {  	s30 =	smul.u32 $0x2AAAAAAB, s20;
	(v2sf) =	vpush v4, $0x5;
	[smem:$0x7D8] =	sst s0;
	s0 =	sshra.s32 s10, $0x1F  }
0xb3: {  	(v2sf) =	vpush v4, $0xC;
	s0 =	smul.u32 $0x2AAAAAAB, s0  }
0xb4: {  	s1 =	sshra.s32 s13, $0x1F;
	[smem:$0x7D6] =	sst s18;
	s18 =	smul.u32 $0x2AAAAAAB, s2;
	(v2sf) =	vpush v4, $0x8  }
0xb5: {  	s9 =	smul.u32 $0x2AAAAAAB, s1;
	s2 =	sshra.s32 s21, $0x1F;
	[smem:$0x7D0] =	sst s0  }
0xb6: {  	s7 =	sshra.s32 s11, $0x1F;
	(v2sf) =	vpush v4, $0x4;
	s5 =	spop (v2sf);
	s0 =	smul.u32 $0x2AAAAAAB, s2  }
0xb7: {  	s21 =	smul.u32 $0x2AAAAAAB, s7;
	(v2sf) =	vpush v4, $0x3;
	[smem:$0x7D9] =	sst s5  }
0xb8: {  	s4 =	sshra.s32 s4, $0x1F;
	s10 =	spop (v2sf);
	[smem:$0x7D1] =	sst s0  }
0xb9: {  	s20 =	sshra.s32 s3, $0x1F;
	(v2sf) =	vpush v4, $0x2;
	s5 =	smul.u32 $0x2AAAAAAB, s4;
	[smem:$0x7DA] =	sst s10  }
0xba: {  	s11 =	sshra.s32 s25, $0x1F;
	s13 =	spop (v2sf);
	s0 =	smul.u32 $0x2AAAAAAB, s20  }
0xbb: {  	(v2sf) =	vpush v4, $0x1;
	s2 =	sshra.s32 s29, $0x1F;
	[smem:$0x7DB] =	sst s13;
	s25 =	spop (v2sf)  }
0xbc: {  	s4 =	smul.u32 $0x2AAAAAAB, s2;
	[smem:$0x7DC] =	sst s25  }
0xbd: {  	s8 =	sshra.s32 s8, $0x1F;
	(v2sf) =	vpush v4, $0x0;
	s10 =	smul.u32 $0x2AAAAAAB, s11;
	[smem:$0x7D3] =	sst s0  }
0xbe: {  	s1 =	spop (v2sf);
	s25 =	smul.u32 $0x2AAAAAAB, s8  }
0xbf: {  	[smem:$0x7DD] =	sst s1;
	s3 =	spop (v2sf)  }
0xc0: {  	(v2sf) =	vpush v4, $0x7;
	[smem:$0x7DE] =	sst s3;
	s7 =	spop (v2sf)  }
0xc1: {  	[smem:$0x7DF] =	sst s7;
	s8 =	spop (v2sf)  }
0xc2: {  	s6 =	sshra.s32 s6, $0x1F;
	[smem:$0x7E0] =	sst s8;
	s13 =	spop (v2sf)  }
0xc3: {  	s11 =	sshra.s32 s28, $0x1F;
	[smem:$0x7E1] =	sst s13;
	s28 =	spop (v2sf)  }
0xc4: {  	s3 =	smul.u32 $0x2AAAAAAB, s6;
	s13 =	sshra.s32 s26, $0x1F;
	[smem:$0x7E2] =	sst s28  }
0xc5: {  	s6 =	spop (v2sf);
	s26 =	smul.u32 $0x2AAAAAAB, s13  }
0xc6: {  	s13 =	rddreg [dreg:$0x15];
	s8 =	spop (v2sf)  }
0xc7: {  	s20 =	sshra.s32 s12, $0x1F;
	s1 =	sshra.s32 s24, $0x1F;
	[smem:$0x7E4] =	sst s8  }
0xc8: {  	s12 =	spop (v2sf);
	s8 =	sshra.s32 s16, $0x1F;
	s16 =	sld [smem:$0x7BA]  }
0xc9: {  	s24 =	smul.u32 $0x2AAAAAAB, s20;
	s7 =	sshra.s32 s14, $0x1F;
	[smem:$0x7E5] =	sst s12  }
0xca: {  	s14 =	spop (v2sf);
	s12 =	sshra.s32 s22, $0x1F;
	s22 =	rddreg [dreg:$0x11]  }
0xcb: {  	s20 =	sshra.s32 s15, $0x1F;
	s15 =	smul.u32 $0x2AAAAAAB, s8;
	s8 =	sld [smem:$0x7BC]  }
0xcc: {  	[smem:$0x7E6] =	sst s14;
	s28 =	spop (v2sf)  }
0xcd: {  	s2 =	smul.u32 $0x2AAAAAAB, s11;
	s11 =	sshra.s32 s19, $0x1F;
	[smem:$0x7E7] =	sst s28  }
0xce: {  	s19 =	smul.u32 $0x2AAAAAAB, s11;
	s28 =	sld [smem:$0x7BB]  }
0xcf: {  	s11 =	spop (v2sf);
	s13 =	sadd.s32 s16, s13;
	s16 =	sld [smem:$0x7BE]  }
0xd0: {  	[smem:$0x7E8] =	sst s11  }
0xd1: {  	s11 =	sld [smem:$0x7BD]  }
0xd2: {  	s14 =	smul.u32 $0x2AAAAAAB, s12;
	s12 =	sadd.s32 s23, s8;
	s23 =	sld [smem:$0x7BF]  }
0xd3: {  	s8 =	sld [smem:$0x7C1]  }
0xd4: {  	s22 =	sadd.s32 s28, s22;
	s28 =	sld [smem:$0x7C0]  }
0xd5: {  	[smem:$0x7E3] =	sst s6  }
0xd6: {  	s6 =	sld [smem:$0x7C7];
	s16 =	sadd.s32 s16, s11  }
0xd7: {  	s11 =	sadd.s32 s28, s23;
	s23 =	sadd.s32 s18, s8;
	s18 =	sld [smem:$0x7C2]  }
0xd8: {  	s0 =	smul.u32 $0x2AAAAAAB, s1;
	s28 =	sld [smem:$0x7C3]  }
0xd9: {  	s1 =	smul.u32 $0x2AAAAAAB, s7;
	s7 =	sld [smem:$0x7F1]  }
0xda: {  	s3 =	sadd.s32 s3, s6;
	s6 =	sld [smem:$0x7CA]  }
0xdb: {  	s18 =	sadd.s32 s31, s18;
	s31 =	sadd.s32 s17, s28;
	s28 =	sld [smem:$0x7F3]  }
0xdc: {  	s8 =	sld [smem:$0x7F2]  }
0xdd: {  	s17 =	sadd.s32 s30, s7;
	s7 =	sld [smem:$0x7C4]  }
0xde: {  	s21 =	sadd.s32 s21, s28;
	s28 =	sld [smem:$0x7F4]  }
0xdf: {  	s9 =	sadd.s32 s9, s8;
	s8 =	sld [smem:$0x7C5]  }
0xe0: {  	s7 =	sadd.s32 s5, s7;
	s5 =	sld [smem:$0x7C6]  }
0xe1: {  	s30 =	sshrl.u32 s3, $0x1F;
	s10 =	sadd.s32 s10, s28;
	s28 =	sld [smem:$0x7C8]  }
0xe2: {  	s20 =	smul.u32 $0x2AAAAAAB, s20;
	v5 =	vmov s30;
	s30 =	sld [smem:$0x7E2]  }
0xe3: {  	s14 =	sadd.s32 s14, s6;
	s0 =	sadd.s32 s0, s5;
	s5 =	sld [smem:$0x7C9]  }
0xe4: {  	s3 =	sshrl.u32 s3, $0x6;
	s2 =	sadd.s32 s2, s28;
	s28 =	sld [smem:$0x7CB]  }
0xe5: {  	s8 =	sadd.s32 s4, s8;
	s4 =	sshrl.u32 s14, $0x6;
	s6 =	sshrl.u32 s0, $0x1F  }
0xe6: {  	s0 =	sshrl.u32 s0, $0x6;
	s1 =	sadd.s32 s1, s5;
	s5 =	sshrl.u32 s2, $0x1F  }
0xe7: {  	s2 =	sshrl.u32 s2, $0x6;
	s15 =	sadd.s32 s15, s28;
	s28 =	sshrl.u32 s1, $0x1F  }
0xe8: {  	v10 =	vmov s6;
	v8 =	vmov s5;
	v11 =	vmov s28;
	s6 =	sshrl.u32 s15, $0x1F;
	s28 =	sshrl.u32 s14, $0x1F;
	s5 =	sshrl.u32 s15, $0x6  }
0xe9: {  	s14 =	sshrl.u32 s10, $0x1F;
	s15 =	sshrl.u32 s21, $0x6;
	v15 =	vmov s6;
	s6 =	sshrl.u32 s21, $0x1F  }
0xea: {  	v9 =	vmov s3;
	v18 =	vmov s5;
	s21 =	sshrl.u32 s7, $0x1F;
	s5 =	sshrl.u32 s7, $0x6;
	s7 =	sld [smem:$0x7CC]  }
0xeb: {  	v13 =	vmov s0;
	v12 =	vmov s2;
	s2 =	sshrl.u32 s10, $0x6;
	s1 =	sshrl.u32 s1, $0x6;
	v8 =	vsel vm0, s14, v8;
	s14 =	sld [smem:$0x7CE]  }
0xec: {  	v12 =	vsel vm0, s2, v12;
	v16 =	vmov s28;
	s28 =	sshrl.u32 s8, $0x1F;
	v5 =	vsel vm0, s6, v5;
	s6 =	sshrl.u32 s8, $0x6;
	s8 =	sld [smem:$0x7CD]  }
0xed: {  	v14 =	vmov s1;
	v10 =	vsel vm0, s21, v10;
	v13 =	vsel vm0, s5, v13;
	s21 =	sshrl.u32 s31, $0x1F;
	s5 =	sshrl.u32 s31, $0x6;
	s31 =	sld [smem:$0x7E3]  }
0xee: {  	v14 =	vsel vm0, s6, v14;
	v8 =	vsel vm1, s21, v8;
	s6 =	sshrl.u32 s17, $0x6;
	v12 =	vsel vm1, s5, v12;
	s21 =	sshrl.u32 s12, $0x6;
	s5 =	rddreg [dreg:$0x13]  }
0xef: {  	v9 =	vsel vm0, s15, v9;
	s15 =	sadd.s32 s24, s7;
	s0 =	sadd.s32 s19, s14;
	s19 =	sld [smem:$0x7CF]  }
0xf0: {  	s24 =	sshrl.u32 s18, $0x6;
	v13 =	vsel vm1, s6, v13;
	s6 =	sld [smem:$0x7D0];
	s10 =	sadd.s32 s20, s8  }
0xf1: {  	s20 =	sshrl.u32 s18, $0x1F;
	s18 =	sshrl.u32 s12, $0x1F;
	s12 =	sld [smem:$0x7D4]  }
0xf2: {  	s7 =	sshrl.u32 s9, $0x6;
	s14 =	sshrl.u32 s11, $0x1F;
	v13 =	vsel vm2, s21, v13;
	s21 =	sld [smem:$0x7D6]  }
0xf3: {  	v9 =	vsel vm1, s24, v9;
	v14 =	vsel vm1, s7, v14;
	s24 =	sshrl.u32 s23, $0x6;
	v5 =	vsel vm1, s20, v5;
	s20 =	sshrl.u32 s11, $0x6;
	s11 =	sld [smem:$0x7D3]  }
0xf4: {  	v11 =	vsel vm0, s28, v11;
	v16 =	vnsel vm3, $0x0, v16;
	s28 =	sshrl.u32 s9, $0x1F;
	s9 =	sshrl.u32 s10, $0x1F;
	v14 =	vsel vm2, s24, v14;
	s24 =	sld [smem:$0x7D7]  }
0xf5: {  	s3 =	sshrl.u32 s10, $0x6;
	s10 =	sshrl.u32 s16, $0x1F;
	v16 =	vsel vm0, s9, v16;
	s9 =	sld [smem:$0x7D1]  }
0xf6: {  	v11 =	vsel vm1, s28, v11;
	s28 =	sshrl.u32 s0, $0x1F;
	s7 =	sshrl.u32 s15, $0x6;
	v5 =	vsel vm2, s10, v5;
	s10 =	sld [smem:$0x7D2]  }
0xf7: {  	s0 =	sshrl.u32 s0, $0x6;
	s1 =	sadd.s32 s26, s19;
	v12 =	vsel vm2, s20, v12;
	s20 =	rddreg [dreg:$0x9]  }
0xf8: {  	v17 =	vmov s4;
	s26 =	sshrl.u32 s17, $0x1F;
	s19 =	sshrl.u32 s23, $0x1F;
	s23 =	rddreg [dreg:$0xd]  }
0xf9: {  	v17 =	vnsel vm3, $0x0, v17;
	s17 =	sshrl.u32 s16, $0x6;
	s8 =	sshrl.u32 s1, $0x1F;
	v11 =	vsel vm2, s19, v11;
	s19 =	sld [smem:$0x7D5]  }
0xfa: {  	v18 =	vnsel vm3, $0x0, v18;
	v17 =	vsel vm0, s3, v17;
	s1 =	sshrl.u32 s1, $0x6;
	s3 =	sadd.s32 s25, s12;
	s25 =	rddreg [dreg:$0xf]  }
0xfb: {  	v15 =	vnsel vm3, $0x0, v15;
	v10 =	vsel vm1, s26, v10;
	s26 =	sshrl.u32 s15, $0x1F;
	s12 =	sld [smem:$0x7D9];
	v18 =	vsel vm0, s1, v18;
	s1 =	sadd.s32 s6, s5  }
0xfc: {  	v15 =	vsel vm0, s8, v15;
	s8 =	rddreg [dreg:$0x1e];
	s15 =	sshrl.u32 s3, $0x1F;
	s3 =	sshrl.u32 s3, $0x6  }
0xfd: {  	v10 =	vsel vm2, s18, v10;
	s18 =	rddreg [dreg:$0xb];
	s2 =	sadd.s32 s9, s8;
	s4 =	sadd.s32 s11, s10  }
0xfe: {  	v57 =	vsel vm1, s0, v17;
	v15 =	vsel vm1, s26, v15;
	s16 =	sshrl.u32 s1, $0x1F;
	s1 =	sshrl.u32 s1, $0x6;
	s26 =	sld [smem:$0x7D8]  }
0xff: {  	v16 =	vsel vm1, s28, v16;
	v10 =	vcombine.low v11, v10;
	v11 =	vsel vm2, s3, v57;
	s3 =	sadd.s32 s21, s20;
	s9 =	sshrl.u32 s13, $0x1F;
	s21 =	sld [smem:$0x7DC]  }
0x100: {  	v60 =	vsel vm2, s15, v16;
	s11 =	sshrl.u32 s22, $0x1F;
	s15 =	sshrl.u32 s22, $0x6;
	s22 =	sld [smem:$0x7DD]  }
0x101: {  	v8 =	vsel vm2, s14, v8;
	v9 =	vsel vm2, s17, v9;
	s14 =	sshrl.u32 s4, $0x1F;
	s4 =	sshrl.u32 s4, $0x6;
	s17 =	sshrl.u32 s2, $0x1F  }
0x102: {  	v5 =	vcombine.low v8, v5;
	v8 =	vsel vm1, s7, v18;
	s0 =	sadd.s32 s19, s18;
	s2 =	sshrl.u32 s2, $0x6;
	s7 =	sshrl.u32 s3, $0x1F  }
0x103: {  	v59 =	vsel vm2, s14, v15;
	v8 =	vsel vm2, s4, v8;
	s4 =	sadd.s32 s24, s23;
	v11 =	vsel vm4, s2, v11;
	s14 =	smulhi.u32 $0x2AAAAAAB, s12;
	s2 =	sld [smem:$0x7E5]  }
0x104: {  	v58 =	vcombine.low v14, v13;
	s19 =	rddreg [dreg:$0x5];
	v14 =	vsel vm4, s17, v60;
	s17 =	smulhi.u32 $0x2AAAAAAB, s31;
	v13 =	vsel vm4, s16, v59;
	s28 =	sshrl.u32 s4, $0x1F  }
0x105: {  	s20 =	sshra.s32 s19, $0x2;
	s16 =	sld [smem:$0x7DA];
	v13 =	vsel vm5, s28, v13;
	s28 =	smulhi.u32 $0x2AAAAAAB, s21  }
0x106: {  	v8 =	vsel vm4, s1, v8;
	s1 =	sadd.s32 s26, s25;
	s21 =	sshra.s32 s21, $0x1F;
	s19 =	smulhi.u32 $0x2AAAAAAB, s2  }
0x107: {  	s24 =	sld [smem:$0x7DF];
	s5 =	sshrl.u32 s1, $0x1F;
	s21 =	smul.u32 $0x2AAAAAAB, s21  }
0x108: {  	s25 =	sld [smem:$0x7E0];
	s1 =	sshrl.u32 s1, $0x6;
	v14 =	vsel vm5, s5, v14;
	s29 =	smulhi.u32 $0x2AAAAAAB, s16  }
0x109: {  	s8 =	sshrl.u32 s3, $0x6;
	s26 =	sld [smem:$0x7E1];
	v11 =	vsel vm5, s1, v11;
	v14 =	vsel vm6, s7, v14;
	s7 =	smulhi.u32 $0x2AAAAAAB, s22  }
0x10a: {  	s10 =	sshrl.u32 s13, $0x6;
	s4 =	sshrl.u32 s4, $0x6;
	v11 =	vsel vm6, s8, v11;
	s8 =	smulhi.u32 $0x2AAAAAAB, s24  }
0x10b: {  	s6 =	sshrl.u32 s0, $0x1F;
	s0 =	sshrl.u32 s0, $0x6;
	v8 =	vsel vm5, s4, v8;
	s13 =	smulhi.u32 $0x2AAAAAAB, s25  }
0x10c: {  	[smem:$0x7E9] =	sst s14;
	v8 =	vsel vm6, s0, v8;
	s14 =	smulhi.u32 $0x2AAAAAAB, s26  }
0x10d: {  	s23 =	sld [smem:$0x7DE];
	v13 =	vsel vm6, s6, v13;
	s6 =	sshra.s32 s12, $0x1F;
	v8 =	vsel vm7, s15, v8;
	s15 =	smulhi.u32 $0x2AAAAAAB, s30  }
0x10e: {  	s2 =	sshra.s32 s2, $0x1F;
	s6 =	smul.u32 $0x2AAAAAAB, s6  }
0x10f: {  	s2 =	smul.u32 $0x2AAAAAAB, s2  }
0x110: {  	s3 =	rddreg [dreg:$0x17];
	s22 =	sshra.s32 s22, $0x1F;
	v14 =	vsel vm7, s9, v14;
	s9 =	smulhi.u32 $0x2AAAAAAB, s23  }
0x111: {  	s4 =	smov.u32 s3;
	s24 =	sshra.s32 s24, $0x1F;
	s22 =	smul.u32 $0x2AAAAAAB, s22  }
0x112: {  	s0 =	sld [smem:$0x7E4];
	s25 =	sshra.s32 s25, $0x1F;
	s24 =	smul.u32 $0x2AAAAAAB, s24  }
0x113: {  	s3 =	sld [smem:$0x7E6];
	s26 =	sshra.s32 s26, $0x1F;
	s25 =	smul.u32 $0x2AAAAAAB, s25  }
0x114: {  	v9 =	vcombine.low v12, v9;
	v12 =	vperm.xlane v58, v2;
	[dreg:$0x5] =	wrdreg s4;
	s26 =	smul.u32 $0x2AAAAAAB, s26  }
0x115: {  	v5 =	vperm.xlane v5, v2;
	v13 =	vsel vm7, s11, v13;
	s11 =	sld [smem:$0x7DB];
	v11 =	vsel vm7, s10, v11;
	s10 =	sshra.s32 s16, $0x1F;
	s5 =	smulhi.u32 $0x2AAAAAAB, s0  }
0x116: {  	v9 =	vperm.xlane v9, v2;
	v10 =	vperm.xlane v10, v2;
	s4 =	sld [smem:$0x7E7];
	s23 =	sshra.s32 s23, $0x1F;
	s16 =	smul.u32 $0x2AAAAAAB, s10  }
0x117: {  	v14 =	vperm.xlane v14, v3;
	v11 =	vperm.xlane v11, v3;
	s23 =	smul.u32 $0x2AAAAAAB, s23;
	s10 =	sld [smem:$0x7E9]  }
0x118: {  	v13 =	vperm.xlane v13, v3;
	v8 =	vperm.xlane v8, v3;
	s18 =	smulhi.u32 $0x2AAAAAAB, s11;
	s11 =	sshra.s32 s11, $0x1F;
	[smem:$0x7EA] =	sst s5  }
0x119: {  	s21 =	sadd.s32 s21, s28;
	v10 =	vsel vm8, v14, v10;
	v11 =	vsel vm8, v11, v12;
	s5 =	sld [smem:$0x7E8];
	s1 =	smul.u32 $0x2AAAAAAB, s11  }
0x11a: {  	v5 =	vsel vm8, v13, v5;
	v8 =	vsel vm8, v8, v9;
	s11 =	sshra.s32 s31, $0x1F;
	[smem:$0x7EB] =	sst s18;
	v10 =	vadd.s32 v10, v11;
	s18 =	smulhi.u32 $0x2AAAAAAB, s3  }
0x11b: {  	s14 =	sadd.s32 s26, s14;
	v5 =	vadd.s32 v5, v8;
	s31 =	smul.u32 $0x2AAAAAAB, s11;
	s3 =	sshra.s32 s3, $0x1F;
	v61 =	vmul.u32 $0x180, v10  }
0x11c: {  	s8 =	sadd.s32 s24, s8;
	v5 =	vmul.u32 $0x180, v5;
	s10 =	sadd.s32 s6, s10;
	s3 =	smul.u32 $0x2AAAAAAB, s3  }
0x11d: {  	[smem:$0x7EC] =	sst s1;
	s1 =	sshra.s32 s30, $0x1F;
	s12 =	smulhi.u32 $0x2AAAAAAB, s5;
	v7 =	vsub.s32 v7, v61  }
0x11e: {  	s6 =	sadd.s32 s16, s29;
	v5 =	vsub.s32 v6, v5;
	s30 =	smul.u32 $0x2AAAAAAB, s1;
	s1 =	sshra.s32 s0, $0x1F;
	v6 =	vmul.u32 $0x180, v7  }
0x11f: {  	s16 =	sadd.s32 s23, s9;
	s5 =	sshra.s32 s5, $0x1F;
	v5 =	vadd.s32 v0, v5;
	s11 =	smul.u32 $0x2AAAAAAB, s1  }
0x120: {  	s9 =	sadd.s32 s22, s7;
	s7 =	sadd.s32 s2, s19;
	s0 =	smul.u32 $0x2AAAAAAB, s5;
	v5 =	vadd.s32 v6, v5  }
0x121: {  	s22 =	sshra.s32 s14, $0x6;
	[tilespmem:s20+$0x0] =	vst v5;
	s20 =	smulhi.u32 $0x2AAAAAAB, s4;
	s4 =	sshra.s32 s4, $0x1F  }
0x122: {  	v8 =	vmov s22;
	s26 =	sshrl.u32 s16, $0x1F;
	s22 =	sshra.s32 s7, $0x1F;
	s1 =	smul.u32 $0x2AAAAAAB, s4  }
0x123: {  	s5 =	sadd.s32 s31, s17;
	s17 =	sshrl.u32 s14, $0x1F;
	s0 =	sadd.s32 s0, s12  }
0x124: {  	s28 =	sadd.s32 s30, s15;
	s15 =	sshra.s32 s0, $0x1F;
	s1 =	sadd.s32 s1, s20  }
0x125: {  	s3 =	sadd.s32 s3, s18;
	s24 =	sshra.s32 s28, $0x6;
	v5 =	vmov s15;
	s19 =	sshra.s32 s1, $0x6  }
0x126: {  	v6 =	vmov s17;
	s17 =	sshra.s32 s16, $0x6;
	s20 =	sshrl.u32 s28, $0x1F;
	s23 =	sshra.s32 s1, $0x1F;
	v5 =	vsel vm3, s19, v5  }
0x127: {  	s4 =	sadd.s32 s25, s13;
	s25 =	sshra.s32 s3, $0x6;
	v7 =	vmov s20;
	s20 =	sld [smem:$0x7EA];
	v5 =	vsel vm9, s23, v5  }
0x128: {  	s18 =	sshra.s32 s7, $0x6;
	v63 =	vmov s24;
	s24 =	sshra.s32 s21, $0x6;
	s15 =	sshra.s32 s3, $0x1F;
	v8 =	vsel vm0, s17, v8;
	v5 =	vsel vm0, s25, v5  }
0x129: {  	v6 =	vsel vm0, s26, v6;
	v8 =	vsel vm1, s24, v8;
	s28 =	sshrl.u32 s8, $0x1F;
	s8 =	sshra.s32 s8, $0x6;
	s1 =	sshrl.u32 s1, $0x1F;
	v5 =	vsel vm10, s15, v5  }
0x12a: {  	s12 =	sshrl.u32 s6, $0x1F;
	v10 =	vsel vm0, s8, v63;
	v62 =	vmov s1;
	s19 =	sshrl.u32 s21, $0x1F;
	s11 =	sadd.s32 s11, s20;
	v5 =	vsel vm1, s18, v5  }
0x12b: {  	s26 =	sshrl.u32 s3, $0x1F;
	v7 =	vsel vm0, s28, v7;
	s28 =	sshra.s32 s9, $0x6;
	v6 =	vsel vm1, s19, v6;
	s25 =	sshra.s32 s11, $0x6;
	v5 =	vsel vm11, s22, v5  }
0x12c: {  	s21 =	sld [smem:$0x7EB];
	s23 =	sshrl.u32 s9, $0x1F;
	v9 =	vnsel vm3, $0x0, v62;
	v10 =	vsel vm1, s28, v10;
	s8 =	sshra.s32 s11, $0x1F;
	v5 =	vsel vm2, s25, v5  }
0x12d: {  	s13 =	sshra.s32 s5, $0x6;
	s9 =	sshrl.u32 s10, $0x1F;
	v7 =	vsel vm1, s23, v7;
	v9 =	vsel vm0, s26, v9;
	s22 =	sld [smem:$0x7EC];
	v5 =	vsel vm12, s8, v5  }
0x12e: {  	s14 =	sshrl.u32 s7, $0x1F;
	s16 =	sshra.s32 s5, $0x1F;
	v6 =	vsel vm2, s9, v6;
	v7 =	vsel vm2, s12, v7;
	s15 =	sshra.s32 s10, $0x6;
	v5 =	vsel vm4, s13, v5  }
0x12f: {  	s19 =	sshra.s32 s4, $0x6;
	s20 =	sshrl.u32 s5, $0x1F;
	v9 =	vsel vm1, s14, v9;
	s17 =	sshrl.u32 s11, $0x1F;
	v8 =	vsel vm2, s15, v8;
	v5 =	vsel vm13, s16, v5  }
0x130: {  	s23 =	sshra.s32 s4, $0x1F;
	s18 =	sshra.s32 s6, $0x6;
	v9 =	vsel vm2, s17, v9;
	v6 =	vcombine.low v7, v6;
	s5 =	sadd.s32 s22, s21;
	v5 =	vsel vm5, s19, v5  }
0x131: {  	s24 =	sshrl.u32 s4, $0x1F;
	v10 =	vsel vm2, s18, v10;
	v7 =	vsel vm4, s20, v9;
	s25 =	sshra.s32 s5, $0x6;
	v5 =	vsel vm14, s23, v5  }
0x132: {  	v7 =	vsel vm5, s24, v7;
	v8 =	vcombine.low v10, v8;
	s26 =	sshrl.u32 s5, $0x1F;
	s28 =	sshra.s32 s5, $0x1F;
	v5 =	vsel vm6, s25, v5  }
0x133: {  	s3 =	sshrl.u32 s0, $0x1F;
	s0 =	sshra.s32 s0, $0x6;
	v6 =	vperm.xlane v6, v2;
	v7 =	vsel vm6, s26, v7;
	v5 =	vsel vm15, s28, v5  }
0x134: {  	v8 =	vperm.xlane v8, v2;
	v7 =	vsel vm7, s3, v7;
	v5 =	vsel vm7, s0, v5  }
0x135: {  	v7 =	vperm.xlane v7, v3;
	v5 =	vperm.xlane v5, v3;
	_ =	sdelay $0x1  }
0x136: {  	v6 =	vsel vm8, v7, v6;
	v5 =	vsel vm8, v5, v8  }
0x137: {  	v5 =	vadd.s32 v6, v5  }
0x138: {  	v6 =	vmul.u32 $0xFFFFFE80, v5;
	_ =	sdelay $0x1  }
0x139: {  	v4 =	vadd.s32 v4, v6  }
0x13a: {  	v6 =	vmul.u32 $0x3A, v5;
	v7 =	vmul.u32 $0x29, v4  }
0x13b: {  	v5 =	vmul.u32 $0x29, v5;
	v4 =	vmul.u32 $0x1D, v4  }
0x13c: {  	v6 =	vadd.s32 v7, v6  }
0x13d: {  	v7 =	vadd.s32 v4, v5;
	(v2sf) =	vpush v6, $0x7  }
0x13e: {  	(v2sf) =	vpush v7, $0x7  }
0x13f: {  	(v2sf) =	vpush v6, $0x6  }
0x140: {  	(v2sf) =	vpush v7, $0x6;
	_ =	sdelay $0x2  }
0x141: {  	(v2sf) =	vpush v6, $0xF  }
0x142: {  	(v2sf) =	vpush v6, $0xB  }
0x143: {  	(v2sf) =	vpush v6, $0x5;
	_ =	sdelay $0x1  }
0x144: {  	(v2sf) =	vpush v7, $0xF  }
0x145: {  	(v2sf) =	vpush v7, $0xB  }
0x146: {  	(v2sf) =	vpush v7, $0x5  }
0x147: {  	(v2sf) =	vpush v6, $0xE  }
0x148: {  	(v2sf) =	vpush v6, $0xA  }
0x149: {  	(v2sf) =	vpush v6, $0x4;
	s20 =	spop (v2sf)  }
0x14a: {  	s18 =	spop (v2sf)  }
0x14b: {  	(v2sf) =	vpush v7, $0xE;
	s2 =	spop (v2sf)  }
0x14c: {  	(v2sf) =	vpush v7, $0xA;
	s4 =	smulhi.u32 $0x2AAAAAAB, s20;
	s8 =	spop (v2sf)  }
0x14d: {  	s10 =	rddreg [dreg:$0x1d];
	s0 =	smulhi.u32 $0x2AAAAAAB, s8  }
0x14e: {  	s5 =	rddreg [dreg:$0x17];
	s6 =	smulhi.u32 $0x2AAAAAAB, s18  }
0x14f: {  	(v2sf) =	vpush v7, $0x4;
	[dreg:$0x9] =	wrdreg s0;
	s0 =	spop (v2sf)  }
0x150: {  	(v2sf) =	vpush v6, $0xD;
	s7 =	smulhi.u32 $0x2AAAAAAB, s2;
	s1 =	spop (v2sf)  }
0x151: {  	[dreg:$0x11] =	wrdreg s4;
	s23 =	spop (v2sf)  }
0x152: {  	[dreg:$0xb] =	wrdreg s7;
	s9 =	smulhi.u32 $0x2AAAAAAB, s23  }
0x153: {  	(v2sf) =	vpush v6, $0x9;
	s14 =	smulhi.u32 $0x2AAAAAAB, s0;
	s7 =	spop (v2sf)  }
0x154: {  	[dreg:$0xd] =	wrdreg s9;
	s9 =	spop (v2sf)  }
0x155: {  	s15 =	smulhi.u32 $0x2AAAAAAB, s1;
	s11 =	spop (v2sf)  }
0x156: {  	(v2sf) =	vpush v6, $0x3;
	s16 =	smulhi.u32 $0x2AAAAAAB, s7;
	s31 =	spop (v2sf)  }
0x157: {  	s22 =	smulhi.u32 $0x2AAAAAAB, s9;
	s17 =	spop (v2sf)  }
0x158: {  	s3 =	smulhi.u32 $0x2AAAAAAB, s11;
	s12 =	spop (v2sf)  }
0x159: {  	[dreg:$0x15] =	wrdreg s6;
	(v2sf) =	vpush v7, $0xD;
	s13 =	smulhi.u32 $0x2AAAAAAB, s12  }
0x15a: {  	(v2sf) =	vpush v7, $0x9;
	s24 =	smulhi.u32 $0x2AAAAAAB, s31;
	s30 =	spop (v2sf)  }
0x15b: {  	(v2sf) =	vpush v7, $0x3;
	[dreg:$0x13] =	wrdreg s13;
	s13 =	spop (v2sf)  }
0x15c: {  	[smem:$0x7EE] =	sst s8;
	(v2sf) =	vpush v6, $0xC;
	s21 =	smulhi.u32 $0x2AAAAAAB, s13  }
0x15d: {  	(v2sf) =	vpush v6, $0x8;
	[smem:$0x7EF] =	sst s11;
	s19 =	smulhi.u32 $0x2AAAAAAB, s30  }
0x15e: {  	(v2sf) =	vpush v6, $0x2;
	[smem:$0x7F2] =	sst s21;
	s21 =	spop (v2sf)  }
0x15f: {  	(v2sf) =	vpush v7, $0xC;
	s25 =	smulhi.u32 $0x2AAAAAAB, s21;
	s11 =	spop (v2sf)  }
0x160: {  	(v2sf) =	vpush v7, $0x8;
	[dreg:$0xf] =	wrdreg s3;
	s26 =	smulhi.u32 $0x2AAAAAAB, s11  }
.Ltmp2:
0x161: {  	(v2sf) =	vpush v7, $0x2;
	[smem:$0x7F0] =	sst s12;
	(pc) =	sbr.rel @p0 .LBB2_2-.Ltmp2, $4  }
0x162: {  	(v2sf) =	vpush v6, $0x1;
	[dreg:$0x1e] =	wrdreg s25;
	s25 =	spop (v2sf)  }
0x163: {  	(v2sf) =	vpush v7, $0x1;
	[smem:$0x7F1] =	sst s19;
	s28 =	smulhi.u32 $0x2AAAAAAB, s25  }
0x164: {  	s29 =	smulhi.u32 $0x2AAAAAAB, s17;
	(v2sf) =	vpush v6, $0x0;
	[smem:$0x7F3] =	sst s26  }
0x165: {  	s5 =	sadd.s32 $0x40, s5;
	(v2sf) =	vpush v7, $0x0;
	s3 =	spop (v2sf);
	[smem:$0x7F4] =	sst s28  }
0x166: {  	s0 =	sshra.s32 s0, $0x1F  }
0x167: {  	s6 =	sshra.s32 s1, $0x1F;
	s8 =	smul.u32 $0x2AAAAAAB, s0  }
0x168: {  	[smem:$0x7B1] =	sst s20;
	s7 =	sshra.s32 s7, $0x1F;
	s20 =	smul.u32 $0x2AAAAAAB, s6  }
0x169: {  	s10 =	sshra.s32 s9, $0x1F;
	s7 =	smul.u32 $0x2AAAAAAB, s7  }
0x16a: {  	s12 =	sshra.s32 s31, $0x1F;
	s6 =	smul.u32 $0x2AAAAAAB, s10  }
0x16b: {  	s19 =	sshra.s32 s17, $0x1F;
	s10 =	smul.u32 $0x2AAAAAAB, s12  }
0x16c: {  	s26 =	sshra.s32 s30, $0x1F;
	s12 =	smul.u32 $0x2AAAAAAB, s19  }
0x16d: {  	s1 =	sshra.s32 s13, $0x1F;
	s0 =	smul.u32 $0x2AAAAAAB, s26  }
0x16e: {  	s4 =	sshra.s32 s25, $0x1F;
	s13 =	smul.u32 $0x2AAAAAAB, s1  }
0x16f: {  	[smem:$0x7AF] =	sst s3;
	s30 =	smul.u32 $0x2AAAAAAB, s4  }
0x170: {  	s3 =	sshra.s32 s11, $0x1F;
	s4 =	sld [smem:$0x7F9];
	s5 =	spop (v2sf)  }
0x171: {  	[smem:$0x781] =	sst s0;
	s0 =	smul.u32 $0x2AAAAAAB, s3  }
0x172: {  	s31 =	smulhi.u32 $0x2AAAAAAB, s5;
	s9 =	spop (v2sf)  }
0x173: {  	s17 =	spop (v2sf);
	[smem:$0x782] =	sst s0  }
0x174: {  	s11 =	smulhi.u32 $0x2AAAAAAB, s9;
	s0 =	sshra.s32 s5, $0x1F;
	[smem:$0x7B0] =	sst s17  }
0x175: {  	s19 =	spop (v2sf);
	s0 =	smul.u32 $0x2AAAAAAB, s0  }
0x176: {  	s25 =	smulhi.u32 $0x2AAAAAAB, s19;
	s26 =	spop (v2sf)  }
0x177: {  	s3 =	smulhi.u32 $0x2AAAAAAB, s26;
	[smem:$0x783] =	sst s0;
	s0 =	sshra.s32 s9, $0x1F  }
0x178: {  	s9 =	spop (v2sf);
	s5 =	smul.u32 $0x2AAAAAAB, s0  }
0x179: {  	s0 =	sshra.s32 s19, $0x1F;
	[smem:$0x788] =	sst s3;
	s3 =	smulhi.u32 $0x2AAAAAAB, s9  }
0x17a: {  	v4 =	vor.u32 s4, v1;
	s4 =	spop (v2sf);
	s0 =	smul.u32 $0x2AAAAAAB, s0  }
0x17b: {  	[smem:$0x784] =	sst s11;
	s11 =	smulhi.u32 $0x2AAAAAAB, s4;
	s4 =	sshra.s32 s4, $0x1F  }
0x17c: {  	s17 =	spop (v2sf);
	s1 =	smul.u32 $0x2AAAAAAB, s4  }
0x17d: {  	[smem:$0x786] =	sst s25;
	s19 =	smulhi.u32 $0x2AAAAAAB, s17  }
0x17e: {  	s25 =	spop (v2sf);
	[smem:$0x787] =	sst s0  }
0x17f: {  	s0 =	sshra.s32 s26, $0x1F;
	[smem:$0x785] =	sst s11;
	s26 =	smulhi.u32 $0x2AAAAAAB, s25  }
0x180: {  	v4 =	vsub.s32 v4, v0;
	s4 =	sshra.s32 s17, $0x1F;
	s11 =	spop (v2sf);
	s0 =	smul.u32 $0x2AAAAAAB, s0  }
0x181: {  	s6 =	sadd.s32 s6, s22;
	(v2sf) =	vpush v4, $0xF;
	[smem:$0x78A] =	sst s19;
	s19 =	smul.u32 $0x2AAAAAAB, s4  }
0x182: {  	[smem:$0x7A7] =	sst s6;
	s17 =	smulhi.u32 $0x2AAAAAAB, s11  }
0x183: {  	s4 =	sshra.s32 s25, $0x1F;
	s25 =	spop (v2sf);
	[smem:$0x78E] =	sst s26  }
0x184: {  	s26 =	smulhi.u32 $0x2AAAAAAB, s25;
	[smem:$0x789] =	sst s0  }
0x185: {  	(v2sf) =	vpush v4, $0xB;
	s0 =	sshra.s32 s9, $0x1F;
	s9 =	smul.u32 $0x2AAAAAAB, s4;
	[smem:$0x790] =	sst s17  }
0x186: {  	s4 =	sshra.s32 s11, $0x1F;
	s0 =	smul.u32 $0x2AAAAAAB, s0;
	[smem:$0x78C] =	sst s26  }
0x187: {  	(v2sf) =	vpush v4, $0x6;
	s4 =	smul.u32 $0x2AAAAAAB, s4;
	[smem:$0x78F] =	sst s9  }
0x188: {  	[smem:$0x78B] =	sst s0  }
0x189: {  	s9 =	sshra.s32 s25, $0x1F;
	s25 =	sadd.s32 s7, s16;
	[smem:$0x791] =	sst s4  }
0x18a: {  	(v2sf) =	vpush v4, $0xE;
	s11 =	spop (v2sf);
	[smem:$0x7A6] =	sst s25;
	s25 =	sadd.s32 s20, s15  }
0x18b: {  	s26 =	smulhi.u32 $0x2AAAAAAB, s11;
	s20 =	sadd.s32 s12, s29;
	[smem:$0x7A5] =	sst s25  }
0x18c: {  	(v2sf) =	vpush v4, $0xA;
	s17 =	spop (v2sf);
	[smem:$0x7A0] =	sst s20  }
0x18d: {  	s9 =	smul.u32 $0x2AAAAAAB, s9;
	s25 =	sld [smem:$0x781]  }
0x18e: {  	s28 =	smulhi.u32 $0x2AAAAAAB, s17;
	s4 =	sshra.s32 s17, $0x1F;
	s20 =	sld [smem:$0x783]  }
0x18f: {  	s16 =	smul.u32 $0x2AAAAAAB, s4;
	[smem:$0x78D] =	sst s9  }
0x190: {  	(v2sf) =	vpush v4, $0xD;
	s9 =	sshra.s32 s11, $0x1F;
	s11 =	sadd.s32 s8, s14;
	s14 =	spop (v2sf)  }
0x191: {  	[smem:$0x7A4] =	sst s11;
	s4 =	smulhi.u32 $0x2AAAAAAB, s14  }
0x192: {  	s7 =	sshra.s32 s14, $0x1F;
	s14 =	sadd.s32 s10, s24;
	s24 =	sld [smem:$0x7F1]  }
0x193: {  	s17 =	smul.u32 $0x2AAAAAAB, s9;
	s10 =	sld [smem:$0x7F2]  }
0x194: {  	s8 =	spop (v2sf);
	[smem:$0x79F] =	sst s14  }
0x195: {  	s7 =	smul.u32 $0x2AAAAAAB, s7;
	s14 =	sld [smem:$0x7F3]  }
0x196: {  	(v2sf) =	vpush v4, $0x9;
	s11 =	spop (v2sf);
	[smem:$0x792] =	sst s4  }
0x197: {  	s9 =	smulhi.u32 $0x2AAAAAAB, s8;
	[smem:$0x79A] =	sst s11  }
0x198: {  	[smem:$0x793] =	sst s7  }
0x199: {  	s6 =	sshra.s32 s8, $0x1F;
	s15 =	spop (v2sf);
	[smem:$0x794] =	sst s9  }
0x19a: {  	s22 =	smulhi.u32 $0x2AAAAAAB, s15;
	s7 =	sshra.s32 s15, $0x1F;
	s15 =	sld [smem:$0x782]  }
0x19b: {  	s0 =	sadd.s32 s25, s24;
	s9 =	spop (v2sf);
	s24 =	sld [smem:$0x784]  }
0x19c: {  	[smem:$0x7A1] =	sst s0;
	s8 =	smul.u32 $0x2AAAAAAB, s7;
	s0 =	sadd.s32 s13, s10  }
0x19d: {  	(v2sf) =	vpush v4, $0x5;
	s13 =	smulhi.u32 $0x2AAAAAAB, s9;
	s7 =	sshra.s32 s9, $0x1F;
	s9 =	sld [smem:$0x785]  }
0x19e: {  	(v2sf) =	vpush v4, $0xC;
	[smem:$0x795] =	sst s22  }
0x19f: {  	(v2sf) =	vpush v4, $0x8;
	s11 =	spop (v2sf);
	[smem:$0x7A2] =	sst s0  }
0x1a0: {  	s25 =	smulhi.u32 $0x2AAAAAAB, s11;
	s12 =	sshra.s32 s11, $0x1F;
	s11 =	sld [smem:$0x786]  }
0x1a1: {  	[smem:$0x796] =	sst s8  }
0x1a2: {  	[smem:$0x797] =	sst s13  }
0x1a3: {  	s0 =	sadd.s32 s15, s14;
	s14 =	sld [smem:$0x788]  }
0x1a4: {  	s22 =	smul.u32 $0x2AAAAAAB, s7;
	s15 =	sld [smem:$0x789]  }
0x1a5: {  	s4 =	spop (v2sf);
	[smem:$0x79B] =	sst s0  }
0x1a6: {  	(v2sf) =	vpush v4, $0x4;
	s8 =	sshra.s32 s4, $0x1F;
	[smem:$0x798] =	sst s22  }
0x1a7: {  	s0 =	sadd.s32 s20, s31;
	s20 =	smul.u32 $0x2AAAAAAB, s12;
	s12 =	sld [smem:$0x787]  }
0x1a8: {  	s31 =	smul.u32 $0x2AAAAAAB, s8;
	s8 =	sld [smem:$0x78C]  }
0x1a9: {  	s29 =	sadd.s32 s1, s9;
	s9 =	sld [smem:$0x78D]  }
0x1aa: {  	s7 =	smulhi.u32 $0x2AAAAAAB, s4;
	[smem:$0x79D] =	sst s0  }
0x1ab: {  	s0 =	sadd.s32 s5, s24;
	s5 =	sld [smem:$0x7F4]  }
0x1ac: {  	s10 =	spop (v2sf);
	[smem:$0x799] =	sst s7  }
0x1ad: {  	(v2sf) =	vpush v4, $0x3;
	s13 =	spop (v2sf);
	s22 =	sshra.s32 s10, $0x1F;
	s24 =	sld [smem:$0x78A]  }
0x1ae: {  	(v2sf) =	vpush v4, $0x2;
	s4 =	spop (v2sf);
	s15 =	sadd.s32 s15, s14;
	s14 =	smulhi.u32 $0x2AAAAAAB, s13  }
0x1af: {  	s1 =	sshra.s32 s13, $0x1F;
	[smem:$0x79E] =	sst s0;
	s13 =	smul.u32 $0x2AAAAAAB, s22  }
0x1b0: {  	s22 =	sadd.s32 s17, s26;
	s12 =	sadd.s32 s12, s11;
	s11 =	sld [smem:$0x78F]  }
0x1b1: {  	(v2sf) =	vpush v4, $0x1;
	s26 =	smulhi.u32 $0x2AAAAAAB, s4;
	s0 =	sadd.s32 s30, s5;
	s5 =	sld [smem:$0x78B]  }
0x1b2: {  	s30 =	smulhi.u32 $0x2AAAAAAB, s10;
	s19 =	sadd.s32 s19, s24;
	s10 =	sld [smem:$0x78E]  }
0x1b3: {  	(v2sf) =	vpush v4, $0x0;
	s24 =	sadd.s32 s16, s28;
	s16 =	sshra.s32 s4, $0x1F;
	s4 =	sld [smem:$0x791]  }
0x1b4: {  	[smem:$0x79C] =	sst s0  }
0x1b5: {  	s7 =	spop (v2sf);
	s0 =	sadd.s32 s5, s3;
	s3 =	sld [smem:$0x790]  }
0x1b6: {  	s17 =	smul.u32 $0x2AAAAAAB, s16;
	s16 =	sshra.s32 s7, $0x1F;
	[smem:$0x7A8] =	sst s0  }
0x1b7: {  	s0 =	sadd.s32 s9, s8;
	s9 =	smulhi.u32 $0x2AAAAAAB, s7;
	s7 =	sld [smem:$0x792]  }
0x1b8: {  	[smem:$0x7A3] =	sst s0  }
0x1b9: {  	s6 =	smul.u32 $0x2AAAAAAB, s6;
	s0 =	sadd.s32 s11, s10;
	s10 =	sld [smem:$0x793]  }
0x1ba: {  	s28 =	smul.u32 $0x2AAAAAAB, s1  }
0x1bb: {  	s8 =	smul.u32 $0x2AAAAAAB, s16;
	[smem:$0x7A9] =	sst s0  }
0x1bc: {  	(v2sf) =	vpush v4, $0x7;
	s0 =	spop (v2sf);
	s16 =	sadd.s32 s4, s3;
	s3 =	sadd.s32 s10, s7  }
0x1bd: {  	s5 =	spop (v2sf);
	[smem:$0x7AD] =	sst s3  }
0x1be: {  	s11 =	smulhi.u32 $0x2AAAAAAB, s0;
	s3 =	sld [smem:$0x794]  }
0x1bf: {  	s0 =	sshra.s32 s0, $0x1F;
	s7 =	smulhi.u32 $0x2AAAAAAB, s5  }
0x1c0: {  	s10 =	smul.u32 $0x2AAAAAAB, s0;
	s4 =	spop (v2sf)  }
0x1c1: {  	s0 =	sadd.s32 s6, s3;
	s3 =	sadd.s32 s20, s25;
	s25 =	sld [smem:$0x796]  }
0x1c2: {  	s1 =	sshra.s32 s5, $0x1F;
	s5 =	spop (v2sf);
	[smem:$0x7AE] =	sst s0  }
0x1c3: {  	s20 =	smulhi.u32 $0x2AAAAAAB, s5;
	s0 =	sshra.s32 s5, $0x1F;
	s5 =	sld [smem:$0x795]  }
0x1c4: {  	_ = 	snop  }
0x1c5: {  	[smem:$0x7AA] =	sst s3  }
0x1c6: {  	s6 =	smul.u32 $0x2AAAAAAB, s1;
	s3 =	sld [smem:$0x798];
	s1 =	sadd.s32 s25, s5  }
0x1c7: {  	[smem:$0x7AB] =	sst s1  }
0x1c8: {  	s1 =	sld [smem:$0x797];
	_ =	sdelay $0x1  }
0x1c9: {  	s5 =	smul.u32 $0x2AAAAAAB, s0  }
0x1ca: {  	s25 =	spop (v2sf);
	s0 =	sadd.s32 s3, s1;
	s3 =	sld [smem:$0x79A]  }
0x1cb: {  	s1 =	smulhi.u32 $0x2AAAAAAB, s25;
	[smem:$0x7AC] =	sst s0  }
0x1cc: {  	s0 =	sshra.s32 s25, $0x1F;
	s25 =	sadd.s32 s28, s14;
	s14 =	sld [smem:$0x799]  }
0x1cd: {  	_ = 	snop  }
0x1ce: {  	s9 =	sadd.s32 s8, s9;
	s28 =	sadd.s32 s6, s7;
	s0 =	smul.u32 $0x2AAAAAAB, s0  }
0x1cf: {  	s8 =	smulhi.u32 $0x2AAAAAAB, s3;
	s31 =	sadd.s32 s31, s14;
	s14 =	sadd.s32 s13, s30  }
0x1d0: {  	s13 =	sadd.s32 s17, s26;
	s17 =	smulhi.u32 $0x2AAAAAAB, s4;
	s4 =	sshra.s32 s4, $0x1F  }
0x1d1: {  	s26 =	sadd.s32 s0, s1;
	s1 =	sshra.s32 s3, $0x1F;
	s3 =	smul.u32 $0x2AAAAAAB, s4  }
0x1d2: {  	s7 =	sshra.s32 s18, $0x1F;
	s4 =	sadd.s32 s5, s20;
	s0 =	smul.u32 $0x2AAAAAAB, s1  }
0x1d3: {  	s5 =	sadd.s32 s10, s11;
	s10 =	sshra.s32 s2, $0x1F;
	s11 =	sshrl.u32 s12, $0x1F  }
0x1d4: {  	s20 =	sshrl.u32 s12, $0x6;
	s12 =	sshrl.u32 s19, $0x6;
	s2 =	smul.u32 $0x2AAAAAAB, s10  }
0x1d5: {  	v5 =	vmov s11;
	s10 =	sshrl.u32 s29, $0x6;
	s11 =	sshrl.u32 s19, $0x1F;
	v14 =	vmov s12;
	s12 =	sld [smem:$0x79D]  }
0x1d6: {  	s30 =	sadd.s32 s3, s17;
	s17 =	sadd.s32 s0, s8;
	s0 =	sshra.s32 s23, $0x1F  }
0x1d7: {  	s23 =	sshrl.u32 s15, $0x1F;
	s8 =	sshrl.u32 s15, $0x6;
	v13 =	vmov s10;
	s10 =	sld [smem:$0x79C]  }
0x1d8: {  	s15 =	sshrl.u32 s22, $0x1F;
	s22 =	sshrl.u32 s22, $0x6;
	v8 =	vmov s23;
	s23 =	sld [smem:$0x79B]  }
0x1d9: {  	s19 =	sshrl.u32 s24, $0x1F;
	s3 =	sshrl.u32 s29, $0x1F;
	v18 =	vmov s22;
	s22 =	sld [smem:$0x79E]  }
0x1da: {  	v9 =	vmov s20;
	s20 =	sshrl.u32 s24, $0x6;
	v10 =	vmov s3;
	v15 =	vmov s15;
	s3 =	sld [smem:$0x79F];
	s15 =	sshrl.u32 s12, $0x1F  }
0x1db: {  	v11 =	vmov s11;
	v16 =	vmov s19;
	s11 =	sshrl.u32 s10, $0x1F;
	s19 =	sshrl.u32 s10, $0x6;
	s10 =	sld [smem:$0x7A0]  }
0x1dc: {  	s18 =	smul.u32 $0x2AAAAAAB, s7;
	v17 =	vmov s20;
	s20 =	sshrl.u32 s12, $0x6;
	v10 =	vsel vm0, s15, v10;
	s15 =	sld [smem:$0x7A1]  }
0x1dd: {  	s1 =	smul.u32 $0x2AAAAAAB, s0;
	v13 =	vsel vm0, s20, v13;
	s20 =	sld [smem:$0x7A2]  }
0x1de: {  	v12 =	vmov s8;
	s24 =	sshrl.u32 s23, $0x1F;
	s8 =	sshrl.u32 s23, $0x6;
	s23 =	sshrl.u32 s22, $0x1F  }
0x1df: {  	s7 =	sshrl.u32 s3, $0x1F;
	s12 =	sshrl.u32 s3, $0x6;
	s3 =	sld [smem:$0x7F0]  }
0x1e0: {  	v8 =	vsel vm0, s11, v8;
	v5 =	vsel vm0, s24, v5;
	v9 =	vsel vm0, s8, v9;
	s24 =	sshrl.u32 s22, $0x6;
	s8 =	sld [smem:$0x7A3];
	s11 =	sshrl.u32 s10, $0x1F  }
0x1e1: {  	v12 =	vsel vm0, s19, v12;
	v11 =	vsel vm0, s23, v11;
	s19 =	sshrl.u32 s15, $0x1F;
	s22 =	sshrl.u32 s20, $0x1F;
	s23 =	sshrl.u32 s10, $0x6  }
0x1e2: {  	v15 =	vnsel vm3, $0x0, v15;
	v5 =	vsel vm1, s7, v5;
	v9 =	vsel vm1, s12, v9;
	s7 =	sshrl.u32 s16, $0x1F;
	s12 =	sshrl.u32 s16, $0x6;
	s16 =	sld [smem:$0x7A4]  }
0x1e3: {  	v18 =	vnsel vm3, $0x0, v18;
	v14 =	vsel vm0, s24, v14;
	s24 =	sshrl.u32 s15, $0x6;
	s6 =	sshrl.u32 s20, $0x6;
	v12 =	vsel vm1, s23, v12;
	s23 =	sld [smem:$0x7A6]  }
0x1e4: {  	s0 =	sshra.s32 s3, $0x1F;
	v15 =	vsel vm0, s7, v15;
	v18 =	vsel vm0, s12, v18;
	s12 =	sld [smem:$0x7A7];
	s7 =	sshrl.u32 s13, $0x1F  }
0x1e5: {  	v14 =	vsel vm1, s6, v14;
	s13 =	sshra.s32 s13, $0x6;
	s6 =	sld [smem:$0x7AB];
	s15 =	smul.u32 $0x2AAAAAAB, s0  }
0x1e6: {  	s0 =	sshra.s32 s21, $0x1F;
	s10 =	sshrl.u32 s8, $0x1F;
	s21 =	sld [smem:$0x7A5]  }
0x1e7: {  	v8 =	vsel vm1, s11, v8;
	s11 =	sshrl.u32 s8, $0x6;
	s8 =	sshra.s32 s4, $0x1F;
	v24 =	vmov s13;
	s13 =	sld [smem:$0x7AC]  }
0x1e8: {  	v17 =	vnsel vm3, $0x0, v17;
	v10 =	vsel vm1, s19, v10;
	s19 =	sshrl.u32 s16, $0x1F;
	s20 =	sshrl.u32 s16, $0x6;
	s0 =	smul.u32 $0x2AAAAAAB, s0  }
0x1e9: {  	v13 =	vsel vm1, s24, v13;
	v17 =	vsel vm0, s11, v17;
	s24 =	sshrl.u32 s23, $0x1F;
	s11 =	sshrl.u32 s23, $0x6;
	s16 =	sshrl.u32 s12, $0x1F  }
0x1ea: {  	v5 =	vsel vm2, s19, v5;
	s19 =	sshrl.u32 s12, $0x6;
	s23 =	sshrl.u32 s25, $0x1F;
	s25 =	sshra.s32 s25, $0x6  }
0x1eb: {  	v16 =	vnsel vm3, $0x0, v16;
	v11 =	vsel vm1, s22, v11;
	v21 =	vmov s7;
	s12 =	sshrl.u32 s4, $0x1F;
	s7 =	sshrl.u32 s6, $0x1F;
	s22 =	sshrl.u32 s21, $0x1F  }
0x1ec: {  	v16 =	vsel vm0, s10, v16;
	v10 =	vsel vm2, s24, v10;
	s10 =	sshrl.u32 s21, $0x6;
	v13 =	vsel vm2, s11, v13;
	s21 =	sshra.s32 s26, $0x1F;
	s11 =	sld [smem:$0x7A9]  }
0x1ed: {  	v11 =	vsel vm2, s16, v11;
	v14 =	vsel vm2, s19, v14;
	s24 =	sshra.s32 s4, $0x6;
	v22 =	vmov s25;
	s16 =	sshra.s32 s30, $0x6;
	s19 =	sld [smem:$0x7AA]  }
0x1ee: {  	v23 =	vmov s12;
	s25 =	sshra.s32 s28, $0x6;
	v12 =	vsel vm2, s10, v12;
	s10 =	sld [smem:$0x7A8];
	v19 =	vmov s21;
	s21 =	sshrl.u32 s31, $0x1F  }
0x1ef: {  	s4 =	sshra.s32 s6, $0x6;
	s12 =	sshrl.u32 s30, $0x1F;
	v23 =	vnsel vm3, $0x0, v23;
	v21 =	vsel vm0, s21, v21;
	s21 =	sld [smem:$0x7AD]  }
0x1f0: {  	s6 =	sshra.s32 s9, $0x6;
	v19 =	vsel vm3, s24, v19;
	s24 =	sshra.s32 s31, $0x6;
	v23 =	vsel vm0, s12, v23;
	s12 =	sld [smem:$0x7AF]  }
0x1f1: {  	v20 =	vmov s23;
	v8 =	vsel vm2, s22, v8;
	s22 =	sshrl.u32 s11, $0x1F;
	v19 =	vsel vm9, s8, v19;
	s23 =	sshra.s32 s19, $0x6;
	s8 =	sshra.s32 s28, $0x1F  }
0x1f2: {  	v9 =	vsel vm2, s20, v9;
	v24 =	vsel vm0, s24, v24;
	s24 =	sshra.s32 s5, $0x1F;
	s20 =	sshrl.u32 s10, $0x1F;
	v16 =	vsel vm1, s22, v16;
	s22 =	sshra.s32 s30, $0x1F  }
0x1f3: {  	v19 =	vsel vm0, s16, v19;
	s16 =	sshrl.u32 s13, $0x1F;
	v15 =	vsel vm1, s20, v15;
	s20 =	sshrl.u32 s19, $0x1F;
	s19 =	sshrl.u32 s28, $0x1F  }
0x1f4: {  	v22 =	vsel vm0, s23, v22;
	v19 =	vsel vm10, s22, v19;
	s22 =	sshrl.u32 s21, $0x1F;
	s23 =	sshra.s32 s21, $0x6;
	s21 =	sshrl.u32 s17, $0x1F  }
0x1f5: {  	v22 =	vsel vm1, s4, v22;
	v20 =	vsel vm0, s20, v20;
	s20 =	sshra.s32 s5, $0x6;
	v23 =	vsel vm1, s19, v23;
	s5 =	sshrl.u32 s5, $0x1F;
	s19 =	sld [smem:$0x7B0]  }
0x1f6: {  	v19 =	vsel vm1, s25, v19;
	s25 =	sld [smem:$0x7AE];
	v22 =	vsel vm2, s23, v22;
	s23 =	sshrl.u32 s26, $0x1F;
	v20 =	vsel vm1, s7, v20;
	s7 =	sshra.s32 s13, $0x6  }
0x1f7: {  	v19 =	vsel vm11, s8, v19;
	s13 =	sshrl.u32 s14, $0x1F;
	s8 =	sld [smem:$0x7EF];
	v24 =	vsel vm1, s7, v24;
	s7 =	sshrl.u32 s9, $0x1F  }
0x1f8: {  	v44 =	vcombine.low v11, v10;
	v19 =	vsel vm2, s20, v19;
	v20 =	vsel vm2, s22, v20;
	s9 =	sshra.s32 s9, $0x1F;
	s22 =	sshra.s32 s12, $0x1F;
	s20 =	smulhi.u32 $0x2AAAAAAB, s19  }
0x1f9: {  	v48 =	vcombine.low v14, v13;
	v21 =	vsel vm1, s16, v21;
	v23 =	vsel vm2, s5, v23;
	s5 =	sshrl.u32 s25, $0x1F;
	s16 =	sshra.s32 s25, $0x6;
	s3 =	smul.u32 $0x2AAAAAAB, s22  }
0x1fa: {  	v5 =	vcombine.low v8, v5;
	v9 =	vcombine.low v12, v9;
	v19 =	vsel vm12, s24, v19;
	s24 =	sshra.s32 s19, $0x1F;
	s25 =	sshra.s32 s14, $0x6;
	s19 =	sshra.s32 s26, $0x6  }
0x1fb: {  	v23 =	vsel vm4, s7, v23;
	s26 =	sld [smem:$0x7EE];
	v21 =	vsel vm2, s5, v21;
	v19 =	vsel vm4, s6, v19;
	s5 =	smulhi.u32 $0x2AAAAAAB, s12;
	s7 =	sshra.s32 s8, $0x1F  }
0x1fc: {  	v8 =	vperm.xlane v44, v2;
	v53 =	vperm.xlane v48, v2;
	s6 =	smul.u32 $0x2AAAAAAB, s24;
	s12 =	sshrl.u32 s10, $0x6;
	s10 =	rddreg [dreg:$0xb];
	v19 =	vsel vm13, s9, v19  }
0x1fd: {  	v51 =	vperm.xlane v5, v2;
	v23 =	vsel vm5, s13, v23;
	s13 =	sshrl.u32 s11, $0x6;
	s11 =	rddreg [dreg:$0xd];
	s9 =	sshra.s32 s14, $0x1F;
	v45 =	vsel vm5, s25, v19  }
0x1fe: {  	v24 =	vsel vm2, s16, v24;
	s16 =	sshra.s32 s17, $0x1F;
	v23 =	vsel vm6, s21, v23;
	s14 =	sshra.s32 s17, $0x6;
	s21 =	rddreg [dreg:$0x1e];
	v10 =	vsel vm14, s9, v45  }
0x1ff: {  	v20 =	vcombine.low v21, v20;
	v49 =	vcombine.low v24, v22;
	s7 =	smul.u32 $0x2AAAAAAB, s7;
	s2 =	sadd.s32 s2, s10;
	s1 =	sadd.s32 s1, s11;
	v10 =	vsel vm6, s14, v10  }
0x200: {  	v50 =	vsel vm1, s12, v18;
	s12 =	rddreg [dreg:$0xf];
	v43 =	vsel vm7, s23, v23;
	s3 =	sadd.s32 s3, s5;
	s4 =	sadd.s32 s6, s20;
	v10 =	vsel vm15, s16, v10  }
0x201: {  	s20 =	rddreg [dreg:$0x13];
	s0 =	sadd.s32 s0, s21;
	s6 =	sshra.s32 s26, $0x1F;
	v46 =	vperm.xlane v20, v2;
	v47 =	vperm.xlane v43, v3;
	v10 =	vsel vm7, s19, v10  }
0x202: {  	v17 =	vsel vm1, s13, v17;
	s13 =	sshrl.u32 s1, $0x1F;
	s17 =	sshrl.u32 s3, $0x1F;
	s3 =	sshrl.u32 s3, $0x6;
	v13 =	vperm.xlane v49, v2;
	v10 =	vperm.xlane v10, v3  }
0x203: {  	v9 =	vperm.xlane v9, v2;
	s1 =	sshrl.u32 s1, $0x6;
	s8 =	sadd.s32 s15, s20;
	s22 =	sshrl.u32 s4, $0x1F;
	v15 =	vsel vm2, s17, v15;
	v14 =	vsel vm2, s3, v50  }
0x204: {  	s23 =	sshrl.u32 s4, $0x6;
	s25 =	sshrl.u32 s0, $0x1F;
	s24 =	sshrl.u32 s8, $0x1F;
	v16 =	vsel vm2, s22, v16;
	v11 =	vsel vm8, v47, v46;
	v10 =	vsel vm8, v10, v13  }
0x205: {  	s9 =	smul.u32 $0x2AAAAAAB, s6;
	s15 =	rddreg [dreg:$0x9];
	v17 =	vsel vm2, s23, v17;
	s8 =	sshrl.u32 s8, $0x6;
	v15 =	vsel vm4, s24, v15;
	v10 =	vadd.s32 v11, v10  }
0x206: {  	s0 =	sshrl.u32 s0, $0x6;
	s3 =	sadd.s32 s7, s12;
	s17 =	sld [smem:$0x7B1];
	v16 =	vsel vm4, s25, v16;
	v5 =	vsel vm4, s8, v14;
	v54 =	vmul.u32 $0xFFFFFE80, v10  }
0x207: {  	v52 =	vsel vm4, s0, v17;
	s14 =	sshrl.u32 s3, $0x1F;
	s4 =	sadd.s32 s9, s15;
	s16 =	sshrl.u32 s2, $0x1F;
	v55 =	vsel vm5, s13, v15;
	v5 =	vsel vm5, s1, v5  }
0x208: {  	s21 =	rddreg [dreg:$0x15];
	v56 =	vsel vm5, s14, v16;
	s19 =	sshrl.u32 s4, $0x1F;
	v14 =	vsel vm6, s16, v55;
	v4 =	vadd.s32 v4, v54  }
0x209: {  	s3 =	sshrl.u32 s3, $0x6;
	s2 =	sshrl.u32 s2, $0x6;
	s1 =	sshra.s32 s17, $0x1F;
	v57 =	vsel vm6, s19, v56;
	v58 =	vmul.u32 $0x3A, v10;
	v59 =	vmul.u32 $0x29, v4  }
0x20a: {  	s22 =	sshrl.u32 s4, $0x6;
	s20 =	smul.u32 $0x2AAAAAAB, s1;
	s1 =	sadd.s32 s18, s21;
	v13 =	vsel vm5, s3, v52;
	v10 =	vmul.u32 $0x29, v10;
	v60 =	vmul.u32 $0x1D, v4  }
0x20b: {  	s24 =	rddreg [dreg:$0x11];
	v61 =	vsel vm6, s2, v5;
	s23 =	sshrl.u32 s1, $0x1F;
	v13 =	vsel vm6, s22, v13;
	v4 =	vadd.s32 v59, v58  }
0x20c: {  	s1 =	sshrl.u32 s1, $0x6;
	s0 =	sadd.s32 s20, s24;
	v12 =	vsel vm7, s23, v57;
	v5 =	vadd.s32 v60, v10;
	(v2sf) =	vpush v4, $0x7  }
0x20d: {  	s25 =	sshrl.u32 s0, $0x1F;
	v13 =	vsel vm7, s1, v13;
	s0 =	sshrl.u32 s0, $0x6;
	v12 =	vperm.xlane v12, v3;
	(v2sf) =	vpush v5, $0x7  }
0x20e: {  	v13 =	vperm.xlane v13, v3;
	v63 =	vsel vm7, s0, v61;
	(v2sf) =	vpush v4, $0x6  }
0x20f: {  	v62 =	vsel vm7, s25, v14;
	v14 =	vperm.xlane v63, v3;
	(v2sf) =	vpush v5, $0x6  }
0x210: {  	v8 =	vsel vm8, v12, v8;
	v11 =	vsel vm8, v13, v53;
	v10 =	vperm.xlane v62, v3  }
0x211: {  	v8 =	vadd.s32 v8, v11  }
0x212: {  	v9 =	vsel vm8, v14, v9;
	v10 =	vsel vm8, v10, v51;
	(v2sf) =	vpush v4, $0xF  }
0x213: {  	v8 =	vmul.u32 $0x180, v8;
	v9 =	vadd.s32 v10, v9;
	(v2sf) =	vpush v4, $0xB  }
0x214: {  	v9 =	vmul.u32 $0x180, v9;
	(v2sf) =	vpush v4, $0x5  }
0x215: {  	v7 =	vsub.s32 v7, v8;
	(v2sf) =	vpush v5, $0xF  }
0x216: {  	v7 =	vmul.u32 $0x180, v7;
	v6 =	vsub.s32 v6, v9  }
0x217: {  	s26 =	rddreg [dreg:$0x5];
	v6 =	vadd.s32 v0, v6;
	(v2sf) =	vpush v5, $0xB  }
0x218: {  	s5 =	simm.s32 $0x200;
	s6 =	simm.s32 $0x0;
	s0 =	sshra.s32 s26, $0x2;
	v6 =	vadd.s32 v7, v6;
	(v2sf) =	vpush v5, $0x5  }
0x219: {  	s2 =	simm.s32 $0x80;
	s1 =	rddreg [dreg:$0x0];
	[tilespmem:s0+$0x0] =	vst v6;
	s0 =	simm.s32 $0x0;
	(v2sf) =	vpush v4, $0xE  }
0x21a: {  	[tilespmem:s5], [sflag:$0x1] =	stream.indirect.gather [hbm4b:s1+s2], $0x80, s0, s2, $0xb8;
	(v2sf) =	vpush v4, $0xA;
	[tilespmem:$0xC200] =	vst v63  }
0x21b: {  	[dreg:$0x4] =	wrdreg s6;
	(v2sf) =	vpush v4, $0x4;
	s29 =	spop (v2sf)  }
0x21c: {  	s7 =	smulhi.u32 $0x2AAAAAAB, s29;
	s2 =	spop (v2sf)  }
0x21d: {  	(v2sf) =	vpush v5, $0xE;
	s8 =	smulhi.u32 $0x2AAAAAAB, s2;
	s18 =	spop (v2sf)  }
0x21e: {  	(v2sf) =	vpush v5, $0xA;
	[dreg:$0x12] =	wrdreg s7;
	s10 =	spop (v2sf)  }
0x21f: {  	(v2sf) =	vpush v5, $0x4;
	[dreg:$0x16] =	wrdreg s8;
	s0 =	smulhi.u32 $0x2AAAAAAB, s10  }
0x220: {  	(v2sf) =	vpush v4, $0xD;
	s9 =	smulhi.u32 $0x2AAAAAAB, s18;
	[smem:$0x7B2] =	sst s10  }
0x221: {  	[dreg:$0xa] =	wrdreg s0;
	s0 =	spop (v2sf)  }
0x222: {  	s15 =	smulhi.u32 $0x2AAAAAAB, s0;
	s7 =	spop (v2sf)  }
0x223: {  	(v2sf) =	vpush v4, $0x9;
	s19 =	smulhi.u32 $0x2AAAAAAB, s7;
	s23 =	spop (v2sf)  }
0x224: {  	s11 =	smulhi.u32 $0x2AAAAAAB, s23;
	s10 =	spop (v2sf)  }
0x225: {  	[dreg:$0xc] =	wrdreg s9;
	s24 =	smulhi.u32 $0x2AAAAAAB, s10  }
0x226: {  	(v2sf) =	vpush v4, $0x3;
	s31 =	spop (v2sf);
	[dreg:$0xe] =	wrdreg s11  }
0x227: {  	s21 =	smulhi.u32 $0x2AAAAAAB, s31;
	s12 =	spop (v2sf)  }
0x228: {  	s1 =	smulhi.u32 $0x2AAAAAAB, s12;
	s11 =	spop (v2sf)  }
0x229: {  	(v2sf) =	vpush v5, $0xD;
	[smem:$0x7B3] =	sst s12;
	s17 =	spop (v2sf)  }
0x22a: {  	(v2sf) =	vpush v5, $0x9;
	[dreg:$0x10] =	wrdreg s1;
	s13 =	spop (v2sf)  }
0x22b: {  	(v2sf) =	vpush v5, $0x3;
	s22 =	smulhi.u32 $0x2AAAAAAB, s11;
	[smem:$0x7B4] =	sst s13  }
0x22c: {  	(v2sf) =	vpush v4, $0xC;
	s1 =	smulhi.u32 $0x2AAAAAAB, s13;
	s9 =	spop (v2sf)  }
0x22d: {  	(v2sf) =	vpush v4, $0x8;
	s14 =	smulhi.u32 $0x2AAAAAAB, s9;
	s30 =	spop (v2sf)  }
0x22e: {  	(v2sf) =	vpush v4, $0x2;
	[dreg:$0x14] =	wrdreg s1;
	s12 =	spop (v2sf)  }
0x22f: {  	(v2sf) =	vpush v5, $0xC;
	s16 =	smulhi.u32 $0x2AAAAAAB, s30;
	s13 =	spop (v2sf)  }
0x230: {  	(v2sf) =	vpush v5, $0x8;
	[smem:$0x7B5] =	sst s14;
	s25 =	smulhi.u32 $0x2AAAAAAB, s13  }
0x231: {  	(v2sf) =	vpush v5, $0x2;
	s20 =	smulhi.u32 $0x2AAAAAAB, s12;
	[smem:$0x7B6] =	sst s16  }
0x232: {  	(v2sf) =	vpush v4, $0x1;
	[smem:$0x7B8] =	sst s25;
	s25 =	spop (v2sf)  }
0x233: {  	(v2sf) =	vpush v5, $0x1;
	[smem:$0x7B7] =	sst s20;
	s26 =	smulhi.u32 $0x2AAAAAAB, s25  }
0x234: {  	s28 =	smulhi.u32 $0x2AAAAAAB, s17;
	(v2sf) =	vpush v4, $0x0;
	s20 =	sld [smem:$0x7F9]  }
0x235: {  	s1 =	simm.s32 $0x40;
	(v2sf) =	vpush v5, $0x0;
	s8 =	spop (v2sf);
	[smem:$0x7B9] =	sst s26  }
.LBB2_4:
0x236: {  	[smem:$0x756] =	sst s21  }
0x237: {  	[smem:$0x757] =	sst s22  }
0x238: {  	[smem:$0x755] =	sst s19  }
0x239: {  	s16 =	smulhi.u32 $0x2AAAAAAB, s8;
	[smem:$0x753] =	sst s24  }
0x23a: {  	[smem:$0x758] =	sst s28;
	s5 =	spop (v2sf)  }
0x23b: {  	[smem:$0x767] =	sst s16;
	s4 =	spop (v2sf)  }
0x23c: {  	s19 =	smulhi.u32 $0x2AAAAAAB, s5;
	s16 =	spop (v2sf)  }
0x23d: {  	s21 =	smulhi.u32 $0x2AAAAAAB, s4;
	s6 =	spop (v2sf)  }
0x23e: {  	s22 =	smulhi.u32 $0x2AAAAAAB, s16;
	s3 =	spop (v2sf)  }
0x23f: {  	s24 =	smulhi.u32 $0x2AAAAAAB, s6;
	s28 =	spop (v2sf)  }
0x240: {  	s14 =	smulhi.u32 $0x2AAAAAAB, s28  }
0x241: {  	[smem:$0x75C] =	sst s24;
	s24 =	spop (v2sf)  }
0x242: {  	[smem:$0x761] =	sst s14;
	s14 =	spop (v2sf)  }
0x243: {  	[smem:$0x759] =	sst s19;
	s19 =	smulhi.u32 $0x2AAAAAAB, s14  }
0x244: {  	s26 =	smulhi.u32 $0x2AAAAAAB, s3  }
0x245: {  	[smem:$0x75E] =	sst s19;
	s19 =	spop (v2sf)  }
0x246: {  	[smem:$0x75D] =	sst s26;
	s26 =	spop (v2sf)  }
0x247: {  	[smem:$0x769] =	sst s22;
	s22 =	smulhi.u32 $0x2AAAAAAB, s26  }
0x248: {  	[smem:$0x754] =	sst s15;
	s15 =	smulhi.u32 $0x2AAAAAAB, s24  }
0x249: {  	[smem:$0x764] =	sst s22;
	s22 =	spop (v2sf)  }
0x24a: {  	[smem:$0x75B] =	sst s15;
	s15 =	smulhi.u32 $0x2AAAAAAB, s22  }
0x24b: {  	[smem:$0x75A] =	sst s21;
	s21 =	smulhi.u32 $0x2AAAAAAB, s19  }
0x24c: {  	[smem:$0x762] =	sst s15;
	s15 =	spop (v2sf)  }
0x24d: {  	s20 =	sadd.s32 $0x10, s20;
	[smem:$0x763] =	sst s21;
	s21 =	smulhi.u32 $0x2AAAAAAB, s15  }
0x24e: {  	v6 =	vor.u32 s20, v1  }
0x24f: {  	v6 =	vsub.s32 v6, v0;
	[smem:$0x760] =	sst s21;
	s21 =	spop (v2sf)  }
0x250: {  	[dreg:$0x1f] =	wrdreg s20;
	(v2sf) =	vpush v6, $0xF;
	s20 =	smulhi.u32 $0x2AAAAAAB, s21  }
0x251: {  	[dreg:$0x18] =	wrdreg s1;
	p0 =	sne.s32 s1, $0x1C0;
	s2 =	sshra.s32 s2, $0x1F  }
0x252: {  	s2 =	smul.u32 $0x2AAAAAAB, s2;
	(v2sf) =	vpush v6, $0xB;
	[smem:$0x75F] =	sst s20;
	s20 =	sshra.s32 s29, $0x1F  }
0x253: {  	s0 =	sshra.s32 s0, $0x1F;
	s1 =	smul.u32 $0x2AAAAAAB, s20;
	s20 =	sld [smem:$0x7B2]  }
0x254: {  	s18 =	sshra.s32 s18, $0x1F;
	[smem:$0x751] =	sst s2;
	(v2sf) =	vpush v6, $0x6;
	s29 =	smul.u32 $0x2AAAAAAB, s0  }
0x255: {  	[smem:$0x752] =	sst s1;
	s1 =	smul.u32 $0x2AAAAAAB, s18  }
0x256: {  	(v2sf) =	vpush v6, $0xE;
	s2 =	sshra.s32 s20, $0x1F;
	s20 =	sshra.s32 s7, $0x1F;
	s7 =	sshra.s32 s31, $0x1F  }
0x257: {  	[smem:$0x76A] =	sst s1;
	s18 =	smul.u32 $0x2AAAAAAB, s2;
	s1 =	sshra.s32 s23, $0x1F  }
0x258: {  	s2 =	sshra.s32 s10, $0x1F;
	s31 =	smul.u32 $0x2AAAAAAB, s7;
	s10 =	sld [smem:$0x7B3]  }
0x259: {  	(v2sf) =	vpush v6, $0xA;
	s0 =	smul.u32 $0x2AAAAAAB, s1;
	s1 =	sld [smem:$0x7B4]  }
0x25a: {  	s11 =	sshra.s32 s11, $0x1F;
	s23 =	smul.u32 $0x2AAAAAAB, s2;
	[smem:$0x76B] =	sst s18  }
0x25b: {  	(v2sf) =	vpush v6, $0xD;
	s18 =	smul.u32 $0x2AAAAAAB, s11;
	[smem:$0x76C] =	sst s0;
	s0 =	sshra.s32 s10, $0x1F  }
0x25c: {  	s2 =	sshra.s32 s9, $0x1F;
	s0 =	smul.u32 $0x2AAAAAAB, s0  }
0x25d: {  	(v2sf) =	vpush v6, $0x9;
	s7 =	sshra.s32 s30, $0x1F;
	s9 =	sshra.s32 s12, $0x1F;
	s11 =	smul.u32 $0x2AAAAAAB, s2  }
0x25e: {  	[smem:$0x76D] =	sst s0;
	s0 =	sshra.s32 s1, $0x1F;
	s1 =	smul.u32 $0x2AAAAAAB, s7  }
0x25f: {  	(v2sf) =	vpush v6, $0x5;
	s12 =	sshra.s32 s13, $0x1F;
	s0 =	smul.u32 $0x2AAAAAAB, s0;
	s10 =	spop (v2sf)  }
0x260: {  	s25 =	sshra.s32 s25, $0x1F;
	(v2sf) =	vpush v6, $0xC;
	[smem:$0x76E] =	sst s10;
	s10 =	smul.u32 $0x2AAAAAAB, s12  }
0x261: {  	(v2sf) =	vpush v6, $0x8;
	s13 =	spop (v2sf);
	s12 =	smul.u32 $0x2AAAAAAB, s25  }
0x262: {  	(v2sf) =	vpush v6, $0x4;
	[smem:$0x765] =	sst s0;
	s0 =	smul.u32 $0x2AAAAAAB, s9  }
0x263: {  	s8 =	sshra.s32 s8, $0x1F;
	(v2sf) =	vpush v6, $0x3;
	[smem:$0x76F] =	sst s13;
	s7 =	spop (v2sf)  }
0x264: {  	s13 =	smul.u32 $0x2AAAAAAB, s8;
	[smem:$0x770] =	sst s7  }
0x265: {  	s4 =	sshra.s32 s4, $0x1F;
	(v2sf) =	vpush v6, $0x2;
	s9 =	spop (v2sf);
	[smem:$0x766] =	sst s0  }
0x266: {  	s3 =	sshra.s32 s3, $0x1F;
	s8 =	smul.u32 $0x2AAAAAAB, s4;
	[smem:$0x771] =	sst s9  }
0x267: {  	s5 =	sshra.s32 s5, $0x1F;
	s4 =	smul.u32 $0x2AAAAAAB, s3;
	[smem:$0x768] =	sst s13  }
0x268: {  	(v2sf) =	vpush v6, $0x1;
	s25 =	spop (v2sf);
	s9 =	smul.u32 $0x2AAAAAAB, s5  }
0x269: {  	(v2sf) =	vpush v6, $0x0;
	s5 =	sshra.s32 s16, $0x1F;
	s13 =	sshra.s32 s6, $0x1F;
	[smem:$0x772] =	sst s25  }
0x26a: {  	(v2sf) =	vpush v6, $0x7;
	s6 =	sshra.s32 s19, $0x1F;
	s2 =	spop (v2sf);
	s25 =	smul.u32 $0x2AAAAAAB, s5  }
0x26b: {  	s19 =	smul.u32 $0x2AAAAAAB, s6;
	s6 =	rddreg [dreg:$0x12]  }
0x26c: {  	[smem:$0x773] =	sst s2;
	s7 =	spop (v2sf)  }
0x26d: {  	s3 =	sshra.s32 s28, $0x1F;
	[smem:$0x774] =	sst s7;
	s7 =	smul.u32 $0x2AAAAAAB, s13  }
0x26e: {  	s16 =	spop (v2sf);
	s13 =	sshra.s32 s24, $0x1F;
	s24 =	smul.u32 $0x2AAAAAAB, s3  }
0x26f: {  	[smem:$0x775] =	sst s16;
	s2 =	spop (v2sf)  }
0x270: {  	[smem:$0x776] =	sst s2;
	s5 =	spop (v2sf)  }
0x271: {  	[smem:$0x777] =	sst s5;
	s2 =	spop (v2sf)  }
0x272: {  	[smem:$0x778] =	sst s2;
	s5 =	spop (v2sf)  }
0x273: {  	s2 =	smul.u32 $0x2AAAAAAB, s13;
	s13 =	sshra.s32 s26, $0x1F;
	[smem:$0x779] =	sst s5  }
0x274: {  	s26 =	sshra.s32 s22, $0x1F;
	s16 =	spop (v2sf);
	s22 =	smul.u32 $0x2AAAAAAB, s13  }
0x275: {  	s13 =	sshra.s32 s15, $0x1F;
	s15 =	sshra.s32 s21, $0x1F;
	s21 =	rddreg [dreg:$0x16]  }
0x276: {  	s28 =	smul.u32 $0x2AAAAAAB, s26;
	s26 =	sld [smem:$0x751]  }
0x277: {  	s3 =	sshra.s32 s14, $0x1F;
	s14 =	spop (v2sf);
	s30 =	smul.u32 $0x2AAAAAAB, s13  }
0x278: {  	s13 =	sld [smem:$0x752];
	s5 =	spop (v2sf)  }
0x279: {  	[smem:$0x77A] =	sst s14;
	s14 =	spop (v2sf)  }
0x27a: {  	[smem:$0x77C] =	sst s14  }
0x27b: {  	s14 =	sld [smem:$0x753]  }
0x27c: {  	[smem:$0x77B] =	sst s5  }
0x27d: {  	s0 =	smul.u32 $0x2AAAAAAB, s15;
	s15 =	sadd.s32 s26, s21;
	s26 =	sld [smem:$0x755]  }
0x27e: {  	s14 =	sadd.s32 s23, s14;
	s23 =	sld [smem:$0x754]  }
0x27f: {  	s20 =	smul.u32 $0x2AAAAAAB, s20;
	s5 =	sld [smem:$0x759]  }
0x280: {  	s21 =	sadd.s32 s13, s6;
	s6 =	sld [smem:$0x756]  }
0x281: {  	s13 =	sadd.s32 s29, s23;
	s23 =	sadd.s32 s20, s26;
	s20 =	sld [smem:$0x757]  }
0x282: {  	s17 =	sshra.s32 s17, $0x1F;
	s26 =	sld [smem:$0x758]  }
0x283: {  	s17 =	smul.u32 $0x2AAAAAAB, s17;
	s31 =	sadd.s32 s31, s6;
	s6 =	sld [smem:$0x7B5]  }
0x284: {  	s9 =	sadd.s32 s9, s5;
	s5 =	sld [smem:$0x75B]  }
0x285: {  	s20 =	sadd.s32 s18, s20;
	s18 =	sadd.s32 s17, s26;
	s26 =	sld [smem:$0x7B8]  }
0x286: {  	s11 =	sadd.s32 s11, s6;
	s6 =	sld [smem:$0x75A]  }
0x287: {  	s2 =	sadd.s32 s2, s5;
	s5 =	sld [smem:$0x75E]  }
0x288: {  	s10 =	sadd.s32 s10, s26;
	s26 =	sld [smem:$0x7B9]  }
0x289: {  	s8 =	sadd.s32 s8, s6;
	s6 =	sld [smem:$0x75C]  }
0x28a: {  	s3 =	smul.u32 $0x2AAAAAAB, s3;
	s17 =	sld [smem:$0x7B6]  }
0x28b: {  	s12 =	sadd.s32 s12, s26;
	s26 =	sld [smem:$0x75D]  }
0x28c: {  	s3 =	sadd.s32 s3, s5;
	s7 =	sadd.s32 s7, s6;
	s6 =	sld [smem:$0x75F]  }
0x28d: {  	s17 =	sadd.s32 s1, s17;
	s1 =	sshrl.u32 s2, $0x1F;
	s29 =	sshrl.u32 s7, $0x1F  }
0x28e: {  	s7 =	sshrl.u32 s7, $0x6;
	s4 =	sadd.s32 s4, s26;
	s26 =	sld [smem:$0x760]  }
0x28f: {  	v10 =	vmov s1;
	s1 =	sshrl.u32 s2, $0x6;
	s2 =	sshrl.u32 s3, $0x6;
	s5 =	sadd.s32 s0, s6  }
0x290: {  	v9 =	vmov s7;
	v14 =	vmov s2;
	s2 =	sshrl.u32 s10, $0x1F;
	s7 =	sshrl.u32 s5, $0x6  }
0x291: {  	v7 =	vmov s29;
	s29 =	sld [smem:$0x776];
	v17 =	vmov s7;
	s7 =	sshrl.u32 s12, $0x6;
	s6 =	sadd.s32 s30, s26  }
0x292: {  	s30 =	sshrl.u32 s4, $0x1F;
	s26 =	sshrl.u32 s3, $0x1F;
	s4 =	sshrl.u32 s4, $0x6  }
0x293: {  	v11 =	vmov s26;
	s3 =	sshrl.u32 s6, $0x1F;
	v12 =	vmov s4;
	s4 =	sshrl.u32 s5, $0x1F;
	s26 =	sshrl.u32 s6, $0x6  }
0x294: {  	v8 =	vmov s30;
	s5 =	sshrl.u32 s9, $0x1F;
	s6 =	sshrl.u32 s8, $0x1F;
	s30 =	sld [smem:$0x777]  }
0x295: {  	v15 =	vmov s3;
	v16 =	vmov s4;
	s3 =	sshrl.u32 s12, $0x1F;
	s4 =	sshrl.u32 s10, $0x6;
	v18 =	vmov s26;
	s26 =	sld [smem:$0x761]  }
0x296: {  	v13 =	vmov s1;
	v10 =	vsel vm0, s5, v10;
	s10 =	sshrl.u32 s9, $0x6;
	s12 =	sshrl.u32 s8, $0x6;
	s5 =	sld [smem:$0x763]  }
0x297: {  	v7 =	vsel vm0, s2, v7;
	v11 =	vsel vm0, s6, v11;
	v12 =	vsel vm0, s7, v12;
	s6 =	sld [smem:$0x764];
	s7 =	sshrl.u32 s20, $0x1F;
	s8 =	sshrl.u32 s18, $0x1F  }
0x298: {  	s9 =	sshrl.u32 s20, $0x6;
	v8 =	vsel vm0, s3, v8;
	v9 =	vsel vm0, s4, v9;
	s4 =	sld [smem:$0x762];
	v13 =	vsel vm0, s10, v13;
	s10 =	sshrl.u32 s11, $0x1F  }
0x299: {  	v7 =	vsel vm1, s7, v7;
	s7 =	sld [smem:$0x769];
	v8 =	vsel vm1, s8, v8;
	v9 =	vsel vm1, s9, v9;
	s8 =	sshrl.u32 s13, $0x1F;
	s9 =	sshrl.u32 s23, $0x1F  }
0x29a: {  	v10 =	vsel vm1, s10, v10;
	s10 =	sshrl.u32 s13, $0x6;
	s13 =	sshrl.u32 s23, $0x6;
	s23 =	sld [smem:$0x765]  }
0x29b: {  	v14 =	vsel vm0, s12, v14;
	s12 =	sshrl.u32 s17, $0x1F;
	s0 =	sadd.s32 s19, s5;
	s5 =	sld [smem:$0x767]  }
0x29c: {  	v11 =	vsel vm1, s12, v11;
	s12 =	sshrl.u32 s31, $0x1F;
	s2 =	sadd.s32 s22, s6;
	s6 =	sld [smem:$0x768]  }
0x29d: {  	s20 =	sshrl.u32 s11, $0x6;
	s19 =	sshrl.u32 s18, $0x6;
	v11 =	vsel vm2, s12, v11;
	s12 =	rddreg [dreg:$0xc]  }
0x29e: {  	s22 =	sshrl.u32 s17, $0x6;
	s18 =	sshrl.u32 s31, $0x6;
	s31 =	sld [smem:$0x778]  }
0x29f: {  	v13 =	vsel vm1, s20, v13;
	s17 =	sshrl.u32 s14, $0x6;
	v14 =	vsel vm1, s22, v14;
	s22 =	rddreg [dreg:$0x14]  }
0x2a0: {  	s1 =	sadd.s32 s24, s26;
	v13 =	vsel vm2, s17, v13;
	s17 =	rddreg [dreg:$0xa]  }
0x2a1: {  	v15 =	vnsel vm3, $0x0, v15;
	s4 =	sadd.s32 s28, s4;
	s24 =	sshrl.u32 s2, $0x1F;
	s28 =	sld [smem:$0x775]  }
0x2a2: {  	s11 =	sshrl.u32 s14, $0x1F;
	v12 =	vsel vm1, s19, v12;
	v15 =	vsel vm0, s24, v15;
	s24 =	sld [smem:$0x7B7]  }
0x2a3: {  	s2 =	sshrl.u32 s2, $0x6;
	s19 =	sshrl.u32 s1, $0x1F;
	v12 =	vsel vm2, s13, v12;
	s13 =	sld [smem:$0x76A]  }
0x2a4: {  	v18 =	vnsel vm3, $0x0, v18;
	s20 =	sshrl.u32 s0, $0x1F;
	s1 =	sshrl.u32 s1, $0x6;
	v14 =	vsel vm2, s18, v14;
	s18 =	sld [smem:$0x76B]  }
0x2a5: {  	s0 =	sshrl.u32 s0, $0x6;
	v18 =	vsel vm0, s2, v18;
	s2 =	sadd.s32 s23, s22;
	s22 =	rddreg [dreg:$0x10]  }
0x2a6: {  	v17 =	vnsel vm3, $0x0, v17;
	v16 =	vnsel vm3, $0x0, v16;
	s26 =	sshrl.u32 s4, $0x1F;
	s4 =	sshrl.u32 s4, $0x6;
	s23 =	sld [smem:$0x76D]  }
0x2a7: {  	v16 =	vsel vm0, s26, v16;
	v17 =	vsel vm0, s4, v17;
	s26 =	sld [smem:$0x766];
	s4 =	sadd.s32 s6, s5;
	v54 =	vsel vm1, s1, v18;
	s1 =	sadd.s32 s25, s7  }
0x2a8: {  	v9 =	vsel vm2, s10, v9;
	v15 =	vsel vm1, s19, v15;
	s10 =	sshrl.u32 s2, $0x1F;
	s14 =	sshrl.u32 s2, $0x6;
	s19 =	rddreg [dreg:$0xe]  }
0x2a9: {  	v7 =	vsel vm2, s8, v7;
	s7 =	sshrl.u32 s21, $0x1F;
	v16 =	vsel vm1, s20, v16;
	s8 =	sshrl.u32 s4, $0x1F;
	s20 =	sld [smem:$0x76C]  }
0x2aa: {  	v8 =	vsel vm2, s9, v8;
	s9 =	sshrl.u32 s1, $0x1F;
	s1 =	sshrl.u32 s1, $0x6;
	v57 =	vsel vm2, s8, v15;
	s8 =	sld [smem:$0x76E]  }
0x2ab: {  	v10 =	vsel vm2, s11, v10;
	v55 =	vsel vm1, s0, v17;
	s0 =	sadd.s32 s13, s12;
	s13 =	sshrl.u32 s21, $0x6;
	s21 =	sld [smem:$0x770]  }
0x2ac: {  	v10 =	vcombine.low v11, v10;
	s6 =	sshrl.u32 s15, $0x6;
	v11 =	vsel vm2, s1, v55;
	s1 =	sadd.s32 s23, s22;
	s22 =	sld [smem:$0x771]  }
0x2ad: {  	s4 =	sshrl.u32 s4, $0x6;
	s2 =	sadd.s32 s18, s17;
	s23 =	sld [smem:$0x772]  }
0x2ae: {  	s17 =	smulhi.u32 $0x2AAAAAAB, s31;
	s3 =	sadd.s32 s26, s24;
	s5 =	sshrl.u32 s1, $0x1F  }
0x2af: {  	v7 =	vcombine.low v8, v7;
	v8 =	vsel vm2, s4, v54;
	s1 =	sshrl.u32 s1, $0x6;
	s26 =	sshrl.u32 s2, $0x1F;
	s12 =	smulhi.u32 $0x2AAAAAAB, s8  }
0x2b0: {  	v58 =	vsel vm2, s9, v16;
	v8 =	vsel vm4, s14, v8;
	s14 =	sld [smem:$0x76F];
	s11 =	sshrl.u32 s3, $0x1F;
	s18 =	smulhi.u32 $0x2AAAAAAB, s21  }
0x2b1: {  	v56 =	vcombine.low v14, v13;
	s4 =	sadd.s32 s20, s19;
	s19 =	rddreg [dreg:$0x4];
	v14 =	vsel vm4, s11, v58;
	s11 =	smulhi.u32 $0x2AAAAAAB, s28  }
0x2b2: {  	s3 =	sshrl.u32 s3, $0x6;
	s20 =	sshra.s32 s19, $0x2;
	s19 =	smulhi.u32 $0x2AAAAAAB, s16  }
0x2b3: {  	v11 =	vsel vm4, s3, v11;
	s21 =	sshra.s32 s21, $0x1F;
	v14 =	vsel vm5, s5, v14;
	s5 =	sshrl.u32 s15, $0x1F;
	s15 =	smulhi.u32 $0x2AAAAAAB, s30  }
0x2b4: {  	v13 =	vsel vm4, s10, v57;
	s2 =	sshrl.u32 s2, $0x6;
	s24 =	sshrl.u32 s4, $0x1F;
	v11 =	vsel vm5, s1, v11;
	s1 =	smul.u32 $0x2AAAAAAB, s21  }
0x2b5: {  	s25 =	sshrl.u32 s0, $0x1F;
	s4 =	sshrl.u32 s4, $0x6;
	v13 =	vsel vm5, s24, v13;
	v14 =	vsel vm6, s26, v14;
	v11 =	vsel vm6, s2, v11;
	s26 =	smulhi.u32 $0x2AAAAAAB, s14  }
0x2b6: {  	s0 =	sshrl.u32 s0, $0x6;
	v8 =	vsel vm5, s4, v8;
	v13 =	vsel vm6, s25, v13;
	v11 =	vsel vm7, s6, v11;
	s6 =	smulhi.u32 $0x2AAAAAAB, s22  }
0x2b7: {  	s24 =	sld [smem:$0x773];
	v8 =	vsel vm6, s0, v8;
	v13 =	vsel vm7, s7, v13;
	s7 =	smulhi.u32 $0x2AAAAAAB, s23  }
0x2b8: {  	s14 =	sshra.s32 s14, $0x1F;
	v8 =	vsel vm7, s13, v8;
	s13 =	smulhi.u32 $0x2AAAAAAB, s29  }
0x2b9: {  	s14 =	smul.u32 $0x2AAAAAAB, s14  }
0x2ba: {  	[smem:$0x77F] =	sst s18;
	v14 =	vsel vm7, s5, v14;
	s5 =	sshra.s32 s8, $0x1F;
	s10 =	smulhi.u32 $0x2AAAAAAB, s24  }
0x2bb: {  	s25 =	sld [smem:$0x774];
	s22 =	sshra.s32 s22, $0x1F;
	s5 =	smul.u32 $0x2AAAAAAB, s5  }
0x2bc: {  	s2 =	sld [smem:$0x77A];
	s23 =	sshra.s32 s23, $0x1F;
	s21 =	smul.u32 $0x2AAAAAAB, s22  }
0x2bd: {  	s0 =	rddreg [dreg:$0x18];
	s23 =	smul.u32 $0x2AAAAAAB, s23  }
0x2be: {  	s3 =	smov.u32 s0;
	s0 =	sld [smem:$0x779];
	s9 =	smulhi.u32 $0x2AAAAAAB, s25  }
0x2bf: {  	v9 =	vcombine.low v12, v9;
	[smem:$0x780] =	sst s1;
	s1 =	sshra.s32 s24, $0x1F;
	s18 =	smulhi.u32 $0x2AAAAAAB, s2  }
0x2c0: {  	v7 =	vperm.xlane v7, v2;
	v10 =	vperm.xlane v10, v2;
	[smem:$0x77D] =	sst s12;
	s22 =	smul.u32 $0x2AAAAAAB, s1  }
0x2c1: {  	v9 =	vperm.xlane v9, v2;
	v12 =	vperm.xlane v56, v2;
	s8 =	sld [smem:$0x77D];
	s24 =	sshra.s32 s25, $0x1F;
	s4 =	smulhi.u32 $0x2AAAAAAB, s0  }
0x2c2: {  	v14 =	vperm.xlane v14, v3;
	v11 =	vperm.xlane v11, v3;
	[dreg:$0x4] =	wrdreg s3;
	s25 =	sshra.s32 s28, $0x1F;
	s24 =	smul.u32 $0x2AAAAAAB, s24  }
0x2c3: {  	v13 =	vperm.xlane v13, v3;
	v8 =	vperm.xlane v8, v3;
	s3 =	sld [smem:$0x77B];
	s1 =	sshra.s32 s29, $0x1F;
	s28 =	smul.u32 $0x2AAAAAAB, s25  }
0x2c4: {  	v10 =	vsel vm8, v14, v10;
	v11 =	vsel vm8, v11, v12;
	s25 =	smul.u32 $0x2AAAAAAB, s1;
	s1 =	sshra.s32 s30, $0x1F;
	s30 =	sshra.s32 s0, $0x1F  }
0x2c5: {  	v7 =	vsel vm8, v13, v7;
	v8 =	vsel vm8, v8, v9;
	s8 =	sadd.s32 s5, s8;
	v10 =	vadd.s32 v10, v11;
	s29 =	smul.u32 $0x2AAAAAAB, s1;
	s1 =	sshra.s32 s31, $0x1F  }
0x2c6: {  	s5 =	sadd.s32 s14, s26;
	v7 =	vadd.s32 v7, v8;
	v59 =	vmul.u32 $0x180, v10;
	[smem:$0x77E] =	sst s4;
	s31 =	smul.u32 $0x2AAAAAAB, s1  }
0x2c7: {  	v7 =	vmul.u32 $0x180, v7;
	s4 =	sld [smem:$0x77C];
	s1 =	sshra.s32 s16, $0x1F;
	s16 =	smul.u32 $0x2AAAAAAB, s30  }
0x2c8: {  	s21 =	sadd.s32 s21, s6;
	s30 =	sshra.s32 s2, $0x1F;
	s2 =	smul.u32 $0x2AAAAAAB, s1;
	v5 =	vsub.s32 v5, v59  }
0x2c9: {  	s14 =	sadd.s32 s22, s10;
	s10 =	sadd.s32 s23, s7;
	s30 =	smul.u32 $0x2AAAAAAB, s30;
	v4 =	vsub.s32 v4, v7;
	v5 =	vmul.u32 $0x180, v5  }
0x2ca: {  	s13 =	sadd.s32 s25, s13;
	v4 =	vadd.s32 v0, v4;
	s12 =	smulhi.u32 $0x2AAAAAAB, s4;
	s4 =	sshra.s32 s4, $0x1F  }
0x2cb: {  	s9 =	sadd.s32 s24, s9;
	s25 =	sadd.s32 s29, s15;
	s0 =	smul.u32 $0x2AAAAAAB, s4;
	v4 =	vadd.s32 v5, v4  }
0x2cc: {  	s15 =	sshrl.u32 s13, $0x1F;
	[tilespmem:s20+$0x80] =	vst v4;
	s20 =	smulhi.u32 $0x2AAAAAAB, s3;
	s3 =	sshra.s32 s3, $0x1F  }
0x2cd: {  	s6 =	sadd.s32 s31, s17;
	s23 =	sshra.s32 s25, $0x6;
	s1 =	smul.u32 $0x2AAAAAAB, s3  }
0x2ce: {  	s7 =	sadd.s32 s2, s19;
	s19 =	sshra.s32 s13, $0x6;
	s3 =	sadd.s32 s0, s12  }
0x2cf: {  	v62 =	vmov s23;
	s23 =	sshra.s32 s10, $0x6;
	s2 =	sshra.s32 s3, $0x1F;
	s26 =	sadd.s32 s1, s20  }
0x2d0: {  	s4 =	sadd.s32 s28, s11;
	s13 =	sshra.s32 s7, $0x6;
	v4 =	vmov s2;
	s17 =	sshra.s32 s26, $0x6  }
0x2d1: {  	v5 =	vmov s15;
	s15 =	sld [smem:$0x77E];
	s12 =	sadd.s32 s30, s18;
	s22 =	sshra.s32 s26, $0x1F;
	v4 =	vsel vm3, s17, v4  }
0x2d2: {  	v60 =	vmov s19;
	s18 =	sshrl.u32 s25, $0x1F;
	s25 =	sshrl.u32 s14, $0x1F;
	s24 =	sshra.s32 s12, $0x6;
	v4 =	vsel vm9, s22, v4  }
0x2d3: {  	v7 =	vmov s18;
	v5 =	vsel vm0, s25, v5;
	s1 =	sshra.s32 s12, $0x1F;
	s2 =	sshra.s32 s14, $0x6;
	s14 =	sshrl.u32 s21, $0x1F;
	v4 =	vsel vm0, s24, v4  }
0x2d4: {  	s19 =	sshra.s32 s21, $0x6;
	s0 =	sshrl.u32 s26, $0x1F;
	s26 =	sshrl.u32 s9, $0x1F;
	v8 =	vsel vm0, s2, v60;
	v5 =	vsel vm1, s14, v5;
	v4 =	vsel vm10, s1, v4  }
0x2d5: {  	s11 =	sadd.s32 s16, s15;
	s9 =	sshra.s32 s9, $0x6;
	v61 =	vmov s0;
	v7 =	vsel vm0, s26, v7;
	s17 =	sshra.s32 s7, $0x1F;
	v4 =	vsel vm1, s13, v4  }
0x2d6: {  	s25 =	sshrl.u32 s8, $0x1F;
	s15 =	sld [smem:$0x77F];
	s21 =	sshra.s32 s11, $0x6;
	v10 =	vsel vm0, s9, v62;
	v8 =	vsel vm1, s19, v8;
	v4 =	vsel vm11, s17, v4  }
0x2d7: {  	s18 =	sshrl.u32 s10, $0x1F;
	s16 =	sld [smem:$0x780];
	v5 =	vsel vm2, s25, v5;
	v9 =	vnsel vm3, $0x0, v61;
	s24 =	sshra.s32 s11, $0x1F;
	v4 =	vsel vm2, s21, v4  }
0x2d8: {  	s2 =	sshra.s32 s6, $0x6;
	s9 =	sshra.s32 s8, $0x6;
	v7 =	vsel vm1, s18, v7;
	s22 =	sshrl.u32 s12, $0x1F;
	v10 =	vsel vm1, s23, v10;
	v4 =	vsel vm12, s24, v4  }
0x2d9: {  	s10 =	sshra.s32 s6, $0x1F;
	s26 =	sshrl.u32 s5, $0x1F;
	s7 =	sshrl.u32 s7, $0x1F;
	v8 =	vsel vm2, s9, v8;
	v9 =	vsel vm0, s22, v9;
	v4 =	vsel vm4, s2, v4  }
0x2da: {  	s12 =	sshra.s32 s5, $0x6;
	v7 =	vsel vm2, s26, v7;
	s11 =	sshrl.u32 s11, $0x1F;
	v9 =	vsel vm1, s7, v9;
	s13 =	sshra.s32 s4, $0x6;
	v4 =	vsel vm13, s10, v4  }
0x2db: {  	s14 =	sshrl.u32 s6, $0x1F;
	s5 =	sadd.s32 s16, s15;
	v10 =	vsel vm2, s12, v10;
	v9 =	vsel vm2, s11, v9;
	s17 =	sshra.s32 s4, $0x1F;
	v4 =	vsel vm5, s13, v4  }
0x2dc: {  	s18 =	sshrl.u32 s4, $0x1F;
	s19 =	sshra.s32 s5, $0x6;
	v5 =	vcombine.low v7, v5;
	v7 =	vsel vm4, s14, v9;
	v4 =	vsel vm14, s17, v4  }
0x2dd: {  	s22 =	sshra.s32 s5, $0x1F;
	v8 =	vcombine.low v10, v8;
	v7 =	vsel vm5, s18, v7;
	s21 =	sshrl.u32 s5, $0x1F;
	v4 =	vsel vm6, s19, v4  }
0x2de: {  	s23 =	sshrl.u32 s3, $0x1F;
	v5 =	vperm.xlane v5, v2;
	v7 =	vsel vm6, s21, v7;
	s24 =	sshra.s32 s3, $0x6;
	v4 =	vsel vm15, s22, v4  }
0x2df: {  	v8 =	vperm.xlane v8, v2;
	v7 =	vsel vm7, s23, v7;
	v4 =	vsel vm7, s24, v4  }
0x2e0: {  	v7 =	vperm.xlane v7, v3;
	v4 =	vperm.xlane v4, v3;
	_ =	sdelay $0x1  }
0x2e1: {  	v5 =	vsel vm8, v7, v5;
	v4 =	vsel vm8, v4, v8  }
0x2e2: {  	v4 =	vadd.s32 v5, v4  }
0x2e3: {  	v5 =	vmul.u32 $0xFFFFFE80, v4;
	_ =	sdelay $0x1  }
0x2e4: {  	v5 =	vadd.s32 v6, v5  }
0x2e5: {  	v6 =	vmul.u32 $0x3A, v4;
	v7 =	vmul.u32 $0x29, v5  }
0x2e6: {  	v63 =	vmul.u32 $0x29, v4;
	v5 =	vmul.u32 $0x1D, v5  }
0x2e7: {  	v4 =	vadd.s32 v7, v6  }
0x2e8: {  	v5 =	vadd.s32 v5, v63;
	(v2sf) =	vpush v4, $0x7  }
0x2e9: {  	(v2sf) =	vpush v5, $0x7  }
0x2ea: {  	(v2sf) =	vpush v4, $0x6  }
0x2eb: {  	(v2sf) =	vpush v5, $0x6;
	_ =	sdelay $0x2  }
0x2ec: {  	(v2sf) =	vpush v4, $0xF  }
0x2ed: {  	(v2sf) =	vpush v4, $0xB  }
0x2ee: {  	(v2sf) =	vpush v4, $0x5  }
0x2ef: {  	(v2sf) =	vpush v5, $0xF;
	_ =	sdelay $0x1  }
0x2f0: {  	(v2sf) =	vpush v5, $0xB  }
0x2f1: {  	(v2sf) =	vpush v5, $0x5  }
0x2f2: {  	(v2sf) =	vpush v4, $0xE  }
0x2f3: {  	s20 =	rddreg [dreg:$0x1f];
	(v2sf) =	vpush v4, $0xA  }
0x2f4: {  	s8 =	rddreg [dreg:$0x18];
	(v2sf) =	vpush v4, $0x4;
	s29 =	spop (v2sf)  }
0x2f5: {  	(v2sf) =	vpush v5, $0xE;
	s25 =	smulhi.u32 $0x2AAAAAAB, s29;
	s2 =	spop (v2sf)  }
0x2f6: {  	(v2sf) =	vpush v5, $0xA;
	s26 =	smulhi.u32 $0x2AAAAAAB, s2;
	s18 =	spop (v2sf)  }
0x2f7: {  	[dreg:$0x12] =	wrdreg s25;
	s3 =	spop (v2sf)  }
0x2f8: {  	(v2sf) =	vpush v5, $0x4;
	[dreg:$0x16] =	wrdreg s26;
	s0 =	smulhi.u32 $0x2AAAAAAB, s3  }
0x2f9: {  	(v2sf) =	vpush v4, $0xD;
	s1 =	smulhi.u32 $0x2AAAAAAB, s18;
	[smem:$0x7B2] =	sst s3  }
0x2fa: {  	[dreg:$0xa] =	wrdreg s0;
	s0 =	spop (v2sf)  }
0x2fb: {  	s15 =	smulhi.u32 $0x2AAAAAAB, s0;
	s7 =	spop (v2sf)  }
0x2fc: {  	(v2sf) =	vpush v4, $0x9;
	s19 =	smulhi.u32 $0x2AAAAAAB, s7;
	s23 =	spop (v2sf)  }
0x2fd: {  	s4 =	smulhi.u32 $0x2AAAAAAB, s23;
	s10 =	spop (v2sf)  }
0x2fe: {  	[dreg:$0xc] =	wrdreg s1;
	s24 =	smulhi.u32 $0x2AAAAAAB, s10  }
0x2ff: {  	(v2sf) =	vpush v4, $0x3;
	s31 =	spop (v2sf);
	[dreg:$0xe] =	wrdreg s4  }
0x300: {  	s21 =	smulhi.u32 $0x2AAAAAAB, s31;
	s5 =	spop (v2sf)  }
0x301: {  	s1 =	smulhi.u32 $0x2AAAAAAB, s5;
	s11 =	spop (v2sf)  }
0x302: {  	(v2sf) =	vpush v5, $0xD;
	s22 =	smulhi.u32 $0x2AAAAAAB, s11;
	s17 =	spop (v2sf)  }
0x303: {  	(v2sf) =	vpush v5, $0x9;
	[dreg:$0x10] =	wrdreg s1;
	s6 =	spop (v2sf)  }
0x304: {  	(v2sf) =	vpush v5, $0x3;
	s1 =	smulhi.u32 $0x2AAAAAAB, s6;
	s9 =	spop (v2sf)  }
0x305: {  	(v2sf) =	vpush v4, $0xC;
	s13 =	smulhi.u32 $0x2AAAAAAB, s9;
	s30 =	spop (v2sf)  }
0x306: {  	(v2sf) =	vpush v4, $0x8;
	[smem:$0x7B3] =	sst s5;
	s14 =	smulhi.u32 $0x2AAAAAAB, s30  }
0x307: {  	(v2sf) =	vpush v4, $0x2;
	s12 =	spop (v2sf);
	[smem:$0x7B5] =	sst s13  }
0x308: {  	(v2sf) =	vpush v5, $0xC;
	s16 =	smulhi.u32 $0x2AAAAAAB, s12;
	s13 =	spop (v2sf)  }
0x309: {  	(v2sf) =	vpush v5, $0x8;
	[smem:$0x7B4] =	sst s6;
	s25 =	smulhi.u32 $0x2AAAAAAB, s13  }
.Ltmp3:
0x30a: {  	(v2sf) =	vpush v5, $0x2;
	[dreg:$0x14] =	wrdreg s1;
	(pc) =	sbr.rel @p0 .LBB2_4-.Ltmp3, $4  }
0x30b: {  	(v2sf) =	vpush v4, $0x1;
	[smem:$0x7B8] =	sst s25;
	s25 =	spop (v2sf)  }
0x30c: {  	(v2sf) =	vpush v5, $0x1;
	[smem:$0x7B6] =	sst s14;
	s26 =	smulhi.u32 $0x2AAAAAAB, s25  }
0x30d: {  	s28 =	smulhi.u32 $0x2AAAAAAB, s17;
	(v2sf) =	vpush v4, $0x0;
	[smem:$0x7B7] =	sst s16  }
0x30e: {  	s1 =	sadd.s32 $0x40, s8;
	(v2sf) =	vpush v5, $0x0;
	s8 =	spop (v2sf);
	[smem:$0x7B9] =	sst s26  }
0x30f: {  	s0 =	sshra.s32 s0, $0x1F  }
0x310: {  	s3 =	sshra.s32 s7, $0x1F;
	s14 =	smul.u32 $0x2AAAAAAB, s0  }
0x311: {  	s9 =	sshra.s32 s9, $0x1F;
	s20 =	smul.u32 $0x2AAAAAAB, s3  }
0x312: {  	s4 =	sshra.s32 s10, $0x1F;
	[smem:$0x73D] =	sst s8;
	s0 =	smul.u32 $0x2AAAAAAB, s9  }
0x313: {  	s5 =	sshra.s32 s31, $0x1F;
	[smem:$0x73F] =	sst s29;
	s1 =	smul.u32 $0x2AAAAAAB, s4  }
0x314: {  	s10 =	sshra.s32 s30, $0x1F;
	s16 =	smul.u32 $0x2AAAAAAB, s5;
	[smem:$0x70F] =	sst s0  }
0x315: {  	s6 =	sshra.s32 s11, $0x1F;
	s0 =	smul.u32 $0x2AAAAAAB, s10;
	s10 =	sld [smem:$0x7FA]  }
0x316: {  	s1 =	sadd.s32 s1, s24;
	s21 =	sadd.s32 s16, s21;
	s16 =	sld [smem:$0x7B5]  }
0x317: {  	s7 =	sshra.s32 s17, $0x1F;
	s14 =	sadd.s32 s14, s15;
	[smem:$0x734] =	sst s1  }
0x318: {  	s6 =	smul.u32 $0x2AAAAAAB, s6;
	s19 =	sadd.s32 s20, s19;
	[smem:$0x732] =	sst s14  }
0x319: {  	s5 =	smul.u32 $0x2AAAAAAB, s7;
	[smem:$0x733] =	sst s19  }
0x31a: {  	s11 =	sshra.s32 s13, $0x1F;
	s6 =	sadd.s32 s6, s22;
	[smem:$0x735] =	sst s21  }
0x31b: {  	s31 =	smul.u32 $0x2AAAAAAB, s11;
	s5 =	sadd.s32 s5, s28;
	[smem:$0x72C] =	sst s6  }
0x31c: {  	s17 =	spop (v2sf);
	[smem:$0x72D] =	sst s5  }
0x31d: {  	s13 =	sshra.s32 s25, $0x1F;
	s25 =	spop (v2sf);
	s19 =	sld [smem:$0x70F]  }
0x31e: {  	s26 =	spop (v2sf);
	[smem:$0x710] =	sst s0;
	s0 =	sshra.s32 s17, $0x1F  }
0x31f: {  	s21 =	sld [smem:$0x7B6];
	s0 =	smul.u32 $0x2AAAAAAB, s0  }
0x320: {  	s11 =	smulhi.u32 $0x2AAAAAAB, s17;
	[smem:$0x73E] =	sst s26  }
0x321: {  	s3 =	smulhi.u32 $0x2AAAAAAB, s25;
	[smem:$0x711] =	sst s0;
	s0 =	sshra.s32 s25, $0x1F  }
0x322: {  	s4 =	spop (v2sf);
	s0 =	smul.u32 $0x2AAAAAAB, s0  }
0x323: {  	[smem:$0x712] =	sst s3;
	s7 =	spop (v2sf)  }
0x324: {  	s9 =	smulhi.u32 $0x2AAAAAAB, s7;
	[smem:$0x713] =	sst s0;
	s0 =	sshra.s32 s4, $0x1F  }
0x325: {  	s22 =	sld [smem:$0x710];
	s5 =	sadd.s32 s19, s16;
	s0 =	smul.u32 $0x2AAAAAAB, s0  }
0x326: {  	s17 =	spop (v2sf);
	[smem:$0x72E] =	sst s5  }
0x327: {  	s25 =	smulhi.u32 $0x2AAAAAAB, s4;
	[smem:$0x714] =	sst s0;
	s0 =	sshra.s32 s7, $0x1F  }
0x328: {  	[smem:$0x715] =	sst s9;
	s0 =	smul.u32 $0x2AAAAAAB, s0  }
0x329: {  	v6 =	vor.u32 s10, v1;
	s9 =	smulhi.u32 $0x2AAAAAAB, s17;
	s4 =	spop (v2sf)  }
0x32a: {  	v6 =	vsub.s32 v6, v0;
	s3 =	smulhi.u32 $0x2AAAAAAB, s4;
	[smem:$0x716] =	sst s0;
	s0 =	sshra.s32 s17, $0x1F  }
0x32b: {  	(v2sf) =	vpush v6, $0xF;
	s5 =	sadd.s32 s22, s21;
	s26 =	spop (v2sf);
	s0 =	smul.u32 $0x2AAAAAAB, s0  }
0x32c: {  	[smem:$0x72F] =	sst s5;
	s4 =	sshra.s32 s4, $0x1F;
	s8 =	smulhi.u32 $0x2AAAAAAB, s26  }
0x32d: {  	(v2sf) =	vpush v6, $0xB;
	[smem:$0x719] =	sst s0;
	s0 =	smul.u32 $0x2AAAAAAB, s4;
	s4 =	sshra.s32 s26, $0x1F  }
0x32e: {  	s10 =	spop (v2sf);
	s4 =	smul.u32 $0x2AAAAAAB, s4  }
0x32f: {  	(v2sf) =	vpush v6, $0x6;
	[smem:$0x717] =	sst s8;
	s17 =	smulhi.u32 $0x2AAAAAAB, s10  }
0x330: {  	(v2sf) =	vpush v6, $0xE;
	s26 =	spop (v2sf);
	[smem:$0x718] =	sst s4;
	s4 =	sshra.s32 s10, $0x1F  }
0x331: {  	s10 =	spop (v2sf);
	s4 =	smul.u32 $0x2AAAAAAB, s4  }
0x332: {  	(v2sf) =	vpush v6, $0xA;
	[smem:$0x71C] =	sst s17;
	s8 =	smulhi.u32 $0x2AAAAAAB, s26;
	s7 =	sshra.s32 s10, $0x1F  }
0x333: {  	[smem:$0x71D] =	sst s4;
	s4 =	sshra.s32 s26, $0x1F;
	s26 =	smul.u32 $0x2AAAAAAB, s7  }
0x334: {  	[smem:$0x71E] =	sst s8;
	s4 =	smul.u32 $0x2AAAAAAB, s4  }
0x335: {  	s17 =	smulhi.u32 $0x2AAAAAAB, s10;
	[smem:$0x71B] =	sst s26  }
0x336: {  	(v2sf) =	vpush v6, $0xD;
	[smem:$0x71F] =	sst s4;
	s4 =	spop (v2sf)  }
0x337: {  	(v2sf) =	vpush v6, $0x9;
	s26 =	smulhi.u32 $0x2AAAAAAB, s4;
	s8 =	spop (v2sf)  }
0x338: {  	[smem:$0x71A] =	sst s17;
	s7 =	sshra.s32 s4, $0x1F;
	s17 =	smulhi.u32 $0x2AAAAAAB, s8  }
0x339: {  	s16 =	sld [smem:$0x713];
	s10 =	sshra.s32 s8, $0x1F;
	s4 =	smul.u32 $0x2AAAAAAB, s7  }
0x33a: {  	s28 =	sadd.s32 s0, s3;
	s15 =	spop (v2sf);
	s7 =	smul.u32 $0x2AAAAAAB, s10  }
0x33b: {  	s3 =	sld [smem:$0x71D];
	s20 =	smulhi.u32 $0x2AAAAAAB, s15;
	s1 =	sshra.s32 s15, $0x1F  }
0x33c: {  	(v2sf) =	vpush v6, $0x5;
	s24 =	spop (v2sf);
	s1 =	smul.u32 $0x2AAAAAAB, s1  }
0x33d: {  	s8 =	sld [smem:$0x7B8];
	s10 =	smulhi.u32 $0x2AAAAAAB, s24  }
0x33e: {  	s30 =	spop (v2sf);
	[smem:$0x720] =	sst s20  }
0x33f: {  	(v2sf) =	vpush v6, $0xC;
	s14 =	spop (v2sf);
	[smem:$0x721] =	sst s1  }
0x340: {  	[smem:$0x722] =	sst s10;
	s15 =	smulhi.u32 $0x2AAAAAAB, s14  }
0x341: {  	s1 =	sshra.s32 s24, $0x1F;
	s20 =	spop (v2sf);
	s10 =	sld [smem:$0x711]  }
0x342: {  	s1 =	smul.u32 $0x2AAAAAAB, s1;
	[smem:$0x724] =	sst s15  }
0x343: {  	(v2sf) =	vpush v6, $0x8;
	s6 =	smulhi.u32 $0x2AAAAAAB, s20;
	s15 =	sld [smem:$0x712]  }
0x344: {  	[smem:$0x723] =	sst s1  }
0x345: {  	s24 =	spop (v2sf);
	[smem:$0x726] =	sst s6  }
0x346: {  	s19 =	spop (v2sf);
	s6 =	sld [smem:$0x714]  }
0x347: {  	s5 =	sadd.s32 s10, s11;
	s21 =	smulhi.u32 $0x2AAAAAAB, s19;
	s11 =	sld [smem:$0x715]  }
0x348: {  	s13 =	smul.u32 $0x2AAAAAAB, s13;
	(v2sf) =	vpush v6, $0x4;
	s1 =	sshra.s32 s14, $0x1F;
	[smem:$0x72A] =	sst s5  }
0x349: {  	s8 =	sadd.s32 s31, s8;
	s1 =	smul.u32 $0x2AAAAAAB, s1;
	[smem:$0x728] =	sst s21  }
0x34a: {  	s31 =	smulhi.u32 $0x2AAAAAAB, s24;
	s14 =	sshra.s32 s24, $0x1F;
	s21 =	sld [smem:$0x717]  }
0x34b: {  	s24 =	spop (v2sf);
	[smem:$0x725] =	sst s1;
	s1 =	sshra.s32 s20, $0x1F  }
0x34c: {  	s20 =	sld [smem:$0x7B9];
	s1 =	smul.u32 $0x2AAAAAAB, s1  }
0x34d: {  	s22 =	smul.u32 $0x2AAAAAAB, s14;
	s14 =	sadd.s32 s6, s25;
	s6 =	sld [smem:$0x719]  }
0x34e: {  	s10 =	spop (v2sf);
	[smem:$0x727] =	sst s1  }
0x34f: {  	(v2sf) =	vpush v6, $0x3;
	s25 =	smulhi.u32 $0x2AAAAAAB, s24;
	s5 =	sadd.s32 s13, s20;
	s13 =	sld [smem:$0x716]  }
0x350: {  	s1 =	sadd.s32 s16, s15;
	s15 =	sshra.s32 s24, $0x1F;
	s24 =	sld [smem:$0x718]  }
0x351: {  	s0 =	sshra.s32 s10, $0x1F;
	s16 =	smulhi.u32 $0x2AAAAAAB, s10;
	[smem:$0x72B] =	sst s1  }
0x352: {  	[smem:$0x729] =	sst s5;
	s1 =	sshra.s32 s19, $0x1F;
	s5 =	spop (v2sf)  }
0x353: {  	s29 =	smul.u32 $0x2AAAAAAB, s1;
	s1 =	sadd.s32 s6, s9;
	s9 =	sld [smem:$0x71A]  }
0x354: {  	(v2sf) =	vpush v6, $0x2;
	s6 =	sld [smem:$0x71F];
	s19 =	sadd.s32 s13, s11;
	s20 =	sadd.s32 s24, s21  }
0x355: {  	(v2sf) =	vpush v6, $0x1;
	s24 =	sadd.s32 s7, s17;
	s17 =	smul.u32 $0x2AAAAAAB, s0;
	[smem:$0x736] =	sst s1  }
0x356: {  	s21 =	sadd.s32 s4, s26;
	s13 =	smulhi.u32 $0x2AAAAAAB, s5;
	s11 =	sld [smem:$0x71B]  }
0x357: {  	(v2sf) =	vpush v6, $0x0;
	s0 =	sshra.s32 s5, $0x1F;
	s7 =	spop (v2sf);
	s1 =	sld [smem:$0x71C]  }
0x358: {  	s4 =	sld [smem:$0x71E];
	s10 =	smul.u32 $0x2AAAAAAB, s0;
	s26 =	sshra.s32 s7, $0x1F  }
0x359: {  	s5 =	smul.u32 $0x2AAAAAAB, s26;
	s26 =	sld [smem:$0x721]  }
0x35a: {  	s0 =	sadd.s32 s11, s9;
	s9 =	smulhi.u32 $0x2AAAAAAB, s7;
	s7 =	sld [smem:$0x720]  }
0x35b: {  	[smem:$0x731] =	sst s0  }
0x35c: {  	s0 =	sadd.s32 s3, s1;
	s1 =	sadd.s32 s6, s4;
	s4 =	sld [smem:$0x722]  }
0x35d: {  	(v2sf) =	vpush v6, $0x7;
	[smem:$0x737] =	sst s0  }
0x35e: {  	s0 =	spop (v2sf);
	s3 =	sadd.s32 s26, s7;
	s26 =	sld [smem:$0x723]  }
0x35f: {  	[smem:$0x730] =	sst s1;
	s11 =	smulhi.u32 $0x2AAAAAAB, s0;
	s0 =	sshra.s32 s0, $0x1F  }
0x360: {  	[smem:$0x73B] =	sst s3;
	s7 =	smul.u32 $0x2AAAAAAB, s0  }
0x361: {  	s0 =	sadd.s32 s26, s4;
	s26 =	sadd.s32 s22, s31;
	s22 =	sld [smem:$0x724]  }
0x362: {  	s15 =	smul.u32 $0x2AAAAAAB, s15;
	[smem:$0x738] =	sst s26  }
0x363: {  	s1 =	spop (v2sf);
	s26 =	sld [smem:$0x725]  }
0x364: {  	s6 =	smulhi.u32 $0x2AAAAAAB, s1;
	s1 =	sshra.s32 s1, $0x1F;
	s3 =	spop (v2sf)  }
0x365: {  	s4 =	smul.u32 $0x2AAAAAAB, s1;
	[smem:$0x73C] =	sst s0  }
0x366: {  	s0 =	spop (v2sf);
	s1 =	sadd.s32 s26, s22;
	s26 =	sld [smem:$0x727]  }
0x367: {  	s31 =	smulhi.u32 $0x2AAAAAAB, s0;
	s0 =	sshra.s32 s0, $0x1F;
	[smem:$0x739] =	sst s1  }
0x368: {  	s1 =	smul.u32 $0x2AAAAAAB, s0;
	s0 =	sld [smem:$0x726]  }
0x369: {  	s25 =	sadd.s32 s15, s25;
	s15 =	sshrl.u32 s19, $0x1F  }
0x36a: {  	s19 =	sshrl.u32 s19, $0x6;
	s10 =	sadd.s32 s10, s13;
	s13 =	smulhi.u32 $0x2AAAAAAB, s3  }
0x36b: {  	s3 =	sshra.s32 s3, $0x1F;
	s0 =	sadd.s32 s26, s0;
	s26 =	sld [smem:$0x728]  }
0x36c: {  	s16 =	sadd.s32 s17, s16;
	s3 =	smul.u32 $0x2AAAAAAB, s3;
	s22 =	spop (v2sf)  }
0x36d: {  	[smem:$0x73A] =	sst s0;
	s0 =	smulhi.u32 $0x2AAAAAAB, s22;
	s22 =	sshra.s32 s22, $0x1F  }
0x36e: {  	s17 =	sshra.s32 s30, $0x1F;
	s29 =	sadd.s32 s29, s26;
	s26 =	smul.u32 $0x2AAAAAAB, s22  }
0x36f: {  	v8 =	vmov s15;
	v12 =	vmov s19;
	s15 =	sshrl.u32 s24, $0x6;
	s19 =	sshrl.u32 s8, $0x1F;
	s5 =	sadd.s32 s5, s9  }
0x370: {  	s9 =	smulhi.u32 $0x2AAAAAAB, s30;
	s30 =	sadd.s32 s3, s13;
	s22 =	sadd.s32 s26, s0  }
0x371: {  	s0 =	sadd.s32 s1, s31;
	s1 =	sadd.s32 s4, s6;
	s26 =	smul.u32 $0x2AAAAAAB, s17  }
0x372: {  	s17 =	sadd.s32 s7, s11;
	s6 =	sshra.s32 s2, $0x1F;
	s7 =	sshra.s32 s18, $0x1F  }
0x373: {  	s18 =	sshrl.u32 s28, $0x1F;
	s13 =	smul.u32 $0x2AAAAAAB, s7;
	s7 =	sshrl.u32 s20, $0x6  }
0x374: {  	v10 =	vmov s18;
	s18 =	sshrl.u32 s21, $0x6;
	s2 =	sadd.s32 s26, s9;
	s9 =	sshrl.u32 s14, $0x1F  }
0x375: {  	s26 =	sshrl.u32 s20, $0x1F;
	s20 =	sshrl.u32 s8, $0x6;
	s8 =	sld [smem:$0x731]  }
0x376: {  	s14 =	sshrl.u32 s14, $0x6;
	v7 =	vmov s9;
	s9 =	sshrl.u32 s21, $0x1F;
	s21 =	sld [smem:$0x729]  }
0x377: {  	s3 =	sshra.s32 s23, $0x1F;
	v9 =	vmov s14;
	s14 =	sshrl.u32 s24, $0x1F;
	s24 =	sld [smem:$0x72A]  }
0x378: {  	s23 =	sshrl.u32 s28, $0x6;
	s4 =	sshra.s32 s12, $0x1F;
	v16 =	vmov s14;
	s14 =	sld [smem:$0x72B]  }
0x379: {  	v17 =	vmov s15;
	s11 =	smul.u32 $0x2AAAAAAB, s6;
	v7 =	vsel vm0, s19, v7;
	s19 =	sld [smem:$0x72C];
	s12 =	sshrl.u32 s8, $0x6  }
0x37a: {  	v17 =	vnsel vm3, $0x0, v17;
	v13 =	vmov s23;
	v11 =	vmov s26;
	s23 =	sshrl.u32 s21, $0x1F;
	s26 =	sshrl.u32 s24, $0x1F;
	s6 =	sshrl.u32 s21, $0x6  }
0x37b: {  	v15 =	vmov s9;
	s9 =	sshrl.u32 s24, $0x6;
	s21 =	sld [smem:$0x72D];
	v17 =	vsel vm0, s12, v17;
	s12 =	sshrl.u32 s16, $0x1F  }
0x37c: {  	v18 =	vmov s18;
	v10 =	vsel vm0, s26, v10;
	s15 =	sshrl.u32 s14, $0x1F;
	s18 =	sshrl.u32 s14, $0x6;
	s26 =	sld [smem:$0x72E]  }
0x37d: {  	v14 =	vmov s7;
	v9 =	vsel vm0, s20, v9;
	s20 =	sshrl.u32 s19, $0x1F;
	s24 =	sshrl.u32 s19, $0x6;
	v11 =	vsel vm0, s15, v11;
	s15 =	sld [smem:$0x72F]  }
0x37e: {  	v8 =	vsel vm0, s23, v8;
	v12 =	vsel vm0, s6, v12;
	s6 =	sshrl.u32 s29, $0x1F;
	v9 =	vsel vm1, s24, v9;
	s24 =	sld [smem:$0x730];
	s23 =	sshrl.u32 s21, $0x1F  }
0x37f: {  	v13 =	vsel vm0, s9, v13;
	v14 =	vsel vm0, s18, v14;
	s19 =	sshrl.u32 s21, $0x6;
	s21 =	sld [smem:$0x7B4];
	s9 =	sshrl.u32 s26, $0x1F  }
0x380: {  	v7 =	vsel vm1, s20, v7;
	v8 =	vsel vm1, s23, v8;
	s20 =	sshrl.u32 s26, $0x6;
	v12 =	vsel vm1, s19, v12;
	s19 =	sld [smem:$0x732];
	s23 =	sshrl.u32 s15, $0x6  }
0x381: {  	v15 =	vnsel vm3, $0x0, v15;
	s18 =	sshrl.u32 s15, $0x1F;
	s26 =	sshrl.u32 s24, $0x1F;
	v14 =	vsel vm1, s23, v14;
	s23 =	sld [smem:$0x733]  }
0x382: {  	v16 =	vnsel vm3, $0x0, v16;
	v10 =	vsel vm1, s9, v10;
	s9 =	sshrl.u32 s8, $0x1F;
	s14 =	sshrl.u32 s24, $0x6;
	v15 =	vsel vm0, s26, v15;
	s26 =	sld [smem:$0x734]  }
0x383: {  	v11 =	vsel vm1, s18, v11;
	s18 =	smul.u32 $0x2AAAAAAB, s3;
	s3 =	sshra.s32 s21, $0x1F;
	v16 =	vsel vm0, s9, v16;
	s9 =	sld [smem:$0x737]  }
0x384: {  	v13 =	vsel vm1, s20, v13;
	s15 =	smul.u32 $0x2AAAAAAB, s3;
	s20 =	sshrl.u32 s19, $0x1F;
	s21 =	sshrl.u32 s19, $0x6  }
0x385: {  	v18 =	vnsel vm3, $0x0, v18;
	v7 =	vsel vm2, s20, v7;
	s20 =	sld [smem:$0x735];
	s24 =	sshrl.u32 s23, $0x1F;
	s8 =	sshrl.u32 s26, $0x1F  }
0x386: {  	v18 =	vsel vm0, s14, v18;
	s14 =	sshrl.u32 s23, $0x6;
	s19 =	sshrl.u32 s26, $0x6;
	s26 =	sshra.s32 s22, $0x1F  }
0x387: {  	s7 =	sshrl.u32 s9, $0x1F;
	s9 =	sshrl.u32 s9, $0x6;
	v10 =	vsel vm2, s8, v10;
	s8 =	sld [smem:$0x736]  }
0x388: {  	v12 =	vsel vm2, s14, v12;
	v13 =	vsel vm2, s19, v13;
	v19 =	vmov s26;
	s14 =	sshra.s32 s0, $0x6;
	s19 =	sshra.s32 s16, $0x6;
	s26 =	sld [smem:$0x738]  }
0x389: {  	v9 =	vsel vm2, s21, v9;
	s16 =	sshra.s32 s1, $0x6;
	s21 =	sshrl.u32 s20, $0x1F;
	s23 =	sshrl.u32 s20, $0x6  }
0x38a: {  	v19 =	vsel vm3, s14, v19;
	s20 =	sshrl.u32 s10, $0x1F;
	v22 =	vmov s19;
	s14 =	sshra.s32 s29, $0x6;
	s19 =	sld [smem:$0x739]  }
0x38b: {  	v11 =	vsel vm2, s21, v11;
	v14 =	vsel vm2, s23, v14;
	s21 =	sshra.s32 s0, $0x1F;
	s0 =	sshrl.u32 s0, $0x1F;
	s23 =	sshra.s32 s10, $0x6  }
0x38c: {  	v20 =	vmov s12;
	v8 =	vsel vm2, s24, v8;
	v21 =	vmov s20;
	s10 =	sshra.s32 s30, $0x1F;
	s24 =	sshrl.u32 s8, $0x1F;
	s3 =	sshrl.u32 s26, $0x1F  }
0x38d: {  	v19 =	vsel vm9, s21, v19;
	v23 =	vmov s0;
	s12 =	sshra.s32 s26, $0x6;
	s21 =	sshra.s32 s1, $0x1F;
	v15 =	vsel vm1, s24, v15;
	s24 =	sshra.s32 s30, $0x6  }
0x38e: {  	v24 =	vmov s23;
	v21 =	vsel vm0, s6, v21;
	v20 =	vsel vm0, s3, v20;
	s20 =	sshrl.u32 s19, $0x1F;
	s3 =	sshra.s32 s19, $0x6;
	s19 =	sld [smem:$0x73C]  }
0x38f: {  	s23 =	sshrl.u32 s30, $0x1F;
	s8 =	sshrl.u32 s8, $0x6;
	v22 =	vsel vm0, s12, v22;
	v23 =	vnsel vm3, $0x0, v23;
	v19 =	vsel vm0, s24, v19;
	s24 =	sld [smem:$0x73A]  }
0x390: {  	s6 =	sshra.s32 s17, $0x6;
	v50 =	vsel vm1, s8, v18;
	s8 =	rddreg [dreg:$0xa];
	v22 =	vsel vm1, s3, v22;
	s3 =	sshrl.u32 s1, $0x1F;
	v19 =	vsel vm10, s10, v19  }
0x391: {  	v23 =	vsel vm0, s23, v23;
	s23 =	sshrl.u32 s5, $0x1F;
	s10 =	sld [smem:$0x73B];
	v19 =	vsel vm1, s16, v19;
	s16 =	sshra.s32 s17, $0x1F  }
0x392: {  	v20 =	vsel vm1, s20, v20;
	s17 =	sshrl.u32 s17, $0x1F;
	s20 =	sshrl.u32 s19, $0x1F;
	s26 =	sshrl.u32 s24, $0x1F  }
0x393: {  	v16 =	vsel vm1, s7, v16;
	v23 =	vsel vm1, s3, v23;
	v19 =	vsel vm11, s21, v19;
	s7 =	sshra.s32 s24, $0x6;
	s21 =	sshra.s32 s5, $0x6;
	s24 =	sshra.s32 s5, $0x1F  }
0x394: {  	v24 =	vsel vm0, s14, v24;
	v23 =	vsel vm2, s17, v23;
	s17 =	smul.u32 $0x2AAAAAAB, s4;
	s12 =	sshrl.u32 s10, $0x1F;
	s14 =	sshra.s32 s10, $0x6  }
0x395: {  	v21 =	vsel vm1, s26, v21;
	v19 =	vsel vm2, s6, v19;
	v24 =	vsel vm1, s7, v24;
	s26 =	sld [smem:$0x73D];
	s6 =	sshrl.u32 s25, $0x1F;
	s10 =	sshra.s32 s19, $0x6  }
0x396: {  	v23 =	vsel vm4, s23, v23;
	s23 =	sshra.s32 s25, $0x6;
	v19 =	vsel vm12, s16, v19;
	v20 =	vsel vm2, s12, v20;
	s12 =	sld [smem:$0x73E];
	s16 =	sshrl.u32 s2, $0x1F  }
0x397: {  	v21 =	vsel vm2, s20, v21;
	v23 =	vsel vm5, s6, v23;
	v24 =	vsel vm2, s10, v24;
	s20 =	sshrl.u32 s22, $0x1F;
	s10 =	sshra.s32 s2, $0x6;
	s2 =	sshra.s32 s2, $0x1F  }
0x398: {  	v7 =	vcombine.low v8, v7;
	v19 =	vsel vm4, s21, v19;
	v23 =	vsel vm6, s16, v23;
	s16 =	sld [smem:$0x7B7];
	s3 =	smulhi.u32 $0x2AAAAAAB, s26;
	s19 =	sshra.s32 s26, $0x1F  }
0x399: {  	v9 =	vcombine.low v12, v9;
	v22 =	vsel vm2, s14, v22;
	v19 =	vsel vm13, s24, v19;
	s24 =	sld [smem:$0x7B3];
	s26 =	sshra.s32 s25, $0x1F;
	s14 =	smulhi.u32 $0x2AAAAAAB, s12  }
0x39a: {  	v8 =	vcombine.low v11, v10;
	v48 =	vcombine.low v14, v13;
	s25 =	rddreg [dreg:$0xe];
	s4 =	smul.u32 $0x2AAAAAAB, s19;
	s21 =	sshra.s32 s12, $0x1F;
	v45 =	vsel vm5, s23, v19  }
0x39b: {  	v51 =	vperm.xlane v7, v2;
	v9 =	vperm.xlane v9, v2;
	s12 =	sshra.s32 s22, $0x6;
	s5 =	smul.u32 $0x2AAAAAAB, s21;
	v10 =	vsel vm14, s26, v45;
	s21 =	sld [smem:$0x7B2]  }
0x39c: {  	v8 =	vperm.xlane v8, v2;
	v20 =	vcombine.low v21, v20;
	s0 =	sadd.s32 s17, s16;
	s26 =	rddreg [dreg:$0x10];
	s6 =	sshra.s32 s24, $0x1F;
	v10 =	vsel vm6, s10, v10  }
0x39d: {  	v49 =	vcombine.low v24, v22;
	v44 =	vsel vm7, s20, v23;
	s3 =	sadd.s32 s4, s3;
	s20 =	sshrl.u32 s0, $0x1F;
	s24 =	rddreg [dreg:$0xc];
	v10 =	vsel vm15, s2, v10  }
0x39e: {  	v46 =	vperm.xlane v20, v2;
	v47 =	vperm.xlane v44, v3;
	s0 =	sshrl.u32 s0, $0x6;
	s10 =	sld [smem:$0x73F];
	s1 =	sadd.s32 s5, s14;
	v10 =	vsel vm7, s12, v10  }
0x39f: {  	v17 =	vsel vm1, s9, v17;
	v13 =	vperm.xlane v49, v2;
	s4 =	sshrl.u32 s3, $0x1F;
	s3 =	sshrl.u32 s3, $0x6;
	s14 =	rddreg [dreg:$0x14];
	v10 =	vperm.xlane v10, v3  }
0x3a0: {  	v53 =	vperm.xlane v48, v2;
	v11 =	vsel vm8, v47, v46;
	s6 =	smul.u32 $0x2AAAAAAB, s6;
	s5 =	sadd.s32 s15, s14;
	s17 =	sshrl.u32 s1, $0x1F;
	v15 =	vsel vm2, s4, v15  }
0x3a1: {  	v14 =	vsel vm2, s3, v50;
	s1 =	sshrl.u32 s1, $0x6;
	s4 =	sshra.s32 s21, $0x1F;
	s19 =	sshrl.u32 s5, $0x1F;
	v16 =	vsel vm2, s17, v16;
	v10 =	vsel vm8, v10, v13  }
0x3a2: {  	s3 =	sadd.s32 s18, s25;
	v17 =	vsel vm2, s1, v17;
	s22 =	sshrl.u32 s5, $0x6;
	s23 =	smul.u32 $0x2AAAAAAB, s4;
	v15 =	vsel vm4, s19, v15;
	v10 =	vadd.s32 v11, v10  }
0x3a3: {  	s4 =	sadd.s32 s6, s26;
	s5 =	sshrl.u32 s3, $0x1F;
	s3 =	sshrl.u32 s3, $0x6;
	v16 =	vsel vm4, s20, v16;
	v7 =	vsel vm4, s22, v14;
	v54 =	vmul.u32 $0xFFFFFE80, v10  }
0x3a4: {  	s1 =	sadd.s32 s13, s24;
	v52 =	vsel vm4, s0, v17;
	s7 =	sshrl.u32 s4, $0x1F;
	s4 =	sshrl.u32 s4, $0x6;
	v55 =	vsel vm5, s5, v15;
	v7 =	vsel vm5, s3, v7  }
0x3a5: {  	s14 =	rddreg [dreg:$0x16];
	s9 =	sshrl.u32 s1, $0x1F;
	s2 =	sadd.s32 s23, s8;
	v56 =	vsel vm5, s7, v16;
	v13 =	vsel vm5, s4, v52;
	v6 =	vadd.s32 v6, v54  }
0x3a6: {  	s1 =	sshrl.u32 s1, $0x6;
	s3 =	sshra.s32 s10, $0x1F;
	s12 =	sshrl.u32 s2, $0x1F;
	v14 =	vsel vm6, s9, v55;
	v58 =	vmul.u32 $0x3A, v10;
	v59 =	vmul.u32 $0x29, v6  }
0x3a7: {  	s13 =	smul.u32 $0x2AAAAAAB, s3;
	s3 =	sadd.s32 s11, s14;
	s2 =	sshrl.u32 s2, $0x6;
	v61 =	vsel vm6, s1, v7;
	v10 =	vmul.u32 $0x29, v10;
	v60 =	vmul.u32 $0x1D, v6  }
0x3a8: {  	s16 =	rddreg [dreg:$0x12];
	v57 =	vsel vm6, s12, v56;
	s15 =	sshrl.u32 s3, $0x1F;
	v13 =	vsel vm6, s2, v13;
	v6 =	vadd.s32 v59, v58  }
0x3a9: {  	s17 =	sshrl.u32 s3, $0x6;
	s0 =	sadd.s32 s13, s16;
	v12 =	vsel vm7, s15, v57;
	v7 =	vadd.s32 v60, v10;
	(v2sf) =	vpush v6, $0x7  }
0x3aa: {  	v13 =	vsel vm7, s17, v13;
	s18 =	sshrl.u32 s0, $0x1F;
	s0 =	sshrl.u32 s0, $0x6;
	v12 =	vperm.xlane v12, v3;
	(v2sf) =	vpush v7, $0x7  }
0x3ab: {  	v13 =	vperm.xlane v13, v3;
	v63 =	vsel vm7, s0, v61;
	(v2sf) =	vpush v6, $0x6  }
0x3ac: {  	v62 =	vsel vm7, s18, v14;
	v14 =	vperm.xlane v63, v3;
	v8 =	vsel vm8, v12, v8  }
0x3ad: {  	v11 =	vsel vm8, v13, v53;
	v10 =	vperm.xlane v62, v3;
	(v2sf) =	vpush v7, $0x6  }
0x3ae: {  	v8 =	vadd.s32 v8, v11;
	(v2sf) =	vpush v6, $0xF  }
0x3af: {  	v9 =	vsel vm8, v14, v9;
	v10 =	vsel vm8, v10, v51;
	(v2sf) =	vpush v6, $0xB  }
0x3b0: {  	v8 =	vmul.u32 $0x180, v8;
	v9 =	vadd.s32 v10, v9;
	(v2sf) =	vpush v6, $0x5  }
0x3b1: {  	v9 =	vmul.u32 $0x180, v9  }
0x3b2: {  	v5 =	vsub.s32 v5, v8;
	(v2sf) =	vpush v7, $0xF  }
0x3b3: {  	v5 =	vmul.u32 $0x180, v5;
	v4 =	vsub.s32 v4, v9;
	(v2sf) =	vpush v7, $0xB  }
0x3b4: {  	s19 =	rddreg [dreg:$0x4];
	v4 =	vadd.s32 v0, v4  }
0x3b5: {  	s21 =	simm.s32 $0x80;
	s0 =	sshra.s32 s19, $0x2;
	v4 =	vadd.s32 v5, v4;
	(v2sf) =	vpush v7, $0x5  }
0x3b6: {  	s20 =	rddreg [dreg:$0x0];
	s22 =	simm.s32 $0x4200;
	s12 =	simm.s32 $0x0;
	[tilespmem:s0+$0x80] =	vst v4;
	(v2sf) =	vpush v6, $0xE  }
0x3b7: {  	[tilespmem:s22], [sflag:$0x2] =	stream.indirect.gather [hbm4b:s20+s21], $0x80, s21, s21, $0xb8;
	[tilespmem:$0xC200] =	vst v63  }
0x3b8: {  	[dreg:$0x6] =	wrdreg s12;
	(v2sf) =	vpush v6, $0xA;
	s0 =	spop (v2sf)  }
0x3b9: {  	s23 =	smulhi.u32 $0x2AAAAAAB, s0;
	s14 =	spop (v2sf)  }
0x3ba: {  	(v2sf) =	vpush v6, $0x4;
	s24 =	smulhi.u32 $0x2AAAAAAB, s14;
	s15 =	spop (v2sf)  }
0x3bb: {  	(v2sf) =	vpush v7, $0xE;
	[smem:$0x740] =	sst s23;
	s25 =	smulhi.u32 $0x2AAAAAAB, s15  }
0x3bc: {  	(v2sf) =	vpush v7, $0xA;
	s21 =	spop (v2sf);
	[smem:$0x741] =	sst s24  }
0x3bd: {  	(v2sf) =	vpush v7, $0x4;
	s26 =	smulhi.u32 $0x2AAAAAAB, s21;
	s23 =	spop (v2sf)  }
0x3be: {  	(v2sf) =	vpush v6, $0xD;
	[smem:$0x742] =	sst s25;
	s24 =	spop (v2sf)  }
0x3bf: {  	[smem:$0x743] =	sst s26;
	s2 =	spop (v2sf)  }
0x3c0: {  	s13 =	smulhi.u32 $0x2AAAAAAB, s23;
	[smem:$0x744] =	sst s2  }
0x3c1: {  	(v2sf) =	vpush v6, $0x9;
	s1 =	smulhi.u32 $0x2AAAAAAB, s2;
	s25 =	spop (v2sf)  }
0x3c2: {  	s3 =	smulhi.u32 $0x2AAAAAAB, s25;
	s28 =	spop (v2sf)  }
0x3c3: {  	[smem:$0x745] =	sst s1;
	s4 =	smulhi.u32 $0x2AAAAAAB, s28  }
0x3c4: {  	(v2sf) =	vpush v6, $0x3;
	s1 =	spop (v2sf);
	[smem:$0x746] =	sst s3  }
0x3c5: {  	s5 =	smulhi.u32 $0x2AAAAAAB, s1;
	s30 =	spop (v2sf)  }
0x3c6: {  	[smem:$0x747] =	sst s4;
	s6 =	smulhi.u32 $0x2AAAAAAB, s30  }
0x3c7: {  	(v2sf) =	vpush v7, $0xD;
	s31 =	spop (v2sf);
	[smem:$0x748] =	sst s5  }
0x3c8: {  	(v2sf) =	vpush v7, $0x9;
	s7 =	smulhi.u32 $0x2AAAAAAB, s31;
	s5 =	sld [smem:$0x7FA]  }
0x3c9: {  	(v2sf) =	vpush v7, $0x3;
	s26 =	spop (v2sf);
	[smem:$0x749] =	sst s6  }
0x3ca: {  	(v2sf) =	vpush v6, $0xC;
	s8 =	smulhi.u32 $0x2AAAAAAB, s26;
	s17 =	spop (v2sf)  }
0x3cb: {  	(v2sf) =	vpush v6, $0x8;
	[smem:$0x74A] =	sst s7;
	s16 =	spop (v2sf)  }
0x3cc: {  	(v2sf) =	vpush v6, $0x2;
	s9 =	smulhi.u32 $0x2AAAAAAB, s17;
	s18 =	spop (v2sf)  }
0x3cd: {  	(v2sf) =	vpush v7, $0xC;
	s10 =	smulhi.u32 $0x2AAAAAAB, s16;
	s19 =	spop (v2sf)  }
0x3ce: {  	(v2sf) =	vpush v7, $0x8;
	[smem:$0x74B] =	sst s8;
	s20 =	smulhi.u32 $0x2AAAAAAB, s19  }
0x3cf: {  	(v2sf) =	vpush v7, $0x2;
	[smem:$0x74C] =	sst s9;
	s11 =	smulhi.u32 $0x2AAAAAAB, s18  }
0x3d0: {  	(v2sf) =	vpush v6, $0x1;
	[smem:$0x74F] =	sst s20;
	s20 =	spop (v2sf)  }
0x3d1: {  	(v2sf) =	vpush v7, $0x1;
	[smem:$0x74D] =	sst s10;
	s22 =	smulhi.u32 $0x2AAAAAAB, s20  }
0x3d2: {  	s29 =	smulhi.u32 $0x2AAAAAAB, s24;
	(v2sf) =	vpush v6, $0x0;
	[smem:$0x74E] =	sst s11  }
0x3d3: {  	s2 =	simm.s32 $0x40;
	(v2sf) =	vpush v7, $0x0;
	s4 =	spop (v2sf);
	[smem:$0x750] =	sst s22  }
.LBB2_6:
0x3d4: {  	[dreg:$0x19] =	wrdreg s2  }
0x3d5: {  	[smem:$0x6E3] =	sst s13;
	s13 =	smulhi.u32 $0x2AAAAAAB, s4  }
0x3d6: {  	[smem:$0x6E5] =	sst s29  }
0x3d7: {  	s6 =	spop (v2sf);
	[smem:$0x6F4] =	sst s13  }
0x3d8: {  	s5 =	sadd.s32 $0x10, s5;
	s22 =	smulhi.u32 $0x2AAAAAAB, s6;
	s13 =	spop (v2sf)  }
0x3d9: {  	[smem:$0x70E] =	sst s5;
	s3 =	smulhi.u32 $0x2AAAAAAB, s13  }
0x3da: {  	s12 =	spop (v2sf);
	[smem:$0x6E6] =	sst s22  }
0x3db: {  	s7 =	smulhi.u32 $0x2AAAAAAB, s12;
	s29 =	spop (v2sf)  }
0x3dc: {  	[smem:$0x6E7] =	sst s3;
	s11 =	spop (v2sf)  }
0x3dd: {  	s9 =	smulhi.u32 $0x2AAAAAAB, s11;
	s22 =	spop (v2sf)  }
0x3de: {  	[smem:$0x6F5] =	sst s7;
	s10 =	smulhi.u32 $0x2AAAAAAB, s22  }
0x3df: {  	s8 =	smulhi.u32 $0x2AAAAAAB, s29;
	[smem:$0x6EA] =	sst s9  }
0x3e0: {  	[smem:$0x6EE] =	sst s10;
	s10 =	spop (v2sf)  }
0x3e1: {  	s3 =	smulhi.u32 $0x2AAAAAAB, s10;
	s9 =	spop (v2sf)  }
0x3e2: {  	[smem:$0x6E9] =	sst s8;
	s7 =	smulhi.u32 $0x2AAAAAAB, s9  }
0x3e3: {  	[smem:$0x6E8] =	sst s3;
	s3 =	spop (v2sf)  }
0x3e4: {  	[smem:$0x6EB] =	sst s7;
	s7 =	spop (v2sf)  }
0x3e5: {  	s8 =	smulhi.u32 $0x2AAAAAAB, s3;
	[smem:$0x6DF] =	sst s7  }
0x3e6: {  	p0 =	sne.s32 s2, $0x1C0;
	s2 =	smulhi.u32 $0x2AAAAAAB, s7;
	s7 =	spop (v2sf)  }
0x3e7: {  	[smem:$0x6F0] =	sst s8;
	s8 =	smulhi.u32 $0x2AAAAAAB, s7  }
0x3e8: {  	[smem:$0x6F1] =	sst s2  }
0x3e9: {  	s0 =	sshra.s32 s0, $0x1F;
	[smem:$0x6EF] =	sst s8;
	s8 =	spop (v2sf)  }
0x3ea: {  	s0 =	smul.u32 $0x2AAAAAAB, s0;
	[smem:$0x6E0] =	sst s8  }
0x3eb: {  	s2 =	smulhi.u32 $0x2AAAAAAB, s8;
	s8 =	spop (v2sf)  }
0x3ec: {  	s14 =	sshra.s32 s14, $0x1F;
	v4 =	vor.u32 s5, v1;
	[smem:$0x6E2] =	sst s0;
	s5 =	smulhi.u32 $0x2AAAAAAB, s8  }
0x3ed: {  	s12 =	sshra.s32 s12, $0x1F;
	[smem:$0x6ED] =	sst s2;
	s2 =	smul.u32 $0x2AAAAAAB, s14  }
0x3ee: {  	v4 =	vsub.s32 v4, v0;
	s14 =	sshra.s32 s21, $0x1F;
	s21 =	sshra.s32 s23, $0x1F;
	s23 =	sshra.s32 s24, $0x1F  }
0x3ef: {  	(v2sf) =	vpush v4, $0xF;
	[smem:$0x6EC] =	sst s5;
	s5 =	sshra.s32 s15, $0x1F;
	s15 =	smul.u32 $0x2AAAAAAB, s14  }
0x3f0: {  	[smem:$0x6E1] =	sst s2;
	s0 =	smul.u32 $0x2AAAAAAB, s5;
	s2 =	sshra.s32 s25, $0x1F  }
0x3f1: {  	(v2sf) =	vpush v4, $0xB;
	s25 =	sshra.s32 s31, $0x1F;
	[smem:$0x6F7] =	sst s15;
	s15 =	smul.u32 $0x2AAAAAAB, s2  }
0x3f2: {  	s24 =	sld [smem:$0x744];
	s5 =	sshra.s32 s28, $0x1F;
	s28 =	smul.u32 $0x2AAAAAAB, s25  }
0x3f3: {  	(v2sf) =	vpush v4, $0x6;
	s2 =	sshra.s32 s17, $0x1F;
	[smem:$0x6F6] =	sst s0;
	s0 =	smul.u32 $0x2AAAAAAB, s21  }
0x3f4: {  	(v2sf) =	vpush v4, $0xE;
	s14 =	sshra.s32 s1, $0x1F;
	s1 =	sshra.s32 s26, $0x1F;
	s26 =	smul.u32 $0x2AAAAAAB, s2  }
0x3f5: {  	(v2sf) =	vpush v4, $0xA;
	s21 =	sshra.s32 s30, $0x1F;
	s30 =	smul.u32 $0x2AAAAAAB, s12  }
0x3f6: {  	(v2sf) =	vpush v4, $0xD;
	[smem:$0x6E4] =	sst s0;
	s0 =	sshra.s32 s24, $0x1F;
	s24 =	smul.u32 $0x2AAAAAAB, s5  }
0x3f7: {  	(v2sf) =	vpush v4, $0x9;
	s5 =	sshra.s32 s16, $0x1F;
	s0 =	smul.u32 $0x2AAAAAAB, s0  }
0x3f8: {  	(v2sf) =	vpush v4, $0x5;
	s17 =	smul.u32 $0x2AAAAAAB, s5  }
0x3f9: {  	s5 =	sshra.s32 s4, $0x1F;
	[smem:$0x6F8] =	sst s0;
	s0 =	smul.u32 $0x2AAAAAAB, s14  }
0x3fa: {  	(v2sf) =	vpush v4, $0xC;
	s31 =	smul.u32 $0x2AAAAAAB, s5  }
0x3fb: {  	s6 =	sshra.s32 s6, $0x1F;
	(v2sf) =	vpush v4, $0x8;
	[smem:$0x6F9] =	sst s0;
	s0 =	smul.u32 $0x2AAAAAAB, s1  }
0x3fc: {  	s25 =	sshra.s32 s20, $0x1F;
	s20 =	sshra.s32 s13, $0x1F;
	(v2sf) =	vpush v4, $0x4;
	s5 =	smul.u32 $0x2AAAAAAB, s6  }
0x3fd: {  	s6 =	smul.u32 $0x2AAAAAAB, s20;
	s14 =	sshra.s32 s18, $0x1F;
	[smem:$0x6F2] =	sst s0  }
0x3fe: {  	(v2sf) =	vpush v4, $0x3;
	s16 =	spop (v2sf);
	s0 =	smul.u32 $0x2AAAAAAB, s14  }
0x3ff: {  	(v2sf) =	vpush v4, $0x2;
	s14 =	smul.u32 $0x2AAAAAAB, s25;
	[smem:$0x6FA] =	sst s16  }
0x400: {  	s18 =	sshra.s32 s19, $0x1F;
	(v2sf) =	vpush v4, $0x1;
	s19 =	spop (v2sf);
	[smem:$0x6F3] =	sst s0  }
0x401: {  	s10 =	sshra.s32 s10, $0x1F;
	(v2sf) =	vpush v4, $0x0;
	[smem:$0x6FB] =	sst s19;
	s19 =	smul.u32 $0x2AAAAAAB, s18  }
0x402: {  	s2 =	spop (v2sf);
	s0 =	smul.u32 $0x2AAAAAAB, s10  }
0x403: {  	s10 =	sld [smem:$0x6DF];
	s16 =	spop (v2sf)  }
0x404: {  	[smem:$0x6FC] =	sst s2;
	s18 =	spop (v2sf)  }
0x405: {  	[smem:$0x6FD] =	sst s16;
	s25 =	spop (v2sf)  }
0x406: {  	[smem:$0x6FE] =	sst s18;
	s1 =	spop (v2sf)  }
0x407: {  	s2 =	sshra.s32 s29, $0x1F;
	[smem:$0x6FF] =	sst s25;
	s4 =	spop (v2sf)  }
0x408: {  	s11 =	sshra.s32 s11, $0x1F;
	[smem:$0x701] =	sst s4;
	s4 =	smul.u32 $0x2AAAAAAB, s2  }
0x409: {  	s13 =	spop (v2sf);
	s2 =	smul.u32 $0x2AAAAAAB, s11  }
0x40a: {  	[smem:$0x702] =	sst s13;
	s18 =	spop (v2sf)  }
0x40b: {  	s16 =	sshra.s32 s22, $0x1F;
	[smem:$0x703] =	sst s18;
	s20 =	spop (v2sf)  }
0x40c: {  	s13 =	smul.u32 $0x2AAAAAAB, s16;
	[smem:$0x704] =	sst s20  }
0x40d: {  	s3 =	sshra.s32 s3, $0x1F;
	s22 =	spop (v2sf);
	s20 =	sld [smem:$0x6E0]  }
0x40e: {  	s18 =	smul.u32 $0x2AAAAAAB, s3;
	s3 =	sshra.s32 s10, $0x1F;
	s25 =	spop (v2sf)  }
0x40f: {  	s16 =	smul.u32 $0x2AAAAAAB, s3;
	s11 =	spop (v2sf)  }
0x410: {  	(v2sf) =	vpush v4, $0x7;
	s12 =	spop (v2sf);
	s3 =	sshra.s32 s20, $0x1F;
	s20 =	sld [smem:$0x6E2]  }
0x411: {  	[smem:$0x708] =	sst s12  }
0x412: {  	s12 =	sld [smem:$0x740]  }
0x413: {  	s9 =	sshra.s32 s9, $0x1F;
	[smem:$0x700] =	sst s1  }
0x414: {  	s7 =	sshra.s32 s7, $0x1F;
	s23 =	smul.u32 $0x2AAAAAAB, s23;
	s10 =	sld [smem:$0x741]  }
0x415: {  	s1 =	smul.u32 $0x2AAAAAAB, s9;
	s20 =	sadd.s32 s20, s12;
	s12 =	sld [smem:$0x6E5]  }
0x416: {  	s9 =	sshra.s32 s8, $0x1F;
	[smem:$0x705] =	sst s22;
	s22 =	smul.u32 $0x2AAAAAAB, s7  }
0x417: {  	s7 =	smul.u32 $0x2AAAAAAB, s9;
	s9 =	sld [smem:$0x746]  }
0x418: {  	s12 =	sadd.s32 s23, s12;
	s23 =	sld [smem:$0x747]  }
0x419: {  	[smem:$0x706] =	sst s25  }
0x41a: {  	[smem:$0x707] =	sst s11  }
0x41b: {  	s23 =	sadd.s32 s24, s23;
	s24 =	sld [smem:$0x74C]  }
0x41c: {  	s15 =	sadd.s32 s15, s9;
	s9 =	sld [smem:$0x749]  }
0x41d: {  	s21 =	smul.u32 $0x2AAAAAAB, s21;
	s11 =	sld [smem:$0x6E1]  }
0x41e: {  	s24 =	sadd.s32 s26, s24;
	s26 =	sld [smem:$0x74D]  }
0x41f: {  	s25 =	spop (v2sf);
	s21 =	sadd.s32 s21, s9;
	s9 =	sld [smem:$0x74F]  }
0x420: {  	[smem:$0x709] =	sst s25  }
0x421: {  	s17 =	sadd.s32 s17, s26;
	s26 =	sld [smem:$0x6E6]  }
0x422: {  	s19 =	sadd.s32 s19, s9;
	s9 =	sld [smem:$0x6E7]  }
0x423: {  	s25 =	sadd.s32 s11, s10;
	s10 =	sld [smem:$0x6E3]  }
0x424: {  	s8 =	sadd.s32 s5, s26;
	s26 =	sld [smem:$0x750]  }
0x425: {  	s9 =	sadd.s32 s6, s9;
	s6 =	sld [smem:$0x6E8]  }
0x426: {  	s11 =	sld [smem:$0x6E4]  }
0x427: {  	s14 =	sadd.s32 s14, s26;
	s26 =	sld [smem:$0x6E9]  }
0x428: {  	s0 =	sadd.s32 s0, s6;
	s6 =	sld [smem:$0x6EA]  }
0x429: {  	s11 =	sadd.s32 s11, s10;
	s10 =	sld [smem:$0x74A]  }
0x42a: {  	s4 =	sadd.s32 s4, s26;
	s26 =	sld [smem:$0x6EB]  }
0x42b: {  	s2 =	sadd.s32 s2, s6;
	s6 =	sld [smem:$0x6EC]  }
0x42c: {  	s3 =	smul.u32 $0x2AAAAAAB, s3;
	s10 =	sadd.s32 s28, s10  }
0x42d: {  	s28 =	sshrl.u32 s2, $0x1F;
	s1 =	sadd.s32 s1, s26;
	s26 =	sld [smem:$0x6ED]  }
0x42e: {  	s2 =	sshrl.u32 s2, $0x6;
	v8 =	vmov s28;
	s28 =	sld [smem:$0x703];
	s7 =	sadd.s32 s7, s6  }
0x42f: {  	v12 =	vmov s2;
	s2 =	sshrl.u32 s14, $0x6;
	s5 =	sshrl.u32 s1, $0x1F;
	s1 =	sshrl.u32 s1, $0x6  }
0x430: {  	v14 =	vmov s1;
	s1 =	sshrl.u32 s7, $0x6;
	s6 =	sadd.s32 s3, s26;
	s26 =	sshrl.u32 s4, $0x1F  }
0x431: {  	s4 =	sshrl.u32 s4, $0x6;
	s3 =	sshrl.u32 s0, $0x1F;
	s0 =	sshrl.u32 s0, $0x6  }
0x432: {  	v11 =	vmov s5;
	v5 =	vmov s26;
	v9 =	vmov s4;
	s5 =	sshrl.u32 s6, $0x1F;
	s26 =	sshrl.u32 s7, $0x1F;
	s4 =	sshrl.u32 s6, $0x6  }
0x433: {  	s6 =	sshrl.u32 s14, $0x1F;
	s7 =	sshrl.u32 s19, $0x6;
	s14 =	sld [smem:$0x6F1]  }
0x434: {  	v15 =	vmov s5;
	s5 =	sshrl.u32 s19, $0x1F;
	s19 =	sshrl.u32 s8, $0x1F;
	v9 =	vsel vm0, s7, v9;
	s7 =	sld [smem:$0x6EE]  }
0x435: {  	v10 =	vmov s3;
	v16 =	vmov s26;
	v18 =	vmov s4;
	s26 =	sshrl.u32 s9, $0x1F;
	s4 =	sshrl.u32 s8, $0x6;
	s8 =	sld [smem:$0x6EF]  }
0x436: {  	v13 =	vmov s0;
	v8 =	vsel vm0, s6, v8;
	s6 =	sshrl.u32 s9, $0x6;
	s9 =	sld [smem:$0x6F0];
	v10 =	vsel vm0, s19, v10;
	s19 =	sshrl.u32 s10, $0x1F  }
0x437: {  	v11 =	vsel vm0, s26, v11;
	v13 =	vsel vm0, s4, v13;
	v14 =	vsel vm0, s6, v14;
	s26 =	sshrl.u32 s17, $0x1F;
	s4 =	sshrl.u32 s10, $0x6;
	s6 =	sld [smem:$0x6F2]  }
0x438: {  	v12 =	vsel vm0, s2, v12;
	v17 =	vmov s1;
	s1 =	sadd.s32 s16, s14;
	s14 =	sshrl.u32 s11, $0x1F;
	s16 =	sshrl.u32 s12, $0x1F  }
0x439: {  	v8 =	vsel vm1, s19, v8;
	v12 =	vsel vm1, s4, v12;
	s19 =	sshrl.u32 s23, $0x1F;
	s4 =	sld [smem:$0x74B];
	s0 =	sadd.s32 s22, s8  }
0x43a: {  	v11 =	vsel vm1, s26, v11;
	s8 =	sshrl.u32 s17, $0x6;
	s17 =	sshrl.u32 s11, $0x6;
	s11 =	sld [smem:$0x6F4]  }
0x43b: {  	s23 =	sshrl.u32 s23, $0x6;
	s13 =	sadd.s32 s13, s7;
	v11 =	vsel vm2, s19, v11;
	s19 =	sld [smem:$0x743]  }
0x43c: {  	v5 =	vsel vm0, s5, v5;
	v15 =	vnsel vm3, $0x0, v15;
	s5 =	sadd.s32 s18, s9;
	s9 =	sshrl.u32 s1, $0x1F;
	v14 =	vsel vm1, s8, v14;
	s8 =	sld [smem:$0x74E]  }
0x43d: {  	s18 =	sshrl.u32 s21, $0x1F;
	s21 =	sshrl.u32 s21, $0x6;
	v15 =	vsel vm0, s9, v15;
	s9 =	sld [smem:$0x6F3]  }
0x43e: {  	s22 =	sshrl.u32 s24, $0x1F;
	v9 =	vsel vm1, s21, v9;
	s21 =	sshrl.u32 s12, $0x6;
	s12 =	sld [smem:$0x6F5]  }
0x43f: {  	s7 =	sshrl.u32 s24, $0x6;
	v5 =	vsel vm1, s18, v5;
	v10 =	vsel vm1, s22, v10;
	s18 =	sshrl.u32 s15, $0x1F;
	v9 =	vsel vm2, s17, v9;
	s17 =	sld [smem:$0x742]  }
0x440: {  	s1 =	sshrl.u32 s1, $0x6;
	s10 =	sshrl.u32 s0, $0x1F;
	v10 =	vsel vm2, s18, v10;
	s18 =	sld [smem:$0x6F6]  }
0x441: {  	v13 =	vsel vm1, s7, v13;
	s0 =	sshrl.u32 s0, $0x6;
	s22 =	sshrl.u32 s15, $0x6;
	v12 =	vsel vm2, s21, v12;
	s21 =	sld [smem:$0x6F7]  }
0x442: {  	v18 =	vnsel vm3, $0x0, v18;
	s24 =	sshrl.u32 s13, $0x1F;
	s26 =	sshrl.u32 s5, $0x1F;
	v13 =	vsel vm2, s22, v13;
	s22 =	sld [smem:$0x745]  }
0x443: {  	v16 =	vnsel vm3, $0x0, v16;
	v18 =	vsel vm0, s1, v18;
	s7 =	sshrl.u32 s13, $0x6;
	v14 =	vsel vm2, s23, v14;
	s1 =	sadd.s32 s6, s4;
	s23 =	sld [smem:$0x6F8]  }
0x444: {  	v16 =	vsel vm0, s10, v16;
	v15 =	vsel vm1, s24, v15;
	s10 =	sshrl.u32 s5, $0x6;
	s24 =	sld [smem:$0x748];
	s4 =	sadd.s32 s31, s11  }
0x445: {  	v17 =	vnsel vm3, $0x0, v17;
	v16 =	vsel vm1, s26, v16;
	s15 =	sshrl.u32 s1, $0x1F;
	s1 =	sshrl.u32 s1, $0x6;
	s26 =	sld [smem:$0x6F9]  }
0x446: {  	v17 =	vsel vm0, s0, v17;
	s11 =	sshrl.u32 s25, $0x1F;
	s0 =	sadd.s32 s9, s8;
	s2 =	sadd.s32 s30, s12  }
0x447: {  	s13 =	sshrl.u32 s4, $0x1F;
	s4 =	sshrl.u32 s4, $0x6;
	s12 =	sshrl.u32 s25, $0x6  }
0x448: {  	v8 =	vsel vm2, s16, v8;
	v5 =	vsel vm2, s14, v5;
	s30 =	sld [smem:$0x704];
	s14 =	sshrl.u32 s2, $0x1F;
	s2 =	sshrl.u32 s2, $0x6  }
0x449: {  	v5 =	vcombine.low v8, v5;
	v8 =	vsel vm1, s7, v18;
	v57 =	vsel vm1, s10, v17;
	s16 =	sshrl.u32 s0, $0x1F;
	s3 =	sadd.s32 s21, s19;
	s0 =	sshrl.u32 s0, $0x6  }
0x44a: {  	v10 =	vcombine.low v11, v10;
	v8 =	vsel vm2, s4, v8;
	s4 =	sadd.s32 s23, s22;
	s22 =	sld [smem:$0x6FE];
	v11 =	vsel vm2, s2, v57;
	s2 =	sadd.s32 s18, s17  }
0x44b: {  	v59 =	vsel vm2, s13, v15;
	v60 =	vsel vm2, s14, v16;
	v8 =	vsel vm4, s1, v8;
	s1 =	sadd.s32 s26, s24;
	s6 =	sshrl.u32 s4, $0x1F;
	s14 =	sld [smem:$0x6FA]  }
0x44c: {  	v58 =	vcombine.low v14, v13;
	v13 =	vsel vm4, s15, v59;
	s24 =	sld [smem:$0x700];
	v14 =	vsel vm4, s16, v60;
	s5 =	sshrl.u32 s1, $0x1F;
	s16 =	smulhi.u32 $0x2AAAAAAB, s28  }
0x44d: {  	v11 =	vsel vm4, s0, v11;
	s1 =	sshrl.u32 s1, $0x6;
	v13 =	vsel vm5, s6, v13;
	s7 =	sshrl.u32 s2, $0x1F;
	s17 =	smulhi.u32 $0x2AAAAAAB, s30  }
0x44e: {  	s25 =	sld [smem:$0x701];
	s9 =	sshrl.u32 s3, $0x6;
	v11 =	vsel vm5, s1, v11;
	v13 =	vsel vm6, s7, v13;
	s7 =	smulhi.u32 $0x2AAAAAAB, s22  }
0x44f: {  	s8 =	sshrl.u32 s3, $0x1F;
	s26 =	sld [smem:$0x702];
	v14 =	vsel vm5, s5, v14;
	v11 =	vsel vm6, s9, v11;
	s9 =	smulhi.u32 $0x2AAAAAAB, s14  }
0x450: {  	s13 =	sshrl.u32 s20, $0x1F;
	v14 =	vsel vm6, s8, v14;
	s8 =	smulhi.u32 $0x2AAAAAAB, s24  }
0x451: {  	s23 =	sld [smem:$0x6FF];
	s10 =	sshrl.u32 s2, $0x6;
	v13 =	vsel vm7, s13, v13;
	s13 =	smulhi.u32 $0x2AAAAAAB, s25  }
0x452: {  	s2 =	sld [smem:$0x706];
	s22 =	sshra.s32 s22, $0x1F;
	s15 =	smulhi.u32 $0x2AAAAAAB, s26  }
0x453: {  	s19 =	rddreg [dreg:$0x6];
	s4 =	sshrl.u32 s4, $0x6;
	s22 =	smul.u32 $0x2AAAAAAB, s22  }
0x454: {  	s21 =	sshra.s32 s19, $0x2;
	v8 =	vsel vm5, s4, v8;
	s0 =	rddreg [dreg:$0x19];
	v11 =	vsel vm7, s12, v11;
	s12 =	smulhi.u32 $0x2AAAAAAB, s23  }
0x455: {  	v8 =	vsel vm6, s10, v8;
	s10 =	sshrl.u32 s20, $0x6;
	s6 =	sshra.s32 s14, $0x1F;
	s19 =	smulhi.u32 $0x2AAAAAAB, s2  }
0x456: {  	s20 =	sld [smem:$0x6FD];
	s24 =	sshra.s32 s24, $0x1F;
	s6 =	smul.u32 $0x2AAAAAAB, s6  }
0x457: {  	s3 =	smov.u32 s0;
	s25 =	sshra.s32 s25, $0x1F;
	s24 =	smul.u32 $0x2AAAAAAB, s24  }
0x458: {  	s0 =	sld [smem:$0x705];
	s26 =	sshra.s32 s26, $0x1F;
	s25 =	smul.u32 $0x2AAAAAAB, s25  }
0x459: {  	s26 =	smul.u32 $0x2AAAAAAB, s26  }
0x45a: {  	s31 =	sld [smem:$0x707];
	s5 =	smulhi.u32 $0x2AAAAAAB, s20  }
0x45b: {  	v8 =	vsel vm7, s10, v8;
	s10 =	sld [smem:$0x6FC];
	s23 =	sshra.s32 s23, $0x1F;
	s4 =	smulhi.u32 $0x2AAAAAAB, s0  }
0x45c: {  	[dreg:$0x6] =	wrdreg s3;
	s2 =	sshra.s32 s2, $0x1F;
	s23 =	smul.u32 $0x2AAAAAAB, s23  }
0x45d: {  	v9 =	vcombine.low v12, v9;
	v14 =	vsel vm7, s11, v14;
	s11 =	sld [smem:$0x6FB];
	s2 =	smul.u32 $0x2AAAAAAB, s2  }
0x45e: {  	v5 =	vperm.xlane v5, v2;
	v10 =	vperm.xlane v10, v2;
	s3 =	sld [smem:$0x708];
	s20 =	sshra.s32 s20, $0x1F;
	s18 =	smulhi.u32 $0x2AAAAAAB, s10  }
0x45f: {  	v9 =	vperm.xlane v9, v2;
	v12 =	vperm.xlane v58, v2;
	[smem:$0x70A] =	sst s9;
	s20 =	smul.u32 $0x2AAAAAAB, s20  }
0x460: {  	v14 =	vperm.xlane v14, v3;
	v11 =	vperm.xlane v11, v3;
	s10 =	sshra.s32 s10, $0x1F;
	s15 =	sadd.s32 s26, s15;
	s29 =	smulhi.u32 $0x2AAAAAAB, s11  }
0x461: {  	v13 =	vperm.xlane v13, v3;
	v8 =	vperm.xlane v8, v3;
	s8 =	sadd.s32 s24, s8;
	[smem:$0x70B] =	sst s4;
	s1 =	smul.u32 $0x2AAAAAAB, s10  }
0x462: {  	v10 =	vsel vm8, v14, v10;
	v11 =	vsel vm8, v11, v12;
	s9 =	sshra.s32 s11, $0x1F;
	[smem:$0x70C] =	sst s18;
	s18 =	smulhi.u32 $0x2AAAAAAB, s31  }
0x463: {  	v5 =	vsel vm8, v13, v5;
	v8 =	vsel vm8, v8, v9;
	s4 =	sld [smem:$0x709];
	s10 =	sshra.s32 s30, $0x1F;
	v10 =	vadd.s32 v10, v11;
	s11 =	smul.u32 $0x2AAAAAAB, s9  }
0x464: {  	v5 =	vadd.s32 v5, v8;
	s12 =	sadd.s32 s23, s12;
	s30 =	smul.u32 $0x2AAAAAAB, s10;
	s31 =	sshra.s32 s31, $0x1F;
	v61 =	vmul.u32 $0x180, v10  }
0x465: {  	v5 =	vmul.u32 $0x180, v5;
	s9 =	sld [smem:$0x70A];
	s20 =	sadd.s32 s20, s5;
	s31 =	smul.u32 $0x2AAAAAAB, s31  }
0x466: {  	[smem:$0x70D] =	sst s1;
	s1 =	sshra.s32 s28, $0x1F;
	s14 =	smulhi.u32 $0x2AAAAAAB, s4;
	v7 =	vsub.s32 v7, v61  }
0x467: {  	v5 =	vsub.s32 v6, v5;
	s28 =	smul.u32 $0x2AAAAAAB, s1;
	s1 =	sshra.s32 s0, $0x1F;
	s4 =	sshra.s32 s4, $0x1F;
	v6 =	vmul.u32 $0x180, v7  }
0x468: {  	s5 =	sadd.s32 s30, s17;
	s17 =	sshrl.u32 s15, $0x1F;
	v5 =	vadd.s32 v0, v5;
	s10 =	smul.u32 $0x2AAAAAAB, s1  }
0x469: {  	s9 =	sadd.s32 s6, s9;
	s6 =	sadd.s32 s11, s29;
	s0 =	smul.u32 $0x2AAAAAAB, s4;
	v5 =	vadd.s32 v6, v5  }
0x46a: {  	s11 =	sadd.s32 s22, s7;
	[tilespmem:s21+$0x100] =	vst v5;
	s21 =	smulhi.u32 $0x2AAAAAAB, s3;
	s3 =	sshra.s32 s3, $0x1F  }
0x46b: {  	s4 =	sadd.s32 s25, s13;
	s7 =	sadd.s32 s2, s19;
	s1 =	smul.u32 $0x2AAAAAAB, s3  }
0x46c: {  	s2 =	sshra.s32 s12, $0x6;
	s25 =	sadd.s32 s28, s16;
	s3 =	sadd.s32 s0, s14  }
0x46d: {  	s23 =	sshra.s32 s25, $0x6;
	s16 =	sshra.s32 s3, $0x1F;
	s26 =	sadd.s32 s1, s21  }
0x46e: {  	v6 =	vmov s17;
	s17 =	sld [smem:$0x70B];
	s14 =	sadd.s32 s31, s18;
	v5 =	vmov s16;
	s18 =	sshra.s32 s26, $0x6  }
0x46f: {  	s13 =	sshra.s32 s8, $0x6;
	s19 =	sshrl.u32 s25, $0x1F;
	v63 =	vmov s23;
	s22 =	sshra.s32 s26, $0x1F;
	v5 =	vsel vm3, s18, v5  }
0x470: {  	s25 =	sshrl.u32 s12, $0x1F;
	s23 =	sshra.s32 s11, $0x6;
	v10 =	vsel vm0, s13, v63;
	s24 =	sshra.s32 s14, $0x6;
	v5 =	vsel vm9, s22, v5  }
0x471: {  	v7 =	vmov s19;
	s13 =	sshra.s32 s6, $0x6;
	v10 =	vsel vm1, s23, v10;
	s10 =	sadd.s32 s10, s17;
	s1 =	sshra.s32 s14, $0x1F;
	v5 =	vsel vm0, s24, v5  }
0x472: {  	v6 =	vsel vm0, s25, v6;
	v10 =	vsel vm2, s13, v10;
	s21 =	sshra.s32 s15, $0x6;
	s15 =	sshra.s32 s7, $0x6;
	s16 =	sshrl.u32 s20, $0x1F;
	v5 =	vsel vm10, s1, v5  }
0x473: {  	s0 =	sshrl.u32 s26, $0x1F;
	v8 =	vmov s21;
	s26 =	sshrl.u32 s8, $0x1F;
	v6 =	vsel vm1, s16, v6;
	s18 =	sshra.s32 s7, $0x1F;
	v5 =	vsel vm1, s15, v5  }
0x474: {  	s19 =	sshrl.u32 s11, $0x1F;
	s25 =	sshrl.u32 s9, $0x1F;
	s21 =	sshra.s32 s10, $0x6;
	v62 =	vmov s0;
	v7 =	vsel vm0, s26, v7;
	v5 =	vsel vm11, s18, v5  }
0x475: {  	s17 =	sld [smem:$0x70D];
	s20 =	sshra.s32 s20, $0x6;
	v8 =	vsel vm0, s2, v8;
	v6 =	vsel vm2, s25, v6;
	s24 =	sshra.s32 s10, $0x1F;
	v5 =	vsel vm2, s21, v5  }
0x476: {  	s16 =	sld [smem:$0x70C];
	s2 =	sshra.s32 s5, $0x6;
	v9 =	vnsel vm3, $0x0, v62;
	v7 =	vsel vm1, s19, v7;
	s22 =	sshrl.u32 s14, $0x1F;
	v5 =	vsel vm12, s24, v5  }
0x477: {  	s11 =	sshra.s32 s5, $0x1F;
	s8 =	sshrl.u32 s7, $0x1F;
	s26 =	sshrl.u32 s6, $0x1F;
	v8 =	vsel vm1, s20, v8;
	v9 =	vsel vm0, s22, v9;
	v5 =	vsel vm4, s2, v5  }
0x478: {  	s9 =	sshra.s32 s9, $0x6;
	s12 =	sshrl.u32 s10, $0x1F;
	s14 =	sshra.s32 s4, $0x6;
	v7 =	vsel vm2, s26, v7;
	v9 =	vsel vm1, s8, v9;
	v5 =	vsel vm13, s11, v5  }
0x479: {  	v8 =	vsel vm2, s9, v8;
	v9 =	vsel vm2, s12, v9;
	s15 =	sshrl.u32 s5, $0x1F;
	s5 =	sadd.s32 s17, s16;
	s18 =	sshra.s32 s4, $0x1F;
	v5 =	vsel vm5, s14, v5  }
0x47a: {  	s19 =	sshrl.u32 s4, $0x1F;
	v6 =	vcombine.low v7, v6;
	v7 =	vsel vm4, s15, v9;
	s20 =	sshra.s32 s5, $0x6;
	v5 =	vsel vm14, s18, v5  }
0x47b: {  	v8 =	vcombine.low v10, v8;
	s22 =	sshra.s32 s5, $0x1F;
	v7 =	vsel vm5, s19, v7;
	s21 =	sshrl.u32 s5, $0x1F;
	v5 =	vsel vm6, s20, v5  }
0x47c: {  	s23 =	sshrl.u32 s3, $0x1F;
	v6 =	vperm.xlane v6, v2;
	v7 =	vsel vm6, s21, v7;
	s24 =	sshra.s32 s3, $0x6;
	v5 =	vsel vm15, s22, v5  }
0x47d: {  	v8 =	vperm.xlane v8, v2;
	v7 =	vsel vm7, s23, v7;
	v5 =	vsel vm7, s24, v5  }
0x47e: {  	v7 =	vperm.xlane v7, v3;
	v5 =	vperm.xlane v5, v3;
	_ =	sdelay $0x1  }
0x47f: {  	v6 =	vsel vm8, v7, v6;
	v5 =	vsel vm8, v5, v8  }
0x480: {  	v5 =	vadd.s32 v6, v5  }
0x481: {  	v6 =	vmul.u32 $0xFFFFFE80, v5;
	_ =	sdelay $0x1  }
0x482: {  	v4 =	vadd.s32 v4, v6  }
0x483: {  	v6 =	vmul.u32 $0x3A, v5;
	v7 =	vmul.u32 $0x29, v4  }
0x484: {  	v5 =	vmul.u32 $0x29, v5;
	v4 =	vmul.u32 $0x1D, v4  }
0x485: {  	v6 =	vadd.s32 v7, v6  }
0x486: {  	v7 =	vadd.s32 v4, v5;
	(v2sf) =	vpush v6, $0x7  }
0x487: {  	(v2sf) =	vpush v7, $0x7  }
0x488: {  	(v2sf) =	vpush v6, $0x6  }
0x489: {  	(v2sf) =	vpush v7, $0x6  }
0x48a: {  	(v2sf) =	vpush v6, $0xF  }
0x48b: {  	(v2sf) =	vpush v6, $0xB  }
0x48c: {  	(v2sf) =	vpush v6, $0x5  }
0x48d: {  	(v2sf) =	vpush v7, $0xF  }
0x48e: {  	(v2sf) =	vpush v7, $0xB  }
0x48f: {  	(v2sf) =	vpush v7, $0x5  }
0x490: {  	(v2sf) =	vpush v6, $0xE  }
0x491: {  	(v2sf) =	vpush v6, $0xA  }
0x492: {  	(v2sf) =	vpush v6, $0x4  }
0x493: {  	(v2sf) =	vpush v7, $0xE;
	_ =	sdelay $0x1  }
0x494: {  	s0 =	spop (v2sf)  }
0x495: {  	s5 =	sld [smem:$0x70E];
	(v2sf) =	vpush v7, $0xA;
	s14 =	spop (v2sf)  }
0x496: {  	s25 =	smulhi.u32 $0x2AAAAAAB, s0;
	s15 =	spop (v2sf)  }
0x497: {  	s26 =	smulhi.u32 $0x2AAAAAAB, s14;
	s21 =	spop (v2sf)  }
0x498: {  	(v2sf) =	vpush v7, $0x4;
	[smem:$0x740] =	sst s25;
	s23 =	spop (v2sf)  }
0x499: {  	s3 =	smulhi.u32 $0x2AAAAAAB, s15;
	s24 =	spop (v2sf)  }
0x49a: {  	[smem:$0x741] =	sst s26;
	s6 =	spop (v2sf)  }
0x49b: {  	(v2sf) =	vpush v6, $0xD;
	s1 =	smulhi.u32 $0x2AAAAAAB, s6;
	s25 =	spop (v2sf)  }
0x49c: {  	s4 =	smulhi.u32 $0x2AAAAAAB, s21;
	s28 =	spop (v2sf)  }
0x49d: {  	[smem:$0x745] =	sst s1;
	s1 =	spop (v2sf)  }
0x49e: {  	(v2sf) =	vpush v6, $0x9;
	s13 =	smulhi.u32 $0x2AAAAAAB, s23;
	s30 =	spop (v2sf)  }
0x49f: {  	s7 =	smulhi.u32 $0x2AAAAAAB, s25;
	s31 =	spop (v2sf)  }
0x4a0: {  	s8 =	smulhi.u32 $0x2AAAAAAB, s28;
	s26 =	spop (v2sf)  }
0x4a1: {  	(v2sf) =	vpush v6, $0x3;
	s9 =	smulhi.u32 $0x2AAAAAAB, s1;
	s17 =	spop (v2sf)  }
0x4a2: {  	s2 =	rddreg [dreg:$0x19];
	s16 =	smulhi.u32 $0x2AAAAAAB, s17  }
0x4a3: {  	[smem:$0x742] =	sst s3;
	s10 =	smulhi.u32 $0x2AAAAAAB, s30  }
0x4a4: {  	(v2sf) =	vpush v7, $0xD;
	[smem:$0x74C] =	sst s16;
	s16 =	spop (v2sf)  }
0x4a5: {  	(v2sf) =	vpush v7, $0x9;
	[smem:$0x743] =	sst s4;
	s18 =	smulhi.u32 $0x2AAAAAAB, s16  }
0x4a6: {  	(v2sf) =	vpush v7, $0x3;
	[smem:$0x744] =	sst s6;
	s11 =	smulhi.u32 $0x2AAAAAAB, s31  }
0x4a7: {  	(v2sf) =	vpush v6, $0xC;
	[smem:$0x74D] =	sst s18;
	s18 =	spop (v2sf)  }
0x4a8: {  	(v2sf) =	vpush v6, $0x8;
	[smem:$0x746] =	sst s7;
	s19 =	smulhi.u32 $0x2AAAAAAB, s18  }
0x4a9: {  	(v2sf) =	vpush v6, $0x2;
	[smem:$0x747] =	sst s8;
	s12 =	smulhi.u32 $0x2AAAAAAB, s26  }
0x4aa: {  	(v2sf) =	vpush v7, $0xC;
	[smem:$0x74E] =	sst s19;
	s19 =	spop (v2sf)  }
0x4ab: {  	(v2sf) =	vpush v7, $0x8;
	[smem:$0x748] =	sst s9;
	s20 =	smulhi.u32 $0x2AAAAAAB, s19  }
.Ltmp4:
0x4ac: {  	(v2sf) =	vpush v7, $0x2;
	[smem:$0x749] =	sst s10;
	(pc) =	sbr.rel @p0 .LBB2_6-.Ltmp4, $4  }
0x4ad: {  	(v2sf) =	vpush v6, $0x1;
	[smem:$0x74F] =	sst s20;
	s20 =	spop (v2sf)  }
0x4ae: {  	[smem:$0x74A] =	sst s11;
	(v2sf) =	vpush v7, $0x1;
	s22 =	smulhi.u32 $0x2AAAAAAB, s20  }
0x4af: {  	s29 =	smulhi.u32 $0x2AAAAAAB, s24;
	[smem:$0x74B] =	sst s12;
	(v2sf) =	vpush v6, $0x0  }
0x4b0: {  	s2 =	sadd.s32 $0x40, s2;
	(v2sf) =	vpush v7, $0x0;
	s4 =	spop (v2sf);
	[smem:$0x750] =	sst s22  }
0x4b1: {  	s2 =	sshra.s32 s15, $0x1F  }
0x4b2: {  	s3 =	sshra.s32 s21, $0x1F;
	s2 =	smul.u32 $0x2AAAAAAB, s2  }
0x4b3: {  	s9 =	sshra.s32 s24, $0x1F;
	s7 =	smul.u32 $0x2AAAAAAB, s3  }
0x4b4: {  	s21 =	sshra.s32 s26, $0x1F;
	s5 =	smul.u32 $0x2AAAAAAB, s9  }
0x4b5: {  	s8 =	sshra.s32 s23, $0x1F;
	s6 =	sshra.s32 s17, $0x1F;
	s3 =	smul.u32 $0x2AAAAAAB, s21  }
0x4b6: {  	[smem:$0x6D7] =	sst s14;
	s22 =	sshra.s32 s16, $0x1F;
	s14 =	smul.u32 $0x2AAAAAAB, s6  }
0x4b7: {  	s10 =	sshra.s32 s25, $0x1F;
	s23 =	sshra.s32 s18, $0x1F;
	s25 =	smul.u32 $0x2AAAAAAB, s22  }
0x4b8: {  	s26 =	sshra.s32 s20, $0x1F;
	s24 =	smul.u32 $0x2AAAAAAB, s23  }
0x4b9: {  	s1 =	sshra.s32 s1, $0x1F;
	s20 =	smul.u32 $0x2AAAAAAB, s26  }
0x4ba: {  	s9 =	sshra.s32 s19, $0x1F;
	s1 =	smul.u32 $0x2AAAAAAB, s1  }
0x4bb: {  	s18 =	sld [smem:$0x747];
	s22 =	smul.u32 $0x2AAAAAAB, s9  }
0x4bc: {  	[smem:$0x6DC] =	sst s2;
	s2 =	smul.u32 $0x2AAAAAAB, s8  }
0x4bd: {  	s11 =	sshra.s32 s28, $0x1F;
	[smem:$0x6DD] =	sst s7;
	s7 =	smul.u32 $0x2AAAAAAB, s10  }
0x4be: {  	s12 =	sshra.s32 s30, $0x1F;
	s6 =	sld [smem:$0x746];
	s8 =	smul.u32 $0x2AAAAAAB, s11  }
0x4bf: {  	s15 =	sshra.s32 s31, $0x1F;
	s28 =	spop (v2sf);
	s10 =	smul.u32 $0x2AAAAAAB, s12  }
0x4c0: {  	s11 =	smul.u32 $0x2AAAAAAB, s15;
	[smem:$0x6D5] =	sst s3  }
0x4c1: {  	[smem:$0x6D6] =	sst s24;
	s23 =	smulhi.u32 $0x2AAAAAAB, s28;
	s9 =	sshra.s32 s28, $0x1F  }
0x4c2: {  	s30 =	spop (v2sf);
	s16 =	sadd.s32 s5, s29;
	s29 =	sld [smem:$0x749]  }
0x4c3: {  	s5 =	sld [smem:$0x74A];
	s24 =	smul.u32 $0x2AAAAAAB, s9  }
0x4c4: {  	s28 =	smulhi.u32 $0x2AAAAAAB, s30;
	s9 =	sshra.s32 s30, $0x1F;
	s21 =	spop (v2sf)  }
0x4c5: {  	[smem:$0x6D9] =	sst s16;
	s30 =	smul.u32 $0x2AAAAAAB, s9  }
0x4c6: {  	s3 =	spop (v2sf);
	s2 =	sadd.s32 s2, s13;
	s13 =	sld [smem:$0x74D]  }
0x4c7: {  	s31 =	smulhi.u32 $0x2AAAAAAB, s3;
	s12 =	sshra.s32 s3, $0x1F;
	s3 =	sadd.s32 s7, s6  }
0x4c8: {  	s9 =	spop (v2sf);
	[smem:$0x6D8] =	sst s2;
	s2 =	sadd.s32 s8, s18  }
0x4c9: {  	s29 =	sadd.s32 s10, s29;
	s8 =	sld [smem:$0x74C];
	s15 =	smul.u32 $0x2AAAAAAB, s12  }
0x4ca: {  	s24 =	sadd.s32 s24, s23;
	[smem:$0x6DA] =	sst s3;
	s19 =	smulhi.u32 $0x2AAAAAAB, s9  }
0x4cb: {  	s12 =	sshra.s32 s9, $0x1F;
	s17 =	spop (v2sf);
	[smem:$0x6DB] =	sst s2  }
0x4cc: {  	s23 =	sadd.s32 s30, s28;
	s30 =	sld [smem:$0x750];
	s9 =	smul.u32 $0x2AAAAAAB, s12  }
0x4cd: {  	s12 =	smulhi.u32 $0x2AAAAAAB, s17;
	s26 =	spop (v2sf);
	s2 =	sshra.s32 s17, $0x1F  }
0x4ce: {  	s13 =	sadd.s32 s25, s13;
	s25 =	sld [smem:$0x74F];
	s16 =	smulhi.u32 $0x2AAAAAAB, s26  }
0x4cf: {  	s17 =	sshra.s32 s26, $0x1F;
	s10 =	smul.u32 $0x2AAAAAAB, s2;
	s3 =	spop (v2sf)  }
0x4d0: {  	s26 =	sadd.s32 s11, s5;
	s15 =	sadd.s32 s15, s31;
	s11 =	smul.u32 $0x2AAAAAAB, s17  }
0x4d1: {  	s6 =	spop (v2sf);
	s7 =	smulhi.u32 $0x2AAAAAAB, s3;
	s18 =	sshra.s32 s3, $0x1F  }
0x4d2: {  	s17 =	sadd.s32 s14, s8;
	s28 =	sadd.s32 s20, s30;
	s14 =	smul.u32 $0x2AAAAAAB, s18  }
0x4d3: {  	s5 =	spop (v2sf);
	s8 =	smulhi.u32 $0x2AAAAAAB, s6;
	s2 =	sshra.s32 s6, $0x1F  }
0x4d4: {  	s9 =	sadd.s32 s9, s19;
	s18 =	spop (v2sf);
	s6 =	smul.u32 $0x2AAAAAAB, s2  }
0x4d5: {  	s25 =	sadd.s32 s22, s25;
	s3 =	spop (v2sf);
	s20 =	smulhi.u32 $0x2AAAAAAB, s18  }
0x4d6: {  	s30 =	sadd.s32 s11, s16;
	s19 =	sshra.s32 s18, $0x1F;
	s11 =	smulhi.u32 $0x2AAAAAAB, s3  }
0x4d7: {  	s16 =	sadd.s32 s10, s12;
	s2 =	spop (v2sf);
	s19 =	smul.u32 $0x2AAAAAAB, s19  }
0x4d8: {  	s10 =	sld [smem:$0x74B];
	s3 =	sshra.s32 s3, $0x1F;
	s22 =	smulhi.u32 $0x2AAAAAAB, s2  }
0x4d9: {  	s12 =	sld [smem:$0x6D5];
	s2 =	sshra.s32 s2, $0x1F;
	s3 =	smul.u32 $0x2AAAAAAB, s3  }
0x4da: {  	s18 =	sadd.s32 s14, s7;
	s14 =	sld [smem:$0x74E];
	s2 =	smul.u32 $0x2AAAAAAB, s2  }
0x4db: {  	s3 =	sadd.s32 s3, s11;
	s11 =	sadd.s32 s6, s8;
	s6 =	smulhi.u32 $0x2AAAAAAB, s4  }
0x4dc: {  	s2 =	sadd.s32 s2, s22;
	s22 =	smulhi.u32 $0x2AAAAAAB, s5;
	s5 =	sshra.s32 s5, $0x1F  }
0x4dd: {  	s7 =	sshra.s32 s4, $0x1F;
	s8 =	sld [smem:$0x744];
	s5 =	smul.u32 $0x2AAAAAAB, s5  }
0x4de: {  	s20 =	sadd.s32 s19, s20;
	s19 =	sld [smem:$0x6D6];
	s4 =	smul.u32 $0x2AAAAAAB, s7  }
0x4df: {  	s7 =	sadd.s32 s12, s10;
	s12 =	sshra.s32 s21, $0x1F;
	s22 =	sadd.s32 s5, s22  }
0x4e0: {  	s5 =	sshra.s32 s8, $0x1F;
	s8 =	sadd.s32 s4, s6;
	s4 =	sshra.s32 s0, $0x1F  }
0x4e1: {  	s10 =	smul.u32 $0x2AAAAAAB, s5;
	s5 =	sadd.s32 s19, s14;
	s19 =	sld [smem:$0x6D7]  }
0x4e2: {  	s6 =	sshrl.u32 s15, $0x1F;
	s14 =	smulhi.u32 $0x2AAAAAAB, s21;
	s21 =	sshrl.u32 s9, $0x1F  }
0x4e3: {  	s9 =	sshrl.u32 s9, $0x6;
	v4 =	vmov s6;
	s6 =	sshrl.u32 s24, $0x1F;
	v5 =	vmov s21;
	s21 =	sshrl.u32 s30, $0x1F  }
0x4e4: {  	v9 =	vmov s21;
	s21 =	sshrl.u32 s3, $0x1F;
	s3 =	sshrl.u32 s3, $0x6;
	s0 =	sshra.s32 s19, $0x1F  }
0x4e5: {  	s19 =	smul.u32 $0x2AAAAAAB, s12;
	s12 =	sshrl.u32 s15, $0x6;
	v14 =	vmov s21;
	s21 =	sshrl.u32 s25, $0x6  }
0x4e6: {  	s15 =	sshrl.u32 s23, $0x1F;
	v9 =	vsel vm0, s6, v9;
	s6 =	sshrl.u32 s20, $0x1F;
	v8 =	vmov s12;
	s12 =	sshrl.u32 s30, $0x6  }
0x4e7: {  	s30 =	sshrl.u32 s18, $0x1F;
	s18 =	sshrl.u32 s18, $0x6;
	s0 =	smul.u32 $0x2AAAAAAB, s0  }
0x4e8: {  	v10 =	vmov s30;
	s30 =	sshrl.u32 s2, $0x1F;
	v13 =	vmov s18;
	s2 =	sshrl.u32 s2, $0x6;
	s18 =	sshrl.u32 s25, $0x1F  }
0x4e9: {  	v12 =	vmov s12;
	s25 =	sshrl.u32 s28, $0x1F;
	v8 =	vsel vm0, s21, v8;
	s12 =	sshrl.u32 s24, $0x6;
	s21 =	sshrl.u32 s29, $0x1F  }
0x4ea: {  	s24 =	sshrl.u32 s26, $0x1F;
	v15 =	vmov s30;
	s30 =	sshrl.u32 s28, $0x6;
	v4 =	vsel vm0, s18, v4;
	s18 =	sshrl.u32 s23, $0x6  }
0x4eb: {  	v11 =	vmov s9;
	v17 =	vmov s3;
	v5 =	vsel vm0, s25, v5;
	s23 =	sshrl.u32 s29, $0x6;
	s25 =	sshrl.u32 s26, $0x6;
	s26 =	sshrl.u32 s17, $0x1F  }
0x4ec: {  	v14 =	vnsel vm3, $0x0, v14;
	v17 =	vnsel vm3, $0x0, v17;
	s28 =	sshrl.u32 s17, $0x6;
	s29 =	sshrl.u32 s13, $0x1F;
	v13 =	vsel vm0, s18, v13;
	s18 =	sld [smem:$0x6D8]  }
0x4ed: {  	v10 =	vsel vm0, s15, v10;
	s15 =	sshrl.u32 s22, $0x1F;
	s17 =	sshrl.u32 s22, $0x6;
	v11 =	vsel vm0, s30, v11;
	v4 =	vsel vm1, s21, v4;
	s21 =	sld [smem:$0x6D9]  }
0x4ee: {  	v8 =	vsel vm1, s23, v8;
	v9 =	vsel vm1, s26, v9;
	s30 =	sshrl.u32 s13, $0x6;
	v10 =	vsel vm1, s29, v10;
	s13 =	sshrl.u32 s20, $0x6;
	s23 =	sld [smem:$0x6DA]  }
0x4ef: {  	v14 =	vsel vm0, s15, v14;
	v15 =	vnsel vm3, $0x0, v15;
	v17 =	vsel vm0, s17, v17;
	s26 =	sld [smem:$0x6DB];
	s29 =	sshrl.u32 s16, $0x1F;
	s17 =	sshrl.u32 s11, $0x6  }
0x4f0: {  	v13 =	vsel vm1, s30, v13;
	v15 =	vsel vm0, s6, v15;
	s30 =	sshrl.u32 s16, $0x6;
	s16 =	sshrl.u32 s11, $0x1F;
	v14 =	vsel vm1, s29, v14;
	s29 =	sld [smem:$0x745]  }
0x4f1: {  	v16 =	vmov s2;
	s11 =	sld [smem:$0x748];
	v15 =	vsel vm1, s16, v15;
	v17 =	vsel vm1, s30, v17;
	s30 =	sshrl.u32 s5, $0x1F;
	s16 =	smul.u32 $0x2AAAAAAB, s4  }
0x4f2: {  	v12 =	vsel vm0, s12, v12;
	v5 =	vsel vm1, s24, v5;
	v16 =	vnsel vm3, $0x0, v16;
	s20 =	sshrl.u32 s18, $0x1F;
	s12 =	sshrl.u32 s18, $0x6;
	s22 =	sshrl.u32 s21, $0x1F  }
0x4f3: {  	v12 =	vsel vm1, s28, v12;
	v11 =	vsel vm1, s25, v11;
	v16 =	vsel vm0, s13, v16;
	s15 =	sshrl.u32 s21, $0x6;
	s24 =	sshrl.u32 s23, $0x1F;
	s25 =	sshrl.u32 s23, $0x6  }
0x4f4: {  	v16 =	vsel vm1, s17, v16;
	s28 =	sshrl.u32 s26, $0x1F;
	s6 =	sshrl.u32 s26, $0x6;
	s21 =	sld [smem:$0x742];
	v4 =	vsel vm2, s20, v4;
	v5 =	vsel vm2, s22, v5  }
0x4f5: {  	s18 =	sadd.s32 s19, s14;
	s19 =	sshrl.u32 s8, $0x1F;
	s26 =	sld [smem:$0x6DD];
	v8 =	vsel vm2, s12, v8;
	v9 =	vsel vm2, s24, v9;
	v10 =	vsel vm2, s28, v10  }
0x4f6: {  	v11 =	vsel vm2, s15, v11;
	v12 =	vsel vm2, s25, v12;
	v13 =	vsel vm2, s6, v13;
	s20 =	sshrl.u32 s8, $0x6;
	s22 =	sld [smem:$0x6DC];
	s23 =	sshrl.u32 s18, $0x1F  }
0x4f7: {  	s24 =	sshrl.u32 s18, $0x6;
	s25 =	sld [smem:$0x743];
	s28 =	sshrl.u32 s7, $0x1F;
	v14 =	vsel vm2, s19, v14;
	v17 =	vsel vm2, s20, v17;
	v15 =	vsel vm2, s23, v15  }
0x4f8: {  	s2 =	sadd.s32 s10, s29;
	s7 =	sshrl.u32 s7, $0x6;
	s10 =	sshrl.u32 s5, $0x6;
	v16 =	vsel vm2, s24, v16;
	v4 =	vcombine.low v5, v4;
	v9 =	vcombine.low v10, v9  }
0x4f9: {  	s1 =	sadd.s32 s1, s11;
	s18 =	sld [smem:$0x741];
	v14 =	vsel vm4, s28, v14;
	s12 =	sshrl.u32 s2, $0x1F;
	v8 =	vcombine.low v11, v8;
	v60 =	vcombine.low v13, v12  }
0x4fa: {  	s2 =	sshrl.u32 s2, $0x6;
	s13 =	sshrl.u32 s1, $0x1F;
	s20 =	sld [smem:$0x740];
	v15 =	vsel vm4, s30, v15;
	v17 =	vsel vm4, s7, v17;
	v16 =	vsel vm4, s10, v16  }
0x4fb: {  	s1 =	sshrl.u32 s1, $0x6;
	v14 =	vsel vm5, s12, v14;
	s6 =	sadd.s32 s22, s21;
	s9 =	sadd.s32 s26, s25;
	v17 =	vsel vm5, s2, v17;
	v15 =	vsel vm5, s13, v15  }
0x4fc: {  	v16 =	vsel vm5, s1, v16;
	s0 =	sadd.s32 s0, s18;
	v4 =	vperm.xlane v4, v2;
	v9 =	vperm.xlane v9, v2;
	s14 =	sshrl.u32 s6, $0x1F;
	s15 =	sshrl.u32 s9, $0x1F  }
0x4fd: {  	v8 =	vperm.xlane v8, v2;
	v10 =	vperm.xlane v60, v2;
	s17 =	sshrl.u32 s9, $0x6;
	s19 =	sshrl.u32 s6, $0x6;
	s1 =	sadd.s32 s16, s20;
	v14 =	vsel vm6, s14, v14  }
0x4fe: {  	s21 =	sshrl.u32 s0, $0x1F;
	s0 =	sshrl.u32 s0, $0x6;
	v15 =	vsel vm6, s15, v15;
	v5 =	vsel vm6, s17, v16;
	v61 =	vsel vm6, s19, v17;
	s22 =	sshrl.u32 s1, $0x1F  }
0x4ff: {  	s23 =	sshrl.u32 s1, $0x6;
	v62 =	vsel vm7, s21, v15;
	v5 =	vsel vm7, s0, v5;
	v63 =	vsel vm7, s22, v14  }
0x500: {  	v11 =	vsel vm7, s23, v61;
	v12 =	vperm.xlane v62, v3;
	v5 =	vperm.xlane v5, v3  }
0x501: {  	v13 =	vperm.xlane v63, v3;
	v11 =	vperm.xlane v11, v3  }
0x502: {  	v9 =	vsel vm8, v12, v9;
	v5 =	vsel vm8, v5, v10  }
0x503: {  	v4 =	vsel vm8, v13, v4;
	v8 =	vsel vm8, v11, v8;
	v5 =	vadd.s32 v9, v5  }
0x504: {  	v4 =	vadd.s32 v4, v8;
	v5 =	vmul.u32 $0x180, v5  }
0x505: {  	s31 =	sld [smem:$0x7FA];
	v4 =	vmul.u32 $0x180, v4  }
0x506: {  	s24 =	rddreg [dreg:$0x6];
	v5 =	vsub.s32 v7, v5  }
.Ltmp5:
0x507: {  	s30 =	sld [smem:$0x7FD];
	v4 =	vsub.s32 v6, v4;
	v5 =	vmul.u32 $0x180, v5;
	(pc) =	sbr.rel .LBB2_8-.Ltmp5, $4  }
0x508: {  	s3 =	simm.s32 $0x0;
	s29 =	simm.s32 $0x8200;
	s7 =	sld [smem:$0x7FB];
	v4 =	vadd.s32 v0, v4  }
0x509: {  	s5 =	simm.s32 $0x0;
	s25 =	rddreg [dreg:$0x0];
	s0 =	sshra.s32 s24, $0x2;
	v4 =	vadd.s32 v5, v4  }
0x50a: {  	s28 =	simm.s32 $0x100;
	s26 =	simm.s32 $0x80;
	[smem:$0x6DE] =	sst s30;
	[tilespmem:s0+$0x100] =	vst v4  }
0x50b: {  	[tilespmem:s29], [sflag:$0x3] =	stream.indirect.gather [hbm4b:s25+s26], $0x80, s28, s26, $0xb8;
	[tilespmem:$0xC200] =	vst v63  }
.LBB2_18:
0x50c: {  	s0 =	simm.s32 $0x2  }
0x50d: {  	_ =	swait.ge [sflag:s0], $0x4000  }
0x50e: {  	[sflag:s0] =	ssyncset.done $0x0  }
0x50f: {  	s30 =	simm.s32 $0x4200;
	[sflag:s0] =	ssyncadd.s32 $0xFFFFC000  }
0x510: {  	[hbm4b:s1+s3] =	stream.linear.scatter [tilespmem:s30], [sflag:$0x5], $0x4000, $0x38;
	[tilespmem:$0xC200] =	vst v63  }
.LBB2_19:
0x511: {  	s0 =	sld [smem:$0x6D1];
	s2 =	simm.s32 $0x3  }
0x512: {  	_ =	swait.ge [sflag:s2], $0x4000  }
0x513: {  	s1 =	sld [smem:$0x7F7]  }
0x514: {  	s5 =	sadd.s32 $0x1, s5;
	s0 =	sadd.s32 $0x2, s0  }
0x515: {  	p0 =	sne.s32 s5, $0x30;
	[sflag:s2] =	ssyncset.done $0x0;
	s0 =	sshll.u32 s0, $0xE  }
0x516: {  	s30 =	sld [smem:$0x6DE];
	[sflag:s2] =	ssyncadd.s32 $0xFFFFC000;
	s0 =	sadd.s32 s1, s0  }
.Ltmp6:
0x517: {  	s28 =	rddreg [dreg:$0x1];
	s0 =	sshrl.u32 s0, $0x3;
	(pc) =	sbr.rel @!p0 .LBB2_20-.Ltmp6, $4  }
0x518: {  	s29 =	simm.s32 $0x8200;
	s0 =	sadd.s32 s28, s0  }
0x519: {  	[hbm4b:s0+s3] =	stream.linear.scatter [tilespmem:s29], [sflag:$0x6], $0x4000, $0x38;
	[tilespmem:$0xC200] =	vst v63  }
0x51a: {  	s0 =	sadd.s32 $0x180, s30  }
0x51b: {  	s31 =	sadd.s32 $0x180, s31;
	s7 =	sadd.s32 $0x180, s7;
	[smem:$0x6DE] =	sst s0  }
.LBB2_8:
0x51c: {  	s0 =	smul.u32 $0x3, s5;
	_ =	sdelay $0x1  }
0x51d: {  	[smem:$0x6D1] =	sst s0;
	s0 =	sadd.s32 $0xFFFFFFFF, s0  }
0x51e: {  	p0 =	sgt.u32 s0, $0x8C  }
.Ltmp7:
0x51f: {  	_ = 	snop;
	(pc) =	sbr.rel @p0 .LBB2_12-.Ltmp7, $4  }
0x520: {  	_ = 	snop  }
0x521: {  	[smem:$0x6D2] =	sst s5  }
0x522: {  	[smem:$0x6D3] =	sst s7  }
0x523: {  	[smem:$0x6D4] =	sst s31  }
0x524: {  	v4 =	vor.u32 s31, v1;
	s0 =	simm.s32 $0x6  }
0x525: {  	_ =	swait.ge [sflag:s0], $0x4000;
	v4 =	vsub.s32 v4, v0  }
0x526: {  	(v2sf) =	vpush v4, $0xF  }
0x527: {  	(v2sf) =	vpush v4, $0xB;
	_ =	sdelay $0x1  }
0x528: {  	(v2sf) =	vpush v4, $0x6;
	_ =	sdelay $0x1  }
0x529: {  	(v2sf) =	vpush v4, $0xE;
	_ =	sdelay $0x1  }
0x52a: {  	(v2sf) =	vpush v4, $0xA;
	_ =	sdelay $0x1  }
0x52b: {  	(v2sf) =	vpush v4, $0xD;
	_ =	sdelay $0x1  }
0x52c: {  	(v2sf) =	vpush v4, $0x9;
	_ =	sdelay $0x1  }
0x52d: {  	(v2sf) =	vpush v4, $0x5;
	_ =	sdelay $0x1  }
0x52e: {  	(v2sf) =	vpush v4, $0xC;
	s1 =	spop (v2sf)  }
0x52f: {  	s2 =	spop (v2sf);
	s4 =	smulhi.u32 $0x2AAAAAAB, s1  }
0x530: {  	(v2sf) =	vpush v4, $0x8;
	s1 =	sshra.s32 s1, $0x1F;
	s6 =	smulhi.u32 $0x2AAAAAAB, s2  }
0x531: {  	s5 =	spop (v2sf);
	s24 =	smul.u32 $0x2AAAAAAB, s1  }
0x532: {  	(v2sf) =	vpush v4, $0x4;
	s2 =	sshra.s32 s2, $0x1F;
	s0 =	smulhi.u32 $0x2AAAAAAB, s5  }
0x533: {  	s7 =	spop (v2sf);
	s2 =	smul.u32 $0x2AAAAAAB, s2  }
0x534: {  	(v2sf) =	vpush v4, $0x3;
	s5 =	sshra.s32 s5, $0x1F;
	s9 =	smulhi.u32 $0x2AAAAAAB, s7  }
0x535: {  	s8 =	spop (v2sf);
	s1 =	smul.u32 $0x2AAAAAAB, s5  }
0x536: {  	s25 =	sshra.s32 s7, $0x1F;
	s11 =	smulhi.u32 $0x2AAAAAAB, s8  }
0x537: {  	(v2sf) =	vpush v4, $0x2;
	s10 =	spop (v2sf);
	s7 =	smul.u32 $0x2AAAAAAB, s25  }
0x538: {  	(v2sf) =	vpush v4, $0x1;
	s26 =	sshra.s32 s8, $0x1F;
	s13 =	smulhi.u32 $0x2AAAAAAB, s10  }
0x539: {  	s12 =	spop (v2sf);
	s28 =	sshra.s32 s10, $0x1F;
	s10 =	smul.u32 $0x2AAAAAAB, s26  }
0x53a: {  	(v2sf) =	vpush v4, $0x0;
	s15 =	smulhi.u32 $0x2AAAAAAB, s12  }
0x53b: {  	(v2sf) =	vpush v4, $0x7;
	s14 =	spop (v2sf);
	s8 =	smul.u32 $0x2AAAAAAB, s28  }
0x53c: {  	s25 =	sshra.s32 s12, $0x1F;
	s17 =	smulhi.u32 $0x2AAAAAAB, s14  }
0x53d: {  	s16 =	spop (v2sf);
	s12 =	smul.u32 $0x2AAAAAAB, s25  }
0x53e: {  	s26 =	sshra.s32 s14, $0x1F;
	s19 =	smulhi.u32 $0x2AAAAAAB, s16  }
0x53f: {  	s18 =	spop (v2sf);
	s28 =	sshra.s32 s16, $0x1F;
	s16 =	smul.u32 $0x2AAAAAAB, s26  }
0x540: {  	s21 =	smulhi.u32 $0x2AAAAAAB, s18  }
0x541: {  	s20 =	spop (v2sf);
	s14 =	smul.u32 $0x2AAAAAAB, s28  }
0x542: {  	s18 =	sshra.s32 s18, $0x1F;
	s23 =	smulhi.u32 $0x2AAAAAAB, s20  }
0x543: {  	s22 =	spop (v2sf);
	s18 =	smul.u32 $0x2AAAAAAB, s18  }
0x544: {  	s25 =	sshra.s32 s20, $0x1F;
	s3 =	smulhi.u32 $0x2AAAAAAB, s22  }
0x545: {  	s4 =	sadd.s32 s24, s4;
	s26 =	sshra.s32 s22, $0x1F;
	s22 =	smul.u32 $0x2AAAAAAB, s25  }
0x546: {  	s9 =	sadd.s32 s7, s9;
	s28 =	spop (v2sf);
	s20 =	smul.u32 $0x2AAAAAAB, s26  }
0x547: {  	s10 =	sadd.s32 s10, s11;
	s25 =	spop (v2sf);
	s26 =	smulhi.u32 $0x2AAAAAAB, s28  }
0x548: {  	s8 =	sadd.s32 s8, s13;
	s5 =	sshra.s32 s28, $0x1F;
	s24 =	smulhi.u32 $0x2AAAAAAB, s25  }
0x549: {  	s12 =	sadd.s32 s12, s15;
	s28 =	smul.u32 $0x2AAAAAAB, s5;
	s29 =	spop (v2sf)  }
0x54a: {  	s5 =	sadd.s32 s2, s6;
	s6 =	spop (v2sf);
	s11 =	smulhi.u32 $0x2AAAAAAB, s29  }
0x54b: {  	s14 =	sadd.s32 s14, s19;
	s13 =	smulhi.u32 $0x2AAAAAAB, s6;
	s2 =	sshra.s32 s6, $0x1F  }
0x54c: {  	s15 =	sadd.s32 s18, s21;
	s7 =	sshra.s32 s29, $0x1F;
	s2 =	smul.u32 $0x2AAAAAAB, s2  }
0x54d: {  	s21 =	sshrl.u32 s14, $0x1F;
	s25 =	sshra.s32 s25, $0x1F;
	s19 =	smul.u32 $0x2AAAAAAB, s7  }
0x54e: {  	s14 =	sshra.s32 s14, $0x6;
	s25 =	smul.u32 $0x2AAAAAAB, s25;
	s2 =	sadd.s32 s2, s13  }
0x54f: {  	s6 =	sadd.s32 s16, s17;
	s11 =	sadd.s32 s19, s11;
	s17 =	sshra.s32 s2, $0x1F  }
0x550: {  	s7 =	sadd.s32 s22, s23;
	s22 =	sshrl.u32 s15, $0x1F;
	s19 =	sshra.s32 s11, $0x6;
	v5 =	vmov s17  }
0x551: {  	v6 =	vmov s21;
	s18 =	sadd.s32 s25, s24;
	s24 =	sshra.s32 s15, $0x6;
	s23 =	sshra.s32 s11, $0x1F;
	v5 =	vsel vm3, s19, v5  }
0x552: {  	v8 =	vmov s14;
	v7 =	vmov s22;
	s25 =	sshra.s32 s18, $0x6;
	s15 =	sshra.s32 s18, $0x1F;
	s11 =	sshrl.u32 s11, $0x1F;
	v5 =	vsel vm9, s23, v5  }
0x553: {  	v10 =	vmov s24;
	s13 =	sadd.s32 s28, s26;
	s26 =	sshrl.u32 s8, $0x1F;
	s28 =	sshrl.u32 s12, $0x1F;
	v9 =	vmov s11;
	v5 =	vsel vm0, s25, v5  }
0x554: {  	s8 =	sshra.s32 s8, $0x6;
	s12 =	sshra.s32 s12, $0x6;
	v6 =	vsel vm0, s26, v6;
	v7 =	vsel vm0, s28, v7;
	s17 =	sshra.s32 s13, $0x6;
	v5 =	vsel vm10, s15, v5  }
0x555: {  	s21 =	sshrl.u32 s10, $0x1F;
	s3 =	sadd.s32 s20, s3;
	v8 =	vsel vm0, s8, v8;
	v10 =	vsel vm0, s12, v10;
	s20 =	sshra.s32 s13, $0x1F;
	v5 =	vsel vm1, s17, v5  }
0x556: {  	s22 =	sshra.s32 s3, $0x6;
	s24 =	sshra.s32 s10, $0x6;
	s28 =	sshrl.u32 s5, $0x1F;
	v9 =	vnsel vm3, $0x0, v9;
	v7 =	vsel vm1, s21, v7;
	v5 =	vsel vm11, s20, v5  }
0x557: {  	s14 =	sshra.s32 s5, $0x6;
	v10 =	vsel vm1, s24, v10;
	s19 =	sshrl.u32 s9, $0x1F;
	v7 =	vsel vm2, s28, v7;
	s25 =	sshra.s32 s3, $0x1F;
	v5 =	vsel vm2, s22, v5  }
0x558: {  	s11 =	sshra.s32 s7, $0x6;
	s9 =	sshra.s32 s9, $0x6;
	v10 =	vsel vm2, s14, v10;
	v6 =	vsel vm1, s19, v6;
	s23 =	sshrl.u32 s18, $0x1F;
	v5 =	vsel vm12, s25, v5  }
0x559: {  	s26 =	sshrl.u32 s4, $0x1F;
	s12 =	sshrl.u32 s13, $0x1F;
	s13 =	sshra.s32 s7, $0x1F;
	v8 =	vsel vm1, s9, v8;
	v9 =	vsel vm0, s23, v9;
	v5 =	vsel vm4, s11, v5  }
0x55a: {  	s4 =	sshra.s32 s4, $0x6;
	v6 =	vsel vm2, s26, v6;
	s3 =	sshrl.u32 s3, $0x1F;
	v9 =	vsel vm1, s12, v9;
	s15 =	sshra.s32 s6, $0x6;
	v5 =	vsel vm13, s13, v5  }
0x55b: {  	s0 =	sadd.s32 s1, s0;
	s16 =	sshrl.u32 s7, $0x1F;
	v8 =	vsel vm2, s4, v8;
	v9 =	vsel vm2, s3, v9;
	s17 =	sshra.s32 s6, $0x1F;
	v5 =	vsel vm5, s15, v5  }
0x55c: {  	s18 =	sshrl.u32 s6, $0x1F;
	s19 =	sshra.s32 s0, $0x6;
	v6 =	vcombine.low v7, v6;
	v7 =	vsel vm4, s16, v9;
	v5 =	vsel vm14, s17, v5  }
0x55d: {  	v8 =	vcombine.low v10, v8;
	s20 =	sshrl.u32 s0, $0x1F;
	s0 =	sshra.s32 s0, $0x1F;
	v7 =	vsel vm5, s18, v7;
	v5 =	vsel vm6, s19, v5  }
0x55e: {  	s21 =	sshrl.u32 s2, $0x1F;
	v6 =	vperm.xlane v6, v2;
	s22 =	sshra.s32 s2, $0x6;
	v7 =	vsel vm6, s20, v7;
	v5 =	vsel vm15, s0, v5  }
0x55f: {  	v8 =	vperm.xlane v8, v2;
	v7 =	vsel vm7, s21, v7;
	v5 =	vsel vm7, s22, v5  }
0x560: {  	v7 =	vperm.xlane v7, v3;
	v5 =	vperm.xlane v5, v3;
	_ =	sdelay $0x1  }
0x561: {  	v6 =	vsel vm8, v7, v6;
	v5 =	vsel vm8, v5, v8  }
0x562: {  	v5 =	vadd.s32 v6, v5  }
0x563: {  	v6 =	vmul.u32 $0xFFFFFE80, v5;
	_ =	sdelay $0x1  }
0x564: {  	v4 =	vadd.s32 v4, v6  }
0x565: {  	v6 =	vmul.u32 $0x3A, v5;
	v7 =	vmul.u32 $0x29, v4  }
0x566: {  	v5 =	vmul.u32 $0x29, v5;
	v63 =	vmul.u32 $0x1D, v4  }
0x567: {  	v4 =	vadd.s32 v7, v6  }
0x568: {  	v5 =	vadd.s32 v63, v5;
	(v2sf) =	vpush v4, $0x7  }
0x569: {  	(v2sf) =	vpush v5, $0x7;
	_ =	sdelay $0x1  }
0x56a: {  	(v2sf) =	vpush v4, $0x6  }
0x56b: {  	(v2sf) =	vpush v5, $0x6;
	_ =	sdelay $0x1  }
0x56c: {  	(v2sf) =	vpush v4, $0xF  }
0x56d: {  	(v2sf) =	vpush v4, $0xB;
	_ =	sdelay $0x1  }
0x56e: {  	(v2sf) =	vpush v4, $0x5  }
0x56f: {  	(v2sf) =	vpush v5, $0xF  }
0x570: {  	(v2sf) =	vpush v5, $0xB  }
0x571: {  	(v2sf) =	vpush v5, $0x5;
	_ =	sdelay $0x1  }
0x572: {  	(v2sf) =	vpush v4, $0xE  }
0x573: {  	(v2sf) =	vpush v4, $0xA;
	s4 =	spop (v2sf)  }
0x574: {  	s22 =	simm.s32 $0x0;
	s23 =	smulhi.u32 $0x2AAAAAAB, s4;
	s6 =	spop (v2sf)  }
0x575: {  	[dreg:$0x7] =	wrdreg s22;
	(v2sf) =	vpush v4, $0x4;
	s24 =	smulhi.u32 $0x2AAAAAAB, s6  }
0x576: {  	(v2sf) =	vpush v5, $0xE;
	s15 =	spop (v2sf);
	[smem:$0x6C0] =	sst s23  }
0x577: {  	(v2sf) =	vpush v5, $0xA;
	s25 =	smulhi.u32 $0x2AAAAAAB, s15;
	s18 =	spop (v2sf)  }
0x578: {  	(v2sf) =	vpush v5, $0x4;
	[smem:$0x6C1] =	sst s24;
	s26 =	smulhi.u32 $0x2AAAAAAB, s18  }
0x579: {  	s19 =	spop (v2sf);
	[smem:$0x6C2] =	sst s25  }
0x57a: {  	s28 =	smulhi.u32 $0x2AAAAAAB, s19;
	s20 =	spop (v2sf)  }
0x57b: {  	(v2sf) =	vpush v4, $0xD;
	[smem:$0x6C3] =	sst s26;
	s1 =	smulhi.u32 $0x2AAAAAAB, s20  }
0x57c: {  	(v2sf) =	vpush v4, $0x9;
	s21 =	spop (v2sf);
	[smem:$0x6C4] =	sst s28  }
0x57d: {  	s2 =	smulhi.u32 $0x2AAAAAAB, s21;
	s25 =	spop (v2sf)  }
0x57e: {  	[smem:$0x6C5] =	sst s1;
	s23 =	spop (v2sf)  }
0x57f: {  	(v2sf) =	vpush v4, $0x3;
	s3 =	smulhi.u32 $0x2AAAAAAB, s23;
	s9 =	spop (v2sf)  }
0x580: {  	[smem:$0x6C6] =	sst s2;
	s5 =	smulhi.u32 $0x2AAAAAAB, s9  }
0x581: {  	s26 =	spop (v2sf);
	[smem:$0x6C7] =	sst s3  }
0x582: {  	(v2sf) =	vpush v5, $0xD;
	s7 =	smulhi.u32 $0x2AAAAAAB, s26;
	s30 =	spop (v2sf)  }
0x583: {  	(v2sf) =	vpush v5, $0x9;
	[smem:$0x6C8] =	sst s5;
	s8 =	smulhi.u32 $0x2AAAAAAB, s30  }
0x584: {  	(v2sf) =	vpush v5, $0x3;
	s29 =	spop (v2sf);
	[smem:$0x6C9] =	sst s7  }
0x585: {  	(v2sf) =	vpush v4, $0xC;
	s10 =	smulhi.u32 $0x2AAAAAAB, s29;
	s7 =	spop (v2sf)  }
0x586: {  	(v2sf) =	vpush v4, $0x8;
	[smem:$0x6CA] =	sst s8;
	s5 =	spop (v2sf)  }
0x587: {  	(v2sf) =	vpush v4, $0x2;
	s16 =	smulhi.u32 $0x2AAAAAAB, s5;
	s14 =	spop (v2sf)  }
0x588: {  	(v2sf) =	vpush v5, $0xC;
	[smem:$0x6CB] =	sst s10;
	s17 =	smulhi.u32 $0x2AAAAAAB, s14  }
0x589: {  	(v2sf) =	vpush v5, $0x8;
	s12 =	smulhi.u32 $0x2AAAAAAB, s7;
	[smem:$0x6CD] =	sst s16  }
0x58a: {  	s13 =	simm.s32 $0x6;
	(v2sf) =	vpush v5, $0x2;
	s16 =	spop (v2sf);
	[smem:$0x6CE] =	sst s17  }
0x58b: {  	[sflag:s13] =	ssyncset.done $0x0;
	(v2sf) =	vpush v4, $0x1;
	s24 =	smulhi.u32 $0x2AAAAAAB, s16;
	s17 =	spop (v2sf)  }
0x58c: {  	[sflag:s13] =	ssyncadd.s32 $0xFFFFC000;
	(v2sf) =	vpush v5, $0x1;
	[smem:$0x6CC] =	sst s12;
	s28 =	smulhi.u32 $0x2AAAAAAB, s17  }
0x58d: {  	s0 =	simm.s32 $0x40;
	s11 =	smulhi.u32 $0x2AAAAAAB, s25;
	(v2sf) =	vpush v4, $0x0;
	[smem:$0x6CF] =	sst s24  }
0x58e: {  	s3 =	smov.u32 s31;
	(v2sf) =	vpush v5, $0x0;
	s8 =	spop (v2sf);
	[smem:$0x6D0] =	sst s28  }
.LBB2_10:
0x58f: {  	[dreg:$0x1a] =	wrdreg s0;
	s13 =	smulhi.u32 $0x2AAAAAAB, s8  }
0x590: {  	[smem:$0x697] =	sst s11  }
0x591: {  	p0 =	sne.s32 s0, $0x1C0;
	[smem:$0x6A6] =	sst s13;
	s0 =	spop (v2sf)  }
0x592: {  	s1 =	smulhi.u32 $0x2AAAAAAB, s0;
	s13 =	spop (v2sf)  }
0x593: {  	s22 =	smulhi.u32 $0x2AAAAAAB, s13;
	s31 =	spop (v2sf)  }
0x594: {  	s24 =	smulhi.u32 $0x2AAAAAAB, s31;
	s11 =	spop (v2sf)  }
0x595: {  	[smem:$0x699] =	sst s22;
	s22 =	spop (v2sf)  }
0x596: {  	[smem:$0x698] =	sst s1;
	s2 =	smulhi.u32 $0x2AAAAAAB, s22  }
0x597: {  	s28 =	smulhi.u32 $0x2AAAAAAB, s11;
	s12 =	spop (v2sf)  }
0x598: {  	[smem:$0x69C] =	sst s2;
	s2 =	spop (v2sf)  }
0x599: {  	[smem:$0x6A8] =	sst s24;
	s24 =	smulhi.u32 $0x2AAAAAAB, s2  }
0x59a: {  	s10 =	smulhi.u32 $0x2AAAAAAB, s12;
	s1 =	spop (v2sf)  }
0x59b: {  	[smem:$0x69A] =	sst s24;
	s24 =	spop (v2sf)  }
0x59c: {  	[smem:$0x69B] =	sst s28;
	s28 =	smulhi.u32 $0x2AAAAAAB, s24  }
0x59d: {  	[smem:$0x6A0] =	sst s10;
	s10 =	smulhi.u32 $0x2AAAAAAB, s1  }
0x59e: {  	[smem:$0x6A2] =	sst s28;
	s28 =	spop (v2sf)  }
0x59f: {  	[smem:$0x69D] =	sst s10;
	s10 =	smulhi.u32 $0x2AAAAAAB, s28  }
0x5a0: {  	[smem:$0x692] =	sst s28;
	s28 =	spop (v2sf)  }
0x5a1: {  	[smem:$0x6A3] =	sst s10;
	s10 =	smulhi.u32 $0x2AAAAAAB, s28  }
0x5a2: {  	_ = 	snop  }
0x5a3: {  	s4 =	sshra.s32 s4, $0x1F;
	[smem:$0x6A1] =	sst s10;
	s10 =	spop (v2sf)  }
0x5a4: {  	s3 =	sadd.s32 $0x10, s3;
	[smem:$0x693] =	sst s10;
	s10 =	smulhi.u32 $0x2AAAAAAB, s10  }
0x5a5: {  	s4 =	smul.u32 $0x2AAAAAAB, s4;
	v6 =	vor.u32 s3, v1  }
0x5a6: {  	v6 =	vsub.s32 v6, v0;
	[smem:$0x69F] =	sst s10;
	s10 =	spop (v2sf)  }
0x5a7: {  	s6 =	sshra.s32 s6, $0x1F;
	[smem:$0x6BF] =	sst s3;
	(v2sf) =	vpush v6, $0xF;
	s3 =	smulhi.u32 $0x2AAAAAAB, s10  }
0x5a8: {  	[smem:$0x694] =	sst s10;
	s10 =	smul.u32 $0x2AAAAAAB, s6;
	s6 =	sshra.s32 s18, $0x1F  }
0x5a9: {  	(v2sf) =	vpush v6, $0xB;
	s18 =	smul.u32 $0x2AAAAAAB, s6;
	[smem:$0x69E] =	sst s3;
	s3 =	sshra.s32 s15, $0x1F  }
0x5aa: {  	s6 =	sshra.s32 s25, $0x1F;
	[smem:$0x695] =	sst s10;
	s10 =	smul.u32 $0x2AAAAAAB, s3  }
0x5ab: {  	(v2sf) =	vpush v6, $0x6;
	s15 =	sshra.s32 s23, $0x1F;
	s3 =	sshra.s32 s21, $0x1F;
	s21 =	smul.u32 $0x2AAAAAAB, s6  }
0x5ac: {  	s7 =	sshra.s32 s7, $0x1F;
	[smem:$0x6AA] =	sst s18;
	s23 =	smul.u32 $0x2AAAAAAB, s15  }
0x5ad: {  	(v2sf) =	vpush v6, $0xE;
	s18 =	sshra.s32 s9, $0x1F;
	s9 =	sshra.s32 s29, $0x1F;
	s29 =	smul.u32 $0x2AAAAAAB, s7  }
0x5ae: {  	[smem:$0x696] =	sst s4;
	(v2sf) =	vpush v6, $0xA;
	s25 =	smul.u32 $0x2AAAAAAB, s18  }
0x5af: {  	s6 =	sshra.s32 s30, $0x1F;
	(v2sf) =	vpush v6, $0xD;
	[smem:$0x6A9] =	sst s10;
	s10 =	smul.u32 $0x2AAAAAAB, s3  }
0x5b0: {  	s15 =	sshra.s32 s5, $0x1F;
	s5 =	sshra.s32 s16, $0x1F;
	s30 =	smul.u32 $0x2AAAAAAB, s6;
	(v2sf) =	vpush v6, $0x9  }
0x5b1: {  	s7 =	sshra.s32 s17, $0x1F;
	(v2sf) =	vpush v6, $0x5;
	[smem:$0x6AB] =	sst s10;
	s10 =	smul.u32 $0x2AAAAAAB, s9  }
0x5b2: {  	s16 =	smul.u32 $0x2AAAAAAB, s5;
	[smem:$0x6AC] =	sst s25;
	s25 =	sshra.s32 s14, $0x1F;
	(v2sf) =	vpush v6, $0xC  }
0x5b3: {  	s4 =	smul.u32 $0x2AAAAAAB, s25;
	[smem:$0x6A4] =	sst s10;
	s10 =	sshra.s32 s8, $0x1F  }
0x5b4: {  	s5 =	sld [smem:$0x6C1];
	s3 =	sshra.s32 s26, $0x1F;
	(v2sf) =	vpush v6, $0x8;
	s17 =	smul.u32 $0x2AAAAAAB, s10  }
0x5b5: {  	s18 =	smul.u32 $0x2AAAAAAB, s3;
	(v2sf) =	vpush v6, $0x4;
	[smem:$0x6A5] =	sst s4  }
0x5b6: {  	s3 =	sshra.s32 s2, $0x1F;
	(v2sf) =	vpush v6, $0x3;
	[smem:$0x6A7] =	sst s17;
	s26 =	spop (v2sf)  }
0x5b7: {  	s2 =	smul.u32 $0x2AAAAAAB, s3;
	(v2sf) =	vpush v6, $0x2;
	[smem:$0x6AD] =	sst s26  }
0x5b8: {  	(v2sf) =	vpush v6, $0x1;
	s6 =	spop (v2sf);
	s26 =	smul.u32 $0x2AAAAAAB, s7;
	s7 =	sshra.s32 s31, $0x1F  }
0x5b9: {  	s11 =	sshra.s32 s11, $0x1F;
	[smem:$0x6AE] =	sst s6;
	s31 =	smul.u32 $0x2AAAAAAB, s7  }
0x5ba: {  	s4 =	sshra.s32 s13, $0x1F;
	(v2sf) =	vpush v6, $0x0;
	s9 =	spop (v2sf);
	s7 =	smul.u32 $0x2AAAAAAB, s11  }
0x5bb: {  	(v2sf) =	vpush v6, $0x7;
	s11 =	sshra.s32 s1, $0x1F;
	[smem:$0x6AF] =	sst s9;
	s9 =	smul.u32 $0x2AAAAAAB, s4  }
0x5bc: {  	s14 =	spop (v2sf);
	s3 =	smul.u32 $0x2AAAAAAB, s11  }
0x5bd: {  	[smem:$0x6B0] =	sst s14;
	s25 =	spop (v2sf)  }
0x5be: {  	[smem:$0x6B1] =	sst s25;
	s6 =	spop (v2sf)  }
0x5bf: {  	[smem:$0x6B2] =	sst s6;
	s8 =	spop (v2sf)  }
0x5c0: {  	[smem:$0x6B3] =	sst s8;
	s13 =	spop (v2sf)  }
0x5c1: {  	s14 =	sshra.s32 s22, $0x1F;
	[smem:$0x6B4] =	sst s13;
	s17 =	spop (v2sf)  }
0x5c2: {  	s6 =	smul.u32 $0x2AAAAAAB, s14;
	[smem:$0x6B5] =	sst s17  }
0x5c3: {  	s25 =	spop (v2sf);
	s17 =	sld [smem:$0x692]  }
0x5c4: {  	[smem:$0x6B6] =	sst s25;
	s8 =	spop (v2sf)  }
0x5c5: {  	s22 =	sshra.s32 s12, $0x1F;
	[smem:$0x6B7] =	sst s8;
	s12 =	spop (v2sf)  }
0x5c6: {  	s14 =	sshra.s32 s24, $0x1F;
	s8 =	sld [smem:$0x693];
	s24 =	spop (v2sf)  }
0x5c7: {  	[smem:$0x6B8] =	sst s12;
	s25 =	spop (v2sf)  }
0x5c8: {  	s13 =	smul.u32 $0x2AAAAAAB, s22;
	[smem:$0x6B9] =	sst s25  }
0x5c9: {  	s1 =	sshra.s32 s28, $0x1F;
	s28 =	spop (v2sf);
	s25 =	sld [smem:$0x694]  }
0x5ca: {  	s11 =	sshra.s32 s8, $0x1F;
	s8 =	sld [smem:$0x695];
	s12 =	spop (v2sf)  }
0x5cb: {  	s22 =	sshra.s32 s17, $0x1F;
	s4 =	smul.u32 $0x2AAAAAAB, s11;
	s11 =	sld [smem:$0x6C0]  }
0x5cc: {  	s17 =	smul.u32 $0x2AAAAAAB, s22;
	[smem:$0x6BA] =	sst s12  }
0x5cd: {  	s22 =	smul.u32 $0x2AAAAAAB, s1;
	s12 =	sld [smem:$0x696]  }
0x5ce: {  	s1 =	sshra.s32 s25, $0x1F;
	s25 =	sadd.s32 s8, s5;
	s5 =	sld [smem:$0x697]  }
0x5cf: {  	s19 =	sshra.s32 s19, $0x1F;
	s8 =	sld [smem:$0x6C4]  }
0x5d0: {  	s19 =	smul.u32 $0x2AAAAAAB, s19  }
0x5d1: {  	s20 =	sshra.s32 s20, $0x1F;
	s12 =	sadd.s32 s12, s11  }
0x5d2: {  	s11 =	sadd.s32 s21, s5;
	s5 =	sadd.s32 s19, s8;
	s19 =	sld [smem:$0x6C5]  }
0x5d3: {  	s20 =	smul.u32 $0x2AAAAAAB, s20  }
0x5d4: {  	s21 =	sld [smem:$0x6C7]  }
0x5d5: {  	s8 =	sadd.s32 s20, s19;
	s19 =	sld [smem:$0x6C9];
	_ =	sdelay $0x2  }
0x5d6: {  	s23 =	sadd.s32 s23, s21;
	s21 =	sadd.s32 s18, s19;
	s19 =	sld [smem:$0x6CD]  }
0x5d7: {  	s15 =	smul.u32 $0x2AAAAAAB, s15;
	_ =	sdelay $0x1  }
0x5d8: {  	s19 =	sadd.s32 s15, s19;
	s15 =	sld [smem:$0x6CF];
	_ =	sdelay $0x2  }
0x5d9: {  	s0 =	sshra.s32 s0, $0x1F;
	s15 =	sadd.s32 s16, s15;
	s16 =	sld [smem:$0x698]  }
0x5da: {  	s10 =	smul.u32 $0x2AAAAAAB, s0;
	_ =	sdelay $0x1  }
0x5db: {  	s10 =	sadd.s32 s10, s16;
	s16 =	sld [smem:$0x699];
	_ =	sdelay $0x2  }
0x5dc: {  	s9 =	sadd.s32 s9, s16;
	s16 =	sld [smem:$0x6D0];
	_ =	sdelay $0x2  }
0x5dd: {  	s16 =	sadd.s32 s26, s16;
	s26 =	sld [smem:$0x69A];
	_ =	sdelay $0x2  }
0x5de: {  	s2 =	sadd.s32 s2, s26;
	s26 =	sld [smem:$0x69B];
	_ =	sdelay $0x2  }
0x5df: {  	s7 =	sadd.s32 s7, s26;
	s26 =	sld [smem:$0x69C];
	_ =	sdelay $0x2  }
0x5e0: {  	s6 =	sadd.s32 s6, s26;
	s26 =	sld [smem:$0x69D]  }
0x5e1: {  	s20 =	sld [smem:$0x6CA]  }
0x5e2: {  	s18 =	sld [smem:$0x6CC]  }
0x5e3: {  	s14 =	smul.u32 $0x2AAAAAAB, s14;
	s3 =	sadd.s32 s3, s26;
	s26 =	sld [smem:$0x69E]  }
0x5e4: {  	s0 =	smul.u32 $0x2AAAAAAB, s1;
	s20 =	sadd.s32 s30, s20  }
0x5e5: {  	s18 =	sadd.s32 s29, s18;
	s30 =	sshrl.u32 s2, $0x1F;
	s29 =	sshrl.u32 s6, $0x1F  }
0x5e6: {  	s6 =	sshrl.u32 s6, $0x6;
	s1 =	sadd.s32 s0, s26;
	s26 =	sld [smem:$0x69F]  }
0x5e7: {  	s2 =	sshrl.u32 s2, $0x6;
	v10 =	vmov s30;
	s30 =	sld [smem:$0x6B7];
	v12 =	vmov s6;
	s6 =	sshrl.u32 s9, $0x1F  }
0x5e8: {  	v8 =	vmov s29;
	s29 =	sld [smem:$0x6B6];
	s0 =	sshrl.u32 s3, $0x1F;
	s3 =	sshrl.u32 s3, $0x6  }
0x5e9: {  	v11 =	vmov s0;
	s4 =	sadd.s32 s4, s26;
	s26 =	sshrl.u32 s7, $0x1F;
	s7 =	sshrl.u32 s7, $0x6  }
0x5ea: {  	v14 =	vmov s3;
	s3 =	sshrl.u32 s15, $0x1F;
	v11 =	vsel vm0, s6, v11;
	s6 =	sld [smem:$0x6A3];
	v9 =	vmov s7;
	s7 =	sshrl.u32 s4, $0x1F  }
0x5eb: {  	v13 =	vmov s2;
	v7 =	vmov s26;
	s26 =	sshrl.u32 s1, $0x1F;
	s1 =	sshrl.u32 s1, $0x6;
	s2 =	sshrl.u32 s4, $0x6  }
0x5ec: {  	s4 =	sshrl.u32 s10, $0x1F;
	v15 =	vmov s7;
	s7 =	sshrl.u32 s16, $0x1F;
	v7 =	vsel vm0, s3, v7;
	s3 =	sld [smem:$0x6A1]  }
0x5ed: {  	v16 =	vmov s26;
	s26 =	sshrl.u32 s15, $0x6;
	v10 =	vsel vm0, s4, v10;
	s15 =	sshrl.u32 s10, $0x6;
	s4 =	sld [smem:$0x6A2]  }
0x5ee: {  	v17 =	vmov s1;
	s1 =	sadd.s32 s17, s6;
	s10 =	sshrl.u32 s20, $0x1F;
	s17 =	sshrl.u32 s20, $0x6  }
0x5ef: {  	s20 =	sshrl.u32 s18, $0x6;
	s6 =	sld [smem:$0x6A5];
	v8 =	vsel vm0, s7, v8;
	s7 =	sshrl.u32 s16, $0x6  }
0x5f0: {  	v9 =	vsel vm0, s26, v9;
	s16 =	sshrl.u32 s9, $0x6;
	s26 =	sld [smem:$0x6A0];
	s9 =	sshrl.u32 s21, $0x1F  }
0x5f1: {  	v13 =	vsel vm0, s15, v13;
	s15 =	sshrl.u32 s18, $0x1F;
	s18 =	sshrl.u32 s11, $0x6;
	v14 =	vsel vm0, s16, v14;
	s16 =	sshrl.u32 s19, $0x1F  }
0x5f2: {  	v7 =	vsel vm1, s9, v7;
	v10 =	vsel vm1, s15, v10;
	s9 =	sshrl.u32 s5, $0x1F;
	s15 =	sshrl.u32 s11, $0x1F;
	s11 =	sld [smem:$0x6A8]  }
0x5f3: {  	v12 =	vsel vm0, s7, v12;
	s7 =	sadd.s32 s14, s4;
	s14 =	sshrl.u32 s21, $0x6;
	s21 =	sshrl.u32 s19, $0x6  }
0x5f4: {  	v11 =	vsel vm1, s16, v11;
	s16 =	sshrl.u32 s23, $0x1F;
	s19 =	sshrl.u32 s23, $0x6;
	s23 =	sld [smem:$0x6A4]  }
0x5f5: {  	v8 =	vsel vm1, s10, v8;
	s10 =	sshrl.u32 s8, $0x1F;
	v7 =	vsel vm2, s9, v7;
	s9 =	sld [smem:$0x6A6]  }
0x5f6: {  	v13 =	vsel vm1, s20, v13;
	v8 =	vsel vm2, s10, v8;
	s10 =	sld [smem:$0x6A7]  }
0x5f7: {  	v15 =	vnsel vm3, $0x0, v15;
	s0 =	sadd.s32 s22, s3;
	s22 =	sshrl.u32 s1, $0x1F;
	v13 =	vsel vm2, s18, v13;
	s18 =	sld [smem:$0x6A9]  }
0x5f8: {  	v12 =	vsel vm1, s17, v12;
	s1 =	sshrl.u32 s1, $0x6;
	s17 =	sshrl.u32 s8, $0x6;
	v15 =	vsel vm0, s22, v15;
	s22 =	sld [smem:$0x6CB]  }
0x5f9: {  	s13 =	sadd.s32 s13, s26;
	v9 =	vsel vm1, s14, v9;
	s14 =	sshrl.u32 s5, $0x6;
	s5 =	sld [smem:$0x6CE]  }
0x5fa: {  	s26 =	sshrl.u32 s0, $0x1F;
	v14 =	vsel vm1, s21, v14;
	s0 =	sshrl.u32 s0, $0x6;
	v12 =	vsel vm2, s17, v12;
	s17 =	sld [smem:$0x6C2]  }
0x5fb: {  	v18 =	vmov s2;
	v16 =	vnsel vm3, $0x0, v16;
	s21 =	sshrl.u32 s7, $0x1F;
	s20 =	sshrl.u32 s13, $0x1F;
	v14 =	vsel vm2, s19, v14;
	s19 =	sld [smem:$0x6C3]  }
0x5fc: {  	v18 =	vnsel vm3, $0x0, v18;
	s8 =	sshrl.u32 s7, $0x6;
	v16 =	vsel vm0, s26, v16;
	s26 =	sshrl.u32 s13, $0x6;
	v15 =	vsel vm1, s20, v15;
	s20 =	sld [smem:$0x6AA]  }
0x5fd: {  	v18 =	vsel vm0, s1, v18;
	s2 =	sadd.s32 s31, s11;
	s11 =	sshrl.u32 s25, $0x6;
	v16 =	vsel vm1, s21, v16;
	s21 =	sld [smem:$0x6C6]  }
0x5fe: {  	v9 =	vsel vm2, s14, v9;
	s4 =	sadd.s32 s10, s9;
	v54 =	vsel vm1, s26, v18;
	s14 =	sshrl.u32 s2, $0x1F;
	s26 =	sld [smem:$0x6AC]  }
0x5ff: {  	v17 =	vnsel vm3, $0x0, v17;
	s2 =	sshrl.u32 s2, $0x6;
	s10 =	sshrl.u32 s25, $0x1F;
	s25 =	sld [smem:$0x6B4]  }
0x600: {  	v17 =	vsel vm0, s0, v17;
	s1 =	sadd.s32 s23, s22;
	s0 =	sadd.s32 s6, s5;
	s22 =	sld [smem:$0x6AB]  }
0x601: {  	v10 =	vsel vm2, s15, v10;
	v11 =	vsel vm2, s16, v11;
	v55 =	vsel vm1, s8, v17;
	s13 =	sshrl.u32 s4, $0x1F;
	s4 =	sshrl.u32 s4, $0x6;
	s23 =	sld [smem:$0x6C8]  }
0x602: {  	v10 =	vcombine.low v11, v10;
	v11 =	vsel vm2, s2, v55;
	s2 =	sadd.s32 s18, s17;
	s17 =	rddreg [dreg:$0x7];
	s15 =	sshrl.u32 s1, $0x1F  }
0x603: {  	s16 =	sshrl.u32 s0, $0x1F;
	s1 =	sshrl.u32 s1, $0x6;
	s0 =	sshrl.u32 s0, $0x6  }
0x604: {  	v57 =	vsel vm2, s13, v15;
	s9 =	sshrl.u32 s2, $0x6;
	s13 =	sshrl.u32 s12, $0x1F;
	s3 =	sadd.s32 s20, s19  }
0x605: {  	v56 =	vcombine.low v14, v13;
	v13 =	vsel vm4, s15, v57;
	s15 =	sshrl.u32 s12, $0x6;
	s12 =	sld [smem:$0x6B2];
	s19 =	smulhi.u32 $0x2AAAAAAB, s29  }
0x606: {  	v7 =	vcombine.low v8, v7;
	v8 =	vsel vm2, s4, v54;
	v11 =	vsel vm4, s0, v11;
	s20 =	smulhi.u32 $0x2AAAAAAB, s30;
	s0 =	sld [smem:$0x6B8];
	s4 =	sadd.s32 s22, s21  }
0x607: {  	v8 =	vsel vm4, s1, v8;
	s1 =	sadd.s32 s26, s23;
	s7 =	sshrl.u32 s3, $0x1F;
	s21 =	sshra.s32 s17, $0x2  }
0x608: {  	s17 =	smulhi.u32 $0x2AAAAAAB, s24;
	s31 =	sshrl.u32 s4, $0x1F;
	s4 =	sshrl.u32 s4, $0x6  }
0x609: {  	v58 =	vsel vm2, s14, v16;
	s8 =	sshrl.u32 s3, $0x6;
	s26 =	sld [smem:$0x6B5];
	v8 =	vsel vm5, s4, v8;
	s4 =	smulhi.u32 $0x2AAAAAAB, s25  }
0x60a: {  	v14 =	vsel vm4, s16, v58;
	s22 =	rddreg [dreg:$0x1a];
	s5 =	sshrl.u32 s1, $0x1F;
	s3 =	smulhi.u32 $0x2AAAAAAB, s0  }
0x60b: {  	s1 =	sshrl.u32 s1, $0x6;
	v13 =	vsel vm5, s31, v13;
	v14 =	vsel vm5, s5, v14;
	s31 =	smov.u32 s22;
	s22 =	smulhi.u32 $0x2AAAAAAB, s28  }
0x60c: {  	v11 =	vsel vm5, s1, v11;
	s28 =	sshra.s32 s28, $0x1F;
	v14 =	vsel vm6, s7, v14;
	s7 =	sld [smem:$0x6AD];
	s18 =	smulhi.u32 $0x2AAAAAAB, s26  }
0x60d: {  	v11 =	vsel vm6, s8, v11;
	v8 =	vsel vm6, s9, v8;
	s8 =	sld [smem:$0x6AE];
	s28 =	smul.u32 $0x2AAAAAAB, s28  }
0x60e: {  	s9 =	sld [smem:$0x6AF];
	v8 =	vsel vm7, s15, v8;
	s15 =	smulhi.u32 $0x2AAAAAAB, s12  }
0x60f: {  	v14 =	vsel vm7, s10, v14;
	s10 =	sld [smem:$0x6B0];
	s14 =	smulhi.u32 $0x2AAAAAAB, s7  }
0x610: {  	v11 =	vsel vm7, s11, v11;
	s11 =	sld [smem:$0x6B1];
	s5 =	smulhi.u32 $0x2AAAAAAB, s8  }
0x611: {  	s6 =	sshrl.u32 s2, $0x1F;
	s16 =	smulhi.u32 $0x2AAAAAAB, s9  }
0x612: {  	v13 =	vsel vm6, s6, v13;
	s6 =	smulhi.u32 $0x2AAAAAAB, s10  }
0x613: {  	s23 =	sld [smem:$0x6B3];
	v13 =	vsel vm7, s13, v13;
	s7 =	sshra.s32 s7, $0x1F;
	s13 =	smulhi.u32 $0x2AAAAAAB, s11  }
0x614: {  	[smem:$0x6BC] =	sst s3;
	s8 =	sshra.s32 s8, $0x1F;
	s7 =	smul.u32 $0x2AAAAAAB, s7  }
0x615: {  	s3 =	sld [smem:$0x6BA];
	s9 =	sshra.s32 s9, $0x1F;
	s8 =	smul.u32 $0x2AAAAAAB, s8  }
0x616: {  	[dreg:$0x7] =	wrdreg s31;
	s1 =	smul.u32 $0x2AAAAAAB, s9  }
0x617: {  	[smem:$0x6BB] =	sst s14;
	s14 =	smulhi.u32 $0x2AAAAAAB, s23  }
0x618: {  	s10 =	sshra.s32 s10, $0x1F;
	[smem:$0x6BD] =	sst s16;
	s16 =	smulhi.u32 $0x2AAAAAAB, s3  }
0x619: {  	s31 =	sshra.s32 s11, $0x1F;
	s10 =	smul.u32 $0x2AAAAAAB, s10;
	s23 =	sshra.s32 s23, $0x1F  }
0x61a: {  	v9 =	vcombine.low v12, v9;
	[smem:$0x6BE] =	sst s1;
	s1 =	sshra.s32 s12, $0x1F;
	s12 =	smul.u32 $0x2AAAAAAB, s31  }
0x61b: {  	v7 =	vperm.xlane v7, v2;
	v10 =	vperm.xlane v10, v2;
	s25 =	sshra.s32 s25, $0x1F;
	s23 =	smul.u32 $0x2AAAAAAB, s23  }
0x61c: {  	v9 =	vperm.xlane v9, v2;
	v12 =	vperm.xlane v56, v2;
	s31 =	sshra.s32 s26, $0x1F;
	s26 =	smul.u32 $0x2AAAAAAB, s25  }
0x61d: {  	s2 =	sld [smem:$0x6B9];
	v14 =	vperm.xlane v14, v3;
	v11 =	vperm.xlane v11, v3;
	s11 =	smul.u32 $0x2AAAAAAB, s1  }
0x61e: {  	v13 =	vperm.xlane v13, v3;
	v8 =	vperm.xlane v8, v3;
	s3 =	sshra.s32 s3, $0x1F;
	s25 =	smul.u32 $0x2AAAAAAB, s31;
	s1 =	sshra.s32 s29, $0x1F  }
0x61f: {  	v10 =	vsel vm8, v14, v10;
	v11 =	vsel vm8, v11, v12;
	s31 =	sshra.s32 s30, $0x1F;
	s30 =	sshra.s32 s0, $0x1F;
	s0 =	smul.u32 $0x2AAAAAAB, s3  }
0x620: {  	v7 =	vsel vm8, v13, v7;
	v8 =	vsel vm8, v8, v9;
	v10 =	vadd.s32 v10, v11;
	s5 =	sadd.s32 s8, s5;
	s29 =	smul.u32 $0x2AAAAAAB, s1  }
0x621: {  	v7 =	vadd.s32 v7, v8;
	v59 =	vmul.u32 $0x180, v10;
	s3 =	sadd.s32 s28, s22;
	s31 =	smul.u32 $0x2AAAAAAB, s31;
	s1 =	sshra.s32 s24, $0x1F  }
0x622: {  	v7 =	vmul.u32 $0x180, v7;
	s9 =	smul.u32 $0x2AAAAAAB, s30;
	s30 =	sshra.s32 s2, $0x1F;
	s24 =	sld [smem:$0x6BB]  }
0x623: {  	v5 =	vsub.s32 v5, v59;
	s4 =	sadd.s32 s26, s4;
	s22 =	sshra.s32 s3, $0x6;
	s1 =	smul.u32 $0x2AAAAAAB, s1  }
0x624: {  	v4 =	vsub.s32 v4, v7;
	v5 =	vmul.u32 $0x180, v5;
	s30 =	smul.u32 $0x2AAAAAAB, s30;
	s11 =	sadd.s32 s11, s15;
	s15 =	sadd.s32 s10, s6  }
0x625: {  	v4 =	vadd.s32 v0, v4;
	s10 =	sadd.s32 s12, s13;
	s25 =	sadd.s32 s25, s18;
	s13 =	sadd.s32 s23, s14  }
0x626: {  	s26 =	sadd.s32 s29, s19;
	s6 =	sadd.s32 s31, s20;
	s20 =	sshrl.u32 s25, $0x1F;
	v4 =	vadd.s32 v5, v4  }
0x627: {  	s12 =	sshra.s32 s25, $0x6;
	[tilespmem:s21+$0x100] =	vst v4;
	s21 =	smulhi.u32 $0x2AAAAAAB, s2;
	s2 =	sadd.s32 s0, s16  }
0x628: {  	s28 =	sshrl.u32 s11, $0x1F;
	s31 =	sshrl.u32 s13, $0x1F;
	s19 =	sshra.s32 s2, $0x1F  }
0x629: {  	s14 =	sshra.s32 s13, $0x6;
	s7 =	sadd.s32 s7, s24;
	s8 =	sadd.s32 s1, s17;
	v4 =	vmov s19  }
0x62a: {  	v5 =	vmov s20;
	s23 =	sshrl.u32 s26, $0x1F;
	s24 =	sshra.s32 s3, $0x1F;
	s17 =	sadd.s32 s30, s21;
	v4 =	vsel vm3, s22, v4  }
0x62b: {  	v60 =	vmov s12;
	s25 =	sshra.s32 s26, $0x6;
	v7 =	vmov s23;
	s19 =	sld [smem:$0x6BC];
	s26 =	sshra.s32 s17, $0x6;
	v4 =	vsel vm9, s24, v4  }
0x62c: {  	s12 =	sshra.s32 s11, $0x6;
	s0 =	sshrl.u32 s3, $0x1F;
	v62 =	vmov s25;
	v5 =	vsel vm0, s28, v5;
	s3 =	sshra.s32 s17, $0x1F;
	v4 =	vsel vm0, s26, v4  }
0x62d: {  	s18 =	sshrl.u32 s15, $0x1F;
	s16 =	sshra.s32 s8, $0x6;
	v8 =	vsel vm0, s12, v60;
	s20 =	sshra.s32 s8, $0x1F;
	v61 =	vmov s0;
	v4 =	vsel vm10, s3, v4  }
0x62e: {  	s25 =	sshra.s32 s10, $0x6;
	s28 =	sshrl.u32 s7, $0x1F;
	v7 =	vsel vm0, s31, v7;
	v10 =	vsel vm0, s14, v62;
	s3 =	sadd.s32 s9, s19;
	v4 =	vsel vm1, s16, v4  }
0x62f: {  	v5 =	vsel vm1, s18, v5;
	s31 =	sshrl.u32 s5, $0x1F;
	s18 =	sld [smem:$0x6BD];
	v9 =	vnsel vm3, $0x0, v61;
	s23 =	sshra.s32 s3, $0x6;
	v4 =	vsel vm11, s20, v4  }
0x630: {  	s21 =	sshrl.u32 s10, $0x1F;
	v10 =	vsel vm1, s25, v10;
	v5 =	vsel vm2, s28, v5;
	s22 =	sshra.s32 s15, $0x6;
	s26 =	sshra.s32 s3, $0x1F;
	v4 =	vsel vm2, s23, v4  }
0x631: {  	v7 =	vsel vm1, s21, v7;
	s24 =	sshrl.u32 s17, $0x1F;
	v8 =	vsel vm1, s22, v8;
	s9 =	sshra.s32 s6, $0x6;
	s19 =	sld [smem:$0x6BE];
	v4 =	vsel vm12, s26, v4  }
0x632: {  	s13 =	sshra.s32 s6, $0x1F;
	s12 =	sshrl.u32 s8, $0x1F;
	s15 =	sshra.s32 s5, $0x6;
	v7 =	vsel vm2, s31, v7;
	v9 =	vsel vm0, s24, v9;
	v4 =	vsel vm4, s9, v4  }
0x633: {  	s7 =	sshra.s32 s7, $0x6;
	v10 =	vsel vm2, s15, v10;
	v9 =	vsel vm1, s12, v9;
	s14 =	sshrl.u32 s3, $0x1F;
	s16 =	sshra.s32 s4, $0x6;
	v4 =	vsel vm13, s13, v4  }
0x634: {  	s17 =	sshrl.u32 s6, $0x1F;
	v8 =	vsel vm2, s7, v8;
	v9 =	vsel vm2, s14, v9;
	s20 =	sshra.s32 s4, $0x1F;
	s5 =	sadd.s32 s19, s18;
	v4 =	vsel vm5, s16, v4  }
0x635: {  	s21 =	sshrl.u32 s4, $0x1F;
	v5 =	vcombine.low v7, v5;
	v7 =	vsel vm4, s17, v9;
	s22 =	sshra.s32 s5, $0x6;
	v4 =	vsel vm14, s20, v4  }
0x636: {  	v8 =	vcombine.low v10, v8;
	v7 =	vsel vm5, s21, v7;
	s23 =	sshrl.u32 s5, $0x1F;
	s24 =	sshra.s32 s5, $0x1F;
	v4 =	vsel vm6, s22, v4  }
0x637: {  	s25 =	sshrl.u32 s2, $0x1F;
	v5 =	vperm.xlane v5, v2;
	s26 =	sshra.s32 s2, $0x6;
	v7 =	vsel vm6, s23, v7;
	v4 =	vsel vm15, s24, v4  }
0x638: {  	v8 =	vperm.xlane v8, v2;
	v7 =	vsel vm7, s25, v7;
	v4 =	vsel vm7, s26, v4  }
0x639: {  	v7 =	vperm.xlane v7, v3;
	v4 =	vperm.xlane v4, v3;
	_ =	sdelay $0x1  }
0x63a: {  	v5 =	vsel vm8, v7, v5;
	v4 =	vsel vm8, v4, v8  }
0x63b: {  	v4 =	vadd.s32 v5, v4  }
0x63c: {  	v5 =	vmul.u32 $0xFFFFFE80, v4;
	_ =	sdelay $0x1  }
0x63d: {  	v5 =	vadd.s32 v6, v5  }
0x63e: {  	v6 =	vmul.u32 $0x3A, v4;
	v7 =	vmul.u32 $0x29, v5  }
0x63f: {  	v63 =	vmul.u32 $0x29, v4;
	v5 =	vmul.u32 $0x1D, v5  }
0x640: {  	v4 =	vadd.s32 v7, v6  }
0x641: {  	v5 =	vadd.s32 v5, v63;
	(v2sf) =	vpush v4, $0x7  }
0x642: {  	(v2sf) =	vpush v5, $0x7  }
0x643: {  	(v2sf) =	vpush v4, $0x6;
	_ =	sdelay $0x1  }
0x644: {  	(v2sf) =	vpush v5, $0x6  }
0x645: {  	(v2sf) =	vpush v4, $0xF;
	_ =	sdelay $0x1  }
0x646: {  	(v2sf) =	vpush v4, $0xB  }
0x647: {  	(v2sf) =	vpush v4, $0x5;
	_ =	sdelay $0x1  }
0x648: {  	(v2sf) =	vpush v5, $0xF  }
0x649: {  	(v2sf) =	vpush v5, $0xB  }
0x64a: {  	(v2sf) =	vpush v5, $0x5  }
0x64b: {  	(v2sf) =	vpush v4, $0xE  }
0x64c: {  	s0 =	rddreg [dreg:$0x1a]  }
0x64d: {  	s3 =	sld [smem:$0x6BF];
	(v2sf) =	vpush v4, $0xA;
	s4 =	spop (v2sf)  }
0x64e: {  	(v2sf) =	vpush v4, $0x4;
	s28 =	smulhi.u32 $0x2AAAAAAB, s4;
	s6 =	spop (v2sf)  }
0x64f: {  	s31 =	smulhi.u32 $0x2AAAAAAB, s6;
	s15 =	spop (v2sf)  }
0x650: {  	(v2sf) =	vpush v5, $0xE;
	[smem:$0x6C0] =	sst s28;
	s2 =	smulhi.u32 $0x2AAAAAAB, s15  }
0x651: {  	(v2sf) =	vpush v5, $0xA;
	s18 =	spop (v2sf);
	[smem:$0x6C1] =	sst s31  }
0x652: {  	s5 =	smulhi.u32 $0x2AAAAAAB, s18;
	s19 =	spop (v2sf)  }
0x653: {  	(v2sf) =	vpush v5, $0x4;
	[smem:$0x6C2] =	sst s2;
	s7 =	smulhi.u32 $0x2AAAAAAB, s19  }
0x654: {  	(v2sf) =	vpush v4, $0xD;
	s20 =	spop (v2sf);
	[smem:$0x6C3] =	sst s5  }
0x655: {  	s8 =	smulhi.u32 $0x2AAAAAAB, s20;
	s21 =	spop (v2sf)  }
0x656: {  	(v2sf) =	vpush v4, $0x9;
	[smem:$0x6C4] =	sst s7;
	s9 =	smulhi.u32 $0x2AAAAAAB, s21  }
0x657: {  	s25 =	spop (v2sf);
	[smem:$0x6C5] =	sst s8  }
0x658: {  	s23 =	spop (v2sf);
	[smem:$0x6C6] =	sst s9  }
0x659: {  	(v2sf) =	vpush v4, $0x3;
	s10 =	smulhi.u32 $0x2AAAAAAB, s23;
	s9 =	spop (v2sf)  }
0x65a: {  	s12 =	smulhi.u32 $0x2AAAAAAB, s9;
	s26 =	spop (v2sf)  }
0x65b: {  	[smem:$0x6C7] =	sst s10;
	s13 =	smulhi.u32 $0x2AAAAAAB, s26  }
0x65c: {  	(v2sf) =	vpush v5, $0xD;
	s30 =	spop (v2sf);
	[smem:$0x6C8] =	sst s12  }
0x65d: {  	(v2sf) =	vpush v5, $0x9;
	s14 =	smulhi.u32 $0x2AAAAAAB, s30;
	s29 =	spop (v2sf)  }
0x65e: {  	(v2sf) =	vpush v5, $0x3;
	[smem:$0x6C9] =	sst s13;
	s16 =	smulhi.u32 $0x2AAAAAAB, s29  }
0x65f: {  	(v2sf) =	vpush v4, $0xC;
	s7 =	spop (v2sf);
	[smem:$0x6CA] =	sst s14  }
0x660: {  	(v2sf) =	vpush v4, $0x8;
	s17 =	smulhi.u32 $0x2AAAAAAB, s7;
	s5 =	spop (v2sf)  }
0x661: {  	(v2sf) =	vpush v4, $0x2;
	[smem:$0x6CB] =	sst s16;
	s22 =	smulhi.u32 $0x2AAAAAAB, s5  }
0x662: {  	(v2sf) =	vpush v5, $0xC;
	s14 =	spop (v2sf);
	[smem:$0x6CC] =	sst s17  }
0x663: {  	(v2sf) =	vpush v5, $0x8;
	s24 =	smulhi.u32 $0x2AAAAAAB, s14;
	s16 =	spop (v2sf)  }
.Ltmp8:
0x664: {  	(v2sf) =	vpush v5, $0x2;
	[smem:$0x6CD] =	sst s22;
	(pc) =	sbr.rel @p0 .LBB2_10-.Ltmp8, $4  }
0x665: {  	(v2sf) =	vpush v4, $0x1;
	s28 =	smulhi.u32 $0x2AAAAAAB, s16;
	s17 =	spop (v2sf)  }
0x666: {  	(v2sf) =	vpush v5, $0x1;
	[smem:$0x6CE] =	sst s24;
	s31 =	smulhi.u32 $0x2AAAAAAB, s17  }
0x667: {  	s11 =	smulhi.u32 $0x2AAAAAAB, s25;
	(v2sf) =	vpush v4, $0x0;
	[smem:$0x6CF] =	sst s28  }
0x668: {  	s0 =	sadd.s32 $0x40, s0;
	(v2sf) =	vpush v5, $0x0;
	s8 =	spop (v2sf);
	[smem:$0x6D0] =	sst s31  }
0x669: {  	s0 =	sshra.s32 s6, $0x1F  }
0x66a: {  	s2 =	sshra.s32 s18, $0x1F;
	s0 =	smul.u32 $0x2AAAAAAB, s0  }
0x66b: {  	s12 =	sshra.s32 s15, $0x1F;
	s15 =	sshra.s32 s19, $0x1F;
	s13 =	smul.u32 $0x2AAAAAAB, s2  }
0x66c: {  	s20 =	sshra.s32 s20, $0x1F;
	s18 =	smul.u32 $0x2AAAAAAB, s15  }
0x66d: {  	s22 =	sshra.s32 s25, $0x1F;
	s3 =	smul.u32 $0x2AAAAAAB, s20  }
0x66e: {  	[smem:$0x68B] =	sst s4;
	s23 =	sshra.s32 s23, $0x1F;
	s4 =	smul.u32 $0x2AAAAAAB, s22  }
0x66f: {  	[smem:$0x688] =	sst s9;
	s24 =	sshra.s32 s26, $0x1F;
	s9 =	smul.u32 $0x2AAAAAAB, s23  }
0x670: {  	s25 =	sshra.s32 s30, $0x1F;
	s10 =	smul.u32 $0x2AAAAAAB, s24  }
0x671: {  	s5 =	sshra.s32 s5, $0x1F;
	s1 =	smul.u32 $0x2AAAAAAB, s25  }
0x672: {  	s26 =	sshra.s32 s29, $0x1F;
	s28 =	sshra.s32 s14, $0x1F;
	s25 =	smul.u32 $0x2AAAAAAB, s5  }
0x673: {  	s30 =	sshra.s32 s16, $0x1F;
	s19 =	sld [smem:$0x6C4];
	s29 =	smul.u32 $0x2AAAAAAB, s28  }
0x674: {  	s16 =	smul.u32 $0x2AAAAAAB, s30;
	[smem:$0x691] =	sst s0  }
0x675: {  	s6 =	spop (v2sf);
	[smem:$0x68F] =	sst s13  }
0x676: {  	s7 =	sshra.s32 s7, $0x1F;
	s0 =	smul.u32 $0x2AAAAAAB, s12;
	[smem:$0x68A] =	sst s29  }
0x677: {  	s13 =	smul.u32 $0x2AAAAAAB, s7;
	s15 =	sadd.s32 s4, s11;
	s4 =	sld [smem:$0x6C5]  }
0x678: {  	s23 =	smulhi.u32 $0x2AAAAAAB, s6;
	s5 =	sshra.s32 s6, $0x1F;
	s6 =	sld [smem:$0x6C7]  }
0x679: {  	s7 =	spop (v2sf);
	s11 =	sld [smem:$0x6C9]  }
0x67a: {  	s21 =	sshra.s32 s21, $0x1F;
	s24 =	smul.u32 $0x2AAAAAAB, s5;
	s20 =	spop (v2sf)  }
0x67b: {  	s5 =	sshra.s32 s7, $0x1F;
	[smem:$0x68E] =	sst s0;
	s0 =	smul.u32 $0x2AAAAAAB, s21  }
0x67c: {  	s18 =	sadd.s32 s18, s19;
	s28 =	smul.u32 $0x2AAAAAAB, s5;
	s12 =	spop (v2sf)  }
0x67d: {  	[smem:$0x68C] =	sst s15;
	s29 =	smulhi.u32 $0x2AAAAAAB, s12;
	s14 =	sshra.s32 s12, $0x1F  }
0x67e: {  	s19 =	sadd.s32 s3, s4;
	[smem:$0x690] =	sst s0;
	s0 =	smul.u32 $0x2AAAAAAB, s26  }
0x67f: {  	s3 =	sld [smem:$0x6CA];
	s24 =	sadd.s32 s24, s23;
	s26 =	smulhi.u32 $0x2AAAAAAB, s7  }
0x680: {  	s12 =	smul.u32 $0x2AAAAAAB, s14;
	[smem:$0x689] =	sst s0;
	s0 =	sshra.s32 s17, $0x1F  }
0x681: {  	s17 =	spop (v2sf);
	s23 =	sadd.s32 s28, s26;
	s22 =	smul.u32 $0x2AAAAAAB, s0  }
0x682: {  	s28 =	sld [smem:$0x6D0];
	s30 =	smulhi.u32 $0x2AAAAAAB, s17;
	s21 =	sshra.s32 s17, $0x1F  }
0x683: {  	s15 =	sadd.s32 s10, s11;
	s5 =	spop (v2sf);
	s31 =	smul.u32 $0x2AAAAAAB, s21  }
0x684: {  	s0 =	sadd.s32 s9, s6;
	s9 =	smulhi.u32 $0x2AAAAAAB, s5;
	s7 =	spop (v2sf)  }
0x685: {  	[smem:$0x68D] =	sst s0;
	s14 =	sshra.s32 s5, $0x1F;
	s4 =	smulhi.u32 $0x2AAAAAAB, s7  }
0x686: {  	s21 =	sshra.s32 s7, $0x1F;
	s10 =	smul.u32 $0x2AAAAAAB, s14;
	s2 =	spop (v2sf)  }
0x687: {  	s14 =	sld [smem:$0x6CC];
	s21 =	smul.u32 $0x2AAAAAAB, s21  }
0x688: {  	s11 =	sadd.s32 s1, s3;
	s5 =	spop (v2sf);
	s6 =	smulhi.u32 $0x2AAAAAAB, s2  }
0x689: {  	s26 =	sadd.s32 s22, s28;
	s17 =	sshra.s32 s2, $0x1F;
	s7 =	smulhi.u32 $0x2AAAAAAB, s5  }
0x68a: {  	s3 =	spop (v2sf);
	s14 =	sadd.s32 s13, s14;
	s13 =	smul.u32 $0x2AAAAAAB, s17  }
0x68b: {  	s0 =	sshra.s32 s5, $0x1F;
	s2 =	spop (v2sf);
	s17 =	sld [smem:$0x6CD]  }
0x68c: {  	s5 =	smul.u32 $0x2AAAAAAB, s0;
	s28 =	sadd.s32 s21, s4;
	s1 =	spop (v2sf)  }
0x68d: {  	s21 =	smulhi.u32 $0x2AAAAAAB, s2;
	s2 =	sshra.s32 s2, $0x1F;
	s0 =	spop (v2sf)  }
0x68e: {  	s4 =	smulhi.u32 $0x2AAAAAAB, s1;
	s1 =	sshra.s32 s1, $0x1F;
	s6 =	sadd.s32 s13, s6  }
0x68f: {  	s17 =	sadd.s32 s25, s17;
	s25 =	sld [smem:$0x6CF];
	s1 =	smul.u32 $0x2AAAAAAB, s1  }
0x690: {  	s22 =	smul.u32 $0x2AAAAAAB, s2;
	s13 =	sadd.s32 s10, s9;
	s10 =	sadd.s32 s5, s7  }
0x691: {  	s5 =	sld [smem:$0x6CB];
	s2 =	sadd.s32 s1, s4;
	s4 =	smulhi.u32 $0x2AAAAAAB, s3  }
0x692: {  	s3 =	sshra.s32 s3, $0x1F;
	s25 =	sadd.s32 s16, s25;
	s16 =	smulhi.u32 $0x2AAAAAAB, s0  }
0x693: {  	s12 =	sadd.s32 s12, s29;
	s7 =	sld [smem:$0x689];
	s9 =	smul.u32 $0x2AAAAAAB, s3  }
0x694: {  	s29 =	sadd.s32 s31, s30;
	s0 =	sshra.s32 s0, $0x1F;
	s3 =	smulhi.u32 $0x2AAAAAAB, s8  }
0x695: {  	s21 =	sadd.s32 s22, s21;
	s1 =	sld [smem:$0x688];
	s0 =	smul.u32 $0x2AAAAAAB, s0  }
0x696: {  	s22 =	sadd.s32 s9, s4;
	s9 =	sadd.s32 s7, s5;
	s5 =	sld [smem:$0x68B]  }
0x697: {  	s7 =	sshrl.u32 s29, $0x1F;
	s30 =	sadd.s32 s0, s16;
	s16 =	sshra.s32 s8, $0x1F  }
0x698: {  	s0 =	sshra.s32 s1, $0x1F;
	s8 =	sld [smem:$0x6CE];
	s1 =	smul.u32 $0x2AAAAAAB, s16  }
0x699: {  	v7 =	vmov s7;
	s7 =	sshrl.u32 s28, $0x1F;
	s16 =	sld [smem:$0x68A];
	s4 =	smul.u32 $0x2AAAAAAB, s0  }
0x69a: {  	v9 =	vmov s7;
	s7 =	sshrl.u32 s24, $0x6;
	s0 =	sshra.s32 s5, $0x1F;
	s5 =	sshrl.u32 s12, $0x6  }
0x69b: {  	v8 =	vmov s5;
	s5 =	sshrl.u32 s28, $0x6;
	s28 =	sshrl.u32 s2, $0x1F;
	s2 =	sshrl.u32 s2, $0x6  }
0x69c: {  	s0 =	smul.u32 $0x2AAAAAAB, s0;
	s8 =	sadd.s32 s16, s8;
	s16 =	sadd.s32 s1, s3  }
0x69d: {  	s1 =	smulhi.u32 $0x2AAAAAAB, s20;
	s20 =	sshra.s32 s20, $0x1F;
	s3 =	sshrl.u32 s12, $0x1F  }
0x69e: {  	s12 =	sshrl.u32 s29, $0x6;
	s29 =	sshrl.u32 s6, $0x1F;
	v14 =	vmov s28;
	s28 =	sshrl.u32 s25, $0x6  }
0x69f: {  	v12 =	vmov s5;
	s5 =	sshrl.u32 s24, $0x1F;
	s24 =	sshrl.u32 s23, $0x6;
	s20 =	smul.u32 $0x2AAAAAAB, s20  }
0x6a0: {  	v10 =	vmov s29;
	v11 =	vmov s12;
	s12 =	sshrl.u32 s6, $0x6;
	s29 =	sshrl.u32 s30, $0x1F;
	s6 =	sshrl.u32 s30, $0x6  }
0x6a1: {  	s30 =	sshrl.u32 s26, $0x6;
	v8 =	vsel vm0, s28, v8;
	v12 =	vsel vm0, s7, v12;
	s28 =	sshrl.u32 s11, $0x1F;
	s7 =	sshrl.u32 s17, $0x1F  }
0x6a2: {  	v17 =	vmov s2;
	v13 =	vmov s12;
	s12 =	sshrl.u32 s25, $0x1F;
	v15 =	vmov s29;
	s29 =	sshrl.u32 s26, $0x1F;
	s25 =	sshrl.u32 s15, $0x1F  }
0x6a3: {  	v6 =	vmov s3;
	v16 =	vmov s6;
	v11 =	vsel vm0, s30, v11;
	s26 =	sshrl.u32 s15, $0x6;
	s30 =	sshrl.u32 s14, $0x1F;
	s6 =	sshrl.u32 s14, $0x6  }
0x6a4: {  	v9 =	vsel vm0, s5, v9;
	v14 =	vnsel vm3, $0x0, v14;
	s14 =	sshrl.u32 s21, $0x6;
	s15 =	sshrl.u32 s22, $0x1F;
	v6 =	vsel vm0, s12, v6;
	s12 =	sshrl.u32 s23, $0x1F  }
0x6a5: {  	v17 =	vnsel vm3, $0x0, v17;
	v7 =	vsel vm0, s29, v7;
	v13 =	vsel vm0, s24, v13;
	s29 =	sshrl.u32 s11, $0x6;
	s11 =	sshrl.u32 s17, $0x6;
	s17 =	sshrl.u32 s22, $0x6  }
0x6a6: {  	v8 =	vsel vm1, s26, v8;
	v9 =	vsel vm1, s30, v9;
	s22 =	sshrl.u32 s18, $0x6;
	s23 =	sshrl.u32 s19, $0x1F;
	v6 =	vsel vm1, s25, v6;
	s25 =	sld [smem:$0x68C]  }
0x6a7: {  	v12 =	vsel vm1, s6, v12;
	v14 =	vsel vm0, s15, v14;
	s24 =	sshrl.u32 s19, $0x6;
	s15 =	sshrl.u32 s13, $0x1F;
	v11 =	vsel vm1, s29, v11;
	s29 =	sld [smem:$0x68D]  }
0x6a8: {  	v15 =	vnsel vm3, $0x0, v15;
	s19 =	sshrl.u32 s10, $0x6;
	s1 =	sadd.s32 s20, s1;
	v7 =	vsel vm1, s28, v7;
	v8 =	vsel vm2, s22, v8;
	s22 =	sld [smem:$0x6C2]  }
0x6a9: {  	v16 =	vnsel vm3, $0x0, v16;
	s20 =	sshrl.u32 s16, $0x1F;
	v10 =	vsel vm0, s12, v10;
	s12 =	sshrl.u32 s21, $0x1F;
	v7 =	vsel vm2, s23, v7;
	s23 =	sld [smem:$0x68E]  }
0x6aa: {  	s21 =	sshrl.u32 s18, $0x1F;
	v16 =	vsel vm0, s14, v16;
	v17 =	vsel vm0, s17, v17;
	s17 =	sshrl.u32 s13, $0x6;
	v15 =	vsel vm0, s12, v15;
	s12 =	sld [smem:$0x6C8]  }
0x6ab: {  	v13 =	vsel vm1, s11, v13;
	s18 =	sshrl.u32 s10, $0x1F;
	v6 =	vsel vm2, s21, v6;
	s21 =	sshrl.u32 s16, $0x6;
	v16 =	vsel vm1, s19, v16;
	s19 =	sld [smem:$0x691]  }
0x6ac: {  	v14 =	vsel vm1, s15, v14;
	v11 =	vsel vm2, s24, v11;
	s24 =	sshrl.u32 s1, $0x1F;
	s1 =	sshrl.u32 s1, $0x6;
	v15 =	vsel vm1, s18, v15;
	s18 =	sld [smem:$0x6C1]  }
0x6ad: {  	v10 =	vsel vm1, s7, v10;
	v17 =	vsel vm1, s17, v17;
	v14 =	vsel vm2, s20, v14;
	s26 =	sshrl.u32 s25, $0x1F;
	s28 =	sshrl.u32 s25, $0x6;
	s25 =	sld [smem:$0x6C3]  }
0x6ae: {  	v17 =	vsel vm2, s21, v17;
	v16 =	vsel vm2, s1, v16;
	v6 =	vcombine.low v7, v6;
	s30 =	sshrl.u32 s29, $0x1F;
	s5 =	sshrl.u32 s29, $0x6;
	s29 =	sld [smem:$0x6C6]  }
0x6af: {  	s10 =	sshrl.u32 s8, $0x1F;
	s11 =	sshrl.u32 s8, $0x6;
	v8 =	vcombine.low v11, v8;
	v15 =	vsel vm2, s24, v15;
	v9 =	vsel vm2, s26, v9;
	s26 =	sld [smem:$0x68F]  }
0x6b0: {  	v10 =	vsel vm2, s30, v10;
	v12 =	vsel vm2, s28, v12;
	v13 =	vsel vm2, s5, v13;
	s5 =	sadd.s32 s23, s22;
	s28 =	sshrl.u32 s9, $0x1F;
	s30 =	sld [smem:$0x690]  }
0x6b1: {  	v16 =	vsel vm4, s11, v16;
	s9 =	sshrl.u32 s9, $0x6;
	s4 =	sadd.s32 s4, s12;
	s22 =	sld [smem:$0x6C0];
	v6 =	vperm.xlane v6, v2;
	v8 =	vperm.xlane v8, v2  }
0x6b2: {  	v15 =	vsel vm4, s10, v15;
	s15 =	sshrl.u32 s4, $0x1F;
	s4 =	sshrl.u32 s4, $0x6;
	s16 =	sshrl.u32 s5, $0x1F;
	v57 =	vcombine.low v10, v9;
	v60 =	vcombine.low v13, v12  }
0x6b3: {  	v14 =	vsel vm4, s28, v14;
	v17 =	vsel vm4, s9, v17;
	s20 =	sshrl.u32 s5, $0x6;
	v15 =	vsel vm5, s15, v15;
	s3 =	sadd.s32 s26, s25;
	s2 =	sadd.s32 s30, s29  }
0x6b4: {  	v16 =	vsel vm5, s4, v16;
	v7 =	vperm.xlane v57, v2;
	v11 =	vperm.xlane v60, v2;
	s13 =	sshrl.u32 s2, $0x1F;
	s14 =	sshrl.u32 s2, $0x6;
	s17 =	sshrl.u32 s3, $0x1F  }
0x6b5: {  	s4 =	sadd.s32 s19, s18;
	s0 =	sadd.s32 s0, s22;
	s3 =	sshrl.u32 s3, $0x6;
	v14 =	vsel vm5, s13, v14;
	v17 =	vsel vm5, s14, v17;
	v15 =	vsel vm6, s17, v15  }
0x6b6: {  	s21 =	sshrl.u32 s4, $0x1F;
	s23 =	sshrl.u32 s4, $0x6;
	s24 =	sshrl.u32 s0, $0x1F;
	v16 =	vsel vm6, s3, v16;
	v14 =	vsel vm6, s16, v14;
	v58 =	vsel vm6, s20, v17  }
0x6b7: {  	s0 =	sshrl.u32 s0, $0x6;
	v59 =	vsel vm7, s21, v15;
	v61 =	vsel vm7, s23, v16;
	v62 =	vsel vm7, s24, v14  }
0x6b8: {  	v9 =	vsel vm7, s0, v58;
	v10 =	vperm.xlane v59, v3;
	v12 =	vperm.xlane v61, v3  }
0x6b9: {  	v13 =	vperm.xlane v62, v3;
	v9 =	vperm.xlane v9, v3  }
0x6ba: {  	v7 =	vsel vm8, v10, v7;
	v63 =	vsel vm8, v12, v11  }
0x6bb: {  	v7 =	vadd.s32 v7, v63;
	v6 =	vsel vm8, v13, v6;
	v8 =	vsel vm8, v9, v8  }
0x6bc: {  	v7 =	vmul.u32 $0x180, v7;
	v6 =	vadd.s32 v6, v8  }
0x6bd: {  	s31 =	sld [smem:$0x6D4];
	v6 =	vmul.u32 $0x180, v6  }
0x6be: {  	s7 =	sld [smem:$0x6D3];
	v5 =	vsub.s32 v5, v7  }
0x6bf: {  	s5 =	sld [smem:$0x6D2];
	v4 =	vsub.s32 v4, v6;
	v5 =	vmul.u32 $0x180, v5  }
0x6c0: {  	s25 =	rddreg [dreg:$0x7];
	v4 =	vadd.s32 v0, v4  }
0x6c1: {  	s28 =	simm.s32 $0x80;
	s26 =	rddreg [dreg:$0x0];
	s0 =	sshra.s32 s25, $0x2;
	v4 =	vadd.s32 v5, v4  }
0x6c2: {  	s29 =	simm.s32 $0x100;
	s30 =	simm.s32 $0x8200;
	s3 =	simm.s32 $0x0;
	[tilespmem:s0+$0x100] =	vst v4  }
0x6c3: {  	[tilespmem:s30], [sflag:$0x3] =	stream.indirect.gather [hbm4b:s26+s28], $0x80, s29, s28, $0xb8;
	[tilespmem:$0xC200] =	vst v63  }
.LBB2_12:
0x6c4: {  	s1 =	sld [smem:$0x7F5];
	s2 =	simm.s32 $0x1  }
0x6c5: {  	s0 =	smul.u32 $0x180, s5;
	_ =	swait.ge [sflag:s2], $0x4000  }
0x6c6: {  	[sflag:s2] =	ssyncset.done $0x0;
	s30 =	sld [smem:$0x7F6]  }
0x6c7: {  	p0 =	seq.s32 s5, $0x2F;
	s1 =	sadd.s32 s1, s0;
	[sflag:s2] =	ssyncadd.s32 $0xFFFFC000  }
.Ltmp9:
0x6c8: {  	s1 =	sshll.u32 s1, $0x4;
	s2 =	rddreg [dreg:$0x1];
	(pc) =	sbr.rel @p0 .LBB2_18-.Ltmp9, $4  }
0x6c9: {  	s4 =	simm.s32 $0x200;
	s1 =	sadd.s32 s2, s1;
	s0 =	sadd.s32 s0, s30  }
0x6ca: {  	[hbm4b:s1+s3] =	stream.linear.scatter [tilespmem:s4], [sflag:$0x4], $0x4000, $0x38;
	[tilespmem:$0xC200] =	vst v63  }
0x6cb: {  	s0 =	sshll.u32 s0, $0x4  }
0x6cc: {  	s1 =	sadd.s32 s2, s0  }
0x6cd: {  	[smem:$0x676] =	sst s1;
	v4 =	vor.u32 s7, v1;
	s31 =	simm.s32 $0x4  }
0x6ce: {  	_ =	swait.ge [sflag:s31], $0x4000;
	v4 =	vsub.s32 v4, v0  }
0x6cf: {  	(v2sf) =	vpush v4, $0xF  }
0x6d0: {  	(v2sf) =	vpush v4, $0xB;
	_ =	sdelay $0x1  }
0x6d1: {  	(v2sf) =	vpush v4, $0x6;
	_ =	sdelay $0x1  }
0x6d2: {  	(v2sf) =	vpush v4, $0xE;
	_ =	sdelay $0x1  }
0x6d3: {  	(v2sf) =	vpush v4, $0xA;
	_ =	sdelay $0x1  }
0x6d4: {  	(v2sf) =	vpush v4, $0xD;
	_ =	sdelay $0x1  }
0x6d5: {  	(v2sf) =	vpush v4, $0x9;
	_ =	sdelay $0x1  }
0x6d6: {  	(v2sf) =	vpush v4, $0x5;
	_ =	sdelay $0x1  }
0x6d7: {  	(v2sf) =	vpush v4, $0xC;
	s26 =	spop (v2sf)  }
0x6d8: {  	s2 =	spop (v2sf);
	s4 =	smulhi.u32 $0x2AAAAAAB, s26  }
0x6d9: {  	(v2sf) =	vpush v4, $0x8;
	s1 =	sshra.s32 s26, $0x1F;
	s6 =	smulhi.u32 $0x2AAAAAAB, s2  }
0x6da: {  	s5 =	spop (v2sf);
	s24 =	smul.u32 $0x2AAAAAAB, s1  }
0x6db: {  	(v2sf) =	vpush v4, $0x4;
	s2 =	sshra.s32 s2, $0x1F;
	s0 =	smulhi.u32 $0x2AAAAAAB, s5  }
0x6dc: {  	s28 =	spop (v2sf);
	s2 =	smul.u32 $0x2AAAAAAB, s2  }
0x6dd: {  	(v2sf) =	vpush v4, $0x3;
	s5 =	sshra.s32 s5, $0x1F;
	s9 =	smulhi.u32 $0x2AAAAAAB, s28  }
0x6de: {  	s8 =	spop (v2sf);
	s1 =	smul.u32 $0x2AAAAAAB, s5  }
0x6df: {  	s25 =	sshra.s32 s28, $0x1F;
	s11 =	smulhi.u32 $0x2AAAAAAB, s8  }
0x6e0: {  	(v2sf) =	vpush v4, $0x2;
	s10 =	spop (v2sf);
	s7 =	smul.u32 $0x2AAAAAAB, s25  }
0x6e1: {  	(v2sf) =	vpush v4, $0x1;
	s26 =	sshra.s32 s8, $0x1F;
	s13 =	smulhi.u32 $0x2AAAAAAB, s10  }
0x6e2: {  	s12 =	spop (v2sf);
	s28 =	sshra.s32 s10, $0x1F;
	s10 =	smul.u32 $0x2AAAAAAB, s26  }
0x6e3: {  	(v2sf) =	vpush v4, $0x0;
	s15 =	smulhi.u32 $0x2AAAAAAB, s12  }
0x6e4: {  	(v2sf) =	vpush v4, $0x7;
	s14 =	spop (v2sf);
	s8 =	smul.u32 $0x2AAAAAAB, s28  }
0x6e5: {  	s25 =	sshra.s32 s12, $0x1F;
	s17 =	smulhi.u32 $0x2AAAAAAB, s14  }
0x6e6: {  	s16 =	spop (v2sf);
	s12 =	smul.u32 $0x2AAAAAAB, s25  }
0x6e7: {  	s26 =	sshra.s32 s14, $0x1F;
	s19 =	smulhi.u32 $0x2AAAAAAB, s16  }
0x6e8: {  	s18 =	spop (v2sf);
	s28 =	sshra.s32 s16, $0x1F;
	s16 =	smul.u32 $0x2AAAAAAB, s26  }
0x6e9: {  	s21 =	smulhi.u32 $0x2AAAAAAB, s18  }
0x6ea: {  	s20 =	spop (v2sf);
	s14 =	smul.u32 $0x2AAAAAAB, s28  }
0x6eb: {  	s18 =	sshra.s32 s18, $0x1F;
	s23 =	smulhi.u32 $0x2AAAAAAB, s20  }
0x6ec: {  	s22 =	spop (v2sf);
	s18 =	smul.u32 $0x2AAAAAAB, s18  }
0x6ed: {  	s25 =	sshra.s32 s20, $0x1F;
	s3 =	smulhi.u32 $0x2AAAAAAB, s22  }
0x6ee: {  	s4 =	sadd.s32 s24, s4;
	s26 =	sshra.s32 s22, $0x1F;
	s22 =	smul.u32 $0x2AAAAAAB, s25  }
0x6ef: {  	s9 =	sadd.s32 s7, s9;
	s28 =	spop (v2sf);
	s20 =	smul.u32 $0x2AAAAAAB, s26  }
0x6f0: {  	s10 =	sadd.s32 s10, s11;
	s25 =	spop (v2sf);
	s26 =	smulhi.u32 $0x2AAAAAAB, s28  }
0x6f1: {  	s8 =	sadd.s32 s8, s13;
	s5 =	sshra.s32 s28, $0x1F;
	s24 =	smulhi.u32 $0x2AAAAAAB, s25  }
0x6f2: {  	s12 =	sadd.s32 s12, s15;
	s28 =	smul.u32 $0x2AAAAAAB, s5;
	s29 =	spop (v2sf)  }
0x6f3: {  	s5 =	sadd.s32 s2, s6;
	s6 =	spop (v2sf);
	s11 =	smulhi.u32 $0x2AAAAAAB, s29  }
0x6f4: {  	s14 =	sadd.s32 s14, s19;
	s13 =	smulhi.u32 $0x2AAAAAAB, s6;
	s2 =	sshra.s32 s6, $0x1F  }
0x6f5: {  	s15 =	sadd.s32 s18, s21;
	s7 =	sshra.s32 s29, $0x1F;
	s2 =	smul.u32 $0x2AAAAAAB, s2  }
0x6f6: {  	s21 =	sshrl.u32 s14, $0x1F;
	s25 =	sshra.s32 s25, $0x1F;
	s19 =	smul.u32 $0x2AAAAAAB, s7  }
0x6f7: {  	s14 =	sshra.s32 s14, $0x6;
	s25 =	smul.u32 $0x2AAAAAAB, s25;
	s2 =	sadd.s32 s2, s13  }
0x6f8: {  	s6 =	sadd.s32 s16, s17;
	s11 =	sadd.s32 s19, s11;
	s17 =	sshra.s32 s2, $0x1F  }
0x6f9: {  	s7 =	sadd.s32 s22, s23;
	s22 =	sshrl.u32 s15, $0x1F;
	s19 =	sshra.s32 s11, $0x6;
	v5 =	vmov s17  }
0x6fa: {  	v6 =	vmov s21;
	s18 =	sadd.s32 s25, s24;
	s24 =	sshra.s32 s15, $0x6;
	s23 =	sshra.s32 s11, $0x1F;
	v5 =	vsel vm3, s19, v5  }
0x6fb: {  	v8 =	vmov s14;
	v7 =	vmov s22;
	s25 =	sshra.s32 s18, $0x6;
	s15 =	sshra.s32 s18, $0x1F;
	s11 =	sshrl.u32 s11, $0x1F;
	v5 =	vsel vm9, s23, v5  }
0x6fc: {  	v10 =	vmov s24;
	s13 =	sadd.s32 s28, s26;
	s26 =	sshrl.u32 s8, $0x1F;
	s28 =	sshrl.u32 s12, $0x1F;
	v9 =	vmov s11;
	v5 =	vsel vm0, s25, v5  }
0x6fd: {  	s8 =	sshra.s32 s8, $0x6;
	s12 =	sshra.s32 s12, $0x6;
	v6 =	vsel vm0, s26, v6;
	v7 =	vsel vm0, s28, v7;
	s17 =	sshra.s32 s13, $0x6;
	v5 =	vsel vm10, s15, v5  }
0x6fe: {  	s21 =	sshrl.u32 s10, $0x1F;
	s3 =	sadd.s32 s20, s3;
	v8 =	vsel vm0, s8, v8;
	v10 =	vsel vm0, s12, v10;
	s20 =	sshra.s32 s13, $0x1F;
	v5 =	vsel vm1, s17, v5  }
0x6ff: {  	s22 =	sshra.s32 s3, $0x6;
	s24 =	sshra.s32 s10, $0x6;
	s28 =	sshrl.u32 s5, $0x1F;
	v9 =	vnsel vm3, $0x0, v9;
	v7 =	vsel vm1, s21, v7;
	v5 =	vsel vm11, s20, v5  }
0x700: {  	v10 =	vsel vm1, s24, v10;
	s19 =	sshrl.u32 s9, $0x1F;
	s9 =	sshra.s32 s9, $0x6;
	v7 =	vsel vm2, s28, v7;
	s25 =	sshra.s32 s3, $0x1F;
	v5 =	vsel vm2, s22, v5  }
0x701: {  	s26 =	sshrl.u32 s4, $0x1F;
	s11 =	sshra.s32 s7, $0x6;
	v6 =	vsel vm1, s19, v6;
	s23 =	sshrl.u32 s18, $0x1F;
	v8 =	vsel vm1, s9, v8;
	v5 =	vsel vm12, s25, v5  }
0x702: {  	s14 =	sshra.s32 s7, $0x1F;
	s4 =	sshra.s32 s4, $0x6;
	s13 =	sshrl.u32 s13, $0x1F;
	v9 =	vsel vm0, s23, v9;
	v6 =	vsel vm2, s26, v6;
	v5 =	vsel vm4, s11, v5  }
0x703: {  	s0 =	sadd.s32 s1, s0;
	s16 =	sshra.s32 s6, $0x6;
	s3 =	sshrl.u32 s3, $0x1F;
	v8 =	vsel vm2, s4, v8;
	v9 =	vsel vm1, s13, v9;
	v5 =	vsel vm13, s14, v5  }
0x704: {  	s18 =	sshra.s32 s6, $0x1F;
	s15 =	sshra.s32 s5, $0x6;
	v6 =	vcombine.low v7, v6;
	v9 =	vsel vm2, s3, v9;
	s17 =	sshrl.u32 s7, $0x1F;
	v5 =	vsel vm5, s16, v5  }
0x705: {  	s19 =	sshrl.u32 s6, $0x1F;
	v10 =	vsel vm2, s15, v10;
	v7 =	vsel vm4, s17, v9;
	s20 =	sshra.s32 s0, $0x6;
	v5 =	vsel vm14, s18, v5  }
0x706: {  	s21 =	sshrl.u32 s0, $0x1F;
	v8 =	vcombine.low v10, v8;
	s0 =	sshra.s32 s0, $0x1F;
	v7 =	vsel vm5, s19, v7;
	v5 =	vsel vm6, s20, v5  }
0x707: {  	s23 =	sshra.s32 s2, $0x6;
	v6 =	vperm.xlane v6, v2;
	s22 =	sshrl.u32 s2, $0x1F;
	v7 =	vsel vm6, s21, v7;
	v5 =	vsel vm15, s0, v5  }
0x708: {  	v8 =	vperm.xlane v8, v2;
	v7 =	vsel vm7, s22, v7;
	v5 =	vsel vm7, s23, v5  }
0x709: {  	v7 =	vperm.xlane v7, v3;
	v5 =	vperm.xlane v5, v3;
	_ =	sdelay $0x1  }
0x70a: {  	v6 =	vsel vm8, v7, v6;
	v5 =	vsel vm8, v5, v8  }
0x70b: {  	v5 =	vadd.s32 v6, v5  }
0x70c: {  	v6 =	vmul.u32 $0xFFFFFE80, v5;
	_ =	sdelay $0x1  }
0x70d: {  	v4 =	vadd.s32 v4, v6  }
0x70e: {  	v6 =	vmul.u32 $0x3A, v5;
	v7 =	vmul.u32 $0x29, v4;
	_ =	sdelay $0x1  }
0x70f: {  	v5 =	vmul.u32 $0x29, v5;
	v63 =	vmul.u32 $0x1D, v4;
	v4 =	vadd.s32 v7, v6  }
0x710: {  	(v2sf) =	vpush v4, $0x7  }
0x711: {  	v5 =	vadd.s32 v63, v5  }
0x712: {  	(v2sf) =	vpush v5, $0x7  }
0x713: {  	(v2sf) =	vpush v4, $0x6  }
0x714: {  	(v2sf) =	vpush v5, $0x6;
	_ =	sdelay $0x1  }
0x715: {  	(v2sf) =	vpush v4, $0xF  }
0x716: {  	(v2sf) =	vpush v4, $0xB;
	_ =	sdelay $0x1  }
0x717: {  	(v2sf) =	vpush v4, $0x5  }
0x718: {  	(v2sf) =	vpush v5, $0xF;
	_ =	sdelay $0x1  }
0x719: {  	(v2sf) =	vpush v5, $0xB  }
0x71a: {  	(v2sf) =	vpush v5, $0x5;
	_ =	sdelay $0x1  }
0x71b: {  	(v2sf) =	vpush v4, $0xE;
	s4 =	spop (v2sf)  }
0x71c: {  	s24 =	smulhi.u32 $0x2AAAAAAB, s4  }
0x71d: {  	(v2sf) =	vpush v4, $0xA;
	s5 =	spop (v2sf)  }
0x71e: {  	(v2sf) =	vpush v4, $0x4;
	s12 =	spop (v2sf);
	[smem:$0x677] =	sst s24  }
0x71f: {  	s25 =	smulhi.u32 $0x2AAAAAAB, s12;
	s13 =	spop (v2sf);
	s24 =	simm.s32 $0x0  }
0x720: {  	(v2sf) =	vpush v5, $0xE;
	s26 =	smulhi.u32 $0x2AAAAAAB, s13;
	[dreg:$0x8] =	wrdreg s24  }
0x721: {  	(v2sf) =	vpush v5, $0xA;
	s19 =	spop (v2sf);
	[smem:$0x678] =	sst s25  }
0x722: {  	s28 =	smulhi.u32 $0x2AAAAAAB, s19;
	s20 =	spop (v2sf)  }
0x723: {  	[smem:$0x679] =	sst s26;
	s1 =	smulhi.u32 $0x2AAAAAAB, s20  }
0x724: {  	(v2sf) =	vpush v5, $0x4;
	s21 =	spop (v2sf);
	[smem:$0x67A] =	sst s28  }
0x725: {  	(v2sf) =	vpush v4, $0xD;
	s2 =	smulhi.u32 $0x2AAAAAAB, s21;
	s23 =	spop (v2sf)  }
0x726: {  	(v2sf) =	vpush v4, $0x9;
	[smem:$0x67B] =	sst s1;
	s3 =	smulhi.u32 $0x2AAAAAAB, s23  }
0x727: {  	s22 =	spop (v2sf);
	[smem:$0x67C] =	sst s2  }
0x728: {  	s6 =	smulhi.u32 $0x2AAAAAAB, s22;
	s26 =	spop (v2sf)  }
0x729: {  	(v2sf) =	vpush v4, $0x3;
	[smem:$0x67D] =	sst s3;
	s7 =	smulhi.u32 $0x2AAAAAAB, s26  }
0x72a: {  	s29 =	spop (v2sf);
	[smem:$0x67E] =	sst s6  }
0x72b: {  	s8 =	smulhi.u32 $0x2AAAAAAB, s29;
	s6 =	sld [smem:$0x6D3]  }
0x72c: {  	(v2sf) =	vpush v5, $0xD;
	s30 =	spop (v2sf);
	[smem:$0x67F] =	sst s7  }
0x72d: {  	(v2sf) =	vpush v5, $0x9;
	s9 =	smulhi.u32 $0x2AAAAAAB, s30;
	s7 =	spop (v2sf)  }
0x72e: {  	(v2sf) =	vpush v5, $0x3;
	[smem:$0x680] =	sst s8;
	s10 =	smulhi.u32 $0x2AAAAAAB, s7  }
0x72f: {  	(v2sf) =	vpush v4, $0xC;
	s15 =	spop (v2sf);
	[smem:$0x681] =	sst s9  }
0x730: {  	(v2sf) =	vpush v4, $0x8;
	s11 =	smulhi.u32 $0x2AAAAAAB, s15;
	s17 =	spop (v2sf)  }
0x731: {  	(v2sf) =	vpush v4, $0x2;
	[smem:$0x682] =	sst s10;
	s16 =	smulhi.u32 $0x2AAAAAAB, s17  }
0x732: {  	(v2sf) =	vpush v5, $0xC;
	[smem:$0x683] =	sst s11  }
0x733: {  	(v2sf) =	vpush v5, $0x8;
	[smem:$0x684] =	sst s16;
	s16 =	spop (v2sf)  }
0x734: {  	(v2sf) =	vpush v5, $0x2;
	s18 =	smulhi.u32 $0x2AAAAAAB, s16;
	s8 =	spop (v2sf)  }
0x735: {  	(v2sf) =	vpush v4, $0x1;
	s25 =	smulhi.u32 $0x2AAAAAAB, s8;
	s2 =	spop (v2sf)  }
0x736: {  	[sflag:s31] =	ssyncset.done $0x0;
	(v2sf) =	vpush v5, $0x1;
	[smem:$0x685] =	sst s18;
	s28 =	smulhi.u32 $0x2AAAAAAB, s2  }
0x737: {  	[sflag:s31] =	ssyncadd.s32 $0xFFFFC000;
	s14 =	smulhi.u32 $0x2AAAAAAB, s5;
	(v2sf) =	vpush v4, $0x0;
	[smem:$0x686] =	sst s25  }
0x738: {  	s0 =	simm.s32 $0x40;
	(v2sf) =	vpush v5, $0x0;
	s31 =	spop (v2sf);
	[smem:$0x687] =	sst s28  }
.LBB2_14:
0x739: {  	_ = 	snop  }
0x73a: {  	s3 =	smulhi.u32 $0x2AAAAAAB, s31  }
0x73b: {  	[dreg:$0x1b] =	wrdreg s0;
	p0 =	sne.s32 s0, $0x1C0;
	s0 =	spop (v2sf)  }
0x73c: {  	[smem:$0x65B] =	sst s3;
	s25 =	spop (v2sf)  }
0x73d: {  	s1 =	smulhi.u32 $0x2AAAAAAB, s0;
	s3 =	spop (v2sf)  }
0x73e: {  	s9 =	smulhi.u32 $0x2AAAAAAB, s25;
	s24 =	spop (v2sf)  }
0x73f: {  	[smem:$0x64D] =	sst s1;
	s1 =	spop (v2sf)  }
0x740: {  	[smem:$0x64E] =	sst s9;
	s9 =	smulhi.u32 $0x2AAAAAAB, s1  }
0x741: {  	_ = 	snop  }
0x742: {  	[smem:$0x651] =	sst s9;
	s9 =	spop (v2sf)  }
0x743: {  	s28 =	spop (v2sf)  }
0x744: {  	[smem:$0x64A] =	sst s14;
	s14 =	smulhi.u32 $0x2AAAAAAB, s28  }
0x745: {  	s10 =	smulhi.u32 $0x2AAAAAAB, s3  }
0x746: {  	[smem:$0x64F] =	sst s14;
	s14 =	spop (v2sf)  }
0x747: {  	s18 =	smulhi.u32 $0x2AAAAAAB, s14  }
0x748: {  	s11 =	smulhi.u32 $0x2AAAAAAB, s24  }
0x749: {  	[smem:$0x652] =	sst s18;
	s18 =	spop (v2sf)  }
0x74a: {  	[smem:$0x65C] =	sst s10;
	s10 =	smulhi.u32 $0x2AAAAAAB, s18  }
0x74b: {  	[smem:$0x650] =	sst s11;
	s11 =	smulhi.u32 $0x2AAAAAAB, s9  }
0x74c: {  	[smem:$0x657] =	sst s10;
	s10 =	spop (v2sf)  }
0x74d: {  	[smem:$0x647] =	sst s10;
	s10 =	smulhi.u32 $0x2AAAAAAB, s10  }
0x74e: {  	[smem:$0x655] =	sst s11;
	s11 =	spop (v2sf)  }
0x74f: {  	[smem:$0x658] =	sst s10;
	s10 =	smulhi.u32 $0x2AAAAAAB, s11  }
0x750: {  	s6 =	sadd.s32 $0x10, s6;
	[smem:$0x648] =	sst s11;
	s11 =	spop (v2sf)  }
0x751: {  	v6 =	vor.u32 s6, v1;
	[smem:$0x656] =	sst s10;
	s10 =	smulhi.u32 $0x2AAAAAAB, s11  }
0x752: {  	v6 =	vsub.s32 v6, v0  }
0x753: {  	s4 =	sshra.s32 s4, $0x1F;
	[smem:$0x654] =	sst s10;
	s10 =	spop (v2sf);
	(v2sf) =	vpush v6, $0xF  }
0x754: {  	s13 =	sshra.s32 s13, $0x1F;
	s4 =	smul.u32 $0x2AAAAAAB, s4;
	(v2sf) =	vpush v6, $0xB  }
0x755: {  	[smem:$0x673] =	sst s6;
	s6 =	smul.u32 $0x2AAAAAAB, s13;
	s13 =	sshra.s32 s21, $0x1F;
	(v2sf) =	vpush v6, $0x6  }
0x756: {  	s21 =	sshra.s32 s23, $0x1F;
	s23 =	smul.u32 $0x2AAAAAAB, s13;
	(v2sf) =	vpush v6, $0xE  }
0x757: {  	[smem:$0x649] =	sst s11;
	s11 =	smulhi.u32 $0x2AAAAAAB, s10;
	(v2sf) =	vpush v6, $0xA  }
0x758: {  	s5 =	sshra.s32 s5, $0x1F;
	[smem:$0x65F] =	sst s23;
	s23 =	smul.u32 $0x2AAAAAAB, s21  }
0x759: {  	s12 =	sshra.s32 s12, $0x1F;
	[smem:$0x653] =	sst s11;
	s11 =	smul.u32 $0x2AAAAAAB, s5;
	(v2sf) =	vpush v6, $0xD  }
0x75a: {  	[smem:$0x64C] =	sst s4;
	s4 =	sshra.s32 s22, $0x1F;
	s5 =	smul.u32 $0x2AAAAAAB, s12;
	(v2sf) =	vpush v6, $0x9  }
0x75b: {  	s21 =	smul.u32 $0x2AAAAAAB, s4;
	[smem:$0x64B] =	sst s11;
	s11 =	sshra.s32 s19, $0x1F;
	(v2sf) =	vpush v6, $0x5  }
0x75c: {  	[smem:$0x65D] =	sst s5;
	s5 =	sshra.s32 s26, $0x1F;
	s19 =	smul.u32 $0x2AAAAAAB, s11;
	(v2sf) =	vpush v6, $0xC  }
0x75d: {  	[smem:$0x65E] =	sst s6;
	s6 =	smul.u32 $0x2AAAAAAB, s5;
	s11 =	sshra.s32 s29, $0x1F;
	(v2sf) =	vpush v6, $0x8  }
0x75e: {  	s5 =	sshra.s32 s16, $0x1F;
	s22 =	smul.u32 $0x2AAAAAAB, s11  }
0x75f: {  	s4 =	sshra.s32 s17, $0x1F;
	s11 =	smul.u32 $0x2AAAAAAB, s5;
	(v2sf) =	vpush v6, $0x4  }
0x760: {  	s13 =	sshra.s32 s7, $0x1F;
	s17 =	smul.u32 $0x2AAAAAAB, s4;
	[smem:$0x660] =	sst s6  }
0x761: {  	s2 =	sshra.s32 s2, $0x1F;
	s26 =	smul.u32 $0x2AAAAAAB, s13;
	[smem:$0x65A] =	sst s11;
	(v2sf) =	vpush v6, $0x3  }
0x762: {  	s11 =	smul.u32 $0x2AAAAAAB, s2;
	s7 =	spop (v2sf)  }
0x763: {  	(v2sf) =	vpush v6, $0x2;
	[smem:$0x661] =	sst s7;
	s13 =	spop (v2sf)  }
0x764: {  	(v2sf) =	vpush v6, $0x1;
	[smem:$0x662] =	sst s13;
	s16 =	spop (v2sf)  }
0x765: {  	(v2sf) =	vpush v6, $0x0;
	[smem:$0x663] =	sst s16;
	s4 =	spop (v2sf)  }
0x766: {  	s6 =	sshra.s32 s25, $0x1F;
	(v2sf) =	vpush v6, $0x7;
	[smem:$0x664] =	sst s4;
	s5 =	spop (v2sf)  }
0x767: {  	s25 =	sshra.s32 s24, $0x1F;
	s7 =	smul.u32 $0x2AAAAAAB, s6;
	[smem:$0x665] =	sst s5  }
0x768: {  	s13 =	spop (v2sf);
	s5 =	smul.u32 $0x2AAAAAAB, s25  }
0x769: {  	[smem:$0x666] =	sst s13;
	s16 =	spop (v2sf)  }
0x76a: {  	[smem:$0x667] =	sst s16;
	s2 =	spop (v2sf)  }
0x76b: {  	[smem:$0x668] =	sst s2;
	s6 =	spop (v2sf)  }
0x76c: {  	s13 =	sshra.s32 s9, $0x1F;
	[smem:$0x669] =	sst s6;
	s16 =	spop (v2sf)  }
0x76d: {  	[smem:$0x66A] =	sst s16;
	s16 =	smul.u32 $0x2AAAAAAB, s13  }
0x76e: {  	s25 =	spop (v2sf);
	s13 =	sld [smem:$0x647]  }
0x76f: {  	s24 =	sshra.s32 s28, $0x1F;
	[smem:$0x66B] =	sst s25  }
0x770: {  	s4 =	sshra.s32 s1, $0x1F;
	s1 =	spop (v2sf);
	s25 =	sld [smem:$0x648]  }
0x771: {  	s28 =	sshra.s32 s14, $0x1F;
	s2 =	smul.u32 $0x2AAAAAAB, s24;
	[smem:$0x66C] =	sst s1  }
0x772: {  	s12 =	sshra.s32 s20, $0x1F;
	s1 =	smul.u32 $0x2AAAAAAB, s28;
	s9 =	spop (v2sf)  }
0x773: {  	s6 =	sshra.s32 s18, $0x1F;
	[smem:$0x66D] =	sst s9;
	s24 =	spop (v2sf)  }
0x774: {  	s18 =	sshra.s32 s13, $0x1F;
	s13 =	sld [smem:$0x649];
	s9 =	spop (v2sf)  }
0x775: {  	[smem:$0x66E] =	sst s24;
	s28 =	sshra.s32 s25, $0x1F;
	s25 =	spop (v2sf)  }
0x776: {  	s0 =	sshra.s32 s0, $0x1F;
	s20 =	smul.u32 $0x2AAAAAAB, s12;
	[smem:$0x670] =	sst s25  }
0x777: {  	s12 =	sshra.s32 s30, $0x1F;
	s24 =	sshra.s32 s13, $0x1F;
	s13 =	sld [smem:$0x677]  }
0x778: {  	s29 =	smul.u32 $0x2AAAAAAB, s12;
	s12 =	sshra.s32 s8, $0x1F;
	s25 =	sld [smem:$0x64C]  }
0x779: {  	s8 =	smul.u32 $0x2AAAAAAB, s0;
	s0 =	sshra.s32 s10, $0x1F;
	s10 =	sld [smem:$0x64B]  }
0x77a: {  	s14 =	smul.u32 $0x2AAAAAAB, s6;
	s6 =	sld [smem:$0x64A]  }
0x77b: {  	s25 =	sadd.s32 s25, s13;
	s13 =	sld [smem:$0x67A]  }
0x77c: {  	[smem:$0x66F] =	sst s9  }
0x77d: {  	s9 =	smul.u32 $0x2AAAAAAB, s24;
	s24 =	sadd.s32 s10, s6;
	s10 =	sld [smem:$0x67D]  }
0x77e: {  	s6 =	sadd.s32 s19, s13;
	s19 =	sld [smem:$0x67B];
	_ =	sdelay $0x2  }
0x77f: {  	s23 =	sadd.s32 s23, s10;
	s10 =	sadd.s32 s20, s19;
	s20 =	sld [smem:$0x67E]  }
0x780: {  	_ =	sdelay $0x1  }
0x781: {  	s13 =	sadd.s32 s21, s20;
	s21 =	sld [smem:$0x680];
	_ =	sdelay $0x2  }
0x782: {  	s21 =	sadd.s32 s22, s21;
	s22 =	sld [smem:$0x681];
	_ =	sdelay $0x1  }
0x783: {  	s19 =	sld [smem:$0x683]  }
0x784: {  	s15 =	sshra.s32 s15, $0x1F;
	s20 =	sadd.s32 s29, s22;
	s22 =	sld [smem:$0x684]  }
0x785: {  	s15 =	smul.u32 $0x2AAAAAAB, s15;
	_ =	sdelay $0x1  }
0x786: {  	s15 =	sadd.s32 s15, s19;
	s19 =	sadd.s32 s17, s22;
	s17 =	sld [smem:$0x686]  }
0x787: {  	s12 =	smul.u32 $0x2AAAAAAB, s12;
	s22 =	sld [smem:$0x64D]  }
0x788: {  	_ = 	snop  }
0x789: {  	s12 =	sadd.s32 s12, s17;
	s17 =	sld [smem:$0x64E]  }
0x78a: {  	s8 =	sadd.s32 s8, s22;
	s22 =	sld [smem:$0x687];
	_ =	sdelay $0x1  }
0x78b: {  	s7 =	sadd.s32 s7, s17;
	s17 =	sld [smem:$0x64F]  }
0x78c: {  	s11 =	sadd.s32 s11, s22;
	s22 =	sld [smem:$0x650];
	_ =	sdelay $0x1  }
0x78d: {  	s2 =	sadd.s32 s2, s17;
	s17 =	sld [smem:$0x651]  }
0x78e: {  	s4 =	smul.u32 $0x2AAAAAAB, s4;
	s5 =	sadd.s32 s5, s22;
	s22 =	sld [smem:$0x652]  }
0x78f: {  	[smem:$0x659] =	sst s26  }
0x790: {  	s26 =	sshra.s32 s31, $0x1F;
	s4 =	sadd.s32 s4, s17;
	s17 =	sld [smem:$0x653]  }
0x791: {  	s0 =	smul.u32 $0x2AAAAAAB, s0;
	s1 =	sadd.s32 s1, s22;
	s22 =	sld [smem:$0x654]  }
0x792: {  	s3 =	sshra.s32 s3, $0x1F;
	s30 =	smul.u32 $0x2AAAAAAB, s26  }
0x793: {  	s26 =	smul.u32 $0x2AAAAAAB, s3  }
0x794: {  	s29 =	sshrl.u32 s2, $0x1F;
	s3 =	sadd.s32 s0, s17;
	s9 =	sadd.s32 s9, s22  }
0x795: {  	s17 =	sshrl.u32 s5, $0x1F;
	s22 =	sshrl.u32 s4, $0x1F;
	s5 =	sshrl.u32 s5, $0x6  }
0x796: {  	s0 =	sshrl.u32 s1, $0x1F;
	s4 =	sshrl.u32 s4, $0x6;
	s1 =	sshrl.u32 s1, $0x6  }
0x797: {  	v7 =	vmov s17;
	v8 =	vmov s22;
	v9 =	vmov s5;
	s5 =	sshrl.u32 s2, $0x6;
	s17 =	sshrl.u32 s9, $0x1F;
	s22 =	sshrl.u32 s3, $0x1F  }
0x798: {  	v14 =	vmov s1;
	s1 =	sshrl.u32 s3, $0x6;
	s3 =	sshrl.u32 s9, $0x6;
	s9 =	sshrl.u32 s11, $0x1F  }
0x799: {  	v13 =	vmov s5;
	s5 =	sshrl.u32 s12, $0x1F;
	s12 =	sshrl.u32 s12, $0x6;
	v8 =	vsel vm0, s9, v8;
	s9 =	sld [smem:$0x655]  }
0x79a: {  	v12 =	vmov s4;
	v15 =	vmov s17;
	v18 =	vmov s3;
	s17 =	sshrl.u32 s8, $0x1F;
	s3 =	sshrl.u32 s11, $0x6;
	s11 =	sld [smem:$0x656]  }
0x79b: {  	v16 =	vmov s22;
	s22 =	sshrl.u32 s7, $0x1F;
	v7 =	vsel vm0, s5, v7;
	v9 =	vsel vm0, s12, v9;
	s5 =	sshrl.u32 s8, $0x6;
	s12 =	sld [smem:$0x657]  }
0x79c: {  	v10 =	vmov s29;
	s8 =	sshrl.u32 s7, $0x6;
	v12 =	vsel vm0, s3, v12;
	s7 =	sshrl.u32 s20, $0x6;
	v13 =	vsel vm0, s5, v13;
	s5 =	sld [smem:$0x682]  }
0x79d: {  	s28 =	smul.u32 $0x2AAAAAAB, s28;
	v11 =	vmov s0;
	v10 =	vsel vm0, s17, v10;
	s17 =	sshrl.u32 s21, $0x1F;
	v12 =	vsel vm1, s7, v12;
	s7 =	sld [smem:$0x685]  }
0x79e: {  	v11 =	vsel vm0, s22, v11;
	s21 =	sshrl.u32 s21, $0x6;
	s22 =	sshrl.u32 s15, $0x1F;
	v14 =	vsel vm0, s8, v14;
	s8 =	sld [smem:$0x65A]  }
0x79f: {  	v7 =	vsel vm1, s17, v7;
	s17 =	sshrl.u32 s6, $0x6;
	s2 =	sadd.s32 s16, s9;
	s16 =	sld [smem:$0x658]  }
0x7a0: {  	v9 =	vsel vm1, s21, v9;
	s9 =	sshrl.u32 s15, $0x6;
	s15 =	sshrl.u32 s6, $0x1F;
	s6 =	sld [smem:$0x659]  }
0x7a1: {  	s18 =	smul.u32 $0x2AAAAAAB, s18;
	s21 =	sshrl.u32 s23, $0x6;
	v9 =	vsel vm2, s17, v9;
	s17 =	sld [smem:$0x679]  }
0x7a2: {  	s4 =	sadd.s32 s28, s11;
	s28 =	sshrl.u32 s19, $0x1F;
	v13 =	vsel vm1, s9, v13;
	s9 =	sld [smem:$0x65B]  }
0x7a3: {  	s11 =	sshrl.u32 s19, $0x6;
	s19 =	sshrl.u32 s13, $0x1F;
	v11 =	vsel vm1, s28, v11;
	v7 =	vsel vm2, s15, v7;
	s15 =	sld [smem:$0x678]  }
0x7a4: {  	v10 =	vsel vm1, s22, v10;
	s22 =	sshrl.u32 s13, $0x6;
	s0 =	sadd.s32 s14, s12;
	v11 =	vsel vm2, s19, v11;
	s19 =	sld [smem:$0x67C]  }
0x7a5: {  	s14 =	sshrl.u32 s4, $0x1F;
	v14 =	vsel vm1, s11, v14;
	s4 =	sshrl.u32 s4, $0x6;
	v13 =	vsel vm2, s21, v13;
	s21 =	sld [smem:$0x67F]  }
0x7a6: {  	s28 =	sshrl.u32 s0, $0x1F;
	v14 =	vsel vm2, s22, v14;
	s3 =	sadd.s32 s8, s7;
	s22 =	sld [smem:$0x660]  }
0x7a7: {  	s0 =	sshrl.u32 s0, $0x6;
	s7 =	sshrl.u32 s25, $0x1F;
	s8 =	sld [smem:$0x661]  }
0x7a8: {  	v17 =	vmov s1;
	v16 =	vnsel vm3, $0x0, v16;
	s1 =	sadd.s32 s18, s16;
	s18 =	sshrl.u32 s20, $0x1F;
	s16 =	sshrl.u32 s10, $0x1F  }
0x7a9: {  	v16 =	vsel vm0, s14, v16;
	s20 =	sshrl.u32 s10, $0x6;
	s10 =	sld [smem:$0x65C];
	s14 =	sshrl.u32 s3, $0x1F  }
0x7aa: {  	s3 =	sshrl.u32 s3, $0x6;
	s12 =	sshrl.u32 s1, $0x1F;
	s1 =	sshrl.u32 s1, $0x6  }
0x7ab: {  	v17 =	vnsel vm3, $0x0, v17;
	v8 =	vsel vm1, s18, v8;
	s18 =	sshrl.u32 s23, $0x1F;
	s23 =	sshrl.u32 s2, $0x1F;
	v12 =	vsel vm2, s20, v12;
	s20 =	sld [smem:$0x65F]  }
0x7ac: {  	v15 =	vnsel vm3, $0x0, v15;
	v18 =	vnsel vm3, $0x0, v18;
	v17 =	vsel vm0, s4, v17;
	s2 =	sshrl.u32 s2, $0x6;
	s4 =	sadd.s32 s30, s9;
	s30 =	sld [smem:$0x66E]  }
0x7ad: {  	v15 =	vsel vm0, s12, v15;
	v18 =	vsel vm0, s1, v18;
	v8 =	vsel vm2, s16, v8;
	s1 =	sadd.s32 s6, s5;
	s11 =	sshrl.u32 s4, $0x1F;
	s16 =	sld [smem:$0x65D]  }
0x7ae: {  	v10 =	vsel vm2, s18, v10;
	s4 =	sshrl.u32 s4, $0x6;
	s18 =	sld [smem:$0x65E];
	v15 =	vsel vm1, s23, v15;
	v54 =	vsel vm1, s2, v18;
	s2 =	sadd.s32 s26, s10  }
0x7af: {  	v7 =	vcombine.low v8, v7;
	s13 =	sshrl.u32 s1, $0x1F;
	v57 =	vsel vm2, s11, v15;
	v8 =	vsel vm2, s4, v54;
	s4 =	sadd.s32 s20, s19;
	s19 =	rddreg [dreg:$0x8]  }
0x7b0: {  	v56 =	vcombine.low v14, v13;
	s1 =	sshrl.u32 s1, $0x6;
	s12 =	sshrl.u32 s2, $0x1F;
	v13 =	vsel vm4, s13, v57;
	s13 =	sld [smem:$0x662]  }
0x7b1: {  	v55 =	vsel vm1, s0, v17;
	s2 =	sshrl.u32 s2, $0x6;
	s0 =	sadd.s32 s16, s15;
	s16 =	sld [smem:$0x663]  }
0x7b2: {  	s11 =	smulhi.u32 $0x2AAAAAAB, s8;
	v8 =	vsel vm4, s1, v8;
	s1 =	sadd.s32 s22, s21;
	s21 =	sld [smem:$0x664]  }
0x7b3: {  	v10 =	vcombine.low v11, v10;
	v11 =	vsel vm2, s2, v55;
	s2 =	sadd.s32 s18, s17;
	s23 =	sshrl.u32 s4, $0x1F;
	s22 =	sld [smem:$0x665]  }
0x7b4: {  	v16 =	vsel vm1, s28, v16;
	s20 =	sshra.s32 s19, $0x2;
	s19 =	smulhi.u32 $0x2AAAAAAB, s30;
	s30 =	sshra.s32 s30, $0x1F  }
0x7b5: {  	v58 =	vsel vm2, s12, v16;
	s12 =	sshrl.u32 s25, $0x6;
	s25 =	sld [smem:$0x668];
	s30 =	smul.u32 $0x2AAAAAAB, s30  }
0x7b6: {  	v14 =	vsel vm4, s14, v58;
	s5 =	sshrl.u32 s1, $0x1F;
	s1 =	sshrl.u32 s1, $0x6;
	s31 =	smulhi.u32 $0x2AAAAAAB, s13  }
0x7b7: {  	v11 =	vsel vm4, s3, v11;
	s28 =	sshrl.u32 s2, $0x1F;
	s2 =	sshrl.u32 s2, $0x6;
	v14 =	vsel vm5, s5, v14;
	s18 =	smulhi.u32 $0x2AAAAAAB, s16  }
0x7b8: {  	v13 =	vsel vm5, s23, v13;
	s23 =	sld [smem:$0x666];
	v11 =	vsel vm5, s1, v11;
	s5 =	sshrl.u32 s24, $0x1F;
	v14 =	vsel vm6, s28, v14;
	s14 =	smulhi.u32 $0x2AAAAAAB, s25  }
0x7b9: {  	s6 =	sshrl.u32 s24, $0x6;
	s26 =	sshrl.u32 s0, $0x1F;
	v11 =	vsel vm6, s2, v11;
	v14 =	vsel vm7, s5, v14;
	s5 =	smulhi.u32 $0x2AAAAAAB, s21  }
0x7ba: {  	v13 =	vsel vm6, s26, v13;
	v11 =	vsel vm7, s6, v11;
	s6 =	smulhi.u32 $0x2AAAAAAB, s22  }
0x7bb: {  	v13 =	vsel vm7, s7, v13;
	s7 =	sshra.s32 s8, $0x1F;
	s10 =	smulhi.u32 $0x2AAAAAAB, s23  }
0x7bc: {  	s13 =	sshra.s32 s13, $0x1F;
	s7 =	smul.u32 $0x2AAAAAAB, s7  }
0x7bd: {  	s24 =	sld [smem:$0x667];
	s16 =	sshra.s32 s16, $0x1F;
	s13 =	smul.u32 $0x2AAAAAAB, s13  }
0x7be: {  	s26 =	sld [smem:$0x669];
	s25 =	sshra.s32 s25, $0x1F;
	s1 =	smul.u32 $0x2AAAAAAB, s16  }
0x7bf: {  	s29 =	sld [smem:$0x66B];
	s4 =	sshrl.u32 s4, $0x6;
	s25 =	smul.u32 $0x2AAAAAAB, s25  }
0x7c0: {  	v8 =	vsel vm5, s4, v8;
	s0 =	sshrl.u32 s0, $0x6;
	[smem:$0x671] =	sst s11;
	s9 =	smulhi.u32 $0x2AAAAAAB, s24  }
0x7c1: {  	v8 =	vsel vm6, s0, v8;
	s0 =	rddreg [dreg:$0x1b];
	s15 =	smulhi.u32 $0x2AAAAAAB, s26  }
0x7c2: {  	s21 =	sshra.s32 s21, $0x1F;
	[smem:$0x674] =	sst s18;
	s18 =	smulhi.u32 $0x2AAAAAAB, s29  }
0x7c3: {  	s28 =	sld [smem:$0x66A];
	s22 =	sshra.s32 s22, $0x1F;
	s21 =	smul.u32 $0x2AAAAAAB, s21  }
0x7c4: {  	v9 =	vcombine.low v12, v9;
	s3 =	smov.u32 s0;
	s23 =	sshra.s32 s23, $0x1F;
	s22 =	smul.u32 $0x2AAAAAAB, s22  }
0x7c5: {  	s0 =	sld [smem:$0x66C];
	s16 =	sshra.s32 s29, $0x1F;
	s23 =	smul.u32 $0x2AAAAAAB, s23  }
0x7c6: {  	v12 =	vperm.xlane v56, v2;
	v9 =	vperm.xlane v9, v2;
	s2 =	sld [smem:$0x66D];
	s29 =	smul.u32 $0x2AAAAAAB, s16  }
0x7c7: {  	v7 =	vperm.xlane v7, v2;
	v10 =	vperm.xlane v10, v2;
	s8 =	sld [smem:$0x671];
	s17 =	smulhi.u32 $0x2AAAAAAB, s28  }
0x7c8: {  	v8 =	vsel vm7, s12, v8;
	[dreg:$0x8] =	wrdreg s3;
	v14 =	vperm.xlane v14, v3;
	v11 =	vperm.xlane v11, v3;
	s4 =	smulhi.u32 $0x2AAAAAAB, s0  }
0x7c9: {  	v13 =	vperm.xlane v13, v3;
	v8 =	vperm.xlane v8, v3;
	s3 =	sld [smem:$0x66F];
	s24 =	sshra.s32 s24, $0x1F;
	s12 =	smulhi.u32 $0x2AAAAAAB, s2  }
0x7ca: {  	s26 =	sshra.s32 s26, $0x1F;
	[smem:$0x675] =	sst s1;
	s24 =	smul.u32 $0x2AAAAAAB, s24;
	v10 =	vsel vm8, v14, v10;
	v11 =	vsel vm8, v11, v12  }
0x7cb: {  	v7 =	vsel vm8, v13, v7;
	v8 =	vsel vm8, v8, v9;
	s26 =	smul.u32 $0x2AAAAAAB, s26;
	s1 =	sshra.s32 s28, $0x1F;
	s2 =	sshra.s32 s2, $0x1F;
	v10 =	vadd.s32 v10, v11  }
0x7cc: {  	s8 =	sadd.s32 s7, s8;
	s7 =	sadd.s32 s13, s31;
	v7 =	vadd.s32 v7, v8;
	[smem:$0x672] =	sst s4;
	v59 =	vmul.u32 $0x180, v10  }
0x7cd: {  	s28 =	smul.u32 $0x2AAAAAAB, s1;
	s1 =	sshra.s32 s0, $0x1F;
	v7 =	vmul.u32 $0x180, v7;
	s4 =	sld [smem:$0x670]  }
0x7ce: {  	s2 =	smul.u32 $0x2AAAAAAB, s2;
	s13 =	sadd.s32 s23, s10;
	s21 =	sadd.s32 s21, s5;
	v5 =	vsub.s32 v5, v59  }
0x7cf: {  	s10 =	sadd.s32 s22, s6;
	s5 =	sadd.s32 s29, s18;
	s16 =	smul.u32 $0x2AAAAAAB, s1;
	v4 =	vsub.s32 v4, v7;
	v5 =	vmul.u32 $0x180, v5  }
0x7d0: {  	s15 =	sadd.s32 s26, s15;
	v4 =	vadd.s32 v0, v4;
	s11 =	smulhi.u32 $0x2AAAAAAB, s4;
	s4 =	sshra.s32 s4, $0x1F  }
0x7d1: {  	s9 =	sadd.s32 s24, s9;
	s26 =	sadd.s32 s28, s17;
	s0 =	smul.u32 $0x2AAAAAAB, s4;
	v4 =	vadd.s32 v5, v4  }
0x7d2: {  	s6 =	sadd.s32 s2, s12;
	[tilespmem:s20+$0x0] =	vst v4;
	s20 =	smulhi.u32 $0x2AAAAAAB, s3;
	s3 =	sshra.s32 s3, $0x1F  }
0x7d3: {  	s18 =	sshrl.u32 s15, $0x1F;
	s22 =	sshra.s32 s15, $0x6;
	s1 =	smul.u32 $0x2AAAAAAB, s3  }
0x7d4: {  	s24 =	sshra.s32 s26, $0x6;
	s15 =	sshra.s32 s6, $0x6;
	s3 =	sadd.s32 s0, s11  }
0x7d5: {  	v62 =	vmov s24;
	s24 =	sshra.s32 s10, $0x6;
	s17 =	sshra.s32 s3, $0x1F;
	s28 =	sadd.s32 s1, s20  }
0x7d6: {  	v5 =	vmov s18;
	s18 =	sld [smem:$0x672];
	s11 =	sadd.s32 s30, s19;
	v4 =	vmov s17;
	s19 =	sshra.s32 s28, $0x6  }
0x7d7: {  	s4 =	sadd.s32 s25, s14;
	s14 =	sshra.s32 s9, $0x6;
	s23 =	sshra.s32 s28, $0x1F;
	v4 =	vsel vm3, s19, v4  }
0x7d8: {  	v60 =	vmov s22;
	v10 =	vsel vm0, s14, v62;
	s25 =	sshra.s32 s11, $0x6;
	s2 =	sshra.s32 s11, $0x1F;
	s20 =	sshrl.u32 s26, $0x1F;
	v4 =	vsel vm9, s23, v4  }
0x7d9: {  	v10 =	vsel vm1, s24, v10;
	s12 =	sadd.s32 s16, s18;
	s26 =	sshrl.u32 s13, $0x1F;
	s13 =	sshra.s32 s13, $0x6;
	v7 =	vmov s20;
	v4 =	vsel vm0, s25, v4  }
0x7da: {  	s16 =	sld [smem:$0x674];
	s0 =	sshrl.u32 s28, $0x1F;
	s28 =	sshrl.u32 s9, $0x1F;
	v5 =	vsel vm0, s26, v5;
	v8 =	vsel vm0, s13, v60;
	v4 =	vsel vm10, s2, v4  }
0x7db: {  	s17 =	sshrl.u32 s21, $0x1F;
	s21 =	sshra.s32 s21, $0x6;
	v61 =	vmov s0;
	v7 =	vsel vm0, s28, v7;
	s19 =	sshra.s32 s6, $0x1F;
	v4 =	vsel vm1, s15, v4  }
0x7dc: {  	s22 =	sshra.s32 s12, $0x6;
	s20 =	sshrl.u32 s10, $0x1F;
	s13 =	sshra.s32 s7, $0x6;
	v5 =	vsel vm1, s17, v5;
	v8 =	vsel vm1, s21, v8;
	v4 =	vsel vm11, s19, v4  }
0x7dd: {  	s26 =	sshrl.u32 s8, $0x1F;
	s10 =	sshra.s32 s8, $0x6;
	v10 =	vsel vm2, s13, v10;
	v9 =	vnsel vm3, $0x0, v61;
	s25 =	sshra.s32 s12, $0x1F;
	v4 =	vsel vm2, s22, v4  }
0x7de: {  	s17 =	sld [smem:$0x675];
	v7 =	vsel vm1, s20, v7;
	s23 =	sshrl.u32 s11, $0x1F;
	v5 =	vsel vm2, s26, v5;
	s2 =	sshra.s32 s5, $0x6;
	v4 =	vsel vm12, s25, v4  }
0x7df: {  	s9 =	sshrl.u32 s6, $0x1F;
	s28 =	sshrl.u32 s7, $0x1F;
	s11 =	sshra.s32 s5, $0x1F;
	v8 =	vsel vm2, s10, v8;
	v9 =	vsel vm0, s23, v9;
	v4 =	vsel vm4, s2, v4  }
0x7e0: {  	s14 =	sshra.s32 s4, $0x6;
	v7 =	vsel vm2, s28, v7;
	s12 =	sshrl.u32 s12, $0x1F;
	v9 =	vsel vm1, s9, v9;
	v4 =	vsel vm13, s11, v4  }
0x7e1: {  	s18 =	sshra.s32 s4, $0x1F;
	v8 =	vcombine.low v10, v8;
	v9 =	vsel vm2, s12, v9;
	s15 =	sshrl.u32 s5, $0x1F;
	s5 =	sadd.s32 s17, s16;
	v4 =	vsel vm5, s14, v4  }
0x7e2: {  	v5 =	vcombine.low v7, v5;
	v7 =	vsel vm4, s15, v9;
	s19 =	sshrl.u32 s4, $0x1F;
	s20 =	sshra.s32 s5, $0x6;
	v4 =	vsel vm14, s18, v4  }
0x7e3: {  	s21 =	sshrl.u32 s5, $0x1F;
	v7 =	vsel vm5, s19, v7;
	s22 =	sshra.s32 s5, $0x1F;
	v4 =	vsel vm6, s20, v4  }
0x7e4: {  	s24 =	sshra.s32 s3, $0x6;
	s23 =	sshrl.u32 s3, $0x1F;
	v8 =	vperm.xlane v8, v2;
	v7 =	vsel vm6, s21, v7;
	v4 =	vsel vm15, s22, v4  }
0x7e5: {  	v5 =	vperm.xlane v5, v2;
	v7 =	vsel vm7, s23, v7;
	v4 =	vsel vm7, s24, v4  }
0x7e6: {  	v7 =	vperm.xlane v7, v3;
	v4 =	vperm.xlane v4, v3;
	_ =	sdelay $0x1  }
0x7e7: {  	v5 =	vsel vm8, v7, v5;
	v4 =	vsel vm8, v4, v8  }
0x7e8: {  	v4 =	vadd.s32 v5, v4  }
0x7e9: {  	v5 =	vmul.u32 $0xFFFFFE80, v4;
	_ =	sdelay $0x1  }
0x7ea: {  	v5 =	vadd.s32 v6, v5  }
0x7eb: {  	v6 =	vmul.u32 $0x3A, v4;
	v7 =	vmul.u32 $0x29, v5  }
0x7ec: {  	v63 =	vmul.u32 $0x29, v4;
	v5 =	vmul.u32 $0x1D, v5  }
0x7ed: {  	v4 =	vadd.s32 v7, v6  }
0x7ee: {  	v5 =	vadd.s32 v5, v63;
	(v2sf) =	vpush v4, $0x7  }
0x7ef: {  	(v2sf) =	vpush v5, $0x7  }
0x7f0: {  	(v2sf) =	vpush v4, $0x6  }
0x7f1: {  	(v2sf) =	vpush v5, $0x6;
	_ =	sdelay $0x1  }
0x7f2: {  	(v2sf) =	vpush v4, $0xF  }
0x7f3: {  	(v2sf) =	vpush v4, $0xB;
	_ =	sdelay $0x1  }
0x7f4: {  	(v2sf) =	vpush v4, $0x5  }
0x7f5: {  	(v2sf) =	vpush v5, $0xF;
	_ =	sdelay $0x1  }
0x7f6: {  	(v2sf) =	vpush v5, $0xB  }
0x7f7: {  	(v2sf) =	vpush v5, $0x5;
	_ =	sdelay $0x1  }
0x7f8: {  	(v2sf) =	vpush v4, $0xE  }
0x7f9: {  	s6 =	sld [smem:$0x673];
	(v2sf) =	vpush v4, $0xA;
	s4 =	spop (v2sf)  }
0x7fa: {  	s0 =	rddreg [dreg:$0x1b];
	(v2sf) =	vpush v4, $0x4;
	s5 =	spop (v2sf)  }
0x7fb: {  	s25 =	smulhi.u32 $0x2AAAAAAB, s4;
	s12 =	spop (v2sf)  }
0x7fc: {  	(v2sf) =	vpush v5, $0xE;
	s26 =	smulhi.u32 $0x2AAAAAAB, s12;
	s13 =	spop (v2sf)  }
0x7fd: {  	[smem:$0x677] =	sst s25;
	s28 =	smulhi.u32 $0x2AAAAAAB, s13  }
0x7fe: {  	s19 =	spop (v2sf);
	[smem:$0x678] =	sst s26  }
0x7ff: {  	(v2sf) =	vpush v5, $0xA;
	s2 =	smulhi.u32 $0x2AAAAAAB, s19;
	s20 =	spop (v2sf)  }
0x800: {  	(v2sf) =	vpush v5, $0x4;
	[smem:$0x679] =	sst s28;
	s3 =	smulhi.u32 $0x2AAAAAAB, s20  }
0x801: {  	(v2sf) =	vpush v4, $0xD;
	s21 =	spop (v2sf);
	[smem:$0x67A] =	sst s2  }
0x802: {  	s7 =	smulhi.u32 $0x2AAAAAAB, s21;
	s23 =	spop (v2sf)  }
0x803: {  	(v2sf) =	vpush v4, $0x9;
	[smem:$0x67B] =	sst s3;
	s8 =	smulhi.u32 $0x2AAAAAAB, s23  }
0x804: {  	s22 =	spop (v2sf);
	[smem:$0x67C] =	sst s7  }
0x805: {  	s9 =	smulhi.u32 $0x2AAAAAAB, s22;
	s26 =	spop (v2sf)  }
0x806: {  	(v2sf) =	vpush v4, $0x3;
	[smem:$0x67D] =	sst s8;
	s10 =	smulhi.u32 $0x2AAAAAAB, s26  }
0x807: {  	s29 =	spop (v2sf);
	[smem:$0x67E] =	sst s9  }
0x808: {  	s11 =	smulhi.u32 $0x2AAAAAAB, s29;
	s30 =	spop (v2sf)  }
0x809: {  	(v2sf) =	vpush v5, $0xD;
	s15 =	smulhi.u32 $0x2AAAAAAB, s30;
	s7 =	spop (v2sf)  }
0x80a: {  	(v2sf) =	vpush v5, $0x9;
	[smem:$0x67F] =	sst s10;
	s16 =	smulhi.u32 $0x2AAAAAAB, s7  }
0x80b: {  	(v2sf) =	vpush v5, $0x3;
	[smem:$0x681] =	sst s15;
	s15 =	spop (v2sf)  }
0x80c: {  	(v2sf) =	vpush v4, $0xC;
	[smem:$0x680] =	sst s11;
	s17 =	smulhi.u32 $0x2AAAAAAB, s15  }
0x80d: {  	(v2sf) =	vpush v4, $0x8;
	[smem:$0x682] =	sst s16  }
0x80e: {  	(v2sf) =	vpush v4, $0x2;
	[smem:$0x683] =	sst s17;
	s17 =	spop (v2sf)  }
0x80f: {  	(v2sf) =	vpush v5, $0xC;
	s18 =	smulhi.u32 $0x2AAAAAAB, s17;
	s16 =	spop (v2sf)  }
0x810: {  	(v2sf) =	vpush v5, $0x8;
	s24 =	smulhi.u32 $0x2AAAAAAB, s16;
	s8 =	spop (v2sf)  }
.Ltmp10:
0x811: {  	(v2sf) =	vpush v5, $0x2;
	[smem:$0x684] =	sst s18;
	(pc) =	sbr.rel @p0 .LBB2_14-.Ltmp10, $4  }
0x812: {  	(v2sf) =	vpush v4, $0x1;
	s25 =	smulhi.u32 $0x2AAAAAAB, s8;
	s2 =	spop (v2sf)  }
0x813: {  	(v2sf) =	vpush v5, $0x1;
	[smem:$0x685] =	sst s24;
	s28 =	smulhi.u32 $0x2AAAAAAB, s2  }
0x814: {  	s14 =	smulhi.u32 $0x2AAAAAAB, s5;
	(v2sf) =	vpush v4, $0x0;
	[smem:$0x686] =	sst s25  }
0x815: {  	s0 =	sadd.s32 $0x40, s0;
	(v2sf) =	vpush v5, $0x0;
	s31 =	spop (v2sf);
	[smem:$0x687] =	sst s28  }
0x816: {  	s0 =	sshra.s32 s4, $0x1F  }
0x817: {  	s1 =	sshra.s32 s5, $0x1F;
	s0 =	smul.u32 $0x2AAAAAAB, s0  }
0x818: {  	s3 =	sshra.s32 s12, $0x1F;
	s1 =	smul.u32 $0x2AAAAAAB, s1  }
0x819: {  	s12 =	sshra.s32 s13, $0x1F;
	s3 =	smul.u32 $0x2AAAAAAB, s3  }
0x81a: {  	s6 =	sshra.s32 s20, $0x1F;
	s13 =	smul.u32 $0x2AAAAAAB, s12  }
0x81b: {  	s9 =	sshra.s32 s21, $0x1F;
	s4 =	smul.u32 $0x2AAAAAAB, s6  }
0x81c: {  	s18 =	sshra.s32 s19, $0x1F;
	s10 =	sshra.s32 s23, $0x1F;
	s19 =	smul.u32 $0x2AAAAAAB, s9  }
0x81d: {  	s22 =	sshra.s32 s22, $0x1F;
	s20 =	smul.u32 $0x2AAAAAAB, s10  }
0x81e: {  	s11 =	sshra.s32 s26, $0x1F;
	s5 =	smul.u32 $0x2AAAAAAB, s22  }
0x81f: {  	s24 =	sshra.s32 s29, $0x1F;
	s23 =	smul.u32 $0x2AAAAAAB, s11  }
0x820: {  	s7 =	sshra.s32 s7, $0x1F;
	s11 =	smul.u32 $0x2AAAAAAB, s24  }
0x821: {  	s26 =	sshra.s32 s15, $0x1F;
	s7 =	smul.u32 $0x2AAAAAAB, s7  }
0x822: {  	s28 =	sshra.s32 s17, $0x1F;
	s21 =	smul.u32 $0x2AAAAAAB, s26  }
0x823: {  	s25 =	sshra.s32 s30, $0x1F;
	s30 =	sshra.s32 s16, $0x1F;
	s17 =	smul.u32 $0x2AAAAAAB, s28  }
0x824: {  	s16 =	sld [smem:$0x67D];
	s6 =	sshra.s32 s8, $0x1F;
	s8 =	smulhi.u32 $0x2AAAAAAB, s31  }
0x825: {  	s22 =	smul.u32 $0x2AAAAAAB, s6;
	[smem:$0x630] =	sst s3  }
0x826: {  	s10 =	spop (v2sf);
	[smem:$0x631] =	sst s13  }
0x827: {  	s3 =	smul.u32 $0x2AAAAAAB, s18;
	[smem:$0x632] =	sst s19  }
0x828: {  	[smem:$0x633] =	sst s23;
	s18 =	smul.u32 $0x2AAAAAAB, s25  }
0x829: {  	s2 =	sshra.s32 s2, $0x1F;
	[smem:$0x62C] =	sst s7;
	s7 =	smul.u32 $0x2AAAAAAB, s30  }
0x82a: {  	s23 =	smul.u32 $0x2AAAAAAB, s2;
	[smem:$0x62E] =	sst s8  }
0x82b: {  	s24 =	smulhi.u32 $0x2AAAAAAB, s10;
	s1 =	sadd.s32 s1, s14;
	s14 =	sld [smem:$0x677]  }
0x82c: {  	s2 =	sshra.s32 s10, $0x1F;
	s13 =	spop (v2sf);
	s19 =	sld [smem:$0x67A]  }
0x82d: {  	[smem:$0x634] =	sst s1;
	s25 =	smul.u32 $0x2AAAAAAB, s2  }
0x82e: {  	s12 =	sshra.s32 s31, $0x1F;
	s26 =	smulhi.u32 $0x2AAAAAAB, s13;
	s28 =	spop (v2sf)  }
0x82f: {  	s1 =	sshra.s32 s13, $0x1F;
	[smem:$0x62D] =	sst s7;
	s7 =	smul.u32 $0x2AAAAAAB, s12  }
0x830: {  	s2 =	sld [smem:$0x67E];
	s10 =	smul.u32 $0x2AAAAAAB, s1  }
0x831: {  	s15 =	spop (v2sf);
	s1 =	sld [smem:$0x67B]  }
0x832: {  	s0 =	sadd.s32 s0, s14;
	s29 =	smulhi.u32 $0x2AAAAAAB, s15;
	[smem:$0x62F] =	sst s7  }
0x833: {  	s8 =	sshra.s32 s15, $0x1F;
	s15 =	sadd.s32 s3, s19;
	[smem:$0x635] =	sst s0  }
0x834: {  	s0 =	sadd.s32 s20, s16;
	s9 =	smul.u32 $0x2AAAAAAB, s8;
	s20 =	spop (v2sf)  }
0x835: {  	s30 =	smulhi.u32 $0x2AAAAAAB, s20;
	s16 =	sshra.s32 s20, $0x1F;
	s3 =	spop (v2sf)  }
0x836: {  	s19 =	sadd.s32 s4, s1;
	s4 =	sld [smem:$0x680];
	s31 =	smul.u32 $0x2AAAAAAB, s16  }
0x837: {  	s20 =	sadd.s32 s5, s2;
	s12 =	smulhi.u32 $0x2AAAAAAB, s3;
	s5 =	spop (v2sf)  }
0x838: {  	[smem:$0x62B] =	sst s0;
	s16 =	sshra.s32 s3, $0x1F;
	s8 =	smulhi.u32 $0x2AAAAAAB, s5  }
0x839: {  	s6 =	spop (v2sf);
	s16 =	smul.u32 $0x2AAAAAAB, s16  }
0x83a: {  	s14 =	sadd.s32 s11, s4;
	s2 =	spop (v2sf);
	s4 =	sld [smem:$0x681]  }
0x83b: {  	s11 =	sshra.s32 s5, $0x1F;
	s7 =	smulhi.u32 $0x2AAAAAAB, s6;
	s5 =	sld [smem:$0x683]  }
0x83c: {  	s0 =	sshra.s32 s6, $0x1F;
	s6 =	sld [smem:$0x684];
	s1 =	spop (v2sf)  }
0x83d: {  	s3 =	spop (v2sf);
	s13 =	sadd.s32 s18, s4;
	s18 =	smul.u32 $0x2AAAAAAB, s11  }
0x83e: {  	s11 =	sadd.s32 s21, s5;
	s5 =	smul.u32 $0x2AAAAAAB, s0;
	s21 =	spop (v2sf)  }
0x83f: {  	s17 =	sadd.s32 s17, s6;
	s6 =	smulhi.u32 $0x2AAAAAAB, s21;
	s21 =	sshra.s32 s21, $0x1F  }
0x840: {  	s24 =	sadd.s32 s25, s24;
	s10 =	sadd.s32 s10, s26;
	s25 =	smul.u32 $0x2AAAAAAB, s21  }
0x841: {  	s4 =	sld [smem:$0x686];
	s8 =	sadd.s32 s18, s8;
	s18 =	smulhi.u32 $0x2AAAAAAB, s1  }
0x842: {  	s26 =	sld [smem:$0x687];
	s9 =	sadd.s32 s9, s29;
	s21 =	smulhi.u32 $0x2AAAAAAB, s2  }
0x843: {  	s0 =	spop (v2sf);
	s5 =	sadd.s32 s5, s7;
	s7 =	smulhi.u32 $0x2AAAAAAB, s3  }
0x844: {  	s1 =	sshra.s32 s1, $0x1F;
	s22 =	sadd.s32 s22, s4;
	s4 =	smulhi.u32 $0x2AAAAAAB, s0  }
0x845: {  	s26 =	sadd.s32 s23, s26;
	s2 =	sshra.s32 s2, $0x1F;
	s1 =	smul.u32 $0x2AAAAAAB, s1  }
0x846: {  	s29 =	sadd.s32 s31, s30;
	s3 =	sshra.s32 s3, $0x1F;
	s23 =	smul.u32 $0x2AAAAAAB, s2  }
0x847: {  	s30 =	sshrl.u32 s29, $0x6;
	s0 =	sshra.s32 s0, $0x1F;
	s3 =	smul.u32 $0x2AAAAAAB, s3  }
0x848: {  	s2 =	sshra.s32 s28, $0x1F;
	s0 =	smul.u32 $0x2AAAAAAB, s0;
	s6 =	sadd.s32 s25, s6  }
0x849: {  	s25 =	sshrl.u32 s9, $0x1F;
	s9 =	sshrl.u32 s9, $0x6;
	s18 =	sadd.s32 s1, s18  }
0x84a: {  	s1 =	smulhi.u32 $0x2AAAAAAB, s28;
	s28 =	sshrl.u32 s29, $0x1F;
	v6 =	vmov s25;
	s25 =	sshrl.u32 s5, $0x1F  }
0x84b: {  	v8 =	vmov s9;
	s5 =	sshrl.u32 s5, $0x6;
	s9 =	sshrl.u32 s22, $0x6;
	s3 =	sadd.s32 s3, s7  }
0x84c: {  	s7 =	sld [smem:$0x631];
	s4 =	sadd.s32 s0, s4;
	s0 =	sadd.s32 s16, s12  }
0x84d: {  	v7 =	vmov s28;
	s16 =	sshrl.u32 s8, $0x1F;
	s8 =	sshrl.u32 s8, $0x6;
	s28 =	sshrl.u32 s6, $0x1F  }
0x84e: {  	v10 =	vmov s25;
	s6 =	sshrl.u32 s6, $0x6;
	s12 =	sshrl.u32 s26, $0x1F;
	s25 =	sshrl.u32 s10, $0x1F  }
0x84f: {  	v11 =	vmov s30;
	v9 =	vmov s16;
	v12 =	vmov s8;
	s30 =	sshrl.u32 s4, $0x1F;
	s8 =	sshrl.u32 s22, $0x1F;
	s16 =	sshrl.u32 s26, $0x6  }
0x850: {  	v14 =	vmov s28;
	s22 =	sshrl.u32 s24, $0x1F;
	s26 =	sshrl.u32 s24, $0x6;
	s28 =	sshrl.u32 s10, $0x6  }
0x851: {  	v17 =	vmov s6;
	v7 =	vsel vm0, s12, v7;
	s6 =	sshrl.u32 s14, $0x6;
	s10 =	sshrl.u32 s13, $0x6;
	s12 =	sshrl.u32 s17, $0x1F  }
0x852: {  	s24 =	sshrl.u32 s15, $0x6;
	v15 =	vmov s30;
	v6 =	vsel vm0, s8, v6;
	s30 =	sshrl.u32 s14, $0x1F;
	s8 =	sshrl.u32 s13, $0x1F  }
0x853: {  	v12 =	vsel vm0, s26, v12;
	s13 =	sshrl.u32 s11, $0x6;
	s14 =	sshrl.u32 s17, $0x6;
	s26 =	sld [smem:$0x62B]  }
0x854: {  	s17 =	sadd.s32 s23, s21;
	s23 =	sshrl.u32 s15, $0x1F;
	s15 =	sld [smem:$0x685]  }
0x855: {  	v13 =	vmov s5;
	v9 =	vsel vm0, s22, v9;
	v11 =	vsel vm0, s16, v11;
	s16 =	sshrl.u32 s18, $0x1F;
	s22 =	sshrl.u32 s18, $0x6;
	s18 =	sld [smem:$0x62E]  }
0x856: {  	v13 =	vsel vm0, s28, v13;
	v12 =	vsel vm1, s13, v12;
	s13 =	sld [smem:$0x682]  }
0x857: {  	s2 =	smul.u32 $0x2AAAAAAB, s2;
	v8 =	vsel vm0, s9, v8;
	s4 =	sshrl.u32 s4, $0x6;
	v14 =	vnsel vm3, $0x0, v14;
	v13 =	vsel vm1, s14, v13;
	s14 =	sld [smem:$0x62C]  }
0x858: {  	s9 =	sshrl.u32 s11, $0x1F;
	v10 =	vsel vm0, s25, v10;
	s25 =	sshrl.u32 s19, $0x1F;
	v16 =	vmov s4;
	v14 =	vsel vm0, s16, v14;
	s16 =	sld [smem:$0x62D]  }
0x859: {  	v8 =	vsel vm1, s6, v8;
	v6 =	vsel vm1, s30, v6;
	v11 =	vsel vm1, s10, v11;
	s30 =	sshrl.u32 s19, $0x6;
	s10 =	sshrl.u32 s20, $0x6;
	s19 =	sld [smem:$0x62F]  }
0x85a: {  	v10 =	vsel vm1, s12, v10;
	v17 =	vnsel vm3, $0x0, v17;
	s21 =	sshrl.u32 s3, $0x1F;
	s11 =	sshrl.u32 s0, $0x1F;
	v13 =	vsel vm2, s10, v13;
	s10 =	sld [smem:$0x632]  }
0x85b: {  	s3 =	sshrl.u32 s3, $0x6;
	v7 =	vsel vm1, s8, v7;
	v15 =	vnsel vm3, $0x0, v15;
	s12 =	sshrl.u32 s17, $0x1F;
	v14 =	vsel vm1, s11, v14;
	s11 =	sld [smem:$0x67F]  }
0x85c: {  	v9 =	vsel vm1, s9, v9;
	v16 =	vnsel vm3, $0x0, v16;
	v15 =	vsel vm0, s21, v15;
	s28 =	sshrl.u32 s26, $0x1F;
	s9 =	sshrl.u32 s26, $0x6;
	s26 =	sld [smem:$0x678]  }
0x85d: {  	s0 =	sshrl.u32 s0, $0x6;
	v17 =	vsel vm0, s22, v17;
	s17 =	sshrl.u32 s17, $0x6;
	v16 =	vsel vm0, s3, v16;
	v15 =	vsel vm1, s12, v15;
	s12 =	sld [smem:$0x633]  }
0x85e: {  	s8 =	sshrl.u32 s20, $0x1F;
	s20 =	sadd.s32 s2, s1;
	v6 =	vsel vm2, s23, v6;
	v7 =	vsel vm2, s25, v7;
	v55 =	vsel vm1, s17, v16;
	s17 =	sld [smem:$0x634]  }
0x85f: {  	v8 =	vsel vm2, s24, v8;
	s23 =	sshrl.u32 s20, $0x1F;
	v6 =	vcombine.low v7, v6;
	v7 =	vsel vm1, s0, v17;
	s0 =	sshrl.u32 s20, $0x6;
	s20 =	sld [smem:$0x635]  }
0x860: {  	v10 =	vsel vm2, s8, v10;
	v11 =	vsel vm2, s30, v11;
	v9 =	vsel vm2, s28, v9;
	s3 =	sadd.s32 s14, s13;
	s6 =	sadd.s32 s19, s18;
	s28 =	sld [smem:$0x630]  }
0x861: {  	v8 =	vcombine.low v11, v8;
	v12 =	vsel vm2, s9, v12;
	s4 =	sadd.s32 s16, s15;
	v58 =	vsel vm2, s23, v15;
	s9 =	sld [smem:$0x67C];
	s21 =	sshrl.u32 s6, $0x1F  }
0x862: {  	v9 =	vcombine.low v10, v9;
	s22 =	sshrl.u32 s6, $0x6;
	v56 =	vcombine.low v13, v12;
	s24 =	sshrl.u32 s3, $0x1F;
	s25 =	sshrl.u32 s4, $0x1F;
	v10 =	vsel vm2, s0, v55  }
0x863: {  	s30 =	sshrl.u32 s3, $0x6;
	s6 =	sld [smem:$0x679];
	s8 =	sshrl.u32 s4, $0x6;
	v6 =	vperm.xlane v6, v2;
	v8 =	vperm.xlane v8, v2;
	v57 =	vsel vm2, s21, v14  }
0x864: {  	v7 =	vsel vm2, s22, v7;
	v13 =	vsel vm4, s25, v58;
	s1 =	sadd.s32 s12, s11;
	v10 =	vsel vm4, s8, v10;
	s0 =	sadd.s32 s28, s26;
	s4 =	sadd.s32 s10, s9  }
0x865: {  	v12 =	vsel vm4, s24, v57;
	v7 =	vsel vm4, s30, v7;
	v9 =	vperm.xlane v9, v2;
	s5 =	sshrl.u32 s1, $0x1F;
	s1 =	sshrl.u32 s1, $0x6;
	s13 =	sshrl.u32 s4, $0x1F  }
0x866: {  	v11 =	vperm.xlane v56, v2;
	s2 =	sadd.s32 s7, s6;
	s4 =	sshrl.u32 s4, $0x6;
	s14 =	sshrl.u32 s0, $0x1F;
	v13 =	vsel vm5, s5, v13;
	v12 =	vsel vm5, s13, v12  }
0x867: {  	v10 =	vsel vm5, s1, v10;
	s0 =	sshrl.u32 s0, $0x6;
	v7 =	vsel vm5, s4, v7;
	s15 =	sshrl.u32 s2, $0x1F;
	s16 =	sshrl.u32 s2, $0x6;
	v12 =	vsel vm6, s14, v12  }
0x868: {  	s18 =	sshrl.u32 s17, $0x1F;
	s19 =	sshrl.u32 s17, $0x6;
	s21 =	sshrl.u32 s20, $0x1F;
	v13 =	vsel vm6, s15, v13;
	v10 =	vsel vm6, s16, v10;
	v7 =	vsel vm6, s0, v7  }
0x869: {  	s22 =	sshrl.u32 s20, $0x6;
	v13 =	vsel vm7, s18, v13;
	v10 =	vsel vm7, s19, v10;
	v12 =	vsel vm7, s21, v12  }
0x86a: {  	v7 =	vsel vm7, s22, v7;
	v13 =	vperm.xlane v13, v3;
	v10 =	vperm.xlane v10, v3  }
0x86b: {  	v12 =	vperm.xlane v12, v3;
	v7 =	vperm.xlane v7, v3  }
0x86c: {  	v9 =	vsel vm8, v13, v9;
	v10 =	vsel vm8, v10, v11  }
0x86d: {  	v6 =	vsel vm8, v12, v6;
	v7 =	vsel vm8, v7, v8;
	v9 =	vadd.s32 v9, v10  }
0x86e: {  	v6 =	vadd.s32 v6, v7;
	v59 =	vmul.u32 $0x180, v9  }
0x86f: {  	v6 =	vmul.u32 $0x180, v6  }
0x870: {  	v5 =	vsub.s32 v5, v59  }
0x871: {  	v4 =	vsub.s32 v4, v6;
	v5 =	vmul.u32 $0x180, v5  }
0x872: {  	s23 =	rddreg [dreg:$0x8];
	v4 =	vadd.s32 v0, v4  }
0x873: {  	s25 =	rddreg [dreg:$0x0];
	s24 =	simm.s32 $0x0;
	s0 =	sshra.s32 s23, $0x2;
	v4 =	vadd.s32 v5, v4  }
0x874: {  	s26 =	simm.s32 $0x80;
	s28 =	simm.s32 $0x200;
	s30 =	simm.s32 $0x2;
	[tilespmem:s0+$0x0] =	vst v4  }
0x875: {  	[tilespmem:s28], [sflag:$0x1] =	stream.indirect.gather [hbm4b:s25+s26], $0x80, s24, s26, $0xb8;
	[tilespmem:$0xC200] =	vst v63  }
0x876: {  	_ =	swait.ge [sflag:s30], $0x4000  }
0x877: {  	[sflag:s30] =	ssyncset.done $0x0;
	s4 =	sld [smem:$0x676]  }
0x878: {  	[sflag:s30] =	ssyncadd.s32 $0xFFFFC000;
	s30 =	sld [smem:$0x6DE]  }
0x879: {  	s5 =	simm.s32 $0x0  }
0x87a: {  	s1 =	simm.s32 $0x4200;
	s6 =	simm.s32 $0x5;
	[dreg:$0x3] =	wrdreg s5  }
0x87b: {  	[hbm4b:s4+s24] =	stream.linear.scatter [tilespmem:s1], [sflag:$0x5], $0x4000, $0x38;
	v4 =	vor.u32 s30, v1;
	[tilespmem:$0xC200] =	vst v63  }
0x87c: {  	_ =	swait.ge [sflag:s6], $0x4000;
	v4 =	vsub.s32 v4, v0  }
0x87d: {  	(v2sf) =	vpush v4, $0xF  }
0x87e: {  	(v2sf) =	vpush v4, $0xB;
	_ =	sdelay $0x1  }
0x87f: {  	(v2sf) =	vpush v4, $0x6;
	_ =	sdelay $0x1  }
0x880: {  	(v2sf) =	vpush v4, $0xE;
	_ =	sdelay $0x1  }
0x881: {  	(v2sf) =	vpush v4, $0xA;
	_ =	sdelay $0x1  }
0x882: {  	(v2sf) =	vpush v4, $0xD;
	_ =	sdelay $0x1  }
0x883: {  	(v2sf) =	vpush v4, $0x9;
	_ =	sdelay $0x1  }
0x884: {  	(v2sf) =	vpush v4, $0x5;
	_ =	sdelay $0x1  }
0x885: {  	(v2sf) =	vpush v4, $0xC;
	s7 =	spop (v2sf)  }
0x886: {  	s8 =	spop (v2sf);
	s4 =	smulhi.u32 $0x2AAAAAAB, s7  }
0x887: {  	(v2sf) =	vpush v4, $0x8;
	s1 =	sshra.s32 s7, $0x1F;
	s6 =	smulhi.u32 $0x2AAAAAAB, s8  }
0x888: {  	s10 =	spop (v2sf);
	s24 =	smul.u32 $0x2AAAAAAB, s1  }
0x889: {  	(v2sf) =	vpush v4, $0x4;
	s2 =	sshra.s32 s8, $0x1F;
	s0 =	smulhi.u32 $0x2AAAAAAB, s10  }
0x88a: {  	s25 =	spop (v2sf);
	s2 =	smul.u32 $0x2AAAAAAB, s2  }
0x88b: {  	(v2sf) =	vpush v4, $0x3;
	s5 =	sshra.s32 s10, $0x1F;
	s9 =	smulhi.u32 $0x2AAAAAAB, s25  }
0x88c: {  	s26 =	spop (v2sf);
	s1 =	smul.u32 $0x2AAAAAAB, s5  }
0x88d: {  	s25 =	sshra.s32 s25, $0x1F;
	s11 =	smulhi.u32 $0x2AAAAAAB, s26  }
0x88e: {  	(v2sf) =	vpush v4, $0x2;
	s28 =	spop (v2sf);
	s7 =	smul.u32 $0x2AAAAAAB, s25  }
0x88f: {  	(v2sf) =	vpush v4, $0x1;
	s26 =	sshra.s32 s26, $0x1F;
	s13 =	smulhi.u32 $0x2AAAAAAB, s28  }
0x890: {  	s12 =	spop (v2sf);
	s10 =	smul.u32 $0x2AAAAAAB, s26  }
0x891: {  	s28 =	sshra.s32 s28, $0x1F;
	s15 =	smulhi.u32 $0x2AAAAAAB, s12  }
0x892: {  	(v2sf) =	vpush v4, $0x0;
	s14 =	spop (v2sf);
	s8 =	smul.u32 $0x2AAAAAAB, s28  }
0x893: {  	(v2sf) =	vpush v4, $0x7;
	s25 =	sshra.s32 s12, $0x1F;
	s17 =	smulhi.u32 $0x2AAAAAAB, s14  }
0x894: {  	s16 =	spop (v2sf);
	s12 =	smul.u32 $0x2AAAAAAB, s25  }
0x895: {  	s26 =	sshra.s32 s14, $0x1F;
	s19 =	smulhi.u32 $0x2AAAAAAB, s16  }
0x896: {  	s18 =	spop (v2sf);
	s28 =	sshra.s32 s16, $0x1F;
	s16 =	smul.u32 $0x2AAAAAAB, s26  }
0x897: {  	s21 =	smulhi.u32 $0x2AAAAAAB, s18  }
0x898: {  	s20 =	spop (v2sf);
	s14 =	smul.u32 $0x2AAAAAAB, s28  }
0x899: {  	s25 =	sshra.s32 s18, $0x1F;
	s23 =	smulhi.u32 $0x2AAAAAAB, s20  }
0x89a: {  	s22 =	spop (v2sf);
	s18 =	smul.u32 $0x2AAAAAAB, s25  }
0x89b: {  	s26 =	sshra.s32 s20, $0x1F;
	s3 =	smulhi.u32 $0x2AAAAAAB, s22  }
0x89c: {  	s28 =	sshra.s32 s22, $0x1F;
	s22 =	smul.u32 $0x2AAAAAAB, s26  }
0x89d: {  	s25 =	spop (v2sf);
	s20 =	smul.u32 $0x2AAAAAAB, s28  }
0x89e: {  	s4 =	sadd.s32 s24, s4;
	s28 =	spop (v2sf);
	s26 =	smulhi.u32 $0x2AAAAAAB, s25  }
0x89f: {  	s9 =	sadd.s32 s7, s9;
	s5 =	sshra.s32 s25, $0x1F;
	s24 =	smulhi.u32 $0x2AAAAAAB, s28  }
0x8a0: {  	s10 =	sadd.s32 s10, s11;
	s25 =	sshra.s32 s28, $0x1F;
	s28 =	smul.u32 $0x2AAAAAAB, s5  }
0x8a1: {  	s8 =	sadd.s32 s8, s13;
	s29 =	spop (v2sf);
	s25 =	smul.u32 $0x2AAAAAAB, s25  }
0x8a2: {  	s5 =	sadd.s32 s2, s6;
	s6 =	spop (v2sf);
	s11 =	smulhi.u32 $0x2AAAAAAB, s29  }
0x8a3: {  	s12 =	sadd.s32 s12, s15;
	s13 =	smulhi.u32 $0x2AAAAAAB, s6;
	s2 =	sshra.s32 s6, $0x1F  }
0x8a4: {  	s14 =	sadd.s32 s14, s19;
	s7 =	sshra.s32 s29, $0x1F;
	s2 =	smul.u32 $0x2AAAAAAB, s2  }
0x8a5: {  	s19 =	smul.u32 $0x2AAAAAAB, s7;
	s6 =	sadd.s32 s16, s17;
	s16 =	sadd.s32 s18, s21  }
0x8a6: {  	s7 =	sadd.s32 s22, s23;
	s18 =	sadd.s32 s25, s24;
	s2 =	sadd.s32 s2, s13  }
0x8a7: {  	s22 =	sshrl.u32 s16, $0x1F;
	s11 =	sadd.s32 s19, s11;
	s17 =	sshra.s32 s2, $0x1F  }
0x8a8: {  	s24 =	sshra.s32 s16, $0x6;
	s19 =	sshrl.u32 s14, $0x1F;
	s21 =	sshra.s32 s11, $0x6;
	v5 =	vmov s17  }
0x8a9: {  	s14 =	sshra.s32 s14, $0x6;
	v7 =	vmov s22;
	s25 =	sshra.s32 s18, $0x6;
	v62 =	vmov s24;
	s23 =	sshra.s32 s11, $0x1F;
	v5 =	vsel vm3, s21, v5  }
0x8aa: {  	s13 =	sadd.s32 s28, s26;
	v6 =	vmov s19;
	s11 =	sshrl.u32 s11, $0x1F;
	v60 =	vmov s14;
	s26 =	sshrl.u32 s8, $0x1F;
	v5 =	vsel vm9, s23, v5  }
0x8ab: {  	s15 =	sshra.s32 s18, $0x1F;
	s28 =	sshrl.u32 s12, $0x1F;
	s8 =	sshra.s32 s8, $0x6;
	v61 =	vmov s11;
	v6 =	vsel vm0, s26, v6;
	v5 =	vsel vm0, s25, v5  }
0x8ac: {  	s12 =	sshra.s32 s12, $0x6;
	s19 =	sshrl.u32 s9, $0x1F;
	v7 =	vsel vm0, s28, v7;
	v8 =	vsel vm0, s8, v60;
	s17 =	sshra.s32 s13, $0x6;
	v5 =	vsel vm10, s15, v5  }
0x8ad: {  	s3 =	sadd.s32 s20, s3;
	s9 =	sshra.s32 s9, $0x6;
	v10 =	vsel vm0, s12, v62;
	s20 =	sshra.s32 s13, $0x1F;
	v6 =	vsel vm1, s19, v6;
	v5 =	vsel vm1, s17, v5  }
0x8ae: {  	s22 =	sshra.s32 s3, $0x6;
	s24 =	sshra.s32 s10, $0x6;
	s26 =	sshrl.u32 s4, $0x1F;
	v9 =	vnsel vm3, $0x0, v61;
	v8 =	vsel vm1, s9, v8;
	v5 =	vsel vm11, s20, v5  }
0x8af: {  	s16 =	sshra.s32 s5, $0x6;
	s4 =	sshra.s32 s4, $0x6;
	v10 =	vsel vm1, s24, v10;
	v6 =	vsel vm2, s26, v6;
	s25 =	sshra.s32 s3, $0x1F;
	v5 =	vsel vm2, s22, v5  }
0x8b0: {  	s11 =	sshra.s32 s7, $0x6;
	s21 =	sshrl.u32 s10, $0x1F;
	v8 =	vsel vm2, s4, v8;
	v10 =	vsel vm2, s16, v10;
	s23 =	sshrl.u32 s18, $0x1F;
	v5 =	vsel vm12, s25, v5  }
0x8b1: {  	s14 =	sshrl.u32 s13, $0x1F;
	v7 =	vsel vm1, s21, v7;
	v9 =	vsel vm0, s23, v9;
	s15 =	sshra.s32 s7, $0x1F;
	v5 =	vsel vm4, s11, v5  }
0x8b2: {  	s28 =	sshrl.u32 s5, $0x1F;
	v8 =	vcombine.low v10, v8;
	s3 =	sshrl.u32 s3, $0x1F;
	v9 =	vsel vm1, s14, v9;
	s17 =	sshra.s32 s6, $0x6;
	v5 =	vsel vm13, s15, v5  }
0x8b3: {  	s0 =	sadd.s32 s1, s0;
	s19 =	sshra.s32 s6, $0x1F;
	s18 =	sshrl.u32 s7, $0x1F;
	v7 =	vsel vm2, s28, v7;
	v9 =	vsel vm2, s3, v9;
	v5 =	vsel vm5, s17, v5  }
0x8b4: {  	s21 =	sshra.s32 s0, $0x6;
	v6 =	vcombine.low v7, v6;
	v7 =	vsel vm4, s18, v9;
	s20 =	sshrl.u32 s6, $0x1F;
	v5 =	vsel vm14, s19, v5  }
0x8b5: {  	v7 =	vsel vm5, s20, v7;
	s22 =	sshrl.u32 s0, $0x1F;
	s0 =	sshra.s32 s0, $0x1F;
	v5 =	vsel vm6, s21, v5  }
0x8b6: {  	s24 =	sshra.s32 s2, $0x6;
	s23 =	sshrl.u32 s2, $0x1F;
	v8 =	vperm.xlane v8, v2;
	v7 =	vsel vm6, s22, v7;
	v5 =	vsel vm15, s0, v5  }
0x8b7: {  	v6 =	vperm.xlane v6, v2;
	v7 =	vsel vm7, s23, v7;
	v5 =	vsel vm7, s24, v5  }
0x8b8: {  	v7 =	vperm.xlane v7, v3;
	v5 =	vperm.xlane v5, v3;
	_ =	sdelay $0x1  }
0x8b9: {  	v6 =	vsel vm8, v7, v6;
	v5 =	vsel vm8, v5, v8  }
0x8ba: {  	v5 =	vadd.s32 v6, v5  }
0x8bb: {  	v6 =	vmul.u32 $0xFFFFFE80, v5;
	_ =	sdelay $0x1  }
0x8bc: {  	v4 =	vadd.s32 v4, v6  }
0x8bd: {  	v6 =	vmul.u32 $0x3A, v5;
	v7 =	vmul.u32 $0x29, v4  }
0x8be: {  	v5 =	vmul.u32 $0x29, v5;
	v63 =	vmul.u32 $0x1D, v4  }
0x8bf: {  	v4 =	vadd.s32 v7, v6  }
0x8c0: {  	v5 =	vadd.s32 v63, v5;
	(v2sf) =	vpush v4, $0x7  }
0x8c1: {  	(v2sf) =	vpush v5, $0x7  }
0x8c2: {  	(v2sf) =	vpush v4, $0x6;
	_ =	sdelay $0x1  }
0x8c3: {  	(v2sf) =	vpush v5, $0x6  }
0x8c4: {  	(v2sf) =	vpush v4, $0xF;
	_ =	sdelay $0x1  }
0x8c5: {  	(v2sf) =	vpush v4, $0xB  }
0x8c6: {  	(v2sf) =	vpush v4, $0x5;
	_ =	sdelay $0x1  }
0x8c7: {  	(v2sf) =	vpush v5, $0xF  }
0x8c8: {  	(v2sf) =	vpush v5, $0xB  }
0x8c9: {  	(v2sf) =	vpush v5, $0x5  }
0x8ca: {  	(v2sf) =	vpush v4, $0xE;
	_ =	sdelay $0x1  }
0x8cb: {  	(v2sf) =	vpush v4, $0xA;
	s4 =	spop (v2sf)  }
0x8cc: {  	(v2sf) =	vpush v4, $0x4;
	s25 =	smulhi.u32 $0x2AAAAAAB, s4;
	s6 =	spop (v2sf)  }
0x8cd: {  	s26 =	smulhi.u32 $0x2AAAAAAB, s6;
	s15 =	spop (v2sf)  }
0x8ce: {  	(v2sf) =	vpush v5, $0xE;
	[smem:$0x636] =	sst s25;
	s28 =	smulhi.u32 $0x2AAAAAAB, s15  }
0x8cf: {  	(v2sf) =	vpush v5, $0xA;
	s18 =	spop (v2sf);
	[smem:$0x637] =	sst s26  }
0x8d0: {  	s1 =	smulhi.u32 $0x2AAAAAAB, s18;
	s19 =	spop (v2sf)  }
0x8d1: {  	[smem:$0x638] =	sst s28;
	s2 =	smulhi.u32 $0x2AAAAAAB, s19  }
0x8d2: {  	(v2sf) =	vpush v5, $0x4;
	s20 =	spop (v2sf);
	[smem:$0x639] =	sst s1  }
0x8d3: {  	(v2sf) =	vpush v4, $0xD;
	s3 =	smulhi.u32 $0x2AAAAAAB, s20;
	s21 =	spop (v2sf)  }
0x8d4: {  	(v2sf) =	vpush v4, $0x9;
	[smem:$0x63A] =	sst s2;
	s5 =	smulhi.u32 $0x2AAAAAAB, s21  }
0x8d5: {  	s25 =	spop (v2sf);
	[smem:$0x63B] =	sst s3  }
0x8d6: {  	s23 =	spop (v2sf);
	[smem:$0x63C] =	sst s5  }
0x8d7: {  	(v2sf) =	vpush v4, $0x3;
	s7 =	smulhi.u32 $0x2AAAAAAB, s23;
	s9 =	spop (v2sf)  }
0x8d8: {  	s8 =	smulhi.u32 $0x2AAAAAAB, s9;
	s26 =	spop (v2sf)  }
0x8d9: {  	[smem:$0x63D] =	sst s7;
	s10 =	smulhi.u32 $0x2AAAAAAB, s26  }
0x8da: {  	(v2sf) =	vpush v5, $0xD;
	s31 =	spop (v2sf);
	[smem:$0x63E] =	sst s8  }
0x8db: {  	(v2sf) =	vpush v5, $0x9;
	s12 =	smulhi.u32 $0x2AAAAAAB, s31;
	s29 =	spop (v2sf)  }
0x8dc: {  	(v2sf) =	vpush v5, $0x3;
	[smem:$0x63F] =	sst s10;
	s13 =	smulhi.u32 $0x2AAAAAAB, s29  }
0x8dd: {  	(v2sf) =	vpush v4, $0xC;
	s7 =	spop (v2sf);
	[smem:$0x640] =	sst s12  }
0x8de: {  	(v2sf) =	vpush v4, $0x8;
	s14 =	smulhi.u32 $0x2AAAAAAB, s7;
	s5 =	spop (v2sf)  }
0x8df: {  	(v2sf) =	vpush v4, $0x2;
	[smem:$0x641] =	sst s13;
	s16 =	smulhi.u32 $0x2AAAAAAB, s5  }
0x8e0: {  	(v2sf) =	vpush v5, $0xC;
	[smem:$0x642] =	sst s14  }
0x8e1: {  	s17 =	simm.s32 $0x5;
	(v2sf) =	vpush v5, $0x8;
	s14 =	spop (v2sf);
	[smem:$0x643] =	sst s16  }
0x8e2: {  	[sflag:s17] =	ssyncset.done $0x0;
	(v2sf) =	vpush v5, $0x2;
	s22 =	smulhi.u32 $0x2AAAAAAB, s14;
	s16 =	spop (v2sf)  }
0x8e3: {  	[sflag:s17] =	ssyncadd.s32 $0xFFFFC000;
	(v2sf) =	vpush v4, $0x1;
	s24 =	smulhi.u32 $0x2AAAAAAB, s16;
	s17 =	spop (v2sf)  }
0x8e4: {  	(v2sf) =	vpush v5, $0x1;
	[smem:$0x644] =	sst s22;
	s28 =	smulhi.u32 $0x2AAAAAAB, s17  }
0x8e5: {  	s0 =	simm.s32 $0x40;
	s11 =	smulhi.u32 $0x2AAAAAAB, s25;
	(v2sf) =	vpush v4, $0x0;
	[smem:$0x645] =	sst s24  }
0x8e6: {  	s3 =	smov.u32 s30;
	(v2sf) =	vpush v5, $0x0;
	s8 =	spop (v2sf);
	[smem:$0x646] =	sst s28  }
.LBB2_16:
0x8e7: {  	_ = 	snop  }
0x8e8: {  	[dreg:$0x1c] =	wrdreg s0  }
0x8e9: {  	p0 =	sne.s32 s0, $0x1C0;
	[smem:$0x601] =	sst s11;
	s0 =	spop (v2sf)  }
0x8ea: {  	s11 =	smulhi.u32 $0x2AAAAAAB, s8;
	s13 =	spop (v2sf)  }
0x8eb: {  	s1 =	smulhi.u32 $0x2AAAAAAB, s0;
	s30 =	spop (v2sf)  }
0x8ec: {  	s22 =	smulhi.u32 $0x2AAAAAAB, s30  }
0x8ed: {  	[smem:$0x610] =	sst s11;
	s12 =	smulhi.u32 $0x2AAAAAAB, s13  }
0x8ee: {  	[smem:$0x612] =	sst s22;
	s22 =	spop (v2sf)  }
0x8ef: {  	[smem:$0x603] =	sst s12;
	s12 =	spop (v2sf)  }
0x8f0: {  	s24 =	smulhi.u32 $0x2AAAAAAB, s22;
	s11 =	spop (v2sf)  }
0x8f1: {  	s2 =	smulhi.u32 $0x2AAAAAAB, s11  }
0x8f2: {  	[smem:$0x602] =	sst s1;
	s28 =	smulhi.u32 $0x2AAAAAAB, s12  }
0x8f3: {  	[smem:$0x60A] =	sst s2;
	s2 =	spop (v2sf)  }
0x8f4: {  	[smem:$0x606] =	sst s28;
	s1 =	spop (v2sf)  }
0x8f5: {  	s10 =	smulhi.u32 $0x2AAAAAAB, s2;
	s28 =	spop (v2sf)  }
0x8f6: {  	[smem:$0x605] =	sst s24;
	s24 =	smulhi.u32 $0x2AAAAAAB, s28  }
0x8f7: {  	[smem:$0x604] =	sst s10;
	s10 =	smulhi.u32 $0x2AAAAAAB, s1  }
0x8f8: {  	[smem:$0x60C] =	sst s24;
	s24 =	spop (v2sf)  }
0x8f9: {  	[smem:$0x607] =	sst s10;
	s10 =	smulhi.u32 $0x2AAAAAAB, s24  }
0x8fa: {  	[smem:$0x5FC] =	sst s24;
	s24 =	spop (v2sf)  }
0x8fb: {  	[smem:$0x60D] =	sst s10;
	s10 =	smulhi.u32 $0x2AAAAAAB, s24  }
0x8fc: {  	_ = 	snop  }
0x8fd: {  	[smem:$0x60B] =	sst s10;
	s10 =	spop (v2sf)  }
0x8fe: {  	[smem:$0x5FD] =	sst s10;
	s10 =	smulhi.u32 $0x2AAAAAAB, s10  }
0x8ff: {  	_ = 	snop  }
0x900: {  	s3 =	sadd.s32 $0x10, s3;
	[smem:$0x609] =	sst s10;
	s10 =	spop (v2sf)  }
0x901: {  	s4 =	sshra.s32 s4, $0x1F;
	[smem:$0x62A] =	sst s3;
	v6 =	vor.u32 s3, v1;
	s3 =	smulhi.u32 $0x2AAAAAAB, s10  }
0x902: {  	s6 =	sshra.s32 s6, $0x1F;
	[smem:$0x5FE] =	sst s10;
	s10 =	smul.u32 $0x2AAAAAAB, s4  }
0x903: {  	s4 =	smul.u32 $0x2AAAAAAB, s6;
	s6 =	sshra.s32 s15, $0x1F;
	s15 =	sshra.s32 s21, $0x1F  }
0x904: {  	s7 =	sshra.s32 s7, $0x1F;
	s21 =	smul.u32 $0x2AAAAAAB, s15  }
0x905: {  	v6 =	vsub.s32 v6, v0;
	s15 =	sshra.s32 s29, $0x1F;
	s29 =	smul.u32 $0x2AAAAAAB, s7  }
0x906: {  	(v2sf) =	vpush v6, $0xF;
	[smem:$0x600] =	sst s10;
	s10 =	sshra.s32 s18, $0x1F;
	s18 =	smul.u32 $0x2AAAAAAB, s6  }
0x907: {  	(v2sf) =	vpush v6, $0xB;
	[smem:$0x5FF] =	sst s4;
	s6 =	sshra.s32 s19, $0x1F;
	s4 =	smul.u32 $0x2AAAAAAB, s10  }
0x908: {  	(v2sf) =	vpush v6, $0x6;
	[smem:$0x608] =	sst s3;
	s3 =	sshra.s32 s9, $0x1F;
	s19 =	smul.u32 $0x2AAAAAAB, s6  }
0x909: {  	(v2sf) =	vpush v6, $0xE;
	s10 =	sshra.s32 s20, $0x1F;
	s6 =	smul.u32 $0x2AAAAAAB, s3  }
0x90a: {  	s3 =	sshra.s32 s5, $0x1F;
	s5 =	sshra.s32 s14, $0x1F;
	s20 =	smul.u32 $0x2AAAAAAB, s10  }
0x90b: {  	(v2sf) =	vpush v6, $0xA;
	s14 =	sshra.s32 s17, $0x1F;
	[smem:$0x613] =	sst s18;
	s7 =	smul.u32 $0x2AAAAAAB, s5  }
0x90c: {  	s18 =	sshra.s32 s25, $0x1F;
	s10 =	sshra.s32 s31, $0x1F;
	s31 =	smul.u32 $0x2AAAAAAB, s14  }
0x90d: {  	[smem:$0x615] =	sst s21;
	(v2sf) =	vpush v6, $0xD;
	s25 =	sshra.s32 s23, $0x1F;
	s21 =	smul.u32 $0x2AAAAAAB, s18  }
0x90e: {  	s9 =	sshra.s32 s26, $0x1F;
	s23 =	smul.u32 $0x2AAAAAAB, s25  }
0x90f: {  	(v2sf) =	vpush v6, $0x9;
	s18 =	smul.u32 $0x2AAAAAAB, s9  }
0x910: {  	[smem:$0x614] =	sst s4;
	s26 =	smul.u32 $0x2AAAAAAB, s10;
	(v2sf) =	vpush v6, $0x5  }
0x911: {  	[smem:$0x616] =	sst s6;
	s25 =	smul.u32 $0x2AAAAAAB, s15  }
0x912: {  	s15 =	smul.u32 $0x2AAAAAAB, s3;
	s9 =	sshra.s32 s16, $0x1F;
	[smem:$0x60F] =	sst s7;
	(v2sf) =	vpush v6, $0xC  }
0x913: {  	s16 =	smul.u32 $0x2AAAAAAB, s9;
	[smem:$0x60E] =	sst s25;
	(v2sf) =	vpush v6, $0x8  }
0x914: {  	s25 =	sshra.s32 s8, $0x1F;
	s8 =	sshra.s32 s13, $0x1F;
	s13 =	sshra.s32 s30, $0x1F;
	(v2sf) =	vpush v6, $0x4  }
0x915: {  	s30 =	smul.u32 $0x2AAAAAAB, s13;
	s6 =	spop (v2sf)  }
0x916: {  	[smem:$0x617] =	sst s6;
	s10 =	spop (v2sf)  }
0x917: {  	(v2sf) =	vpush v6, $0x3;
	s6 =	smul.u32 $0x2AAAAAAB, s25;
	s17 =	spop (v2sf)  }
0x918: {  	(v2sf) =	vpush v6, $0x2;
	s25 =	sshra.s32 s12, $0x1F;
	[smem:$0x619] =	sst s17;
	s5 =	spop (v2sf)  }
0x919: {  	[smem:$0x611] =	sst s6;
	s6 =	smul.u32 $0x2AAAAAAB, s25  }
0x91a: {  	s17 =	sshra.s32 s22, $0x1F;
	[smem:$0x61A] =	sst s5;
	s7 =	spop (v2sf)  }
0x91b: {  	(v2sf) =	vpush v6, $0x1;
	s5 =	sshra.s32 s11, $0x1F;
	[smem:$0x61B] =	sst s7;
	s7 =	smul.u32 $0x2AAAAAAB, s17  }
0x91c: {  	(v2sf) =	vpush v6, $0x0;
	s11 =	sshra.s32 s2, $0x1F;
	s9 =	spop (v2sf);
	s13 =	smul.u32 $0x2AAAAAAB, s5  }
0x91d: {  	(v2sf) =	vpush v6, $0x7;
	s2 =	smul.u32 $0x2AAAAAAB, s11;
	s11 =	sld [smem:$0x5FD]  }
0x91e: {  	[smem:$0x61C] =	sst s9;
	s14 =	spop (v2sf)  }
0x91f: {  	[smem:$0x61D] =	sst s14;
	s22 =	spop (v2sf)  }
0x920: {  	s9 =	smul.u32 $0x2AAAAAAB, s8;
	[smem:$0x61E] =	sst s22  }
0x921: {  	s3 =	spop (v2sf);
	s22 =	sshra.s32 s28, $0x1F;
	s28 =	sld [smem:$0x5FC]  }
0x922: {  	[smem:$0x61F] =	sst s3;
	s8 =	spop (v2sf)  }
0x923: {  	s14 =	sshra.s32 s1, $0x1F;
	[smem:$0x620] =	sst s8;
	s12 =	spop (v2sf)  }
0x924: {  	s3 =	smul.u32 $0x2AAAAAAB, s14;
	s8 =	sshra.s32 s24, $0x1F;
	[smem:$0x621] =	sst s12  }
0x925: {  	s24 =	smul.u32 $0x2AAAAAAB, s8;
	s8 =	sld [smem:$0x637]  }
0x926: {  	s17 =	spop (v2sf);
	s12 =	sshra.s32 s11, $0x1F;
	s11 =	sld [smem:$0x5FF]  }
0x927: {  	[smem:$0x622] =	sst s17;
	s25 =	spop (v2sf)  }
0x928: {  	s4 =	smul.u32 $0x2AAAAAAB, s12;
	s12 =	sld [smem:$0x636]  }
0x929: {  	s14 =	smul.u32 $0x2AAAAAAB, s22;
	[smem:$0x623] =	sst s25  }
0x92a: {  	s5 =	spop (v2sf);
	s25 =	sld [smem:$0x5FE]  }
0x92b: {  	s1 =	sshra.s32 s28, $0x1F;
	[smem:$0x624] =	sst s5;
	s28 =	spop (v2sf)  }
0x92c: {  	s5 =	sld [smem:$0x601];
	s22 =	spop (v2sf)  }
0x92d: {  	[smem:$0x625] =	sst s22  }
0x92e: {  	s17 =	smul.u32 $0x2AAAAAAB, s1;
	s22 =	sld [smem:$0x600]  }
0x92f: {  	s1 =	sshra.s32 s25, $0x1F;
	s25 =	sadd.s32 s11, s8;
	s8 =	sld [smem:$0x63A]  }
0x930: {  	s11 =	sadd.s32 s21, s5;
	s21 =	sld [smem:$0x63B];
	_ =	sdelay $0x1  }
0x931: {  	s12 =	sadd.s32 s22, s12;
	s22 =	sld [smem:$0x63D]  }
0x932: {  	s5 =	sadd.s32 s19, s8;
	s8 =	sadd.s32 s20, s21;
	s20 =	sld [smem:$0x640]  }
0x933: {  	s19 =	sld [smem:$0x63F]  }
0x934: {  	s23 =	sadd.s32 s23, s22;
	s22 =	sld [smem:$0x642]  }
0x935: {  	s20 =	sadd.s32 s26, s20;
	s26 =	sld [smem:$0x643]  }
0x936: {  	s0 =	sshra.s32 s0, $0x1F;
	[smem:$0x618] =	sst s10  }
0x937: {  	s21 =	sadd.s32 s18, s19;
	s18 =	sadd.s32 s29, s22;
	s22 =	sld [smem:$0x602]  }
0x938: {  	s10 =	smul.u32 $0x2AAAAAAB, s0;
	s19 =	sadd.s32 s15, s26;
	s26 =	sld [smem:$0x603]  }
0x939: {  	s15 =	sld [smem:$0x645]  }
0x93a: {  	s10 =	sadd.s32 s10, s22;
	s22 =	sld [smem:$0x604]  }
0x93b: {  	s9 =	sadd.s32 s9, s26;
	s26 =	sld [smem:$0x605]  }
0x93c: {  	s15 =	sadd.s32 s16, s15;
	s16 =	sld [smem:$0x646]  }
0x93d: {  	s2 =	sadd.s32 s2, s22;
	s22 =	sld [smem:$0x606]  }
0x93e: {  	s7 =	sadd.s32 s7, s26;
	s26 =	sld [smem:$0x607]  }
0x93f: {  	s0 =	smul.u32 $0x2AAAAAAB, s1  }
0x940: {  	s16 =	sadd.s32 s31, s16;
	s6 =	sadd.s32 s6, s22;
	s22 =	sld [smem:$0x608]  }
0x941: {  	s31 =	sshrl.u32 s2, $0x1F;
	s2 =	sshrl.u32 s2, $0x6;
	s3 =	sadd.s32 s3, s26  }
0x942: {  	s26 =	sld [smem:$0x609];
	s29 =	sshrl.u32 s6, $0x1F;
	s6 =	sshrl.u32 s6, $0x6  }
0x943: {  	v8 =	vmov s29;
	v12 =	vmov s6;
	s6 =	sshrl.u32 s9, $0x1F;
	s29 =	sld [smem:$0x620];
	s1 =	sadd.s32 s0, s22  }
0x944: {  	s0 =	sshrl.u32 s7, $0x1F;
	s7 =	sshrl.u32 s7, $0x6;
	s22 =	sshrl.u32 s3, $0x1F  }
0x945: {  	s4 =	sadd.s32 s4, s26;
	v9 =	vmov s7;
	s7 =	sshrl.u32 s3, $0x6;
	s26 =	sshrl.u32 s1, $0x1F  }
0x946: {  	v13 =	vmov s2;
	v11 =	vmov s22;
	s2 =	sshrl.u32 s1, $0x6;
	s3 =	sshrl.u32 s21, $0x1F;
	s22 =	sshrl.u32 s4, $0x1F  }
0x947: {  	v14 =	vmov s7;
	s4 =	sshrl.u32 s4, $0x6;
	v16 =	vmov s26;
	s7 =	sshrl.u32 s15, $0x1F;
	s26 =	sshrl.u32 s15, $0x6  }
0x948: {  	v7 =	vmov s0;
	v17 =	vmov s2;
	v11 =	vsel vm0, s6, v11;
	s15 =	sshrl.u32 s9, $0x6;
	s2 =	sld [smem:$0x60D];
	s6 =	sshrl.u32 s21, $0x6  }
0x949: {  	v15 =	vmov s22;
	s22 =	sshrl.u32 s16, $0x1F;
	v7 =	vsel vm0, s7, v7;
	s7 =	sshrl.u32 s16, $0x6;
	s16 =	sld [smem:$0x60A]  }
0x94a: {  	s9 =	sshrl.u32 s18, $0x1F;
	s21 =	sshrl.u32 s5, $0x6;
	v9 =	vsel vm0, s26, v9;
	s26 =	sld [smem:$0x60C]  }
0x94b: {  	v10 =	vmov s31;
	v18 =	vmov s4;
	s4 =	sshrl.u32 s10, $0x1F;
	s10 =	sshrl.u32 s10, $0x6;
	v8 =	vsel vm0, s22, v8;
	s22 =	sld [smem:$0x60B]  }
0x94c: {  	v14 =	vsel vm0, s15, v14;
	s15 =	sshrl.u32 s18, $0x6;
	v13 =	vsel vm0, s10, v13;
	s10 =	sshrl.u32 s19, $0x1F;
	v9 =	vsel vm1, s6, v9;
	s6 =	sld [smem:$0x641]  }
0x94d: {  	v10 =	vsel vm0, s4, v10;
	s4 =	sshrl.u32 s20, $0x1F;
	v7 =	vsel vm1, s3, v7;
	s3 =	sshrl.u32 s23, $0x6;
	v11 =	vsel vm1, s10, v11;
	s10 =	sld [smem:$0x644]  }
0x94e: {  	s1 =	sadd.s32 s17, s2;
	v13 =	vsel vm1, s15, v13;
	s2 =	sshrl.u32 s11, $0x6;
	s15 =	sld [smem:$0x611]  }
0x94f: {  	v12 =	vsel vm0, s7, v12;
	v9 =	vsel vm2, s21, v9;
	s21 =	sld [smem:$0x638];
	s7 =	sadd.s32 s14, s26;
	s14 =	sshrl.u32 s20, $0x6  }
0x950: {  	s20 =	sshrl.u32 s8, $0x1F;
	s26 =	sshrl.u32 s8, $0x6;
	s8 =	sld [smem:$0x60E]  }
0x951: {  	s0 =	sadd.s32 s24, s22;
	s22 =	sshrl.u32 s11, $0x1F;
	s11 =	sld [smem:$0x60F]  }
0x952: {  	s13 =	sadd.s32 s13, s16;
	s16 =	sshrl.u32 s19, $0x6;
	v12 =	vsel vm1, s14, v12;
	s14 =	sld [smem:$0x610]  }
0x953: {  	s17 =	sshrl.u32 s1, $0x1F;
	s1 =	sshrl.u32 s1, $0x6;
	v14 =	vsel vm1, s16, v14;
	s16 =	sld [smem:$0x612]  }
0x954: {  	v10 =	vsel vm1, s9, v10;
	s19 =	sshrl.u32 s5, $0x1F;
	s24 =	sshrl.u32 s23, $0x1F;
	s23 =	sld [smem:$0x639]  }
0x955: {  	v8 =	vsel vm1, s4, v8;
	s4 =	sshrl.u32 s13, $0x1F;
	s5 =	sshrl.u32 s7, $0x1F;
	v10 =	vsel vm2, s22, v10;
	s22 =	sld [smem:$0x613]  }
0x956: {  	v16 =	vnsel vm3, $0x0, v16;
	v17 =	vnsel vm3, $0x0, v17;
	s9 =	sshrl.u32 s13, $0x6;
	s13 =	sshrl.u32 s7, $0x6;
	v11 =	vsel vm2, s24, v11;
	s24 =	sld [smem:$0x614]  }
0x957: {  	v15 =	vnsel vm3, $0x0, v15;
	v18 =	vnsel vm3, $0x0, v18;
	s18 =	sshrl.u32 s0, $0x1F;
	s0 =	sshrl.u32 s0, $0x6;
	v12 =	vsel vm2, s26, v12;
	s26 =	sld [smem:$0x63C]  }
0x958: {  	v15 =	vsel vm0, s17, v15;
	v18 =	vsel vm0, s1, v18;
	v17 =	vsel vm0, s0, v17;
	s1 =	sadd.s32 s8, s6;
	s6 =	sld [smem:$0x616];
	s0 =	sadd.s32 s11, s10  }
0x959: {  	v13 =	vsel vm2, s2, v13;
	v15 =	vsel vm1, s4, v15;
	v16 =	vsel vm0, s18, v16;
	s4 =	sadd.s32 s15, s14;
	s2 =	sadd.s32 s30, s16;
	s30 =	sld [smem:$0x615]  }
0x95a: {  	v7 =	vsel vm2, s19, v7;
	v16 =	vsel vm1, s5, v16;
	s19 =	sshrl.u32 s1, $0x1F;
	s1 =	sshrl.u32 s1, $0x6;
	s5 =	sld [smem:$0x63E]  }
0x95b: {  	v55 =	vsel vm1, s13, v17;
	s13 =	sshrl.u32 s25, $0x1F;
	s14 =	sshrl.u32 s25, $0x6;
	s16 =	sld [smem:$0x617]  }
0x95c: {  	s15 =	sshrl.u32 s12, $0x1F;
	s25 =	sld [smem:$0x61E];
	s17 =	sshrl.u32 s4, $0x1F  }
0x95d: {  	s4 =	sshrl.u32 s4, $0x6;
	s18 =	sshrl.u32 s2, $0x1F;
	s2 =	sshrl.u32 s2, $0x6  }
0x95e: {  	v8 =	vsel vm2, s20, v8;
	v14 =	vsel vm2, s3, v14;
	s20 =	sshrl.u32 s0, $0x1F;
	s3 =	sadd.s32 s24, s23;
	s0 =	sshrl.u32 s0, $0x6  }
0x95f: {  	v54 =	vsel vm1, s9, v18;
	v10 =	vcombine.low v11, v10;
	s24 =	sld [smem:$0x61D];
	v11 =	vsel vm2, s2, v55;
	s2 =	sadd.s32 s22, s21;
	s9 =	sshrl.u32 s3, $0x1F  }
0x960: {  	v7 =	vcombine.low v8, v7;
	v57 =	vsel vm2, s17, v15;
	v8 =	vsel vm2, s4, v54;
	s10 =	sshrl.u32 s3, $0x6;
	s21 =	rddreg [dreg:$0x3];
	s4 =	sadd.s32 s30, s26  }
0x961: {  	v56 =	vcombine.low v14, v13;
	v13 =	vsel vm4, s19, v57;
	v8 =	vsel vm4, s1, v8;
	s1 =	sadd.s32 s6, s5;
	s19 =	sshrl.u32 s12, $0x6;
	s12 =	sld [smem:$0x61C]  }
0x962: {  	v58 =	vsel vm2, s18, v16;
	s8 =	sshrl.u32 s2, $0x1F;
	s18 =	smulhi.u32 $0x2AAAAAAB, s16;
	s26 =	sld [smem:$0x61F]  }
0x963: {  	s11 =	sshrl.u32 s2, $0x6;
	s6 =	smulhi.u32 $0x2AAAAAAB, s25;
	s2 =	sld [smem:$0x623]  }
0x964: {  	v11 =	vsel vm4, s0, v11;
	s0 =	rddreg [dreg:$0x1c];
	s7 =	sshrl.u32 s4, $0x1F;
	s4 =	sshrl.u32 s4, $0x6  }
0x965: {  	s5 =	sshrl.u32 s1, $0x1F;
	[smem:$0x626] =	sst s18;
	s18 =	smulhi.u32 $0x2AAAAAAB, s26  }
0x966: {  	s1 =	sshrl.u32 s1, $0x6;
	v13 =	vsel vm5, s7, v13;
	s7 =	sshra.s32 s16, $0x1F;
	s17 =	smulhi.u32 $0x2AAAAAAB, s2  }
0x967: {  	s3 =	smov.u32 s0;
	s0 =	sld [smem:$0x622];
	v11 =	vsel vm5, s1, v11;
	v13 =	vsel vm6, s8, v13;
	s7 =	smul.u32 $0x2AAAAAAB, s7  }
0x968: {  	v8 =	vsel vm5, s4, v8;
	[dreg:$0x3] =	wrdreg s3;
	v11 =	vsel vm6, s10, v11;
	v13 =	vsel vm7, s15, v13;
	s15 =	smulhi.u32 $0x2AAAAAAB, s12  }
0x969: {  	s3 =	sld [smem:$0x624];
	v8 =	vsel vm6, s11, v8;
	v11 =	vsel vm7, s14, v11;
	s14 =	smulhi.u32 $0x2AAAAAAB, s24  }
0x96a: {  	v14 =	vsel vm4, s20, v58;
	v8 =	vsel vm7, s19, v8;
	s19 =	smulhi.u32 $0x2AAAAAAB, s29  }
0x96b: {  	s23 =	sshra.s32 s21, $0x2;
	v14 =	vsel vm5, s5, v14;
	s8 =	sld [smem:$0x618];
	s4 =	smulhi.u32 $0x2AAAAAAB, s0  }
0x96c: {  	v14 =	vsel vm6, s9, v14;
	s9 =	sld [smem:$0x619];
	s24 =	sshra.s32 s24, $0x1F;
	s21 =	smulhi.u32 $0x2AAAAAAB, s3  }
0x96d: {  	s10 =	sld [smem:$0x61A];
	s24 =	smul.u32 $0x2AAAAAAB, s24  }
0x96e: {  	s11 =	sld [smem:$0x61B];
	s5 =	smulhi.u32 $0x2AAAAAAB, s8  }
0x96f: {  	s20 =	smulhi.u32 $0x2AAAAAAB, s9  }
0x970: {  	s22 =	smulhi.u32 $0x2AAAAAAB, s10  }
0x971: {  	v14 =	vsel vm7, s13, v14;
	s13 =	smulhi.u32 $0x2AAAAAAB, s11;
	s8 =	sshra.s32 s8, $0x1F  }
0x972: {  	s30 =	sld [smem:$0x621];
	s9 =	sshra.s32 s9, $0x1F;
	s8 =	smul.u32 $0x2AAAAAAB, s8  }
0x973: {  	[smem:$0x627] =	sst s4;
	s10 =	sshra.s32 s10, $0x1F;
	s1 =	smul.u32 $0x2AAAAAAB, s9  }
0x974: {  	s0 =	sshra.s32 s0, $0x1F;
	s4 =	sld [smem:$0x625];
	s10 =	smul.u32 $0x2AAAAAAB, s10  }
0x975: {  	v9 =	vcombine.low v12, v9;
	s9 =	smul.u32 $0x2AAAAAAB, s0  }
0x976: {  	v7 =	vperm.xlane v7, v2;
	v10 =	vperm.xlane v10, v2;
	[smem:$0x628] =	sst s20;
	s20 =	smulhi.u32 $0x2AAAAAAB, s30  }
0x977: {  	v9 =	vperm.xlane v9, v2;
	v12 =	vperm.xlane v56, v2;
	s11 =	sshra.s32 s11, $0x1F;
	s16 =	smulhi.u32 $0x2AAAAAAB, s4  }
0x978: {  	v14 =	vperm.xlane v14, v3;
	v11 =	vperm.xlane v11, v3;
	[smem:$0x629] =	sst s1;
	s1 =	sshra.s32 s12, $0x1F;
	s12 =	smul.u32 $0x2AAAAAAB, s11  }
0x979: {  	s25 =	sshra.s32 s25, $0x1F;
	v13 =	vperm.xlane v13, v3;
	v8 =	vperm.xlane v8, v3;
	s11 =	smul.u32 $0x2AAAAAAB, s1  }
0x97a: {  	v10 =	vsel vm8, v14, v10;
	v11 =	vsel vm8, v11, v12;
	s1 =	sshra.s32 s26, $0x1F;
	s26 =	smul.u32 $0x2AAAAAAB, s25  }
0x97b: {  	v7 =	vsel vm8, v13, v7;
	v8 =	vsel vm8, v8, v9;
	v10 =	vadd.s32 v10, v11;
	s25 =	smul.u32 $0x2AAAAAAB, s1;
	s1 =	sshra.s32 s29, $0x1F  }
0x97c: {  	v7 =	vadd.s32 v7, v8;
	v59 =	vmul.u32 $0x180, v10;
	s5 =	sadd.s32 s8, s5;
	s29 =	smul.u32 $0x2AAAAAAB, s1;
	s1 =	sshra.s32 s30, $0x1F  }
0x97d: {  	v7 =	vmul.u32 $0x180, v7;
	s11 =	sadd.s32 s11, s15;
	s15 =	sadd.s32 s10, s22;
	s10 =	sadd.s32 s12, s13  }
0x97e: {  	v5 =	vsub.s32 v5, v59;
	s13 =	sadd.s32 s24, s14;
	s31 =	smul.u32 $0x2AAAAAAB, s1;
	s1 =	sshra.s32 s2, $0x1F  }
0x97f: {  	v4 =	vsub.s32 v4, v7;
	v5 =	vmul.u32 $0x180, v5;
	s2 =	sshra.s32 s3, $0x1F;
	s3 =	sshra.s32 s4, $0x1F;
	s1 =	smul.u32 $0x2AAAAAAB, s1  }
0x980: {  	v4 =	vadd.s32 v0, v4;
	s4 =	sld [smem:$0x626];
	s25 =	sadd.s32 s25, s18;
	s30 =	smul.u32 $0x2AAAAAAB, s2  }
0x981: {  	s14 =	sshra.s32 s13, $0x6;
	s18 =	sshrl.u32 s15, $0x1F;
	v4 =	vadd.s32 v5, v4;
	s0 =	smul.u32 $0x2AAAAAAB, s3  }
0x982: {  	s12 =	sshra.s32 s25, $0x6;
	[tilespmem:s23+$0x80] =	vst v4;
	s23 =	smulhi.u32 $0x2AAAAAAB, s28;
	s28 =	sshra.s32 s28, $0x1F  }
0x983: {  	v60 =	vmov s12;
	s12 =	sshra.s32 s11, $0x6;
	s28 =	smul.u32 $0x2AAAAAAB, s28;
	s7 =	sadd.s32 s7, s4  }
0x984: {  	s4 =	sadd.s32 s26, s6;
	s26 =	sadd.s32 s29, s19;
	s2 =	sadd.s32 s0, s16  }
0x985: {  	s6 =	sadd.s32 s31, s20;
	s19 =	sshra.s32 s2, $0x1F;
	s3 =	sadd.s32 s28, s23  }
0x986: {  	s8 =	sadd.s32 s1, s17;
	s20 =	sshrl.u32 s25, $0x1F;
	v4 =	vmov s19;
	s22 =	sshra.s32 s3, $0x6  }
0x987: {  	s17 =	sadd.s32 s30, s21;
	s25 =	sshra.s32 s26, $0x6;
	s24 =	sshra.s32 s3, $0x1F;
	v4 =	vsel vm3, s22, v4  }
0x988: {  	v8 =	vsel vm0, s12, v60;
	v5 =	vmov s20;
	s23 =	sshrl.u32 s26, $0x1F;
	s26 =	sshra.s32 s17, $0x6;
	s19 =	sld [smem:$0x627];
	v4 =	vsel vm9, s24, v4  }
0x989: {  	s28 =	sshrl.u32 s11, $0x1F;
	v62 =	vmov s25;
	v7 =	vmov s23;
	s0 =	sshrl.u32 s3, $0x1F;
	s3 =	sshra.s32 s17, $0x1F;
	v4 =	vsel vm0, s26, v4  }
0x98a: {  	s30 =	sshrl.u32 s13, $0x1F;
	s21 =	sshrl.u32 s10, $0x1F;
	s16 =	sshra.s32 s8, $0x6;
	v5 =	vsel vm0, s28, v5;
	v10 =	vsel vm0, s14, v62;
	v4 =	vsel vm10, s3, v4  }
0x98b: {  	s20 =	sshra.s32 s8, $0x1F;
	s25 =	sshra.s32 s10, $0x6;
	v61 =	vmov s0;
	v7 =	vsel vm0, s30, v7;
	s3 =	sadd.s32 s9, s19;
	v4 =	vsel vm1, s16, v4  }
0x98c: {  	s28 =	sshrl.u32 s7, $0x1F;
	v5 =	vsel vm1, s18, v5;
	s22 =	sshra.s32 s15, $0x6;
	v10 =	vsel vm1, s25, v10;
	s23 =	sshra.s32 s3, $0x6;
	v4 =	vsel vm11, s20, v4  }
0x98d: {  	s15 =	sshra.s32 s5, $0x6;
	s18 =	sld [smem:$0x628];
	v9 =	vnsel vm3, $0x0, v61;
	v7 =	vsel vm1, s21, v7;
	s26 =	sshra.s32 s3, $0x1F;
	v4 =	vsel vm2, s23, v4  }
0x98e: {  	s24 =	sshrl.u32 s17, $0x1F;
	v8 =	vsel vm1, s22, v8;
	v5 =	vsel vm2, s28, v5;
	s9 =	sshra.s32 s6, $0x6;
	s19 =	sld [smem:$0x629];
	v4 =	vsel vm12, s26, v4  }
0x98f: {  	s12 =	sshrl.u32 s8, $0x1F;
	s13 =	sshra.s32 s6, $0x1F;
	s30 =	sshrl.u32 s5, $0x1F;
	v10 =	vsel vm2, s15, v10;
	v9 =	vsel vm0, s24, v9;
	v4 =	vsel vm4, s9, v4  }
0x990: {  	s7 =	sshra.s32 s7, $0x6;
	v7 =	vsel vm2, s30, v7;
	v9 =	vsel vm1, s12, v9;
	s14 =	sshrl.u32 s3, $0x1F;
	s16 =	sshra.s32 s4, $0x6;
	v4 =	vsel vm13, s13, v4  }
0x991: {  	s17 =	sshrl.u32 s6, $0x1F;
	v8 =	vsel vm2, s7, v8;
	v9 =	vsel vm2, s14, v9;
	s20 =	sshra.s32 s4, $0x1F;
	s5 =	sadd.s32 s19, s18;
	v4 =	vsel vm5, s16, v4  }
0x992: {  	s21 =	sshrl.u32 s4, $0x1F;
	v5 =	vcombine.low v7, v5;
	v7 =	vsel vm4, s17, v9;
	s22 =	sshra.s32 s5, $0x6;
	v4 =	vsel vm14, s20, v4  }
0x993: {  	v8 =	vcombine.low v10, v8;
	v7 =	vsel vm5, s21, v7;
	s23 =	sshrl.u32 s5, $0x1F;
	s24 =	sshra.s32 s5, $0x1F;
	v4 =	vsel vm6, s22, v4  }
0x994: {  	s25 =	sshrl.u32 s2, $0x1F;
	v5 =	vperm.xlane v5, v2;
	s26 =	sshra.s32 s2, $0x6;
	v7 =	vsel vm6, s23, v7;
	v4 =	vsel vm15, s24, v4  }
0x995: {  	v8 =	vperm.xlane v8, v2;
	v7 =	vsel vm7, s25, v7;
	v4 =	vsel vm7, s26, v4  }
0x996: {  	v7 =	vperm.xlane v7, v3;
	v4 =	vperm.xlane v4, v3;
	_ =	sdelay $0x1  }
0x997: {  	v5 =	vsel vm8, v7, v5;
	v4 =	vsel vm8, v4, v8  }
0x998: {  	v4 =	vadd.s32 v5, v4  }
0x999: {  	v5 =	vmul.u32 $0xFFFFFE80, v4;
	_ =	sdelay $0x1  }
0x99a: {  	v5 =	vadd.s32 v6, v5  }
0x99b: {  	v6 =	vmul.u32 $0x3A, v4;
	v7 =	vmul.u32 $0x29, v5  }
0x99c: {  	v63 =	vmul.u32 $0x29, v4;
	v5 =	vmul.u32 $0x1D, v5  }
0x99d: {  	v4 =	vadd.s32 v7, v6  }
0x99e: {  	v5 =	vadd.s32 v5, v63;
	(v2sf) =	vpush v4, $0x7  }
0x99f: {  	(v2sf) =	vpush v5, $0x7  }
0x9a0: {  	(v2sf) =	vpush v4, $0x6;
	_ =	sdelay $0x1  }
0x9a1: {  	(v2sf) =	vpush v5, $0x6  }
0x9a2: {  	(v2sf) =	vpush v4, $0xF;
	_ =	sdelay $0x1  }
0x9a3: {  	(v2sf) =	vpush v4, $0xB  }
0x9a4: {  	(v2sf) =	vpush v4, $0x5;
	_ =	sdelay $0x1  }
0x9a5: {  	(v2sf) =	vpush v5, $0xF  }
0x9a6: {  	(v2sf) =	vpush v5, $0xB  }
0x9a7: {  	(v2sf) =	vpush v5, $0x5  }
0x9a8: {  	(v2sf) =	vpush v4, $0xE  }
0x9a9: {  	s0 =	rddreg [dreg:$0x1c]  }
0x9aa: {  	s3 =	sld [smem:$0x62A];
	(v2sf) =	vpush v4, $0xA;
	s4 =	spop (v2sf)  }
0x9ab: {  	(v2sf) =	vpush v4, $0x4;
	s28 =	smulhi.u32 $0x2AAAAAAB, s4;
	s6 =	spop (v2sf)  }
0x9ac: {  	s30 =	smulhi.u32 $0x2AAAAAAB, s6;
	s15 =	spop (v2sf)  }
0x9ad: {  	(v2sf) =	vpush v5, $0xE;
	[smem:$0x636] =	sst s28;
	s2 =	smulhi.u32 $0x2AAAAAAB, s15  }
0x9ae: {  	(v2sf) =	vpush v5, $0xA;
	s18 =	spop (v2sf);
	[smem:$0x637] =	sst s30  }
0x9af: {  	s5 =	smulhi.u32 $0x2AAAAAAB, s18;
	s19 =	spop (v2sf)  }
0x9b0: {  	(v2sf) =	vpush v5, $0x4;
	[smem:$0x638] =	sst s2;
	s7 =	smulhi.u32 $0x2AAAAAAB, s19  }
0x9b1: {  	(v2sf) =	vpush v4, $0xD;
	s20 =	spop (v2sf);
	[smem:$0x639] =	sst s5  }
0x9b2: {  	s8 =	smulhi.u32 $0x2AAAAAAB, s20;
	s21 =	spop (v2sf)  }
0x9b3: {  	(v2sf) =	vpush v4, $0x9;
	[smem:$0x63A] =	sst s7;
	s9 =	smulhi.u32 $0x2AAAAAAB, s21  }
0x9b4: {  	s25 =	spop (v2sf);
	[smem:$0x63B] =	sst s8  }
0x9b5: {  	s23 =	spop (v2sf);
	[smem:$0x63C] =	sst s9  }
0x9b6: {  	(v2sf) =	vpush v4, $0x3;
	s10 =	smulhi.u32 $0x2AAAAAAB, s23;
	s9 =	spop (v2sf)  }
0x9b7: {  	s12 =	smulhi.u32 $0x2AAAAAAB, s9;
	s26 =	spop (v2sf)  }
0x9b8: {  	[smem:$0x63D] =	sst s10;
	s13 =	smulhi.u32 $0x2AAAAAAB, s26  }
0x9b9: {  	(v2sf) =	vpush v5, $0xD;
	s31 =	spop (v2sf);
	[smem:$0x63E] =	sst s12  }
0x9ba: {  	(v2sf) =	vpush v5, $0x9;
	s14 =	smulhi.u32 $0x2AAAAAAB, s31;
	s29 =	spop (v2sf)  }
0x9bb: {  	(v2sf) =	vpush v5, $0x3;
	[smem:$0x63F] =	sst s13;
	s16 =	smulhi.u32 $0x2AAAAAAB, s29  }
0x9bc: {  	(v2sf) =	vpush v4, $0xC;
	s7 =	spop (v2sf);
	[smem:$0x640] =	sst s14  }
0x9bd: {  	(v2sf) =	vpush v4, $0x8;
	s17 =	smulhi.u32 $0x2AAAAAAB, s7;
	s5 =	spop (v2sf)  }
0x9be: {  	(v2sf) =	vpush v4, $0x2;
	[smem:$0x641] =	sst s16;
	s22 =	smulhi.u32 $0x2AAAAAAB, s5  }
0x9bf: {  	(v2sf) =	vpush v5, $0xC;
	s14 =	spop (v2sf);
	[smem:$0x642] =	sst s17  }
0x9c0: {  	(v2sf) =	vpush v5, $0x8;
	s24 =	smulhi.u32 $0x2AAAAAAB, s14;
	s16 =	spop (v2sf)  }
.Ltmp11:
0x9c1: {  	(v2sf) =	vpush v5, $0x2;
	[smem:$0x643] =	sst s22;
	(pc) =	sbr.rel @p0 .LBB2_16-.Ltmp11, $4  }
0x9c2: {  	(v2sf) =	vpush v4, $0x1;
	s28 =	smulhi.u32 $0x2AAAAAAB, s16;
	s17 =	spop (v2sf)  }
0x9c3: {  	(v2sf) =	vpush v5, $0x1;
	[smem:$0x644] =	sst s24;
	s30 =	smulhi.u32 $0x2AAAAAAB, s17  }
0x9c4: {  	s11 =	smulhi.u32 $0x2AAAAAAB, s25;
	(v2sf) =	vpush v4, $0x0;
	[smem:$0x645] =	sst s28  }
0x9c5: {  	s0 =	sadd.s32 $0x40, s0;
	(v2sf) =	vpush v5, $0x0;
	s8 =	spop (v2sf);
	[smem:$0x646] =	sst s30  }
0x9c6: {  	s0 =	sshra.s32 s6, $0x1F  }
0x9c7: {  	s2 =	sshra.s32 s18, $0x1F;
	s0 =	smul.u32 $0x2AAAAAAB, s0  }
0x9c8: {  	s12 =	sshra.s32 s15, $0x1F;
	s15 =	sshra.s32 s19, $0x1F;
	s13 =	smul.u32 $0x2AAAAAAB, s2  }
0x9c9: {  	s20 =	sshra.s32 s20, $0x1F;
	s18 =	smul.u32 $0x2AAAAAAB, s15  }
0x9ca: {  	s22 =	sshra.s32 s25, $0x1F;
	s3 =	smul.u32 $0x2AAAAAAB, s20  }
0x9cb: {  	[smem:$0x5F5] =	sst s4;
	s23 =	sshra.s32 s23, $0x1F;
	s4 =	smul.u32 $0x2AAAAAAB, s22  }
0x9cc: {  	[smem:$0x5F2] =	sst s9;
	s24 =	sshra.s32 s26, $0x1F;
	s9 =	smul.u32 $0x2AAAAAAB, s23  }
0x9cd: {  	s25 =	sshra.s32 s31, $0x1F;
	s10 =	smul.u32 $0x2AAAAAAB, s24  }
0x9ce: {  	s5 =	sshra.s32 s5, $0x1F;
	s1 =	smul.u32 $0x2AAAAAAB, s25  }
0x9cf: {  	s26 =	sshra.s32 s29, $0x1F;
	s28 =	sshra.s32 s14, $0x1F;
	s25 =	smul.u32 $0x2AAAAAAB, s5  }
0x9d0: {  	s30 =	sshra.s32 s16, $0x1F;
	s19 =	sld [smem:$0x63A];
	s29 =	smul.u32 $0x2AAAAAAB, s28  }
0x9d1: {  	s16 =	smul.u32 $0x2AAAAAAB, s30;
	[smem:$0x5FB] =	sst s0  }
0x9d2: {  	s6 =	spop (v2sf);
	[smem:$0x5F9] =	sst s13  }
0x9d3: {  	s7 =	sshra.s32 s7, $0x1F;
	s0 =	smul.u32 $0x2AAAAAAB, s12;
	[smem:$0x5F4] =	sst s29  }
0x9d4: {  	s13 =	smul.u32 $0x2AAAAAAB, s7;
	s15 =	sadd.s32 s4, s11;
	s4 =	sld [smem:$0x63B]  }
0x9d5: {  	s23 =	smulhi.u32 $0x2AAAAAAB, s6;
	s5 =	sshra.s32 s6, $0x1F;
	s6 =	sld [smem:$0x63D]  }
0x9d6: {  	s7 =	spop (v2sf);
	s11 =	sld [smem:$0x63F]  }
0x9d7: {  	s21 =	sshra.s32 s21, $0x1F;
	s24 =	smul.u32 $0x2AAAAAAB, s5;
	s20 =	spop (v2sf)  }
0x9d8: {  	s5 =	sshra.s32 s7, $0x1F;
	[smem:$0x5F8] =	sst s0;
	s0 =	smul.u32 $0x2AAAAAAB, s21  }
0x9d9: {  	s18 =	sadd.s32 s18, s19;
	s28 =	smul.u32 $0x2AAAAAAB, s5;
	s12 =	spop (v2sf)  }
0x9da: {  	[smem:$0x5F6] =	sst s15;
	s29 =	smulhi.u32 $0x2AAAAAAB, s12;
	s14 =	sshra.s32 s12, $0x1F  }
0x9db: {  	s19 =	sadd.s32 s3, s4;
	[smem:$0x5FA] =	sst s0;
	s0 =	smul.u32 $0x2AAAAAAB, s26  }
0x9dc: {  	s3 =	sld [smem:$0x640];
	s24 =	sadd.s32 s24, s23;
	s26 =	smulhi.u32 $0x2AAAAAAB, s7  }
0x9dd: {  	s12 =	smul.u32 $0x2AAAAAAB, s14;
	[smem:$0x5F3] =	sst s0;
	s0 =	sshra.s32 s17, $0x1F  }
0x9de: {  	s17 =	spop (v2sf);
	s23 =	sadd.s32 s28, s26;
	s22 =	smul.u32 $0x2AAAAAAB, s0  }
0x9df: {  	s28 =	sld [smem:$0x646];
	s30 =	smulhi.u32 $0x2AAAAAAB, s17;
	s21 =	sshra.s32 s17, $0x1F  }
0x9e0: {  	s15 =	sadd.s32 s10, s11;
	s5 =	spop (v2sf);
	s31 =	smul.u32 $0x2AAAAAAB, s21  }
0x9e1: {  	s0 =	sadd.s32 s9, s6;
	s9 =	smulhi.u32 $0x2AAAAAAB, s5;
	s7 =	spop (v2sf)  }
0x9e2: {  	[smem:$0x5F7] =	sst s0;
	s14 =	sshra.s32 s5, $0x1F;
	s4 =	smulhi.u32 $0x2AAAAAAB, s7  }
0x9e3: {  	s21 =	sshra.s32 s7, $0x1F;
	s10 =	smul.u32 $0x2AAAAAAB, s14;
	s2 =	spop (v2sf)  }
0x9e4: {  	s14 =	sld [smem:$0x642];
	s21 =	smul.u32 $0x2AAAAAAB, s21  }
0x9e5: {  	s11 =	sadd.s32 s1, s3;
	s5 =	spop (v2sf);
	s6 =	smulhi.u32 $0x2AAAAAAB, s2  }
0x9e6: {  	s26 =	sadd.s32 s22, s28;
	s17 =	sshra.s32 s2, $0x1F;
	s7 =	smulhi.u32 $0x2AAAAAAB, s5  }
0x9e7: {  	s3 =	spop (v2sf);
	s14 =	sadd.s32 s13, s14;
	s13 =	smul.u32 $0x2AAAAAAB, s17  }
0x9e8: {  	s0 =	sshra.s32 s5, $0x1F;
	s2 =	spop (v2sf);
	s17 =	sld [smem:$0x643]  }
0x9e9: {  	s5 =	smul.u32 $0x2AAAAAAB, s0;
	s28 =	sadd.s32 s21, s4;
	s1 =	spop (v2sf)  }
0x9ea: {  	s21 =	smulhi.u32 $0x2AAAAAAB, s2;
	s2 =	sshra.s32 s2, $0x1F;
	s0 =	spop (v2sf)  }
0x9eb: {  	s4 =	smulhi.u32 $0x2AAAAAAB, s1;
	s1 =	sshra.s32 s1, $0x1F;
	s6 =	sadd.s32 s13, s6  }
0x9ec: {  	s17 =	sadd.s32 s25, s17;
	s25 =	sld [smem:$0x645];
	s1 =	smul.u32 $0x2AAAAAAB, s1  }
0x9ed: {  	s22 =	smul.u32 $0x2AAAAAAB, s2;
	s13 =	sadd.s32 s10, s9;
	s10 =	sadd.s32 s5, s7  }
0x9ee: {  	s5 =	sld [smem:$0x641];
	s2 =	sadd.s32 s1, s4;
	s4 =	smulhi.u32 $0x2AAAAAAB, s3  }
0x9ef: {  	s3 =	sshra.s32 s3, $0x1F;
	s25 =	sadd.s32 s16, s25;
	s16 =	smulhi.u32 $0x2AAAAAAB, s0  }
0x9f0: {  	s12 =	sadd.s32 s12, s29;
	s7 =	sld [smem:$0x5F3];
	s9 =	smul.u32 $0x2AAAAAAB, s3  }
0x9f1: {  	s29 =	sadd.s32 s31, s30;
	s0 =	sshra.s32 s0, $0x1F;
	s3 =	smulhi.u32 $0x2AAAAAAB, s8  }
0x9f2: {  	s21 =	sadd.s32 s22, s21;
	s1 =	sld [smem:$0x5F2];
	s0 =	smul.u32 $0x2AAAAAAB, s0  }
0x9f3: {  	s22 =	sadd.s32 s9, s4;
	s9 =	sadd.s32 s7, s5;
	s5 =	sld [smem:$0x5F5]  }
0x9f4: {  	s7 =	sshrl.u32 s29, $0x1F;
	s30 =	sadd.s32 s0, s16;
	s16 =	sshra.s32 s8, $0x1F  }
0x9f5: {  	s0 =	sshra.s32 s1, $0x1F;
	s8 =	sld [smem:$0x644];
	s1 =	smul.u32 $0x2AAAAAAB, s16  }
0x9f6: {  	v7 =	vmov s7;
	s7 =	sshrl.u32 s28, $0x1F;
	s16 =	sld [smem:$0x5F4];
	s4 =	smul.u32 $0x2AAAAAAB, s0  }
0x9f7: {  	v9 =	vmov s7;
	s7 =	sshrl.u32 s24, $0x1F;
	s0 =	sshra.s32 s5, $0x1F;
	s5 =	sshrl.u32 s12, $0x6  }
0x9f8: {  	v9 =	vsel vm0, s7, v9;
	s7 =	sshrl.u32 s14, $0x1F;
	v8 =	vmov s5;
	s5 =	sshrl.u32 s28, $0x6;
	s28 =	sshrl.u32 s2, $0x1F  }
0x9f9: {  	s2 =	sshrl.u32 s2, $0x6;
	s0 =	smul.u32 $0x2AAAAAAB, s0;
	s8 =	sadd.s32 s16, s8  }
0x9fa: {  	s16 =	sadd.s32 s1, s3;
	s1 =	smulhi.u32 $0x2AAAAAAB, s20;
	s20 =	sshra.s32 s20, $0x1F  }
0x9fb: {  	s3 =	sshrl.u32 s12, $0x1F;
	s12 =	sshrl.u32 s29, $0x6;
	s29 =	sshrl.u32 s6, $0x1F  }
0x9fc: {  	v14 =	vmov s28;
	s28 =	sshrl.u32 s25, $0x6;
	s20 =	smul.u32 $0x2AAAAAAB, s20;
	v11 =	vmov s12;
	s12 =	sshrl.u32 s6, $0x6  }
0x9fd: {  	v10 =	vmov s29;
	s29 =	sshrl.u32 s30, $0x1F;
	s6 =	sshrl.u32 s30, $0x6;
	s30 =	sshrl.u32 s26, $0x6  }
0x9fe: {  	v6 =	vmov s3;
	v8 =	vsel vm0, s28, v8;
	s28 =	sshrl.u32 s15, $0x6;
	s3 =	sld [smem:$0x5F7];
	v13 =	vmov s12;
	s12 =	sshrl.u32 s25, $0x1F  }
0x9ff: {  	v9 =	vsel vm1, s7, v9;
	v15 =	vmov s29;
	s29 =	sshrl.u32 s26, $0x1F;
	s25 =	sshrl.u32 s23, $0x6;
	s26 =	sshrl.u32 s15, $0x1F  }
0xa00: {  	v12 =	vmov s5;
	v11 =	vsel vm0, s30, v11;
	s30 =	sshrl.u32 s11, $0x6;
	v8 =	vsel vm1, s28, v8;
	s15 =	sshrl.u32 s21, $0x1F;
	s28 =	sld [smem:$0x5F6]  }
0xa01: {  	v17 =	vmov s2;
	v16 =	vmov s6;
	s6 =	sld [smem:$0x63C];
	v6 =	vsel vm0, s12, v6;
	s12 =	sshrl.u32 s24, $0x6;
	s24 =	sshrl.u32 s23, $0x1F  }
0xa02: {  	v14 =	vnsel vm3, $0x0, v14;
	v17 =	vnsel vm3, $0x0, v17;
	v7 =	vsel vm0, s29, v7;
	s29 =	sshrl.u32 s11, $0x1F;
	s11 =	sshrl.u32 s14, $0x6;
	s14 =	sshrl.u32 s17, $0x6  }
0xa03: {  	v13 =	vsel vm0, s25, v13;
	v11 =	vsel vm1, s30, v11;
	s23 =	sshrl.u32 s18, $0x1F;
	v15 =	vnsel vm3, $0x0, v15;
	s25 =	sshrl.u32 s19, $0x1F;
	s1 =	sadd.s32 s20, s1  }
0xa04: {  	v16 =	vnsel vm3, $0x0, v16;
	s20 =	sld [smem:$0x5FB];
	v10 =	vsel vm0, s24, v10;
	v12 =	vsel vm0, s12, v12;
	s12 =	sshrl.u32 s17, $0x1F;
	s17 =	sshrl.u32 s21, $0x6  }
0xa05: {  	v6 =	vsel vm1, s26, v6;
	v7 =	vsel vm1, s29, v7;
	s21 =	sshrl.u32 s22, $0x1F;
	v13 =	vsel vm1, s14, v13;
	s22 =	sshrl.u32 s22, $0x6;
	s24 =	sshrl.u32 s18, $0x6  }
0xa06: {  	s26 =	sshrl.u32 s19, $0x6;
	v15 =	vsel vm0, s15, v15;
	s15 =	sshrl.u32 s3, $0x1F;
	s5 =	sshrl.u32 s3, $0x6;
	v10 =	vsel vm1, s12, v10;
	v12 =	vsel vm1, s11, v12  }
0xa07: {  	s18 =	sshrl.u32 s13, $0x6;
	s19 =	sshrl.u32 s10, $0x1F;
	v14 =	vsel vm0, s21, v14;
	v16 =	vsel vm0, s17, v16;
	v8 =	vsel vm2, s24, v8;
	s24 =	sld [smem:$0x638]  }
0xa08: {  	s29 =	sshrl.u32 s28, $0x1F;
	v17 =	vsel vm0, s22, v17;
	s30 =	sshrl.u32 s28, $0x6;
	v6 =	vsel vm2, s23, v6;
	v7 =	vsel vm2, s25, v7;
	s25 =	sld [smem:$0x5F8]  }
0xa09: {  	s17 =	sshrl.u32 s13, $0x1F;
	v11 =	vsel vm2, s26, v11;
	s21 =	sshrl.u32 s10, $0x6;
	v13 =	vsel vm2, s5, v13;
	v15 =	vsel vm1, s19, v15;
	s28 =	sld [smem:$0x639]  }
0xa0a: {  	s22 =	sshrl.u32 s16, $0x1F;
	s23 =	sshrl.u32 s16, $0x6;
	s10 =	sld [smem:$0x5FA];
	v9 =	vsel vm2, s29, v9;
	v10 =	vsel vm2, s15, v10;
	v12 =	vsel vm2, s30, v12  }
0xa0b: {  	s26 =	sshrl.u32 s1, $0x1F;
	s1 =	sshrl.u32 s1, $0x6;
	s13 =	sld [smem:$0x63E];
	v14 =	vsel vm1, s17, v14;
	v17 =	vsel vm1, s18, v17;
	v16 =	vsel vm1, s21, v16  }
0xa0c: {  	s11 =	sshrl.u32 s8, $0x1F;
	s12 =	sshrl.u32 s8, $0x6;
	s29 =	sld [smem:$0x5F9];
	v15 =	vsel vm2, s26, v15;
	v6 =	vcombine.low v7, v6;
	v8 =	vcombine.low v11, v8  }
0xa0d: {  	s19 =	sld [smem:$0x637];
	s30 =	sshrl.u32 s9, $0x1F;
	s9 =	sshrl.u32 s9, $0x6;
	v14 =	vsel vm2, s22, v14;
	v17 =	vsel vm2, s23, v17;
	v16 =	vsel vm2, s1, v16  }
0xa0e: {  	v15 =	vsel vm4, s11, v15;
	v57 =	vcombine.low v10, v9;
	s23 =	sld [smem:$0x636];
	v60 =	vcombine.low v13, v12;
	s5 =	sadd.s32 s25, s24;
	s2 =	sadd.s32 s10, s6  }
0xa0f: {  	v14 =	vsel vm4, s30, v14;
	s4 =	sadd.s32 s4, s13;
	v17 =	vsel vm4, s9, v17;
	v6 =	vperm.xlane v6, v2;
	s3 =	sadd.s32 s29, s28;
	s14 =	sshrl.u32 s2, $0x1F  }
0xa10: {  	v16 =	vsel vm4, s12, v16;
	v8 =	vperm.xlane v8, v2;
	s15 =	sshrl.u32 s2, $0x6;
	s16 =	sshrl.u32 s4, $0x1F;
	s4 =	sshrl.u32 s4, $0x6;
	v7 =	vperm.xlane v57, v2  }
0xa11: {  	s17 =	sshrl.u32 s5, $0x1F;
	s21 =	sshrl.u32 s5, $0x6;
	v11 =	vperm.xlane v60, v2;
	v14 =	vsel vm5, s14, v14;
	v17 =	vsel vm5, s15, v17;
	s18 =	sshrl.u32 s3, $0x1F  }
0xa12: {  	v15 =	vsel vm5, s16, v15;
	v16 =	vsel vm5, s4, v16;
	s3 =	sshrl.u32 s3, $0x6;
	s4 =	sadd.s32 s20, s19;
	s0 =	sadd.s32 s0, s23;
	v14 =	vsel vm6, s17, v14  }
0xa13: {  	v15 =	vsel vm6, s18, v15;
	v16 =	vsel vm6, s3, v16;
	v58 =	vsel vm6, s21, v17;
	s22 =	sshrl.u32 s4, $0x1F;
	s24 =	sshrl.u32 s4, $0x6;
	s25 =	sshrl.u32 s0, $0x1F  }
0xa14: {  	s0 =	sshrl.u32 s0, $0x6;
	v59 =	vsel vm7, s22, v15;
	v61 =	vsel vm7, s24, v16;
	v62 =	vsel vm7, s25, v14  }
0xa15: {  	v9 =	vsel vm7, s0, v58;
	v10 =	vperm.xlane v59, v3;
	v12 =	vperm.xlane v61, v3  }
0xa16: {  	v13 =	vperm.xlane v62, v3;
	v9 =	vperm.xlane v9, v3  }
0xa17: {  	v7 =	vsel vm8, v10, v7;
	v63 =	vsel vm8, v12, v11  }
0xa18: {  	v6 =	vsel vm8, v13, v6;
	v8 =	vsel vm8, v9, v8;
	v7 =	vadd.s32 v7, v63  }
0xa19: {  	v6 =	vadd.s32 v6, v8;
	v7 =	vmul.u32 $0x180, v7  }
0xa1a: {  	v6 =	vmul.u32 $0x180, v6  }
0xa1b: {  	s31 =	sld [smem:$0x6D4];
	v5 =	vsub.s32 v5, v7  }
.Ltmp12:
0xa1c: {  	s7 =	sld [smem:$0x6D3];
	v4 =	vsub.s32 v4, v6;
	v5 =	vmul.u32 $0x180, v5;
	(pc) =	sbr.rel .LBB2_19-.Ltmp12, $4  }
0xa1d: {  	s26 =	rddreg [dreg:$0x3];
	v4 =	vadd.s32 v0, v4  }
0xa1e: {  	s30 =	simm.s32 $0x4200;
	s28 =	rddreg [dreg:$0x0];
	s0 =	sshra.s32 s26, $0x2;
	v4 =	vadd.s32 v5, v4  }
0xa1f: {  	s29 =	simm.s32 $0x80;
	s5 =	sld [smem:$0x6D2];
	s3 =	simm.s32 $0x0;
	[tilespmem:s0+$0x80] =	vst v4  }
0xa20: {  	[tilespmem:s30], [sflag:$0x2] =	stream.indirect.gather [hbm4b:s28+s29], $0x80, s29, s29, $0xb8;
	[tilespmem:$0xC200] =	vst v63  }
.LBB2_21:
0xa21: {  	_ =	sfence.sel $0x180000  }
0xa22: {  	[bflag:$0x0] =	sbarrier.arrive $0xFFFF  }
0xa23: {  	_ =	strace $0x90000047  }
0xa24: {  	s0 =	stileid.u32;
	[bflag:$0x2] =	sbarrier.arrive $0xFFFF  }
0xa25: {  	p0 =	sne.s32 s0, $0x0;
	s0 =	rddreg [dreg:$0x2]  }
0xa26: {  	s0 =	sadd.s32 @!p0 $0x100000, s0  }
0xa27: {  	[sflag:s0] =	ssyncadd.tile.s32 @!p0 $0x1;
	_ =	shalt  }
.Lfunc_end2:
_tile_overlayer_lowered:
.L_overlay_start_2:
0xa28: {  	(tag) =	ssettag $0x2  }
0xa29: {  	s0 =	rddreg [dreg:$0x0];
	s2 =	stileid.u32  }
0xa2a: {  	s1 =	rddreg [dreg:$0x1];
	p0 =	sne.s32 s2, $0x0  }
0xa2b: {  	s3 =	rddreg [dreg:$0x2];
	[bflag:$0x3] =	sbarrier.arrive $0xFFFF;
	s2 =	simm.s32 @!p0 $0x1C07  }
0xa2c: {  	[timem:s3], [sflag:s2] =	dma.local @!p0 [hbm:s0], s1  }
0xa2d: {  	s0 =	simm.s32 @!p0 $0x7  }
0xa2e: {  	_ =	swait.ge @!p0 [sflag:s0], s1  }
0xa2f: {  	s1 =	ssub.s32 @!p0 $0x0, s1;
	[sflag:s0] =	ssyncset.done @!p0 $0x0  }
0xa30: {  	[sflag:s0] =	ssyncadd.s32 @!p0 s1  }
0xa31: {  	[bflag:$0x3] =	sbarrier.arrive $0xFFFF  }
0xa32: {  	_ =	shalt  }

</sc_bundles>
